<compile_context>
chip_gen: v7x
topology: tpu7x:2x2x1
jax: 0.10.2.dev20260603
libtpu: 0.0.44.dev20260713+nightly
codegen_flags: <defaults>
</compile_context>

<pallas_src>
import jax
import jax.numpy as jnp
from jax import lax
from jax.experimental import pallas as pl
from jax.experimental.pallas import tpu as pltpu
from jax.experimental.pallas import tpu_sc as plsc

K = 5
B, S, D = 4, 8192, 1024
NC, NS, L = 2, 16, 16
NW = NC * NS
COLS = 128
NCG = COLS // L
G = 16
BLK = 256
NGRP_B = BLK // G
NBLK = S // BLK
NEG_INF = float("-inf")


def _insert(ms, v):
    out = []
    carry = v
    for m in ms:
        out.append(jnp.maximum(m, carry))
        carry = jnp.minimum(m, carry)
    return out


def _insert_with_idx(vals, idxs, v, vi):
    nv, ni = [], []
    cv, ci = v, vi
    for m, mi in zip(vals, idxs):
        take = cv > m
        nv.append(jnp.maximum(m, cv))
        ni.append(jnp.where(take, ci, mi))
        cv = jnp.minimum(m, cv)
        ci = jnp.where(take, mi, ci)
    return nv, ni


def _kmax_body(x_hbm, out_hbm, buf, sval, ostage, sem):
    cid = lax.axis_index("c")
    sid = lax.axis_index("s")
    wid = sid * NC + cid
    lane = jnp.arange(L, dtype=jnp.int32)
    b = wid // (D // COLS)
    c0 = (wid % (D // COLS)) * COLS

    H = BLK // 2

    def src_half(q, h):
        return x_hbm.at[
            pl.ds(b * S + h * (S // 2) + q * H, H), pl.ds(c0, COLS)
        ]

    def start_block(q, par):
        for h in range(2):
            pltpu.async_copy(
                src_half(q, h), buf.at[par, pl.ds(h * H, H)], sem.at[2 * par + h]
            )

    def wait_block(q, par):
        for h in range(2):
            pltpu.make_async_copy(
                src_half(q, h), buf.at[par, pl.ds(h * H, H)],
                sem.at[2 * par + h],
            ).wait()

    def init_state(i, _):
        sval[i, :] = jnp.full((L,), NEG_INF, jnp.float32)
        return 0

    lax.fori_loop(0, NCG * K, init_state, 0)

    start_block(0, 0)

    def step(q, _):
        par = q % 2
        wait_block(q, par)

        @pl.when(q + 1 < NBLK)
        def _():
            start_block(q + 1, 1 - par)

        pv = jnp.zeros((L,), jnp.int32) + par
        for cg in range(NCG):
            cinit = tuple(
                jnp.full((L,), NEG_INF, jnp.float32) for _ in range(K)
            ) + tuple(jnp.zeros((L,), jnp.int32) for _ in range(K))

            def grp(g, carry, cg=cg):
                vals, idxs = list(carry[:K]), list(carry[K:])
                r0 = g * G
                vs = [buf[par, r0 + r, pl.ds(cg * L, L)] for r in range(G)]
                while len(vs) > 1:
                    vs = [
                        jnp.maximum(vs[2 * i], vs[2 * i + 1])
                        for i in range(len(vs) // 2)
                    ]
                gid = jnp.zeros((L,), jnp.int32) + g
                vals, idxs = _insert_with_idx(vals, idxs, vs[0], gid)
                return tuple(vals) + tuple(idxs)

            cand = lax.fori_loop(0, NGRP_B, grp, cinit, unroll=2)

            state = tuple(sval[cg * K + j, :] for j in range(K))
            col = cg * L + lane

            def cand_j(j, st, cg=cg):
                gid = jnp.where(
                    j == 0, cand[K],
                    jnp.where(
                        j == 1, cand[K + 1],
                        jnp.where(
                            j == 2, cand[K + 2],
                            jnp.where(j == 3, cand[K + 3], cand[K + 4]),
                        ),
                    ),
                )
                base = gid * G

                def row_r(r, st):
                    v = plsc.load_gather(buf, [pv, base + r, col])
                    return tuple(_insert(list(st), v))

                return lax.fori_loop(0, G, row_r, st)

            state = lax.fori_loop(0, K, cand_j, state)
            for j in range(K):
                sval[cg * K + j, :] = state[j]
        return 0

    lax.fori_loop(0, NBLK, step, 0)

    for cg in range(NCG):
        for j in range(K):
            plsc.store_scatter(
                ostage, [(lane + cg * L) * K + j], sval[cg * K + j, :]
            )
    pltpu.sync_copy(ostage, out_hbm.at[pl.ds(b * D * K + c0 * K, COLS * K)])


@jax.jit
def kernel(inputs):
    mesh = plsc.VectorSubcoreMesh(
        core_axis_name="c", subcore_axis_name="s", num_cores=NC,
        num_subcores=NS,
    )
    kfn = pl.kernel(
        _kmax_body,
        out_type=jax.ShapeDtypeStruct((B * D * K,), jnp.float32),
        mesh=mesh,
        scratch_types=[
            pltpu.VMEM((2, BLK, COLS), jnp.float32),
            pltpu.VMEM((NCG * K, L), jnp.float32),
            pltpu.VMEM((COLS * K,), jnp.float32),
            pltpu.SemaphoreType.DMA((4,)),
        ],
        compiler_params=pltpu.CompilerParams(
            use_tc_tiling_on_sc=True, needs_layout_passes=False
        ),
    )
    out = kfn(inputs.reshape(B * S, D))
    return out.reshape(B, D * K)

# --- scband reference (transcript-rebuilt; emitter-appended) ---
"""Pipeline reference for scband-kmax-pooling-7490422964955 (READ-ONLY COPY).

The authoritative reference and input builder live on the scoring server;
editing this copy changes nothing except your own understanding.
"""

import jax, jax.numpy as jnp
import numpy as np

K_VAL = 5

def setup_inputs(seed: int = 0) -> dict:
    key = jax.random.key(seed)
    x = jax.random.normal(key, (4, 8192, 1024), dtype=jnp.float32)
    return {"inputs": x}

def reference(inputs):
    # kmax_pooling.call: transpose [B,S,D]->[B,D,S], top_k over seq, flatten
    shifted_input = jnp.transpose(inputs, (0, 2, 1))
    top_k_var = jax.lax.top_k(shifted_input, K_VAL)[0]  # sorted=True by default
    return jnp.reshape(top_k_var, (top_k_var.shape[0], -1))

if __name__ == "__main__":
    import jax
    _d = setup_inputs()
    print(jax.jit(kernel)(*tuple(_d.values())))

</pallas_src>

<mosaic_0001>
#map = affine_map<(d0, d1) -> (0, 0)>
#map1 = affine_map<(d0, d1) -> (0)>
module attributes {stable_mosaic.version = 14 : i64} {
  func.func @_kmax_body(%arg0: i32, %arg1: i32, %arg2: memref<32768x1024xf32, #tpu.memory_space<hbm>>, %arg3: memref<20480xf32, #tpu.memory_space<hbm>>, %arg4: memref<2x256x128xf32, #tpu.memory_space<vmem>>, %arg5: memref<40x16xf32, #tpu.memory_space<vmem>>, %arg6: memref<640xf32, #tpu.memory_space<vmem>>, %arg7: memref<4x!tpu.dma_semaphore, #tpu.memory_space<semaphore_mem>>) attributes {dimension_semantics = [#tpu.dimension_semantics<core_parallel>, #tpu.dimension_semantics<subcore_parallel>], iteration_bounds = array<i64: 2, 16>, scalar_prefetch = 0 : i64, scratch_operands = 4 : i64, tpu.core_type = #tpu.core_type<sc_vector_subcore>, window_params = [{transform_indices = #map}, {transform_indices = #map1}]} {
    %mul3A = arith.constant 2 : i32
    %mul3A_0 = arith.muli %arg1, %mul3A : i32
    %add3A = arith.addi %mul3A_0, %arg0 : i32
    %iota3A = tpu.iota {dimensions = array<i32: 0>} : vector<16xi32>
    %jit3A = arith.constant 8 : i32
    %div3A = arith.divsi %add3A, %jit3A : i32
    %sign3A = arith.constant 0 : i32
    %sign3A_1 = arith.cmpi sgt, %add3A, %sign3A : i32
    %sign3A_2 = arith.extui %sign3A_1 : i1 to i32
    %sign3A_3 = arith.constant 0 : i32
    %sign3A_4 = arith.cmpi slt, %add3A, %sign3A_3 : i32
    %sign3A_5 = arith.extui %sign3A_4 : i1 to i32
    %sign3A_6 = arith.subi %sign3A_2, %sign3A_5 : i32
    %sign3A_7 = arith.constant 0 : i32
    %sign3A_8 = arith.cmpi sgt, %jit3A, %sign3A_7 : i32
    %sign3A_9 = arith.extui %sign3A_8 : i1 to i32
    %sign3A_10 = arith.constant 0 : i32
    %sign3A_11 = arith.cmpi slt, %jit3A, %sign3A_10 : i32
    %sign3A_12 = arith.extui %sign3A_11 : i1 to i32
    %sign3A_13 = arith.subi %sign3A_9, %sign3A_12 : i32
    %ne3A = arith.cmpi ne, %sign3A_6, %sign3A_13 : i32
    %rem3A = arith.remsi %add3A, %jit3A : i32
    %ne3A_14 = arith.constant 0 : i32
    %ne3A_15 = arith.cmpi ne, %rem3A, %ne3A_14 : i32
    %and3A = arith.andi %ne3A, %ne3A_15 : i1
    %sub3A = arith.constant 1 : i32
    %sub3A_16 = arith.subi %div3A, %sub3A : i32
    %select_n3A = arith.select %and3A, %sub3A_16, %div3A : i32
    %jit3A_17 = arith.constant 8 : i32
    %eq3A = arith.constant 0 : i32
    %eq3A_18 = arith.cmpi eq, %jit3A_17, %eq3A : i32
    %jit3A_19 = arith.constant 1 : i32
    %select_n3A_20 = arith.select %eq3A_18, %jit3A_19, %jit3A_17 : i32
    %rem3A_21 = arith.remsi %add3A, %select_n3A_20 : i32
    %ne3A_22 = arith.constant 0 : i32
    %ne3A_23 = arith.cmpi ne, %rem3A_21, %ne3A_22 : i32
    %lt3A = arith.constant 0 : i32
    %lt3A_24 = arith.cmpi slt, %rem3A_21, %lt3A : i32
    %lt3A_25 = arith.constant 0 : i32
    %lt3A_26 = arith.cmpi slt, %select_n3A_20, %lt3A_25 : i32
    %ne3A_27 = arith.xori %lt3A_24, %lt3A_26 : i1
    %and3A_28 = arith.andi %ne3A_27, %ne3A_23 : i1
    %add3A_29 = arith.addi %rem3A_21, %select_n3A_20 : i32
    %select_n3A_30 = arith.select %and3A_28, %add3A_29, %rem3A_21 : i32
    %mul3A_31 = arith.constant 128 : i32
    %mul3A_32 = arith.muli %select_n3A_30, %mul3A_31 : i32
    %scan3A = arith.constant 0 : i32
    %scan3A_33 = arith.constant 0 : i32
    %scan3A_34 = arith.constant 40 : i32
    %scan3A_35 = arith.addi %scan3A_33, %scan3A_34 : i32
    %scan3A_36 = arith.constant 1 : i32
    %scan3A_37 = scf.for %scan3A_611 = %scan3A_33 to %scan3A_35 step %scan3A_36 iter_args(%scan3A_612 = %scan3A) -> (i32)  : i32 {
      %broadcast_in_dim3A = arith.constant 0xFF800000 : f32
      %broadcast_in_dim3A_613 = vector.broadcast %broadcast_in_dim3A : f32 to vector<16xf32>
      %swap3A = arith.index_cast %scan3A_611 : i32 to index
      %swap3A_614 = arith.constant 0 : index
      %swap3A_615 = tpu.vector_load %arg5[%swap3A, %swap3A_614] {strides = array<i32>} : memref<40x16xf32, #tpu.memory_space<vmem>>, vector<16xf32>,
      tpu.vector_store %arg5[%swap3A, %swap3A_614], %broadcast_in_dim3A_613 {strides = array<i32>} : memref<40x16xf32, #tpu.memory_space<vmem>>, vector<16xf32>,
      %scan3A_616 = arith.constant 0 : i32
      scf.yield %scan3A_616 : i32
    }
    %scan3A_38 = arith.constant 40 : i32
    %mul3A_39 = arith.constant 8192 : i32
    %mul3A_40 = arith.muli %select_n3A, %mul3A_39 : i32
    %add3A_41 = arith.constant 0 : i32
    %add3A_42 = arith.addi %mul3A_40, %add3A_41 : i32
    %add3A_43 = arith.constant 0 : i32
    %add3A_44 = arith.addi %add3A_42, %add3A_43 : i32
    %dma_start3A = arith.constant 0 : i32
    %dma_start3A_45 = arith.constant 0 : i32
    %dma_start3A_46 = arith.constant 0 : i32
    %dma_start3A_47 = arith.constant 0 : i32
    %dma_start3A_48 = tpu.memref_slice %arg4[%dma_start3A, %dma_start3A_46, %dma_start3A_47] : memref<2x256x128xf32, #tpu.memory_space<vmem>> -> memref<1x128x128xf32, #tpu.memory_space<vmem>>
    %dma_start3A_49 = tpu.memref_squeeze %dma_start3A_48 : memref<1x128x128xf32, #tpu.memory_space<vmem>> -> memref<128x128xf32, #tpu.memory_space<vmem>>
    %dma_start3A_50 = tpu.memref_slice %arg2[%add3A_44, %mul3A_32] : memref<32768x1024xf32, #tpu.memory_space<hbm>> -> memref<128x128xf32, #tpu.memory_space<hbm>>
    %dma_start3A_51 = tpu.memref_slice %arg7[%dma_start3A_45] : memref<4x!tpu.dma_semaphore, #tpu.memory_space<semaphore_mem>> -> memref<1x!tpu.dma_semaphore, #tpu.memory_space<semaphore_mem>>
    %dma_start3A_52 = tpu.memref_squeeze %dma_start3A_51 : memref<1x!tpu.dma_semaphore, #tpu.memory_space<semaphore_mem>> -> memref<!tpu.dma_semaphore, #tpu.memory_space<semaphore_mem>>
    %dma_start3A_53 = arith.constant 0 : i32
    %dma_start3A_54 = arith.constant 0 : i32
    %dma_start3A_55 = tpu.memref_slice %arg4[%dma_start3A, %dma_start3A_53, %dma_start3A_54] : memref<2x256x128xf32, #tpu.memory_space<vmem>> -> memref<1x128x128xf32, #tpu.memory_space<vmem>>
    %dma_start3A_56 = tpu.memref_squeeze %dma_start3A_55 : memref<1x128x128xf32, #tpu.memory_space<vmem>> -> memref<128x128xf32, #tpu.memory_space<vmem>>
    %dma_start3A_57 = tpu.memref_slice %arg2[%add3A_44, %mul3A_32] : memref<32768x1024xf32, #tpu.memory_space<hbm>> -> memref<128x128xf32, #tpu.memory_space<hbm>>
    tpu.enqueue_dma source(%dma_start3A_57 : memref<128x128xf32, #tpu.memory_space<hbm>>) target(%dma_start3A_56 : memref<128x128xf32, #tpu.memory_space<vmem>>) target_semaphore(%dma_start3A_52 : memref<!tpu.dma_semaphore, #tpu.memory_space<semaphore_mem>>)
    %mul3A_58 = arith.constant 8192 : i32
    %mul3A_59 = arith.muli %select_n3A, %mul3A_58 : i32
    %add3A_60 = arith.constant 4096 : i32
    %add3A_61 = arith.addi %mul3A_59, %add3A_60 : i32
    %add3A_62 = arith.constant 0 : i32
    %add3A_63 = arith.addi %add3A_61, %add3A_62 : i32
    %dma_start3A_64 = arith.constant 0 : i32
    %dma_start3A_65 = arith.constant 1 : i32
    %dma_start3A_66 = arith.constant 128 : i32
    %dma_start3A_67 = arith.constant 0 : i32
    %dma_start3A_68 = tpu.memref_slice %arg4[%dma_start3A_64, %dma_start3A_66, %dma_start3A_67] : memref<2x256x128xf32, #tpu.memory_space<vmem>> -> memref<1x128x128xf32, #tpu.memory_space<vmem>>
    %dma_start3A_69 = tpu.memref_squeeze %dma_start3A_68 : memref<1x128x128xf32, #tpu.memory_space<vmem>> -> memref<128x128xf32, #tpu.memory_space<vmem>>
    %dma_start3A_70 = tpu.memref_slice %arg2[%add3A_63, %mul3A_32] : memref<32768x1024xf32, #tpu.memory_space<hbm>> -> memref<128x128xf32, #tpu.memory_space<hbm>>
    %dma_start3A_71 = tpu.memref_slice %arg7[%dma_start3A_65] : memref<4x!tpu.dma_semaphore, #tpu.memory_space<semaphore_mem>> -> memref<1x!tpu.dma_semaphore, #tpu.memory_space<semaphore_mem>>
    %dma_start3A_72 = tpu.memref_squeeze %dma_start3A_71 : memref<1x!tpu.dma_semaphore, #tpu.memory_space<semaphore_mem>> -> memref<!tpu.dma_semaphore, #tpu.memory_space<semaphore_mem>>
    %dma_start3A_73 = arith.constant 128 : i32
    %dma_start3A_74 = arith.constant 0 : i32
    %dma_start3A_75 = tpu.memref_slice %arg4[%dma_start3A_64, %dma_start3A_73, %dma_start3A_74] : memref<2x256x128xf32, #tpu.memory_space<vmem>> -> memref<1x128x128xf32, #tpu.memory_space<vmem>>
    %dma_start3A_76 = tpu.memref_squeeze %dma_start3A_75 : memref<1x128x128xf32, #tpu.memory_space<vmem>> -> memref<128x128xf32, #tpu.memory_space<vmem>>
    %dma_start3A_77 = tpu.memref_slice %arg2[%add3A_63, %mul3A_32] : memref<32768x1024xf32, #tpu.memory_space<hbm>> -> memref<128x128xf32, #tpu.memory_space<hbm>>
    tpu.enqueue_dma source(%dma_start3A_77 : memref<128x128xf32, #tpu.memory_space<hbm>>) target(%dma_start3A_76 : memref<128x128xf32, #tpu.memory_space<vmem>>) target_semaphore(%dma_start3A_72 : memref<!tpu.dma_semaphore, #tpu.memory_space<semaphore_mem>>)
    %scan3A_78 = arith.constant 0 : i32
    %scan3A_79 = arith.constant 0 : i32
    %scan3A_80 = arith.constant 32 : i32
    %scan3A_81 = arith.addi %scan3A_79, %scan3A_80 : i32
    %scan3A_82 = arith.constant 1 : i32
    %scan3A_83 = scf.for %scan3A_611 = %scan3A_79 to %scan3A_81 step %scan3A_82 iter_args(%scan3A_612 = %scan3A_78) -> (i32)  : i32 {
      %jit3A_613 = arith.constant 2 : i32
      %eq3A_614 = arith.constant 0 : i32
      %eq3A_615 = arith.cmpi eq, %jit3A_613, %eq3A_614 : i32
      %jit3A_616 = arith.constant 1 : i32
      %select_n3A_617 = arith.select %eq3A_615, %jit3A_616, %jit3A_613 : i32
      %rem3A_618 = arith.remsi %scan3A_611, %select_n3A_617 : i32
      %ne3A_619 = arith.constant 0 : i32
      %ne3A_620 = arith.cmpi ne, %rem3A_618, %ne3A_619 : i32
      %lt3A_621 = arith.constant 0 : i32
      %lt3A_622 = arith.cmpi slt, %rem3A_618, %lt3A_621 : i32
      %lt3A_623 = arith.constant 0 : i32
      %lt3A_624 = arith.cmpi slt, %select_n3A_617, %lt3A_623 : i32
      %ne3A_625 = arith.xori %lt3A_622, %lt3A_624 : i1
      %and3A_626 = arith.andi %ne3A_625, %ne3A_620 : i1
      %add3A_627 = arith.addi %rem3A_618, %select_n3A_617 : i32
      %select_n3A_628 = arith.select %and3A_626, %add3A_627, %rem3A_618 : i32
      %mul3A_629 = arith.constant 8192 : i32
      %mul3A_630 = arith.muli %select_n3A, %mul3A_629 : i32
      %add3A_631 = arith.constant 0 : i32
      %add3A_632 = arith.addi %mul3A_630, %add3A_631 : i32
      %mul3A_633 = arith.constant 128 : i32
      %mul3A_634 = arith.muli %scan3A_611, %mul3A_633 : i32
      %add3A_635 = arith.addi %add3A_632, %mul3A_634 : i32
      %mul3A_636 = arith.constant 2 : i32
      %mul3A_637 = arith.muli %mul3A_636, %select_n3A_628 : i32
      %add3A_638 = arith.constant 0 : i32
      %add3A_639 = arith.addi %mul3A_637, %add3A_638 : i32
      %dma_wait3A = arith.constant 0 : i32
      %dma_wait3A_640 = arith.constant 0 : i32
      %dma_wait3A_641 = tpu.memref_slice %arg4[%select_n3A_628, %dma_wait3A, %dma_wait3A_640] : memref<2x256x128xf32, #tpu.memory_space<vmem>> -> memref<1x128x128xf32, #tpu.memory_space<vmem>>
      %dma_wait3A_642 = tpu.memref_squeeze %dma_wait3A_641 : memref<1x128x128xf32, #tpu.memory_space<vmem>> -> memref<128x128xf32, #tpu.memory_space<vmem>>
      %dma_wait3A_643 = tpu.memref_slice %arg2[%add3A_635, %mul3A_32] : memref<32768x1024xf32, #tpu.memory_space<hbm>> -> memref<128x128xf32, #tpu.memory_space<hbm>>
      %dma_wait3A_644 = tpu.memref_slice %arg7[%add3A_639] : memref<4x!tpu.dma_semaphore, #tpu.memory_space<semaphore_mem>> -> memref<1x!tpu.dma_semaphore, #tpu.memory_space<semaphore_mem>>
      %dma_wait3A_645 = tpu.memref_squeeze %dma_wait3A_644 : memref<1x!tpu.dma_semaphore, #tpu.memory_space<semaphore_mem>> -> memref<!tpu.dma_semaphore, #tpu.memory_space<semaphore_mem>>
      %dma_wait3A_646 = arith.constant 0 : i32
      %dma_wait3A_647 = arith.constant 0 : i32
      %dma_wait3A_648 = tpu.memref_slice %arg4[%select_n3A_628, %dma_wait3A_646, %dma_wait3A_647] : memref<2x256x128xf32, #tpu.memory_space<vmem>> -> memref<1x128x128xf32, #tpu.memory_space<vmem>>
      %dma_wait3A_649 = tpu.memref_squeeze %dma_wait3A_648 : memref<1x128x128xf32, #tpu.memory_space<vmem>> -> memref<128x128xf32, #tpu.memory_space<vmem>>
      %dma_wait3A_650 = tpu.memref_slice %arg2[%add3A_635, %mul3A_32] : memref<32768x1024xf32, #tpu.memory_space<hbm>> -> memref<128x128xf32, #tpu.memory_space<hbm>>
      tpu.wait_dma2 semaphore(%dma_wait3A_645 : memref<!tpu.dma_semaphore, #tpu.memory_space<semaphore_mem>>) src(%dma_wait3A_650 : memref<128x128xf32, #tpu.memory_space<hbm>>) dst(%dma_wait3A_649 : memref<128x128xf32, #tpu.memory_space<vmem>>)
      %mul3A_651 = arith.constant 8192 : i32
      %mul3A_652 = arith.muli %select_n3A, %mul3A_651 : i32
      %add3A_653 = arith.constant 4096 : i32
      %add3A_654 = arith.addi %mul3A_652, %add3A_653 : i32
      %mul3A_655 = arith.constant 128 : i32
      %mul3A_656 = arith.muli %scan3A_611, %mul3A_655 : i32
      %add3A_657 = arith.addi %add3A_654, %mul3A_656 : i32
      %mul3A_658 = arith.constant 2 : i32
      %mul3A_659 = arith.muli %mul3A_658, %select_n3A_628 : i32
      %add3A_660 = arith.constant 1 : i32
      %add3A_661 = arith.addi %mul3A_659, %add3A_660 : i32
      %dma_wait3A_662 = arith.constant 128 : i32
      %dma_wait3A_663 = arith.constant 0 : i32
      %dma_wait3A_664 = tpu.memref_slice %arg4[%select_n3A_628, %dma_wait3A_662, %dma_wait3A_663] : memref<2x256x128xf32, #tpu.memory_space<vmem>> -> memref<1x128x128xf32, #tpu.memory_space<vmem>>
      %dma_wait3A_665 = tpu.memref_squeeze %dma_wait3A_664 : memref<1x128x128xf32, #tpu.memory_space<vmem>> -> memref<128x128xf32, #tpu.memory_space<vmem>>
      %dma_wait3A_666 = tpu.memref_slice %arg2[%add3A_657, %mul3A_32] : memref<32768x1024xf32, #tpu.memory_space<hbm>> -> memref<128x128xf32, #tpu.memory_space<hbm>>
      %dma_wait3A_667 = tpu.memref_slice %arg7[%add3A_661] : memref<4x!tpu.dma_semaphore, #tpu.memory_space<semaphore_mem>> -> memref<1x!tpu.dma_semaphore, #tpu.memory_space<semaphore_mem>>
      %dma_wait3A_668 = tpu.memref_squeeze %dma_wait3A_667 : memref<1x!tpu.dma_semaphore, #tpu.memory_space<semaphore_mem>> -> memref<!tpu.dma_semaphore, #tpu.memory_space<semaphore_mem>>
      %dma_wait3A_669 = arith.constant 128 : i32
      %dma_wait3A_670 = arith.constant 0 : i32
      %dma_wait3A_671 = tpu.memref_slice %arg4[%select_n3A_628, %dma_wait3A_669, %dma_wait3A_670] : memref<2x256x128xf32, #tpu.memory_space<vmem>> -> memref<1x128x128xf32, #tpu.memory_space<vmem>>
      %dma_wait3A_672 = tpu.memref_squeeze %dma_wait3A_671 : memref<1x128x128xf32, #tpu.memory_space<vmem>> -> memref<128x128xf32, #tpu.memory_space<vmem>>
      %dma_wait3A_673 = tpu.memref_slice %arg2[%add3A_657, %mul3A_32] : memref<32768x1024xf32, #tpu.memory_space<hbm>> -> memref<128x128xf32, #tpu.memory_space<hbm>>
      tpu.wait_dma2 semaphore(%dma_wait3A_668 : memref<!tpu.dma_semaphore, #tpu.memory_space<semaphore_mem>>) src(%dma_wait3A_673 : memref<128x128xf32, #tpu.memory_space<hbm>>) dst(%dma_wait3A_672 : memref<128x128xf32, #tpu.memory_space<vmem>>)
      %add3A_674 = arith.constant 1 : i32
      %add3A_675 = arith.addi %scan3A_611, %add3A_674 : i32
      %lt3A_676 = arith.constant 32 : i32
      %lt3A_677 = arith.cmpi slt, %add3A_675, %lt3A_676 : i32
      %convert_element_type3A = arith.extui %lt3A_677 : i1 to i32
      %cond3A = arith.constant 0 : i32
      %cond3A_678 = arith.cmpi ne, %convert_element_type3A, %cond3A : i32
      scf.if %cond3A_678 {
        %add3A_1282 = arith.constant 1 : i32
        %add3A_1283 = arith.addi %scan3A_611, %add3A_1282 : i32
        %sub3A_1284 = arith.constant 1 : i32
        %sub3A_1285 = arith.subi %sub3A_1284, %select_n3A_628 : i32
        %mul3A_1286 = arith.constant 8192 : i32
        %mul3A_1287 = arith.muli %select_n3A, %mul3A_1286 : i32
        %add3A_1288 = arith.constant 0 : i32
        %add3A_1289 = arith.addi %mul3A_1287, %add3A_1288 : i32
        %mul3A_1290 = arith.constant 128 : i32
        %mul3A_1291 = arith.muli %add3A_1283, %mul3A_1290 : i32
        %add3A_1292 = arith.addi %add3A_1289, %mul3A_1291 : i32
        %mul3A_1293 = arith.constant 2 : i32
        %mul3A_1294 = arith.muli %mul3A_1293, %sub3A_1285 : i32
        %add3A_1295 = arith.constant 0 : i32
        %add3A_1296 = arith.addi %mul3A_1294, %add3A_1295 : i32
        %dma_start3A_1297 = arith.constant 0 : i32
        %dma_start3A_1298 = arith.constant 0 : i32
        %dma_start3A_1299 = tpu.memref_slice %arg4[%sub3A_1285, %dma_start3A_1297, %dma_start3A_1298] : memref<2x256x128xf32, #tpu.memory_space<vmem>> -> memref<1x128x128xf32, #tpu.memory_space<vmem>>
        %dma_start3A_1300 = tpu.memref_squeeze %dma_start3A_1299 : memref<1x128x128xf32, #tpu.memory_space<vmem>> -> memref<128x128xf32, #tpu.memory_space<vmem>>
        %dma_start3A_1301 = tpu.memref_slice %arg2[%add3A_1292, %mul3A_32] : memref<32768x1024xf32, #tpu.memory_space<hbm>> -> memref<128x128xf32, #tpu.memory_space<hbm>>
        %dma_start3A_1302 = tpu.memref_slice %arg7[%add3A_1296] : memref<4x!tpu.dma_semaphore, #tpu.memory_space<semaphore_mem>> -> memref<1x!tpu.dma_semaphore, #tpu.memory_space<semaphore_mem>>
        %dma_start3A_1303 = tpu.memref_squeeze %dma_start3A_1302 : memref<1x!tpu.dma_semaphore, #tpu.memory_space<semaphore_mem>> -> memref<!tpu.dma_semaphore, #tpu.memory_space<semaphore_mem>>
        %dma_start3A_1304 = arith.constant 0 : i32
        %dma_start3A_1305 = arith.constant 0 : i32
        %dma_start3A_1306 = tpu.memref_slice %arg4[%sub3A_1285, %dma_start3A_1304, %dma_start3A_1305] : memref<2x256x128xf32, #tpu.memory_space<vmem>> -> memref<1x128x128xf32, #tpu.memory_space<vmem>>
        %dma_start3A_1307 = tpu.memref_squeeze %dma_start3A_1306 : memref<1x128x128xf32, #tpu.memory_space<vmem>> -> memref<128x128xf32, #tpu.memory_space<vmem>>
        %dma_start3A_1308 = tpu.memref_slice %arg2[%add3A_1292, %mul3A_32] : memref<32768x1024xf32, #tpu.memory_space<hbm>> -> memref<128x128xf32, #tpu.memory_space<hbm>>
        tpu.enqueue_dma source(%dma_start3A_1308 : memref<128x128xf32, #tpu.memory_space<hbm>>) target(%dma_start3A_1307 : memref<128x128xf32, #tpu.memory_space<vmem>>) target_semaphore(%dma_start3A_1303 : memref<!tpu.dma_semaphore, #tpu.memory_space<semaphore_mem>>)
        %mul3A_1309 = arith.constant 8192 : i32
        %mul3A_1310 = arith.muli %select_n3A, %mul3A_1309 : i32
        %add3A_1311 = arith.constant 4096 : i32
        %add3A_1312 = arith.addi %mul3A_1310, %add3A_1311 : i32
        %mul3A_1313 = arith.constant 128 : i32
        %mul3A_1314 = arith.muli %add3A_1283, %mul3A_1313 : i32
        %add3A_1315 = arith.addi %add3A_1312, %mul3A_1314 : i32
        %mul3A_1316 = arith.constant 2 : i32
        %mul3A_1317 = arith.muli %mul3A_1316, %sub3A_1285 : i32
        %add3A_1318 = arith.constant 1 : i32
        %add3A_1319 = arith.addi %mul3A_1317, %add3A_1318 : i32
        %dma_start3A_1320 = arith.constant 128 : i32
        %dma_start3A_1321 = arith.constant 0 : i32
        %dma_start3A_1322 = tpu.memref_slice %arg4[%sub3A_1285, %dma_start3A_1320, %dma_start3A_1321] : memref<2x256x128xf32, #tpu.memory_space<vmem>> -> memref<1x128x128xf32, #tpu.memory_space<vmem>>
        %dma_start3A_1323 = tpu.memref_squeeze %dma_start3A_1322 : memref<1x128x128xf32, #tpu.memory_space<vmem>> -> memref<128x128xf32, #tpu.memory_space<vmem>>
        %dma_start3A_1324 = tpu.memref_slice %arg2[%add3A_1315, %mul3A_32] : memref<32768x1024xf32, #tpu.memory_space<hbm>> -> memref<128x128xf32, #tpu.memory_space<hbm>>
        %dma_start3A_1325 = tpu.memref_slice %arg7[%add3A_1319] : memref<4x!tpu.dma_semaphore, #tpu.memory_space<semaphore_mem>> -> memref<1x!tpu.dma_semaphore, #tpu.memory_space<semaphore_mem>>
        %dma_start3A_1326 = tpu.memref_squeeze %dma_start3A_1325 : memref<1x!tpu.dma_semaphore, #tpu.memory_space<semaphore_mem>> -> memref<!tpu.dma_semaphore, #tpu.memory_space<semaphore_mem>>
        %dma_start3A_1327 = arith.constant 128 : i32
        %dma_start3A_1328 = arith.constant 0 : i32
        %dma_start3A_1329 = tpu.memref_slice %arg4[%sub3A_1285, %dma_start3A_1327, %dma_start3A_1328] : memref<2x256x128xf32, #tpu.memory_space<vmem>> -> memref<1x128x128xf32, #tpu.memory_space<vmem>>
        %dma_start3A_1330 = tpu.memref_squeeze %dma_start3A_1329 : memref<1x128x128xf32, #tpu.memory_space<vmem>> -> memref<128x128xf32, #tpu.memory_space<vmem>>
        %dma_start3A_1331 = tpu.memref_slice %arg2[%add3A_1315, %mul3A_32] : memref<32768x1024xf32, #tpu.memory_space<hbm>> -> memref<128x128xf32, #tpu.memory_space<hbm>>
        tpu.enqueue_dma source(%dma_start3A_1331 : memref<128x128xf32, #tpu.memory_space<hbm>>) target(%dma_start3A_1330 : memref<128x128xf32, #tpu.memory_space<vmem>>) target_semaphore(%dma_start3A_1326 : memref<!tpu.dma_semaphore, #tpu.memory_space<semaphore_mem>>)
      } else {
      }
      %broadcast_in_dim3A = arith.constant 0 : i32
      %broadcast_in_dim3A_679 = vector.broadcast %broadcast_in_dim3A : i32 to vector<16xi32>
      %add3A_680 = vector.broadcast %select_n3A_628 : i32 to vector<16xi32>
      %add3A_681 = arith.addi %broadcast_in_dim3A_679, %add3A_680 : vector<16xi32>
      %broadcast_in_dim3A_682 = arith.constant 0xFF800000 : f32
      %broadcast_in_dim3A_683 = vector.broadcast %broadcast_in_dim3A_682 : f32 to vector<16xf32>
      %broadcast_in_dim3A_684 = arith.constant 0xFF800000 : f32
      %broadcast_in_dim3A_685 = vector.broadcast %broadcast_in_dim3A_684 : f32 to vector<16xf32>
      %broadcast_in_dim3A_686 = arith.constant 0xFF800000 : f32
      %broadcast_in_dim3A_687 = vector.broadcast %broadcast_in_dim3A_686 : f32 to vector<16xf32>
      %broadcast_in_dim3A_688 = arith.constant 0xFF800000 : f32
      %broadcast_in_dim3A_689 = vector.broadcast %broadcast_in_dim3A_688 : f32 to vector<16xf32>
      %broadcast_in_dim3A_690 = arith.constant 0xFF800000 : f32
      %broadcast_in_dim3A_691 = vector.broadcast %broadcast_in_dim3A_690 : f32 to vector<16xf32>
      %broadcast_in_dim3A_692 = arith.constant 0 : i32
      %broadcast_in_dim3A_693 = vector.broadcast %broadcast_in_dim3A_692 : i32 to vector<16xi32>
      %broadcast_in_dim3A_694 = arith.constant 0 : i32
      %broadcast_in_dim3A_695 = vector.broadcast %broadcast_in_dim3A_694 : i32 to vector<16xi32>
      %broadcast_in_dim3A_696 = arith.constant 0 : i32
      %broadcast_in_dim3A_697 = vector.broadcast %broadcast_in_dim3A_696 : i32 to vector<16xi32>
      %broadcast_in_dim3A_698 = arith.constant 0 : i32
      %broadcast_in_dim3A_699 = vector.broadcast %broadcast_in_dim3A_698 : i32 to vector<16xi32>
      %broadcast_in_dim3A_700 = arith.constant 0 : i32
      %broadcast_in_dim3A_701 = vector.broadcast %broadcast_in_dim3A_700 : i32 to vector<16xi32>
      %scan3A_702 = arith.constant 0 : i32
      %scan3A_703 = arith.constant 16 : i32
      %scan3A_704 = arith.addi %scan3A_702, %scan3A_703 : i32
      %scan3A_705 = arith.constant 2 : i32
      %scan3A_706:10 = scf.for %scan3A_1282 = %scan3A_702 to %scan3A_704 step %scan3A_705 iter_args(%scan3A_1283 = %broadcast_in_dim3A_683, %scan3A_1284 = %broadcast_in_dim3A_685, %scan3A_1285 = %broadcast_in_dim3A_687, %scan3A_1286 = %broadcast_in_dim3A_689, %scan3A_1287 = %broadcast_in_dim3A_691, %scan3A_1288 = %broadcast_in_dim3A_693, %scan3A_1289 = %broadcast_in_dim3A_695, %scan3A_1290 = %broadcast_in_dim3A_697, %scan3A_1291 = %broadcast_in_dim3A_699, %scan3A_1292 = %broadcast_in_dim3A_701) -> (vector<16xf32>, vector<16xf32>, vector<16xf32>, vector<16xf32>, vector<16xf32>, vector<16xi32>, vector<16xi32>, vector<16xi32>, vector<16xi32>, vector<16xi32>)  : i32 {
        %mul3A_1293 = arith.constant 16 : i32
        %mul3A_1294 = arith.muli %scan3A_1282, %mul3A_1293 : i32
        %add3A_1295 = arith.constant 0 : i32
        %add3A_1296 = arith.addi %mul3A_1294, %add3A_1295 : i32
        %get3A_1297 = arith.index_cast %select_n3A_628 : i32 to index
        %get3A_1298 = arith.index_cast %add3A_1296 : i32 to index
        %get3A_1299 = arith.constant 0 : index
        %get3A_1300 = tpu.vector_load %arg4[%get3A_1297, %get3A_1298, %get3A_1299] {strides = array<i32>} : memref<2x256x128xf32, #tpu.memory_space<vmem>>, vector<16xf32>,
        %add3A_1301 = arith.constant 1 : i32
        %add3A_1302 = arith.addi %mul3A_1294, %add3A_1301 : i32
        %get3A_1303 = arith.index_cast %select_n3A_628 : i32 to index
        %get3A_1304 = arith.index_cast %add3A_1302 : i32 to index
        %get3A_1305 = arith.constant 0 : index
        %get3A_1306 = tpu.vector_load %arg4[%get3A_1303, %get3A_1304, %get3A_1305] {strides = array<i32>} : memref<2x256x128xf32, #tpu.memory_space<vmem>>, vector<16xf32>,
        %add3A_1307 = arith.constant 2 : i32
        %add3A_1308 = arith.addi %mul3A_1294, %add3A_1307 : i32
        %get3A_1309 = arith.index_cast %select_n3A_628 : i32 to index
        %get3A_1310 = arith.index_cast %add3A_1308 : i32 to index
        %get3A_1311 = arith.constant 0 : index
        %get3A_1312 = tpu.vector_load %arg4[%get3A_1309, %get3A_1310, %get3A_1311] {strides = array<i32>} : memref<2x256x128xf32, #tpu.memory_space<vmem>>, vector<16xf32>,
        %add3A_1313 = arith.constant 3 : i32
        %add3A_1314 = arith.addi %mul3A_1294, %add3A_1313 : i32
        %get3A_1315 = arith.index_cast %select_n3A_628 : i32 to index
        %get3A_1316 = arith.index_cast %add3A_1314 : i32 to index
        %get3A_1317 = arith.constant 0 : index
        %get3A_1318 = tpu.vector_load %arg4[%get3A_1315, %get3A_1316, %get3A_1317] {strides = array<i32>} : memref<2x256x128xf32, #tpu.memory_space<vmem>>, vector<16xf32>,
        %add3A_1319 = arith.constant 4 : i32
        %add3A_1320 = arith.addi %mul3A_1294, %add3A_1319 : i32
        %get3A_1321 = arith.index_cast %select_n3A_628 : i32 to index
        %get3A_1322 = arith.index_cast %add3A_1320 : i32 to index
        %get3A_1323 = arith.constant 0 : index
        %get3A_1324 = tpu.vector_load %arg4[%get3A_1321, %get3A_1322, %get3A_1323] {strides = array<i32>} : memref<2x256x128xf32, #tpu.memory_space<vmem>>, vector<16xf32>,
        %add3A_1325 = arith.constant 5 : i32
        %add3A_1326 = arith.addi %mul3A_1294, %add3A_1325 : i32
        %get3A_1327 = arith.index_cast %select_n3A_628 : i32 to index
        %get3A_1328 = arith.index_cast %add3A_1326 : i32 to index
        %get3A_1329 = arith.constant 0 : index
        %get3A_1330 = tpu.vector_load %arg4[%get3A_1327, %get3A_1328, %get3A_1329] {strides = array<i32>} : memref<2x256x128xf32, #tpu.memory_space<vmem>>, vector<16xf32>,
        %add3A_1331 = arith.constant 6 : i32
        %add3A_1332 = arith.addi %mul3A_1294, %add3A_1331 : i32
        %get3A_1333 = arith.index_cast %select_n3A_628 : i32 to index
        %get3A_1334 = arith.index_cast %add3A_1332 : i32 to index
        %get3A_1335 = arith.constant 0 : index
        %get3A_1336 = tpu.vector_load %arg4[%get3A_1333, %get3A_1334, %get3A_1335] {strides = array<i32>} : memref<2x256x128xf32, #tpu.memory_space<vmem>>, vector<16xf32>,
        %add3A_1337 = arith.constant 7 : i32
        %add3A_1338 = arith.addi %mul3A_1294, %add3A_1337 : i32
        %get3A_1339 = arith.index_cast %select_n3A_628 : i32 to index
        %get3A_1340 = arith.index_cast %add3A_1338 : i32 to index
        %get3A_1341 = arith.constant 0 : index
        %get3A_1342 = tpu.vector_load %arg4[%get3A_1339, %get3A_1340, %get3A_1341] {strides = array<i32>} : memref<2x256x128xf32, #tpu.memory_space<vmem>>, vector<16xf32>,
        %add3A_1343 = arith.constant 8 : i32
        %add3A_1344 = arith.addi %mul3A_1294, %add3A_1343 : i32
        %get3A_1345 = arith.index_cast %select_n3A_628 : i32 to index
        %get3A_1346 = arith.index_cast %add3A_1344 : i32 to index
        %get3A_1347 = arith.constant 0 : index
        %get3A_1348 = tpu.vector_load %arg4[%get3A_1345, %get3A_1346, %get3A_1347] {strides = array<i32>} : memref<2x256x128xf32, #tpu.memory_space<vmem>>, vector<16xf32>,
        %add3A_1349 = arith.constant 9 : i32
        %add3A_1350 = arith.addi %mul3A_1294, %add3A_1349 : i32
        %get3A_1351 = arith.index_cast %select_n3A_628 : i32 to index
        %get3A_1352 = arith.index_cast %add3A_1350 : i32 to index
        %get3A_1353 = arith.constant 0 : index
        %get3A_1354 = tpu.vector_load %arg4[%get3A_1351, %get3A_1352, %get3A_1353] {strides = array<i32>} : memref<2x256x128xf32, #tpu.memory_space<vmem>>, vector<16xf32>,
        %add3A_1355 = arith.constant 10 : i32
        %add3A_1356 = arith.addi %mul3A_1294, %add3A_1355 : i32
        %get3A_1357 = arith.index_cast %select_n3A_628 : i32 to index
        %get3A_1358 = arith.index_cast %add3A_1356 : i32 to index
        %get3A_1359 = arith.constant 0 : index
        %get3A_1360 = tpu.vector_load %arg4[%get3A_1357, %get3A_1358, %get3A_1359] {strides = array<i32>} : memref<2x256x128xf32, #tpu.memory_space<vmem>>, vector<16xf32>,
        %add3A_1361 = arith.constant 11 : i32
        %add3A_1362 = arith.addi %mul3A_1294, %add3A_1361 : i32
        %get3A_1363 = arith.index_cast %select_n3A_628 : i32 to index
        %get3A_1364 = arith.index_cast %add3A_1362 : i32 to index
        %get3A_1365 = arith.constant 0 : index
        %get3A_1366 = tpu.vector_load %arg4[%get3A_1363, %get3A_1364, %get3A_1365] {strides = array<i32>} : memref<2x256x128xf32, #tpu.memory_space<vmem>>, vector<16xf32>,
        %add3A_1367 = arith.constant 12 : i32
        %add3A_1368 = arith.addi %mul3A_1294, %add3A_1367 : i32
        %get3A_1369 = arith.index_cast %select_n3A_628 : i32 to index
        %get3A_1370 = arith.index_cast %add3A_1368 : i32 to index
        %get3A_1371 = arith.constant 0 : index
        %get3A_1372 = tpu.vector_load %arg4[%get3A_1369, %get3A_1370, %get3A_1371] {strides = array<i32>} : memref<2x256x128xf32, #tpu.memory_space<vmem>>, vector<16xf32>,
        %add3A_1373 = arith.constant 13 : i32
        %add3A_1374 = arith.addi %mul3A_1294, %add3A_1373 : i32
        %get3A_1375 = arith.index_cast %select_n3A_628 : i32 to index
        %get3A_1376 = arith.index_cast %add3A_1374 : i32 to index
        %get3A_1377 = arith.constant 0 : index
        %get3A_1378 = tpu.vector_load %arg4[%get3A_1375, %get3A_1376, %get3A_1377] {strides = array<i32>} : memref<2x256x128xf32, #tpu.memory_space<vmem>>, vector<16xf32>,
        %add3A_1379 = arith.constant 14 : i32
        %add3A_1380 = arith.addi %mul3A_1294, %add3A_1379 : i32
        %get3A_1381 = arith.index_cast %select_n3A_628 : i32 to index
        %get3A_1382 = arith.index_cast %add3A_1380 : i32 to index
        %get3A_1383 = arith.constant 0 : index
        %get3A_1384 = tpu.vector_load %arg4[%get3A_1381, %get3A_1382, %get3A_1383] {strides = array<i32>} : memref<2x256x128xf32, #tpu.memory_space<vmem>>, vector<16xf32>,
        %add3A_1385 = arith.constant 15 : i32
        %add3A_1386 = arith.addi %mul3A_1294, %add3A_1385 : i32
        %get3A_1387 = arith.index_cast %select_n3A_628 : i32 to index
        %get3A_1388 = arith.index_cast %add3A_1386 : i32 to index
        %get3A_1389 = arith.constant 0 : index
        %get3A_1390 = tpu.vector_load %arg4[%get3A_1387, %get3A_1388, %get3A_1389] {strides = array<i32>} : memref<2x256x128xf32, #tpu.memory_space<vmem>>, vector<16xf32>,
        %max3A = arith.maximumf %get3A_1300, %get3A_1306 : vector<16xf32>
        %max3A_1391 = arith.maximumf %get3A_1312, %get3A_1318 : vector<16xf32>
        %max3A_1392 = arith.maximumf %get3A_1324, %get3A_1330 : vector<16xf32>
        %max3A_1393 = arith.maximumf %get3A_1336, %get3A_1342 : vector<16xf32>
        %max3A_1394 = arith.maximumf %get3A_1348, %get3A_1354 : vector<16xf32>
        %max3A_1395 = arith.maximumf %get3A_1360, %get3A_1366 : vector<16xf32>
        %max3A_1396 = arith.maximumf %get3A_1372, %get3A_1378 : vector<16xf32>
        %max3A_1397 = arith.maximumf %get3A_1384, %get3A_1390 : vector<16xf32>
        %max3A_1398 = arith.maximumf %max3A, %max3A_1391 : vector<16xf32>
        %max3A_1399 = arith.maximumf %max3A_1392, %max3A_1393 : vector<16xf32>
        %max3A_1400 = arith.maximumf %max3A_1394, %max3A_1395 : vector<16xf32>
        %max3A_1401 = arith.maximumf %max3A_1396, %max3A_1397 : vector<16xf32>
        %max3A_1402 = arith.maximumf %max3A_1398, %max3A_1399 : vector<16xf32>
        %max3A_1403 = arith.maximumf %max3A_1400, %max3A_1401 : vector<16xf32>
        %max3A_1404 = arith.maximumf %max3A_1402, %max3A_1403 : vector<16xf32>
        %broadcast_in_dim3A_1405 = arith.constant 0 : i32
        %broadcast_in_dim3A_1406 = vector.broadcast %broadcast_in_dim3A_1405 : i32 to vector<16xi32>
        %add3A_1407 = vector.broadcast %scan3A_1282 : i32 to vector<16xi32>
        %add3A_1408 = arith.addi %broadcast_in_dim3A_1406, %add3A_1407 : vector<16xi32>
        %gt3A = arith.cmpf ogt, %max3A_1404, %scan3A_1283 : vector<16xf32>
        %max3A_1409 = arith.maximumf %scan3A_1283, %max3A_1404 : vector<16xf32>
        %select_n3A_1410 = arith.select %gt3A, %add3A_1408, %scan3A_1288 : vector<16xi1>, vector<16xi32>
        %min3A = arith.minimumf %scan3A_1283, %max3A_1404 : vector<16xf32>
        %select_n3A_1411 = arith.select %gt3A, %scan3A_1288, %add3A_1408 : vector<16xi1>, vector<16xi32>
        %gt3A_1412 = arith.cmpf ogt, %min3A, %scan3A_1284 : vector<16xf32>
        %max3A_1413 = arith.maximumf %scan3A_1284, %min3A : vector<16xf32>
        %select_n3A_1414 = arith.select %gt3A_1412, %select_n3A_1411, %scan3A_1289 : vector<16xi1>, vector<16xi32>
        %min3A_1415 = arith.minimumf %scan3A_1284, %min3A : vector<16xf32>
        %select_n3A_1416 = arith.select %gt3A_1412, %scan3A_1289, %select_n3A_1411 : vector<16xi1>, vector<16xi32>
        %gt3A_1417 = arith.cmpf ogt, %min3A_1415, %scan3A_1285 : vector<16xf32>
        %max3A_1418 = arith.maximumf %scan3A_1285, %min3A_1415 : vector<16xf32>
        %select_n3A_1419 = arith.select %gt3A_1417, %select_n3A_1416, %scan3A_1290 : vector<16xi1>, vector<16xi32>
        %min3A_1420 = arith.minimumf %scan3A_1285, %min3A_1415 : vector<16xf32>
        %select_n3A_1421 = arith.select %gt3A_1417, %scan3A_1290, %select_n3A_1416 : vector<16xi1>, vector<16xi32>
        %gt3A_1422 = arith.cmpf ogt, %min3A_1420, %scan3A_1286 : vector<16xf32>
        %max3A_1423 = arith.maximumf %scan3A_1286, %min3A_1420 : vector<16xf32>
        %select_n3A_1424 = arith.select %gt3A_1422, %select_n3A_1421, %scan3A_1291 : vector<16xi1>, vector<16xi32>
        %min3A_1425 = arith.minimumf %scan3A_1286, %min3A_1420 : vector<16xf32>
        %select_n3A_1426 = arith.select %gt3A_1422, %scan3A_1291, %select_n3A_1421 : vector<16xi1>, vector<16xi32>
        %gt3A_1427 = arith.cmpf ogt, %min3A_1425, %scan3A_1287 : vector<16xf32>
        %max3A_1428 = arith.maximumf %scan3A_1287, %min3A_1425 : vector<16xf32>
        %select_n3A_1429 = arith.select %gt3A_1427, %select_n3A_1426, %scan3A_1292 : vector<16xi1>, vector<16xi32>
        %min3A_1430 = arith.minimumf %scan3A_1287, %min3A_1425 : vector<16xf32>
        %select_n3A_1431 = arith.select %gt3A_1427, %scan3A_1292, %select_n3A_1426 : vector<16xi1>, vector<16xi32>
        %scan3A_1432 = arith.constant 1 : i32
        %scan3A_1433 = arith.addi %scan3A_1282, %scan3A_1432 : i32
        %mul3A_1434 = arith.constant 16 : i32
        %mul3A_1435 = arith.muli %scan3A_1433, %mul3A_1434 : i32
        %add3A_1436 = arith.constant 0 : i32
        %add3A_1437 = arith.addi %mul3A_1435, %add3A_1436 : i32
        %get3A_1438 = arith.index_cast %select_n3A_628 : i32 to index
        %get3A_1439 = arith.index_cast %add3A_1437 : i32 to index
        %get3A_1440 = arith.constant 0 : index
        %get3A_1441 = tpu.vector_load %arg4[%get3A_1438, %get3A_1439, %get3A_1440] {strides = array<i32>} : memref<2x256x128xf32, #tpu.memory_space<vmem>>, vector<16xf32>,
        %add3A_1442 = arith.constant 1 : i32
        %add3A_1443 = arith.addi %mul3A_1435, %add3A_1442 : i32
        %get3A_1444 = arith.index_cast %select_n3A_628 : i32 to index
        %get3A_1445 = arith.index_cast %add3A_1443 : i32 to index
        %get3A_1446 = arith.constant 0 : index
        %get3A_1447 = tpu.vector_load %arg4[%get3A_1444, %get3A_1445, %get3A_1446] {strides = array<i32>} : memref<2x256x128xf32, #tpu.memory_space<vmem>>, vector<16xf32>,
        %add3A_1448 = arith.constant 2 : i32
        %add3A_1449 = arith.addi %mul3A_1435, %add3A_1448 : i32
        %get3A_1450 = arith.index_cast %select_n3A_628 : i32 to index
        %get3A_1451 = arith.index_cast %add3A_1449 : i32 to index
        %get3A_1452 = arith.constant 0 : index
        %get3A_1453 = tpu.vector_load %arg4[%get3A_1450, %get3A_1451, %get3A_1452] {strides = array<i32>} : memref<2x256x128xf32, #tpu.memory_space<vmem>>, vector<16xf32>,
        %add3A_1454 = arith.constant 3 : i32
        %add3A_1455 = arith.addi %mul3A_1435, %add3A_1454 : i32
        %get3A_1456 = arith.index_cast %select_n3A_628 : i32 to index
        %get3A_1457 = arith.index_cast %add3A_1455 : i32 to index
        %get3A_1458 = arith.constant 0 : index
        %get3A_1459 = tpu.vector_load %arg4[%get3A_1456, %get3A_1457, %get3A_1458] {strides = array<i32>} : memref<2x256x128xf32, #tpu.memory_space<vmem>>, vector<16xf32>,
        %add3A_1460 = arith.constant 4 : i32
        %add3A_1461 = arith.addi %mul3A_1435, %add3A_1460 : i32
        %get3A_1462 = arith.index_cast %select_n3A_628 : i32 to index
        %get3A_1463 = arith.index_cast %add3A_1461 : i32 to index
        %get3A_1464 = arith.constant 0 : index
        %get3A_1465 = tpu.vector_load %arg4[%get3A_1462, %get3A_1463, %get3A_1464] {strides = array<i32>} : memref<2x256x128xf32, #tpu.memory_space<vmem>>, vector<16xf32>,
        %add3A_1466 = arith.constant 5 : i32
        %add3A_1467 = arith.addi %mul3A_1435, %add3A_1466 : i32
        %get3A_1468 = arith.index_cast %select_n3A_628 : i32 to index
        %get3A_1469 = arith.index_cast %add3A_1467 : i32 to index
        %get3A_1470 = arith.constant 0 : index
        %get3A_1471 = tpu.vector_load %arg4[%get3A_1468, %get3A_1469, %get3A_1470] {strides = array<i32>} : memref<2x256x128xf32, #tpu.memory_space<vmem>>, vector<16xf32>,
        %add3A_1472 = arith.constant 6 : i32
        %add3A_1473 = arith.addi %mul3A_1435, %add3A_1472 : i32
        %get3A_1474 = arith.index_cast %select_n3A_628 : i32 to index
        %get3A_1475 = arith.index_cast %add3A_1473 : i32 to index
        %get3A_1476 = arith.constant 0 : index
        %get3A_1477 = tpu.vector_load %arg4[%get3A_1474, %get3A_1475, %get3A_1476] {strides = array<i32>} : memref<2x256x128xf32, #tpu.memory_space<vmem>>, vector<16xf32>,
        %add3A_1478 = arith.constant 7 : i32
        %add3A_1479 = arith.addi %mul3A_1435, %add3A_1478 : i32
        %get3A_1480 = arith.index_cast %select_n3A_628 : i32 to index
        %get3A_1481 = arith.index_cast %add3A_1479 : i32 to index
        %get3A_1482 = arith.constant 0 : index
        %get3A_1483 = tpu.vector_load %arg4[%get3A_1480, %get3A_1481, %get3A_1482] {strides = array<i32>} : memref<2x256x128xf32, #tpu.memory_space<vmem>>, vector<16xf32>,
        %add3A_1484 = arith.constant 8 : i32
        %add3A_1485 = arith.addi %mul3A_1435, %add3A_1484 : i32
        %get3A_1486 = arith.index_cast %select_n3A_628 : i32 to index
        %get3A_1487 = arith.index_cast %add3A_1485 : i32 to index
        %get3A_1488 = arith.constant 0 : index
        %get3A_1489 = tpu.vector_load %arg4[%get3A_1486, %get3A_1487, %get3A_1488] {strides = array<i32>} : memref<2x256x128xf32, #tpu.memory_space<vmem>>, vector<16xf32>,
        %add3A_1490 = arith.constant 9 : i32
        %add3A_1491 = arith.addi %mul3A_1435, %add3A_1490 : i32
        %get3A_1492 = arith.index_cast %select_n3A_628 : i32 to index
        %get3A_1493 = arith.index_cast %add3A_1491 : i32 to index
        %get3A_1494 = arith.constant 0 : index
        %get3A_1495 = tpu.vector_load %arg4[%get3A_1492, %get3A_1493, %get3A_1494] {strides = array<i32>} : memref<2x256x128xf32, #tpu.memory_space<vmem>>, vector<16xf32>,
        %add3A_1496 = arith.constant 10 : i32
        %add3A_1497 = arith.addi %mul3A_1435, %add3A_1496 : i32
        %get3A_1498 = arith.index_cast %select_n3A_628 : i32 to index
        %get3A_1499 = arith.index_cast %add3A_1497 : i32 to index
        %get3A_1500 = arith.constant 0 : index
        %get3A_1501 = tpu.vector_load %arg4[%get3A_1498, %get3A_1499, %get3A_1500] {strides = array<i32>} : memref<2x256x128xf32, #tpu.memory_space<vmem>>, vector<16xf32>,
        %add3A_1502 = arith.constant 11 : i32
        %add3A_1503 = arith.addi %mul3A_1435, %add3A_1502 : i32
        %get3A_1504 = arith.index_cast %select_n3A_628 : i32 to index
        %get3A_1505 = arith.index_cast %add3A_1503 : i32 to index
        %get3A_1506 = arith.constant 0 : index
        %get3A_1507 = tpu.vector_load %arg4[%get3A_1504, %get3A_1505, %get3A_1506] {strides = array<i32>} : memref<2x256x128xf32, #tpu.memory_space<vmem>>, vector<16xf32>,
        %add3A_1508 = arith.constant 12 : i32
        %add3A_1509 = arith.addi %mul3A_1435, %add3A_1508 : i32
        %get3A_1510 = arith.index_cast %select_n3A_628 : i32 to index
        %get3A_1511 = arith.index_cast %add3A_1509 : i32 to index
        %get3A_1512 = arith.constant 0 : index
        %get3A_1513 = tpu.vector_load %arg4[%get3A_1510, %get3A_1511, %get3A_1512] {strides = array<i32>} : memref<2x256x128xf32, #tpu.memory_space<vmem>>, vector<16xf32>,
        %add3A_1514 = arith.constant 13 : i32
        %add3A_1515 = arith.addi %mul3A_1435, %add3A_1514 : i32
        %get3A_1516 = arith.index_cast %select_n3A_628 : i32 to index
        %get3A_1517 = arith.index_cast %add3A_1515 : i32 to index
        %get3A_1518 = arith.constant 0 : index
        %get3A_1519 = tpu.vector_load %arg4[%get3A_1516, %get3A_1517, %get3A_1518] {strides = array<i32>} : memref<2x256x128xf32, #tpu.memory_space<vmem>>, vector<16xf32>,
        %add3A_1520 = arith.constant 14 : i32
        %add3A_1521 = arith.addi %mul3A_1435, %add3A_1520 : i32
        %get3A_1522 = arith.index_cast %select_n3A_628 : i32 to index
        %get3A_1523 = arith.index_cast %add3A_1521 : i32 to index
        %get3A_1524 = arith.constant 0 : index
        %get3A_1525 = tpu.vector_load %arg4[%get3A_1522, %get3A_1523, %get3A_1524] {strides = array<i32>} : memref<2x256x128xf32, #tpu.memory_space<vmem>>, vector<16xf32>,
        %add3A_1526 = arith.constant 15 : i32
        %add3A_1527 = arith.addi %mul3A_1435, %add3A_1526 : i32
        %get3A_1528 = arith.index_cast %select_n3A_628 : i32 to index
        %get3A_1529 = arith.index_cast %add3A_1527 : i32 to index
        %get3A_1530 = arith.constant 0 : index
        %get3A_1531 = tpu.vector_load %arg4[%get3A_1528, %get3A_1529, %get3A_1530] {strides = array<i32>} : memref<2x256x128xf32, #tpu.memory_space<vmem>>, vector<16xf32>,
        %max3A_1532 = arith.maximumf %get3A_1441, %get3A_1447 : vector<16xf32>
        %max3A_1533 = arith.maximumf %get3A_1453, %get3A_1459 : vector<16xf32>
        %max3A_1534 = arith.maximumf %get3A_1465, %get3A_1471 : vector<16xf32>
        %max3A_1535 = arith.maximumf %get3A_1477, %get3A_1483 : vector<16xf32>
        %max3A_1536 = arith.maximumf %get3A_1489, %get3A_1495 : vector<16xf32>
        %max3A_1537 = arith.maximumf %get3A_1501, %get3A_1507 : vector<16xf32>
        %max3A_1538 = arith.maximumf %get3A_1513, %get3A_1519 : vector<16xf32>
        %max3A_1539 = arith.maximumf %get3A_1525, %get3A_1531 : vector<16xf32>
        %max3A_1540 = arith.maximumf %max3A_1532, %max3A_1533 : vector<16xf32>
        %max3A_1541 = arith.maximumf %max3A_1534, %max3A_1535 : vector<16xf32>
        %max3A_1542 = arith.maximumf %max3A_1536, %max3A_1537 : vector<16xf32>
        %max3A_1543 = arith.maximumf %max3A_1538, %max3A_1539 : vector<16xf32>
        %max3A_1544 = arith.maximumf %max3A_1540, %max3A_1541 : vector<16xf32>
        %max3A_1545 = arith.maximumf %max3A_1542, %max3A_1543 : vector<16xf32>
        %max3A_1546 = arith.maximumf %max3A_1544, %max3A_1545 : vector<16xf32>
        %broadcast_in_dim3A_1547 = arith.constant 0 : i32
        %broadcast_in_dim3A_1548 = vector.broadcast %broadcast_in_dim3A_1547 : i32 to vector<16xi32>
        %add3A_1549 = vector.broadcast %scan3A_1433 : i32 to vector<16xi32>
        %add3A_1550 = arith.addi %broadcast_in_dim3A_1548, %add3A_1549 : vector<16xi32>
        %gt3A_1551 = arith.cmpf ogt, %max3A_1546, %max3A_1409 : vector<16xf32>
        %max3A_1552 = arith.maximumf %max3A_1409, %max3A_1546 : vector<16xf32>
        %select_n3A_1553 = arith.select %gt3A_1551, %add3A_1550, %select_n3A_1410 : vector<16xi1>, vector<16xi32>
        %min3A_1554 = arith.minimumf %max3A_1409, %max3A_1546 : vector<16xf32>
        %select_n3A_1555 = arith.select %gt3A_1551, %select_n3A_1410, %add3A_1550 : vector<16xi1>, vector<16xi32>
        %gt3A_1556 = arith.cmpf ogt, %min3A_1554, %max3A_1413 : vector<16xf32>
        %max3A_1557 = arith.maximumf %max3A_1413, %min3A_1554 : vector<16xf32>
        %select_n3A_1558 = arith.select %gt3A_1556, %select_n3A_1555, %select_n3A_1414 : vector<16xi1>, vector<16xi32>
        %min3A_1559 = arith.minimumf %max3A_1413, %min3A_1554 : vector<16xf32>
        %select_n3A_1560 = arith.select %gt3A_1556, %select_n3A_1414, %select_n3A_1555 : vector<16xi1>, vector<16xi32>
        %gt3A_1561 = arith.cmpf ogt, %min3A_1559, %max3A_1418 : vector<16xf32>
        %max3A_1562 = arith.maximumf %max3A_1418, %min3A_1559 : vector<16xf32>
        %select_n3A_1563 = arith.select %gt3A_1561, %select_n3A_1560, %select_n3A_1419 : vector<16xi1>, vector<16xi32>
        %min3A_1564 = arith.minimumf %max3A_1418, %min3A_1559 : vector<16xf32>
        %select_n3A_1565 = arith.select %gt3A_1561, %select_n3A_1419, %select_n3A_1560 : vector<16xi1>, vector<16xi32>
        %gt3A_1566 = arith.cmpf ogt, %min3A_1564, %max3A_1423 : vector<16xf32>
        %max3A_1567 = arith.maximumf %max3A_1423, %min3A_1564 : vector<16xf32>
        %select_n3A_1568 = arith.select %gt3A_1566, %select_n3A_1565, %select_n3A_1424 : vector<16xi1>, vector<16xi32>
        %min3A_1569 = arith.minimumf %max3A_1423, %min3A_1564 : vector<16xf32>
        %select_n3A_1570 = arith.select %gt3A_1566, %select_n3A_1424, %select_n3A_1565 : vector<16xi1>, vector<16xi32>
        %gt3A_1571 = arith.cmpf ogt, %min3A_1569, %max3A_1428 : vector<16xf32>
        %max3A_1572 = arith.maximumf %max3A_1428, %min3A_1569 : vector<16xf32>
        %select_n3A_1573 = arith.select %gt3A_1571, %select_n3A_1570, %select_n3A_1429 : vector<16xi1>, vector<16xi32>
        %min3A_1574 = arith.minimumf %max3A_1428, %min3A_1569 : vector<16xf32>
        %select_n3A_1575 = arith.select %gt3A_1571, %select_n3A_1429, %select_n3A_1570 : vector<16xi1>, vector<16xi32>
        scf.yield %max3A_1552, %max3A_1557, %max3A_1562, %max3A_1567, %max3A_1572, %select_n3A_1553, %select_n3A_1558, %select_n3A_1563, %select_n3A_1568, %select_n3A_1573 : vector<16xf32>, vector<16xf32>, vector<16xf32>, vector<16xf32>, vector<16xf32>, vector<16xi32>, vector<16xi32>, vector<16xi32>, vector<16xi32>, vector<16xi32>
      }
      %scan3A_707 = arith.constant 16 : i32
      %get3A_708 = arith.constant 0 : i32
      %get3A_709 = arith.index_cast %get3A_708 : i32 to index
      %get3A_710 = arith.constant 0 : index
      %get3A_711 = tpu.vector_load %arg5[%get3A_709, %get3A_710] {strides = array<i32>} : memref<40x16xf32, #tpu.memory_space<vmem>>, vector<16xf32>,
      %get3A_712 = arith.constant 1 : i32
      %get3A_713 = arith.index_cast %get3A_712 : i32 to index
      %get3A_714 = arith.constant 0 : index
      %get3A_715 = tpu.vector_load %arg5[%get3A_713, %get3A_714] {strides = array<i32>} : memref<40x16xf32, #tpu.memory_space<vmem>>, vector<16xf32>,
      %get3A_716 = arith.constant 2 : i32
      %get3A_717 = arith.index_cast %get3A_716 : i32 to index
      %get3A_718 = arith.constant 0 : index
      %get3A_719 = tpu.vector_load %arg5[%get3A_717, %get3A_718] {strides = array<i32>} : memref<40x16xf32, #tpu.memory_space<vmem>>, vector<16xf32>,
      %get3A_720 = arith.constant 3 : i32
      %get3A_721 = arith.index_cast %get3A_720 : i32 to index
      %get3A_722 = arith.constant 0 : index
      %get3A_723 = tpu.vector_load %arg5[%get3A_721, %get3A_722] {strides = array<i32>} : memref<40x16xf32, #tpu.memory_space<vmem>>, vector<16xf32>,
      %get3A_724 = arith.constant 4 : i32
      %get3A_725 = arith.index_cast %get3A_724 : i32 to index
      %get3A_726 = arith.constant 0 : index
      %get3A_727 = tpu.vector_load %arg5[%get3A_725, %get3A_726] {strides = array<i32>} : memref<40x16xf32, #tpu.memory_space<vmem>>, vector<16xf32>,
      %add3A_728 = arith.constant 0 : i32
      %add3A_729 = vector.broadcast %add3A_728 : i32 to vector<16xi32>
      %add3A_730 = arith.addi %add3A_729, %iota3A : vector<16xi32>
      %scan3A_731 = arith.constant 0 : i32
      %scan3A_732 = arith.constant 5 : i32
      %scan3A_733 = arith.addi %scan3A_731, %scan3A_732 : i32
      %scan3A_734 = arith.constant 1 : i32
      %scan3A_735:5 = scf.for %scan3A_1282 = %scan3A_731 to %scan3A_733 step %scan3A_734 iter_args(%scan3A_1283 = %get3A_711, %scan3A_1284 = %get3A_715, %scan3A_1285 = %get3A_719, %scan3A_1286 = %get3A_723, %scan3A_1287 = %get3A_727) -> (vector<16xf32>, vector<16xf32>, vector<16xf32>, vector<16xf32>, vector<16xf32>)  : i32 {
        %eq3A_1288 = arith.constant 0 : i32
        %eq3A_1289 = arith.cmpi eq, %scan3A_1282, %eq3A_1288 : i32
        %eq3A_1290 = arith.constant 1 : i32
        %eq3A_1291 = arith.cmpi eq, %scan3A_1282, %eq3A_1290 : i32
        %eq3A_1292 = arith.constant 2 : i32
        %eq3A_1293 = arith.cmpi eq, %scan3A_1282, %eq3A_1292 : i32
        %eq3A_1294 = arith.constant 3 : i32
        %eq3A_1295 = arith.cmpi eq, %scan3A_1282, %eq3A_1294 : i32
        %select_n3A_1296 = arith.select %eq3A_1295, %scan3A_706#8, %scan3A_706#9 : vector<16xi32>
        %select_n3A_1297 = arith.select %eq3A_1293, %scan3A_706#7, %select_n3A_1296 : vector<16xi32>
        %select_n3A_1298 = arith.select %eq3A_1291, %scan3A_706#6, %select_n3A_1297 : vector<16xi32>
        %select_n3A_1299 = arith.select %eq3A_1289, %scan3A_706#5, %select_n3A_1298 : vector<16xi32>
        %mul3A_1300 = arith.constant 16 : i32
        %mul3A_1301 = vector.broadcast %mul3A_1300 : i32 to vector<16xi32>
        %mul3A_1302 = arith.muli %select_n3A_1299, %mul3A_1301 : vector<16xi32>
        %scan3A_1303 = arith.constant 0 : i32
        %scan3A_1304 = arith.constant 16 : i32
        %scan3A_1305 = arith.addi %scan3A_1303, %scan3A_1304 : i32
        %scan3A_1306 = arith.constant 1 : i32
        %scan3A_1307:5 = scf.for %scan3A_1309 = %scan3A_1303 to %scan3A_1305 step %scan3A_1306 iter_args(%scan3A_1310 = %scan3A_1283, %scan3A_1311 = %scan3A_1284, %scan3A_1312 = %scan3A_1285, %scan3A_1313 = %scan3A_1286, %scan3A_1314 = %scan3A_1287) -> (vector<16xf32>, vector<16xf32>, vector<16xf32>, vector<16xf32>, vector<16xf32>)  : i32 {
          %add3A_1315 = vector.broadcast %scan3A_1309 : i32 to vector<16xi32>
          %add3A_1316 = arith.addi %mul3A_1302, %add3A_1315 : vector<16xi32>
          %gather3A = tpu.vector_load_idx %arg4[%add3A_681, %add3A_1316, %add3A_730] : memref<2x256x128xf32, #tpu.memory_space<vmem>>[vector<16xi32>, vector<16xi32>, vector<16xi32>], vector<16xf32>,
          %max3A = arith.maximumf %scan3A_1310, %gather3A : vector<16xf32>
          %min3A = arith.minimumf %scan3A_1310, %gather3A : vector<16xf32>
          %max3A_1317 = arith.maximumf %scan3A_1311, %min3A : vector<16xf32>
          %min3A_1318 = arith.minimumf %scan3A_1311, %min3A : vector<16xf32>
          %max3A_1319 = arith.maximumf %scan3A_1312, %min3A_1318 : vector<16xf32>
          %min3A_1320 = arith.minimumf %scan3A_1312, %min3A_1318 : vector<16xf32>
          %max3A_1321 = arith.maximumf %scan3A_1313, %min3A_1320 : vector<16xf32>
          %min3A_1322 = arith.minimumf %scan3A_1313, %min3A_1320 : vector<16xf32>
          %max3A_1323 = arith.maximumf %scan3A_1314, %min3A_1322 : vector<16xf32>
          %min3A_1324 = arith.minimumf %scan3A_1314, %min3A_1322 : vector<16xf32>
          scf.yield %max3A, %max3A_1317, %max3A_1319, %max3A_1321, %max3A_1323 : vector<16xf32>, vector<16xf32>, vector<16xf32>, vector<16xf32>, vector<16xf32>
        }
        %scan3A_1308 = arith.constant 16 : i32
        scf.yield %scan3A_1307#0, %scan3A_1307#1, %scan3A_1307#2, %scan3A_1307#3, %scan3A_1307#4 : vector<16xf32>, vector<16xf32>, vector<16xf32>, vector<16xf32>, vector<16xf32>
      }
      %scan3A_736 = arith.constant 5 : i32
      %swap3A = arith.constant 0 : i32
      %swap3A_737 = arith.index_cast %swap3A : i32 to index
      %swap3A_738 = arith.constant 0 : index
      %swap3A_739 = tpu.vector_load %arg5[%swap3A_737, %swap3A_738] {strides = array<i32>} : memref<40x16xf32, #tpu.memory_space<vmem>>, vector<16xf32>,
      tpu.vector_store %arg5[%swap3A_737, %swap3A_738], %scan3A_735#0 {strides = array<i32>} : memref<40x16xf32, #tpu.memory_space<vmem>>, vector<16xf32>,
      %swap3A_740 = arith.constant 1 : i32
      %swap3A_741 = arith.index_cast %swap3A_740 : i32 to index
      %swap3A_742 = arith.constant 0 : index
      %swap3A_743 = tpu.vector_load %arg5[%swap3A_741, %swap3A_742] {strides = array<i32>} : memref<40x16xf32, #tpu.memory_space<vmem>>, vector<16xf32>,
      tpu.vector_store %arg5[%swap3A_741, %swap3A_742], %scan3A_735#1 {strides = array<i32>} : memref<40x16xf32, #tpu.memory_space<vmem>>, vector<16xf32>,
      %swap3A_744 = arith.constant 2 : i32
      %swap3A_745 = arith.index_cast %swap3A_744 : i32 to index
      %swap3A_746 = arith.constant 0 : index
      %swap3A_747 = tpu.vector_load %arg5[%swap3A_745, %swap3A_746] {strides = array<i32>} : memref<40x16xf32, #tpu.memory_space<vmem>>, vector<16xf32>,
      tpu.vector_store %arg5[%swap3A_745, %swap3A_746], %scan3A_735#2 {strides = array<i32>} : memref<40x16xf32, #tpu.memory_space<vmem>>, vector<16xf32>,
      %swap3A_748 = arith.constant 3 : i32
      %swap3A_749 = arith.index_cast %swap3A_748 : i32 to index
      %swap3A_750 = arith.constant 0 : index
      %swap3A_751 = tpu.vector_load %arg5[%swap3A_749, %swap3A_750] {strides = array<i32>} : memref<40x16xf32, #tpu.memory_space<vmem>>, vector<16xf32>,
      tpu.vector_store %arg5[%swap3A_749, %swap3A_750], %scan3A_735#3 {strides = array<i32>} : memref<40x16xf32, #tpu.memory_space<vmem>>, vector<16xf32>,
      %swap3A_752 = arith.constant 4 : i32
      %swap3A_753 = arith.index_cast %swap3A_752 : i32 to index
      %swap3A_754 = arith.constant 0 : index
      %swap3A_755 = tpu.vector_load %arg5[%swap3A_753, %swap3A_754] {strides = array<i32>} : memref<40x16xf32, #tpu.memory_space<vmem>>, vector<16xf32>,
      tpu.vector_store %arg5[%swap3A_753, %swap3A_754], %scan3A_735#4 {strides = array<i32>} : memref<40x16xf32, #tpu.memory_space<vmem>>, vector<16xf32>,
      %broadcast_in_dim3A_756 = arith.constant 0xFF800000 : f32
      %broadcast_in_dim3A_757 = vector.broadcast %broadcast_in_dim3A_756 : f32 to vector<16xf32>
      %broadcast_in_dim3A_758 = arith.constant 0xFF800000 : f32
      %broadcast_in_dim3A_759 = vector.broadcast %broadcast_in_dim3A_758 : f32 to vector<16xf32>
      %broadcast_in_dim3A_760 = arith.constant 0xFF800000 : f32
      %broadcast_in_dim3A_761 = vector.broadcast %broadcast_in_dim3A_760 : f32 to vector<16xf32>
      %broadcast_in_dim3A_762 = arith.constant 0xFF800000 : f32
      %broadcast_in_dim3A_763 = vector.broadcast %broadcast_in_dim3A_762 : f32 to vector<16xf32>
      %broadcast_in_dim3A_764 = arith.constant 0xFF800000 : f32
      %broadcast_in_dim3A_765 = vector.broadcast %broadcast_in_dim3A_764 : f32 to vector<16xf32>
      %broadcast_in_dim3A_766 = arith.constant 0 : i32
      %broadcast_in_dim3A_767 = vector.broadcast %broadcast_in_dim3A_766 : i32 to vector<16xi32>
      %broadcast_in_dim3A_768 = arith.constant 0 : i32
      %broadcast_in_dim3A_769 = vector.broadcast %broadcast_in_dim3A_768 : i32 to vector<16xi32>
      %broadcast_in_dim3A_770 = arith.constant 0 : i32
      %broadcast_in_dim3A_771 = vector.broadcast %broadcast_in_dim3A_770 : i32 to vector<16xi32>
      %broadcast_in_dim3A_772 = arith.constant 0 : i32
      %broadcast_in_dim3A_773 = vector.broadcast %broadcast_in_dim3A_772 : i32 to vector<16xi32>
      %broadcast_in_dim3A_774 = arith.constant 0 : i32
      %broadcast_in_dim3A_775 = vector.broadcast %broadcast_in_dim3A_774 : i32 to vector<16xi32>
      %scan3A_776 = arith.constant 0 : i32
      %scan3A_777 = arith.constant 16 : i32
      %scan3A_778 = arith.addi %scan3A_776, %scan3A_777 : i32
      %scan3A_779 = arith.constant 2 : i32
      %scan3A_780:10 = scf.for %scan3A_1282 = %scan3A_776 to %scan3A_778 step %scan3A_779 iter_args(%scan3A_1283 = %broadcast_in_dim3A_757, %scan3A_1284 = %broadcast_in_dim3A_759, %scan3A_1285 = %broadcast_in_dim3A_761, %scan3A_1286 = %broadcast_in_dim3A_763, %scan3A_1287 = %broadcast_in_dim3A_765, %scan3A_1288 = %broadcast_in_dim3A_767, %scan3A_1289 = %broadcast_in_dim3A_769, %scan3A_1290 = %broadcast_in_dim3A_771, %scan3A_1291 = %broadcast_in_dim3A_773, %scan3A_1292 = %broadcast_in_dim3A_775) -> (vector<16xf32>, vector<16xf32>, vector<16xf32>, vector<16xf32>, vector<16xf32>, vector<16xi32>, vector<16xi32>, vector<16xi32>, vector<16xi32>, vector<16xi32>)  : i32 {
        %mul3A_1293 = arith.constant 16 : i32
        %mul3A_1294 = arith.muli %scan3A_1282, %mul3A_1293 : i32
        %add3A_1295 = arith.constant 0 : i32
        %add3A_1296 = arith.addi %mul3A_1294, %add3A_1295 : i32
        %get3A_1297 = arith.index_cast %select_n3A_628 : i32 to index
        %get3A_1298 = arith.index_cast %add3A_1296 : i32 to index
        %get3A_1299 = arith.constant 16 : index
        %get3A_1300 = tpu.vector_load %arg4[%get3A_1297, %get3A_1298, %get3A_1299] {strides = array<i32>} : memref<2x256x128xf32, #tpu.memory_space<vmem>>, vector<16xf32>,
        %add3A_1301 = arith.constant 1 : i32
        %add3A_1302 = arith.addi %mul3A_1294, %add3A_1301 : i32
        %get3A_1303 = arith.index_cast %select_n3A_628 : i32 to index
        %get3A_1304 = arith.index_cast %add3A_1302 : i32 to index
        %get3A_1305 = arith.constant 16 : index
        %get3A_1306 = tpu.vector_load %arg4[%get3A_1303, %get3A_1304, %get3A_1305] {strides = array<i32>} : memref<2x256x128xf32, #tpu.memory_space<vmem>>, vector<16xf32>,
        %add3A_1307 = arith.constant 2 : i32
        %add3A_1308 = arith.addi %mul3A_1294, %add3A_1307 : i32
        %get3A_1309 = arith.index_cast %select_n3A_628 : i32 to index
        %get3A_1310 = arith.index_cast %add3A_1308 : i32 to index
        %get3A_1311 = arith.constant 16 : index
        %get3A_1312 = tpu.vector_load %arg4[%get3A_1309, %get3A_1310, %get3A_1311] {strides = array<i32>} : memref<2x256x128xf32, #tpu.memory_space<vmem>>, vector<16xf32>,
        %add3A_1313 = arith.constant 3 : i32
        %add3A_1314 = arith.addi %mul3A_1294, %add3A_1313 : i32
        %get3A_1315 = arith.index_cast %select_n3A_628 : i32 to index
        %get3A_1316 = arith.index_cast %add3A_1314 : i32 to index
        %get3A_1317 = arith.constant 16 : index
        %get3A_1318 = tpu.vector_load %arg4[%get3A_1315, %get3A_1316, %get3A_1317] {strides = array<i32>} : memref<2x256x128xf32, #tpu.memory_space<vmem>>, vector<16xf32>,
        %add3A_1319 = arith.constant 4 : i32
        %add3A_1320 = arith.addi %mul3A_1294, %add3A_1319 : i32
        %get3A_1321 = arith.index_cast %select_n3A_628 : i32 to index
        %get3A_1322 = arith.index_cast %add3A_1320 : i32 to index
        %get3A_1323 = arith.constant 16 : index
        %get3A_1324 = tpu.vector_load %arg4[%get3A_1321, %get3A_1322, %get3A_1323] {strides = array<i32>} : memref<2x256x128xf32, #tpu.memory_space<vmem>>, vector<16xf32>,
        %add3A_1325 = arith.constant 5 : i32
        %add3A_1326 = arith.addi %mul3A_1294, %add3A_1325 : i32
        %get3A_1327 = arith.index_cast %select_n3A_628 : i32 to index
        %get3A_1328 = arith.index_cast %add3A_1326 : i32 to index
        %get3A_1329 = arith.constant 16 : index
        %get3A_1330 = tpu.vector_load %arg4[%get3A_1327, %get3A_1328, %get3A_1329] {strides = array<i32>} : memref<2x256x128xf32, #tpu.memory_space<vmem>>, vector<16xf32>,
        %add3A_1331 = arith.constant 6 : i32
        %add3A_1332 = arith.addi %mul3A_1294, %add3A_1331 : i32
        %get3A_1333 = arith.index_cast %select_n3A_628 : i32 to index
        %get3A_1334 = arith.index_cast %add3A_1332 : i32 to index
        %get3A_1335 = arith.constant 16 : index
        %get3A_1336 = tpu.vector_load %arg4[%get3A_1333, %get3A_1334, %get3A_1335] {strides = array<i32>} : memref<2x256x128xf32, #tpu.memory_space<vmem>>, vector<16xf32>,
        %add3A_1337 = arith.constant 7 : i32
        %add3A_1338 = arith.addi %mul3A_1294, %add3A_1337 : i32
        %get3A_1339 = arith.index_cast %select_n3A_628 : i32 to index
        %get3A_1340 = arith.index_cast %add3A_1338 : i32 to index
        %get3A_1341 = arith.constant 16 : index
        %get3A_1342 = tpu.vector_load %arg4[%get3A_1339, %get3A_1340, %get3A_1341] {strides = array<i32>} : memref<2x256x128xf32, #tpu.memory_space<vmem>>, vector<16xf32>,
        %add3A_1343 = arith.constant 8 : i32
        %add3A_1344 = arith.addi %mul3A_1294, %add3A_1343 : i32
        %get3A_1345 = arith.index_cast %select_n3A_628 : i32 to index
        %get3A_1346 = arith.index_cast %add3A_1344 : i32 to index
        %get3A_1347 = arith.constant 16 : index
        %get3A_1348 = tpu.vector_load %arg4[%get3A_1345, %get3A_1346, %get3A_1347] {strides = array<i32>} : memref<2x256x128xf32, #tpu.memory_space<vmem>>, vector<16xf32>,
        %add3A_1349 = arith.constant 9 : i32
        %add3A_1350 = arith.addi %mul3A_1294, %add3A_1349 : i32
        %get3A_1351 = arith.index_cast %select_n3A_628 : i32 to index
        %get3A_1352 = arith.index_cast %add3A_1350 : i32 to index
        %get3A_1353 = arith.constant 16 : index
        %get3A_1354 = tpu.vector_load %arg4[%get3A_1351, %get3A_1352, %get3A_1353] {strides = array<i32>} : memref<2x256x128xf32, #tpu.memory_space<vmem>>, vector<16xf32>,
        %add3A_1355 = arith.constant 10 : i32
        %add3A_1356 = arith.addi %mul3A_1294, %add3A_1355 : i32
        %get3A_1357 = arith.index_cast %select_n3A_628 : i32 to index
        %get3A_1358 = arith.index_cast %add3A_1356 : i32 to index
        %get3A_1359 = arith.constant 16 : index
        %get3A_1360 = tpu.vector_load %arg4[%get3A_1357, %get3A_1358, %get3A_1359] {strides = array<i32>} : memref<2x256x128xf32, #tpu.memory_space<vmem>>, vector<16xf32>,
        %add3A_1361 = arith.constant 11 : i32
        %add3A_1362 = arith.addi %mul3A_1294, %add3A_1361 : i32
        %get3A_1363 = arith.index_cast %select_n3A_628 : i32 to index
        %get3A_1364 = arith.index_cast %add3A_1362 : i32 to index
        %get3A_1365 = arith.constant 16 : index
        %get3A_1366 = tpu.vector_load %arg4[%get3A_1363, %get3A_1364, %get3A_1365] {strides = array<i32>} : memref<2x256x128xf32, #tpu.memory_space<vmem>>, vector<16xf32>,
        %add3A_1367 = arith.constant 12 : i32
        %add3A_1368 = arith.addi %mul3A_1294, %add3A_1367 : i32
        %get3A_1369 = arith.index_cast %select_n3A_628 : i32 to index
        %get3A_1370 = arith.index_cast %add3A_1368 : i32 to index
        %get3A_1371 = arith.constant 16 : index
        %get3A_1372 = tpu.vector_load %arg4[%get3A_1369, %get3A_1370, %get3A_1371] {strides = array<i32>} : memref<2x256x128xf32, #tpu.memory_space<vmem>>, vector<16xf32>,
        %add3A_1373 = arith.constant 13 : i32
        %add3A_1374 = arith.addi %mul3A_1294, %add3A_1373 : i32
        %get3A_1375 = arith.index_cast %select_n3A_628 : i32 to index
        %get3A_1376 = arith.index_cast %add3A_1374 : i32 to index
        %get3A_1377 = arith.constant 16 : index
        %get3A_1378 = tpu.vector_load %arg4[%get3A_1375, %get3A_1376, %get3A_1377] {strides = array<i32>} : memref<2x256x128xf32, #tpu.memory_space<vmem>>, vector<16xf32>,
        %add3A_1379 = arith.constant 14 : i32
        %add3A_1380 = arith.addi %mul3A_1294, %add3A_1379 : i32
        %get3A_1381 = arith.index_cast %select_n3A_628 : i32 to index
        %get3A_1382 = arith.index_cast %add3A_1380 : i32 to index
        %get3A_1383 = arith.constant 16 : index
        %get3A_1384 = tpu.vector_load %arg4[%get3A_1381, %get3A_1382, %get3A_1383] {strides = array<i32>} : memref<2x256x128xf32, #tpu.memory_space<vmem>>, vector<16xf32>,
        %add3A_1385 = arith.constant 15 : i32
        %add3A_1386 = arith.addi %mul3A_1294, %add3A_1385 : i32
        %get3A_1387 = arith.index_cast %select_n3A_628 : i32 to index
        %get3A_1388 = arith.index_cast %add3A_1386 : i32 to index
        %get3A_1389 = arith.constant 16 : index
        %get3A_1390 = tpu.vector_load %arg4[%get3A_1387, %get3A_1388, %get3A_1389] {strides = array<i32>} : memref<2x256x128xf32, #tpu.memory_space<vmem>>, vector<16xf32>,
        %max3A = arith.maximumf %get3A_1300, %get3A_1306 : vector<16xf32>
        %max3A_1391 = arith.maximumf %get3A_1312, %get3A_1318 : vector<16xf32>
        %max3A_1392 = arith.maximumf %get3A_1324, %get3A_1330 : vector<16xf32>
        %max3A_1393 = arith.maximumf %get3A_1336, %get3A_1342 : vector<16xf32>
        %max3A_1394 = arith.maximumf %get3A_1348, %get3A_1354 : vector<16xf32>
        %max3A_1395 = arith.maximumf %get3A_1360, %get3A_1366 : vector<16xf32>
        %max3A_1396 = arith.maximumf %get3A_1372, %get3A_1378 : vector<16xf32>
        %max3A_1397 = arith.maximumf %get3A_1384, %get3A_1390 : vector<16xf32>
        %max3A_1398 = arith.maximumf %max3A, %max3A_1391 : vector<16xf32>
        %max3A_1399 = arith.maximumf %max3A_1392, %max3A_1393 : vector<16xf32>
        %max3A_1400 = arith.maximumf %max3A_1394, %max3A_1395 : vector<16xf32>
        %max3A_1401 = arith.maximumf %max3A_1396, %max3A_1397 : vector<16xf32>
        %max3A_1402 = arith.maximumf %max3A_1398, %max3A_1399 : vector<16xf32>
        %max3A_1403 = arith.maximumf %max3A_1400, %max3A_1401 : vector<16xf32>
        %max3A_1404 = arith.maximumf %max3A_1402, %max3A_1403 : vector<16xf32>
        %broadcast_in_dim3A_1405 = arith.constant 0 : i32
        %broadcast_in_dim3A_1406 = vector.broadcast %broadcast_in_dim3A_1405 : i32 to vector<16xi32>
        %add3A_1407 = vector.broadcast %scan3A_1282 : i32 to vector<16xi32>
        %add3A_1408 = arith.addi %broadcast_in_dim3A_1406, %add3A_1407 : vector<16xi32>
        %gt3A = arith.cmpf ogt, %max3A_1404, %scan3A_1283 : vector<16xf32>
        %max3A_1409 = arith.maximumf %scan3A_1283, %max3A_1404 : vector<16xf32>
        %select_n3A_1410 = arith.select %gt3A, %add3A_1408, %scan3A_1288 : vector<16xi1>, vector<16xi32>
        %min3A = arith.minimumf %scan3A_1283, %max3A_1404 : vector<16xf32>
        %select_n3A_1411 = arith.select %gt3A, %scan3A_1288, %add3A_1408 : vector<16xi1>, vector<16xi32>
        %gt3A_1412 = arith.cmpf ogt, %min3A, %scan3A_1284 : vector<16xf32>
        %max3A_1413 = arith.maximumf %scan3A_1284, %min3A : vector<16xf32>
        %select_n3A_1414 = arith.select %gt3A_1412, %select_n3A_1411, %scan3A_1289 : vector<16xi1>, vector<16xi32>
        %min3A_1415 = arith.minimumf %scan3A_1284, %min3A : vector<16xf32>
        %select_n3A_1416 = arith.select %gt3A_1412, %scan3A_1289, %select_n3A_1411 : vector<16xi1>, vector<16xi32>
        %gt3A_1417 = arith.cmpf ogt, %min3A_1415, %scan3A_1285 : vector<16xf32>
        %max3A_1418 = arith.maximumf %scan3A_1285, %min3A_1415 : vector<16xf32>
        %select_n3A_1419 = arith.select %gt3A_1417, %select_n3A_1416, %scan3A_1290 : vector<16xi1>, vector<16xi32>
        %min3A_1420 = arith.minimumf %scan3A_1285, %min3A_1415 : vector<16xf32>
        %select_n3A_1421 = arith.select %gt3A_1417, %scan3A_1290, %select_n3A_1416 : vector<16xi1>, vector<16xi32>
        %gt3A_1422 = arith.cmpf ogt, %min3A_1420, %scan3A_1286 : vector<16xf32>
        %max3A_1423 = arith.maximumf %scan3A_1286, %min3A_1420 : vector<16xf32>
        %select_n3A_1424 = arith.select %gt3A_1422, %select_n3A_1421, %scan3A_1291 : vector<16xi1>, vector<16xi32>
        %min3A_1425 = arith.minimumf %scan3A_1286, %min3A_1420 : vector<16xf32>
        %select_n3A_1426 = arith.select %gt3A_1422, %scan3A_1291, %select_n3A_1421 : vector<16xi1>, vector<16xi32>
        %gt3A_1427 = arith.cmpf ogt, %min3A_1425, %scan3A_1287 : vector<16xf32>
        %max3A_1428 = arith.maximumf %scan3A_1287, %min3A_1425 : vector<16xf32>
        %select_n3A_1429 = arith.select %gt3A_1427, %select_n3A_1426, %scan3A_1292 : vector<16xi1>, vector<16xi32>
        %min3A_1430 = arith.minimumf %scan3A_1287, %min3A_1425 : vector<16xf32>
        %select_n3A_1431 = arith.select %gt3A_1427, %scan3A_1292, %select_n3A_1426 : vector<16xi1>, vector<16xi32>
        %scan3A_1432 = arith.constant 1 : i32
        %scan3A_1433 = arith.addi %scan3A_1282, %scan3A_1432 : i32
        %mul3A_1434 = arith.constant 16 : i32
        %mul3A_1435 = arith.muli %scan3A_1433, %mul3A_1434 : i32
        %add3A_1436 = arith.constant 0 : i32
        %add3A_1437 = arith.addi %mul3A_1435, %add3A_1436 : i32
        %get3A_1438 = arith.index_cast %select_n3A_628 : i32 to index
        %get3A_1439 = arith.index_cast %add3A_1437 : i32 to index
        %get3A_1440 = arith.constant 16 : index
        %get3A_1441 = tpu.vector_load %arg4[%get3A_1438, %get3A_1439, %get3A_1440] {strides = array<i32>} : memref<2x256x128xf32, #tpu.memory_space<vmem>>, vector<16xf32>,
        %add3A_1442 = arith.constant 1 : i32
        %add3A_1443 = arith.addi %mul3A_1435, %add3A_1442 : i32
        %get3A_1444 = arith.index_cast %select_n3A_628 : i32 to index
        %get3A_1445 = arith.index_cast %add3A_1443 : i32 to index
        %get3A_1446 = arith.constant 16 : index
        %get3A_1447 = tpu.vector_load %arg4[%get3A_1444, %get3A_1445, %get3A_1446] {strides = array<i32>} : memref<2x256x128xf32, #tpu.memory_space<vmem>>, vector<16xf32>,
        %add3A_1448 = arith.constant 2 : i32
        %add3A_1449 = arith.addi %mul3A_1435, %add3A_1448 : i32
        %get3A_1450 = arith.index_cast %select_n3A_628 : i32 to index
        %get3A_1451 = arith.index_cast %add3A_1449 : i32 to index
        %get3A_1452 = arith.constant 16 : index
        %get3A_1453 = tpu.vector_load %arg4[%get3A_1450, %get3A_1451, %get3A_1452] {strides = array<i32>} : memref<2x256x128xf32, #tpu.memory_space<vmem>>, vector<16xf32>,
        %add3A_1454 = arith.constant 3 : i32
        %add3A_1455 = arith.addi %mul3A_1435, %add3A_1454 : i32
        %get3A_1456 = arith.index_cast %select_n3A_628 : i32 to index
        %get3A_1457 = arith.index_cast %add3A_1455 : i32 to index
        %get3A_1458 = arith.constant 16 : index
        %get3A_1459 = tpu.vector_load %arg4[%get3A_1456, %get3A_1457, %get3A_1458] {strides = array<i32>} : memref<2x256x128xf32, #tpu.memory_space<vmem>>, vector<16xf32>,
        %add3A_1460 = arith.constant 4 : i32
        %add3A_1461 = arith.addi %mul3A_1435, %add3A_1460 : i32
        %get3A_1462 = arith.index_cast %select_n3A_628 : i32 to index
        %get3A_1463 = arith.index_cast %add3A_1461 : i32 to index
        %get3A_1464 = arith.constant 16 : index
        %get3A_1465 = tpu.vector_load %arg4[%get3A_1462, %get3A_1463, %get3A_1464] {strides = array<i32>} : memref<2x256x128xf32, #tpu.memory_space<vmem>>, vector<16xf32>,
        %add3A_1466 = arith.constant 5 : i32
        %add3A_1467 = arith.addi %mul3A_1435, %add3A_1466 : i32
        %get3A_1468 = arith.index_cast %select_n3A_628 : i32 to index
        %get3A_1469 = arith.index_cast %add3A_1467 : i32 to index
        %get3A_1470 = arith.constant 16 : index
        %get3A_1471 = tpu.vector_load %arg4[%get3A_1468, %get3A_1469, %get3A_1470] {strides = array<i32>} : memref<2x256x128xf32, #tpu.memory_space<vmem>>, vector<16xf32>,
        %add3A_1472 = arith.constant 6 : i32
        %add3A_1473 = arith.addi %mul3A_1435, %add3A_1472 : i32
        %get3A_1474 = arith.index_cast %select_n3A_628 : i32 to index
        %get3A_1475 = arith.index_cast %add3A_1473 : i32 to index
        %get3A_1476 = arith.constant 16 : index
        %get3A_1477 = tpu.vector_load %arg4[%get3A_1474, %get3A_1475, %get3A_1476] {strides = array<i32>} : memref<2x256x128xf32, #tpu.memory_space<vmem>>, vector<16xf32>,
        %add3A_1478 = arith.constant 7 : i32
        %add3A_1479 = arith.addi %mul3A_1435, %add3A_1478 : i32
        %get3A_1480 = arith.index_cast %select_n3A_628 : i32 to index
        %get3A_1481 = arith.index_cast %add3A_1479 : i32 to index
        %get3A_1482 = arith.constant 16 : index
        %get3A_1483 = tpu.vector_load %arg4[%get3A_1480, %get3A_1481, %get3A_1482] {strides = array<i32>} : memref<2x256x128xf32, #tpu.memory_space<vmem>>, vector<16xf32>,
        %add3A_1484 = arith.constant 8 : i32
        %add3A_1485 = arith.addi %mul3A_1435, %add3A_1484 : i32
        %get3A_1486 = arith.index_cast %select_n3A_628 : i32 to index
        %get3A_1487 = arith.index_cast %add3A_1485 : i32 to index
        %get3A_1488 = arith.constant 16 : index
        %get3A_1489 = tpu.vector_load %arg4[%get3A_1486, %get3A_1487, %get3A_1488] {strides = array<i32>} : memref<2x256x128xf32, #tpu.memory_space<vmem>>, vector<16xf32>,
        %add3A_1490 = arith.constant 9 : i32
        %add3A_1491 = arith.addi %mul3A_1435, %add3A_1490 : i32
        %get3A_1492 = arith.index_cast %select_n3A_628 : i32 to index
        %get3A_1493 = arith.index_cast %add3A_1491 : i32 to index
        %get3A_1494 = arith.constant 16 : index
        %get3A_1495 = tpu.vector_load %arg4[%get3A_1492, %get3A_1493, %get3A_1494] {strides = array<i32>} : memref<2x256x128xf32, #tpu.memory_space<vmem>>, vector<16xf32>,
        %add3A_1496 = arith.constant 10 : i32
        %add3A_1497 = arith.addi %mul3A_1435, %add3A_1496 : i32
        %get3A_1498 = arith.index_cast %select_n3A_628 : i32 to index
        %get3A_1499 = arith.index_cast %add3A_1497 : i32 to index
        %get3A_1500 = arith.constant 16 : index
        %get3A_1501 = tpu.vector_load %arg4[%get3A_1498, %get3A_1499, %get3A_1500] {strides = array<i32>} : memref<2x256x128xf32, #tpu.memory_space<vmem>>, vector<16xf32>,
        %add3A_1502 = arith.constant 11 : i32
        %add3A_1503 = arith.addi %mul3A_1435, %add3A_1502 : i32
        %get3A_1504 = arith.index_cast %select_n3A_628 : i32 to index
        %get3A_1505 = arith.index_cast %add3A_1503 : i32 to index
        %get3A_1506 = arith.constant 16 : index
        %get3A_1507 = tpu.vector_load %arg4[%get3A_1504, %get3A_1505, %get3A_1506] {strides = array<i32>} : memref<2x256x128xf32, #tpu.memory_space<vmem>>, vector<16xf32>,
        %add3A_1508 = arith.constant 12 : i32
        %add3A_1509 = arith.addi %mul3A_1435, %add3A_1508 : i32
        %get3A_1510 = arith.index_cast %select_n3A_628 : i32 to index
        %get3A_1511 = arith.index_cast %add3A_1509 : i32 to index
        %get3A_1512 = arith.constant 16 : index
        %get3A_1513 = tpu.vector_load %arg4[%get3A_1510, %get3A_1511, %get3A_1512] {strides = array<i32>} : memref<2x256x128xf32, #tpu.memory_space<vmem>>, vector<16xf32>,
        %add3A_1514 = arith.constant 13 : i32
        %add3A_1515 = arith.addi %mul3A_1435, %add3A_1514 : i32
        %get3A_1516 = arith.index_cast %select_n3A_628 : i32 to index
        %get3A_1517 = arith.index_cast %add3A_1515 : i32 to index
        %get3A_1518 = arith.constant 16 : index
        %get3A_1519 = tpu.vector_load %arg4[%get3A_1516, %get3A_1517, %get3A_1518] {strides = array<i32>} : memref<2x256x128xf32, #tpu.memory_space<vmem>>, vector<16xf32>,
        %add3A_1520 = arith.constant 14 : i32
        %add3A_1521 = arith.addi %mul3A_1435, %add3A_1520 : i32
        %get3A_1522 = arith.index_cast %select_n3A_628 : i32 to index
        %get3A_1523 = arith.index_cast %add3A_1521 : i32 to index
        %get3A_1524 = arith.constant 16 : index
        %get3A_1525 = tpu.vector_load %arg4[%get3A_1522, %get3A_1523, %get3A_1524] {strides = array<i32>} : memref<2x256x128xf32, #tpu.memory_space<vmem>>, vector<16xf32>,
        %add3A_1526 = arith.constant 15 : i32
        %add3A_1527 = arith.addi %mul3A_1435, %add3A_1526 : i32
        %get3A_1528 = arith.index_cast %select_n3A_628 : i32 to index
        %get3A_1529 = arith.index_cast %add3A_1527 : i32 to index
        %get3A_1530 = arith.constant 16 : index
        %get3A_1531 = tpu.vector_load %arg4[%get3A_1528, %get3A_1529, %get3A_1530] {strides = array<i32>} : memref<2x256x128xf32, #tpu.memory_space<vmem>>, vector<16xf32>,
        %max3A_1532 = arith.maximumf %get3A_1441, %get3A_1447 : vector<16xf32>
        %max3A_1533 = arith.maximumf %get3A_1453, %get3A_1459 : vector<16xf32>
        %max3A_1534 = arith.maximumf %get3A_1465, %get3A_1471 : vector<16xf32>
        %max3A_1535 = arith.maximumf %get3A_1477, %get3A_1483 : vector<16xf32>
        %max3A_1536 = arith.maximumf %get3A_1489, %get3A_1495 : vector<16xf32>
        %max3A_1537 = arith.maximumf %get3A_1501, %get3A_1507 : vector<16xf32>
        %max3A_1538 = arith.maximumf %get3A_1513, %get3A_1519 : vector<16xf32>
        %max3A_1539 = arith.maximumf %get3A_1525, %get3A_1531 : vector<16xf32>
        %max3A_1540 = arith.maximumf %max3A_1532, %max3A_1533 : vector<16xf32>
        %max3A_1541 = arith.maximumf %max3A_1534, %max3A_1535 : vector<16xf32>
        %max3A_1542 = arith.maximumf %max3A_1536, %max3A_1537 : vector<16xf32>
        %max3A_1543 = arith.maximumf %max3A_1538, %max3A_1539 : vector<16xf32>
        %max3A_1544 = arith.maximumf %max3A_1540, %max3A_1541 : vector<16xf32>
        %max3A_1545 = arith.maximumf %max3A_1542, %max3A_1543 : vector<16xf32>
        %max3A_1546 = arith.maximumf %max3A_1544, %max3A_1545 : vector<16xf32>
        %broadcast_in_dim3A_1547 = arith.constant 0 : i32
        %broadcast_in_dim3A_1548 = vector.broadcast %broadcast_in_dim3A_1547 : i32 to vector<16xi32>
        %add3A_1549 = vector.broadcast %scan3A_1433 : i32 to vector<16xi32>
        %add3A_1550 = arith.addi %broadcast_in_dim3A_1548, %add3A_1549 : vector<16xi32>
        %gt3A_1551 = arith.cmpf ogt, %max3A_1546, %max3A_1409 : vector<16xf32>
        %max3A_1552 = arith.maximumf %max3A_1409, %max3A_1546 : vector<16xf32>
        %select_n3A_1553 = arith.select %gt3A_1551, %add3A_1550, %select_n3A_1410 : vector<16xi1>, vector<16xi32>
        %min3A_1554 = arith.minimumf %max3A_1409, %max3A_1546 : vector<16xf32>
        %select_n3A_1555 = arith.select %gt3A_1551, %select_n3A_1410, %add3A_1550 : vector<16xi1>, vector<16xi32>
        %gt3A_1556 = arith.cmpf ogt, %min3A_1554, %max3A_1413 : vector<16xf32>
        %max3A_1557 = arith.maximumf %max3A_1413, %min3A_1554 : vector<16xf32>
        %select_n3A_1558 = arith.select %gt3A_1556, %select_n3A_1555, %select_n3A_1414 : vector<16xi1>, vector<16xi32>
        %min3A_1559 = arith.minimumf %max3A_1413, %min3A_1554 : vector<16xf32>
        %select_n3A_1560 = arith.select %gt3A_1556, %select_n3A_1414, %select_n3A_1555 : vector<16xi1>, vector<16xi32>
        %gt3A_1561 = arith.cmpf ogt, %min3A_1559, %max3A_1418 : vector<16xf32>
        %max3A_1562 = arith.maximumf %max3A_1418, %min3A_1559 : vector<16xf32>
        %select_n3A_1563 = arith.select %gt3A_1561, %select_n3A_1560, %select_n3A_1419 : vector<16xi1>, vector<16xi32>
        %min3A_1564 = arith.minimumf %max3A_1418, %min3A_1559 : vector<16xf32>
        %select_n3A_1565 = arith.select %gt3A_1561, %select_n3A_1419, %select_n3A_1560 : vector<16xi1>, vector<16xi32>
        %gt3A_1566 = arith.cmpf ogt, %min3A_1564, %max3A_1423 : vector<16xf32>
        %max3A_1567 = arith.maximumf %max3A_1423, %min3A_1564 : vector<16xf32>
        %select_n3A_1568 = arith.select %gt3A_1566, %select_n3A_1565, %select_n3A_1424 : vector<16xi1>, vector<16xi32>
        %min3A_1569 = arith.minimumf %max3A_1423, %min3A_1564 : vector<16xf32>
        %select_n3A_1570 = arith.select %gt3A_1566, %select_n3A_1424, %select_n3A_1565 : vector<16xi1>, vector<16xi32>
        %gt3A_1571 = arith.cmpf ogt, %min3A_1569, %max3A_1428 : vector<16xf32>
        %max3A_1572 = arith.maximumf %max3A_1428, %min3A_1569 : vector<16xf32>
        %select_n3A_1573 = arith.select %gt3A_1571, %select_n3A_1570, %select_n3A_1429 : vector<16xi1>, vector<16xi32>
        %min3A_1574 = arith.minimumf %max3A_1428, %min3A_1569 : vector<16xf32>
        %select_n3A_1575 = arith.select %gt3A_1571, %select_n3A_1429, %select_n3A_1570 : vector<16xi1>, vector<16xi32>
        scf.yield %max3A_1552, %max3A_1557, %max3A_1562, %max3A_1567, %max3A_1572, %select_n3A_1553, %select_n3A_1558, %select_n3A_1563, %select_n3A_1568, %select_n3A_1573 : vector<16xf32>, vector<16xf32>, vector<16xf32>, vector<16xf32>, vector<16xf32>, vector<16xi32>, vector<16xi32>, vector<16xi32>, vector<16xi32>, vector<16xi32>
      }
      %scan3A_781 = arith.constant 16 : i32
      %get3A_782 = arith.constant 5 : i32
      %get3A_783 = arith.index_cast %get3A_782 : i32 to index
      %get3A_784 = arith.constant 0 : index
      %get3A_785 = tpu.vector_load %arg5[%get3A_783, %get3A_784] {strides = array<i32>} : memref<40x16xf32, #tpu.memory_space<vmem>>, vector<16xf32>,
      %get3A_786 = arith.constant 6 : i32
      %get3A_787 = arith.index_cast %get3A_786 : i32 to index
      %get3A_788 = arith.constant 0 : index
      %get3A_789 = tpu.vector_load %arg5[%get3A_787, %get3A_788] {strides = array<i32>} : memref<40x16xf32, #tpu.memory_space<vmem>>, vector<16xf32>,
      %get3A_790 = arith.constant 7 : i32
      %get3A_791 = arith.index_cast %get3A_790 : i32 to index
      %get3A_792 = arith.constant 0 : index
      %get3A_793 = tpu.vector_load %arg5[%get3A_791, %get3A_792] {strides = array<i32>} : memref<40x16xf32, #tpu.memory_space<vmem>>, vector<16xf32>,
      %get3A_794 = arith.constant 8 : i32
      %get3A_795 = arith.index_cast %get3A_794 : i32 to index
      %get3A_796 = arith.constant 0 : index
      %get3A_797 = tpu.vector_load %arg5[%get3A_795, %get3A_796] {strides = array<i32>} : memref<40x16xf32, #tpu.memory_space<vmem>>, vector<16xf32>,
      %get3A_798 = arith.constant 9 : i32
      %get3A_799 = arith.index_cast %get3A_798 : i32 to index
      %get3A_800 = arith.constant 0 : index
      %get3A_801 = tpu.vector_load %arg5[%get3A_799, %get3A_800] {strides = array<i32>} : memref<40x16xf32, #tpu.memory_space<vmem>>, vector<16xf32>,
      %add3A_802 = arith.constant 16 : i32
      %add3A_803 = vector.broadcast %add3A_802 : i32 to vector<16xi32>
      %add3A_804 = arith.addi %add3A_803, %iota3A : vector<16xi32>
      %scan3A_805 = arith.constant 0 : i32
      %scan3A_806 = arith.constant 5 : i32
      %scan3A_807 = arith.addi %scan3A_805, %scan3A_806 : i32
      %scan3A_808 = arith.constant 1 : i32
      %scan3A_809:5 = scf.for %scan3A_1282 = %scan3A_805 to %scan3A_807 step %scan3A_808 iter_args(%scan3A_1283 = %get3A_785, %scan3A_1284 = %get3A_789, %scan3A_1285 = %get3A_793, %scan3A_1286 = %get3A_797, %scan3A_1287 = %get3A_801) -> (vector<16xf32>, vector<16xf32>, vector<16xf32>, vector<16xf32>, vector<16xf32>)  : i32 {
        %eq3A_1288 = arith.constant 0 : i32
        %eq3A_1289 = arith.cmpi eq, %scan3A_1282, %eq3A_1288 : i32
        %eq3A_1290 = arith.constant 1 : i32
        %eq3A_1291 = arith.cmpi eq, %scan3A_1282, %eq3A_1290 : i32
        %eq3A_1292 = arith.constant 2 : i32
        %eq3A_1293 = arith.cmpi eq, %scan3A_1282, %eq3A_1292 : i32
        %eq3A_1294 = arith.constant 3 : i32
        %eq3A_1295 = arith.cmpi eq, %scan3A_1282, %eq3A_1294 : i32
        %select_n3A_1296 = arith.select %eq3A_1295, %scan3A_780#8, %scan3A_780#9 : vector<16xi32>
        %select_n3A_1297 = arith.select %eq3A_1293, %scan3A_780#7, %select_n3A_1296 : vector<16xi32>
        %select_n3A_1298 = arith.select %eq3A_1291, %scan3A_780#6, %select_n3A_1297 : vector<16xi32>
        %select_n3A_1299 = arith.select %eq3A_1289, %scan3A_780#5, %select_n3A_1298 : vector<16xi32>
        %mul3A_1300 = arith.constant 16 : i32
        %mul3A_1301 = vector.broadcast %mul3A_1300 : i32 to vector<16xi32>
        %mul3A_1302 = arith.muli %select_n3A_1299, %mul3A_1301 : vector<16xi32>
        %scan3A_1303 = arith.constant 0 : i32
        %scan3A_1304 = arith.constant 16 : i32
        %scan3A_1305 = arith.addi %scan3A_1303, %scan3A_1304 : i32
        %scan3A_1306 = arith.constant 1 : i32
        %scan3A_1307:5 = scf.for %scan3A_1309 = %scan3A_1303 to %scan3A_1305 step %scan3A_1306 iter_args(%scan3A_1310 = %scan3A_1283, %scan3A_1311 = %scan3A_1284, %scan3A_1312 = %scan3A_1285, %scan3A_1313 = %scan3A_1286, %scan3A_1314 = %scan3A_1287) -> (vector<16xf32>, vector<16xf32>, vector<16xf32>, vector<16xf32>, vector<16xf32>)  : i32 {
          %add3A_1315 = vector.broadcast %scan3A_1309 : i32 to vector<16xi32>
          %add3A_1316 = arith.addi %mul3A_1302, %add3A_1315 : vector<16xi32>
          %gather3A = tpu.vector_load_idx %arg4[%add3A_681, %add3A_1316, %add3A_804] : memref<2x256x128xf32, #tpu.memory_space<vmem>>[vector<16xi32>, vector<16xi32>, vector<16xi32>], vector<16xf32>,
          %max3A = arith.maximumf %scan3A_1310, %gather3A : vector<16xf32>
          %min3A = arith.minimumf %scan3A_1310, %gather3A : vector<16xf32>
          %max3A_1317 = arith.maximumf %scan3A_1311, %min3A : vector<16xf32>
          %min3A_1318 = arith.minimumf %scan3A_1311, %min3A : vector<16xf32>
          %max3A_1319 = arith.maximumf %scan3A_1312, %min3A_1318 : vector<16xf32>
          %min3A_1320 = arith.minimumf %scan3A_1312, %min3A_1318 : vector<16xf32>
          %max3A_1321 = arith.maximumf %scan3A_1313, %min3A_1320 : vector<16xf32>
          %min3A_1322 = arith.minimumf %scan3A_1313, %min3A_1320 : vector<16xf32>
          %max3A_1323 = arith.maximumf %scan3A_1314, %min3A_1322 : vector<16xf32>
          %min3A_1324 = arith.minimumf %scan3A_1314, %min3A_1322 : vector<16xf32>
          scf.yield %max3A, %max3A_1317, %max3A_1319, %max3A_1321, %max3A_1323 : vector<16xf32>, vector<16xf32>, vector<16xf32>, vector<16xf32>, vector<16xf32>
        }
        %scan3A_1308 = arith.constant 16 : i32
        scf.yield %scan3A_1307#0, %scan3A_1307#1, %scan3A_1307#2, %scan3A_1307#3, %scan3A_1307#4 : vector<16xf32>, vector<16xf32>, vector<16xf32>, vector<16xf32>, vector<16xf32>
      }
      %scan3A_810 = arith.constant 5 : i32
      %swap3A_811 = arith.constant 5 : i32
      %swap3A_812 = arith.index_cast %swap3A_811 : i32 to index
      %swap3A_813 = arith.constant 0 : index
      %swap3A_814 = tpu.vector_load %arg5[%swap3A_812, %swap3A_813] {strides = array<i32>} : memref<40x16xf32, #tpu.memory_space<vmem>>, vector<16xf32>,
      tpu.vector_store %arg5[%swap3A_812, %swap3A_813], %scan3A_809#0 {strides = array<i32>} : memref<40x16xf32, #tpu.memory_space<vmem>>, vector<16xf32>,
      %swap3A_815 = arith.constant 6 : i32
      %swap3A_816 = arith.index_cast %swap3A_815 : i32 to index
      %swap3A_817 = arith.constant 0 : index
      %swap3A_818 = tpu.vector_load %arg5[%swap3A_816, %swap3A_817] {strides = array<i32>} : memref<40x16xf32, #tpu.memory_space<vmem>>, vector<16xf32>,
      tpu.vector_store %arg5[%swap3A_816, %swap3A_817], %scan3A_809#1 {strides = array<i32>} : memref<40x16xf32, #tpu.memory_space<vmem>>, vector<16xf32>,
      %swap3A_819 = arith.constant 7 : i32
      %swap3A_820 = arith.index_cast %swap3A_819 : i32 to index
      %swap3A_821 = arith.constant 0 : index
      %swap3A_822 = tpu.vector_load %arg5[%swap3A_820, %swap3A_821] {strides = array<i32>} : memref<40x16xf32, #tpu.memory_space<vmem>>, vector<16xf32>,
      tpu.vector_store %arg5[%swap3A_820, %swap3A_821], %scan3A_809#2 {strides = array<i32>} : memref<40x16xf32, #tpu.memory_space<vmem>>, vector<16xf32>,
      %swap3A_823 = arith.constant 8 : i32
      %swap3A_824 = arith.index_cast %swap3A_823 : i32 to index
      %swap3A_825 = arith.constant 0 : index
      %swap3A_826 = tpu.vector_load %arg5[%swap3A_824, %swap3A_825] {strides = array<i32>} : memref<40x16xf32, #tpu.memory_space<vmem>>, vector<16xf32>,
      tpu.vector_store %arg5[%swap3A_824, %swap3A_825], %scan3A_809#3 {strides = array<i32>} : memref<40x16xf32, #tpu.memory_space<vmem>>, vector<16xf32>,
      %swap3A_827 = arith.constant 9 : i32
      %swap3A_828 = arith.index_cast %swap3A_827 : i32 to index
      %swap3A_829 = arith.constant 0 : index
      %swap3A_830 = tpu.vector_load %arg5[%swap3A_828, %swap3A_829] {strides = array<i32>} : memref<40x16xf32, #tpu.memory_space<vmem>>, vector<16xf32>,
      tpu.vector_store %arg5[%swap3A_828, %swap3A_829], %scan3A_809#4 {strides = array<i32>} : memref<40x16xf32, #tpu.memory_space<vmem>>, vector<16xf32>,
      %broadcast_in_dim3A_831 = arith.constant 0xFF800000 : f32
      %broadcast_in_dim3A_832 = vector.broadcast %broadcast_in_dim3A_831 : f32 to vector<16xf32>
      %broadcast_in_dim3A_833 = arith.constant 0xFF800000 : f32
      %broadcast_in_dim3A_834 = vector.broadcast %broadcast_in_dim3A_833 : f32 to vector<16xf32>
      %broadcast_in_dim3A_835 = arith.constant 0xFF800000 : f32
      %broadcast_in_dim3A_836 = vector.broadcast %broadcast_in_dim3A_835 : f32 to vector<16xf32>
      %broadcast_in_dim3A_837 = arith.constant 0xFF800000 : f32
      %broadcast_in_dim3A_838 = vector.broadcast %broadcast_in_dim3A_837 : f32 to vector<16xf32>
      %broadcast_in_dim3A_839 = arith.constant 0xFF800000 : f32
      %broadcast_in_dim3A_840 = vector.broadcast %broadcast_in_dim3A_839 : f32 to vector<16xf32>
      %broadcast_in_dim3A_841 = arith.constant 0 : i32
      %broadcast_in_dim3A_842 = vector.broadcast %broadcast_in_dim3A_841 : i32 to vector<16xi32>
      %broadcast_in_dim3A_843 = arith.constant 0 : i32
      %broadcast_in_dim3A_844 = vector.broadcast %broadcast_in_dim3A_843 : i32 to vector<16xi32>
      %broadcast_in_dim3A_845 = arith.constant 0 : i32
      %broadcast_in_dim3A_846 = vector.broadcast %broadcast_in_dim3A_845 : i32 to vector<16xi32>
      %broadcast_in_dim3A_847 = arith.constant 0 : i32
      %broadcast_in_dim3A_848 = vector.broadcast %broadcast_in_dim3A_847 : i32 to vector<16xi32>
      %broadcast_in_dim3A_849 = arith.constant 0 : i32
      %broadcast_in_dim3A_850 = vector.broadcast %broadcast_in_dim3A_849 : i32 to vector<16xi32>
      %scan3A_851 = arith.constant 0 : i32
      %scan3A_852 = arith.constant 16 : i32
      %scan3A_853 = arith.addi %scan3A_851, %scan3A_852 : i32
      %scan3A_854 = arith.constant 2 : i32
      %scan3A_855:10 = scf.for %scan3A_1282 = %scan3A_851 to %scan3A_853 step %scan3A_854 iter_args(%scan3A_1283 = %broadcast_in_dim3A_832, %scan3A_1284 = %broadcast_in_dim3A_834, %scan3A_1285 = %broadcast_in_dim3A_836, %scan3A_1286 = %broadcast_in_dim3A_838, %scan3A_1287 = %broadcast_in_dim3A_840, %scan3A_1288 = %broadcast_in_dim3A_842, %scan3A_1289 = %broadcast_in_dim3A_844, %scan3A_1290 = %broadcast_in_dim3A_846, %scan3A_1291 = %broadcast_in_dim3A_848, %scan3A_1292 = %broadcast_in_dim3A_850) -> (vector<16xf32>, vector<16xf32>, vector<16xf32>, vector<16xf32>, vector<16xf32>, vector<16xi32>, vector<16xi32>, vector<16xi32>, vector<16xi32>, vector<16xi32>)  : i32 {
        %mul3A_1293 = arith.constant 16 : i32
        %mul3A_1294 = arith.muli %scan3A_1282, %mul3A_1293 : i32
        %add3A_1295 = arith.constant 0 : i32
        %add3A_1296 = arith.addi %mul3A_1294, %add3A_1295 : i32
        %get3A_1297 = arith.index_cast %select_n3A_628 : i32 to index
        %get3A_1298 = arith.index_cast %add3A_1296 : i32 to index
        %get3A_1299 = arith.constant 32 : index
        %get3A_1300 = tpu.vector_load %arg4[%get3A_1297, %get3A_1298, %get3A_1299] {strides = array<i32>} : memref<2x256x128xf32, #tpu.memory_space<vmem>>, vector<16xf32>,
        %add3A_1301 = arith.constant 1 : i32
        %add3A_1302 = arith.addi %mul3A_1294, %add3A_1301 : i32
        %get3A_1303 = arith.index_cast %select_n3A_628 : i32 to index
        %get3A_1304 = arith.index_cast %add3A_1302 : i32 to index
        %get3A_1305 = arith.constant 32 : index
        %get3A_1306 = tpu.vector_load %arg4[%get3A_1303, %get3A_1304, %get3A_1305] {strides = array<i32>} : memref<2x256x128xf32, #tpu.memory_space<vmem>>, vector<16xf32>,
        %add3A_1307 = arith.constant 2 : i32
        %add3A_1308 = arith.addi %mul3A_1294, %add3A_1307 : i32
        %get3A_1309 = arith.index_cast %select_n3A_628 : i32 to index
        %get3A_1310 = arith.index_cast %add3A_1308 : i32 to index
        %get3A_1311 = arith.constant 32 : index
        %get3A_1312 = tpu.vector_load %arg4[%get3A_1309, %get3A_1310, %get3A_1311] {strides = array<i32>} : memref<2x256x128xf32, #tpu.memory_space<vmem>>, vector<16xf32>,
        %add3A_1313 = arith.constant 3 : i32
        %add3A_1314 = arith.addi %mul3A_1294, %add3A_1313 : i32
        %get3A_1315 = arith.index_cast %select_n3A_628 : i32 to index
        %get3A_1316 = arith.index_cast %add3A_1314 : i32 to index
        %get3A_1317 = arith.constant 32 : index
        %get3A_1318 = tpu.vector_load %arg4[%get3A_1315, %get3A_1316, %get3A_1317] {strides = array<i32>} : memref<2x256x128xf32, #tpu.memory_space<vmem>>, vector<16xf32>,
        %add3A_1319 = arith.constant 4 : i32
        %add3A_1320 = arith.addi %mul3A_1294, %add3A_1319 : i32
        %get3A_1321 = arith.index_cast %select_n3A_628 : i32 to index
        %get3A_1322 = arith.index_cast %add3A_1320 : i32 to index
        %get3A_1323 = arith.constant 32 : index
        %get3A_1324 = tpu.vector_load %arg4[%get3A_1321, %get3A_1322, %get3A_1323] {strides = array<i32>} : memref<2x256x128xf32, #tpu.memory_space<vmem>>, vector<16xf32>,
        %add3A_1325 = arith.constant 5 : i32
        %add3A_1326 = arith.addi %mul3A_1294, %add3A_1325 : i32
        %get3A_1327 = arith.index_cast %select_n3A_628 : i32 to index
        %get3A_1328 = arith.index_cast %add3A_1326 : i32 to index
        %get3A_1329 = arith.constant 32 : index
        %get3A_1330 = tpu.vector_load %arg4[%get3A_1327, %get3A_1328, %get3A_1329] {strides = array<i32>} : memref<2x256x128xf32, #tpu.memory_space<vmem>>, vector<16xf32>,
        %add3A_1331 = arith.constant 6 : i32
        %add3A_1332 = arith.addi %mul3A_1294, %add3A_1331 : i32
        %get3A_1333 = arith.index_cast %select_n3A_628 : i32 to index
        %get3A_1334 = arith.index_cast %add3A_1332 : i32 to index
        %get3A_1335 = arith.constant 32 : index
        %get3A_1336 = tpu.vector_load %arg4[%get3A_1333, %get3A_1334, %get3A_1335] {strides = array<i32>} : memref<2x256x128xf32, #tpu.memory_space<vmem>>, vector<16xf32>,
        %add3A_1337 = arith.constant 7 : i32
        %add3A_1338 = arith.addi %mul3A_1294, %add3A_1337 : i32
        %get3A_1339 = arith.index_cast %select_n3A_628 : i32 to index
        %get3A_1340 = arith.index_cast %add3A_1338 : i32 to index
        %get3A_1341 = arith.constant 32 : index
        %get3A_1342 = tpu.vector_load %arg4[%get3A_1339, %get3A_1340, %get3A_1341] {strides = array<i32>} : memref<2x256x128xf32, #tpu.memory_space<vmem>>, vector<16xf32>,
        %add3A_1343 = arith.constant 8 : i32
        %add3A_1344 = arith.addi %mul3A_1294, %add3A_1343 : i32
        %get3A_1345 = arith.index_cast %select_n3A_628 : i32 to index
        %get3A_1346 = arith.index_cast %add3A_1344 : i32 to index
        %get3A_1347 = arith.constant 32 : index
        %get3A_1348 = tpu.vector_load %arg4[%get3A_1345, %get3A_1346, %get3A_1347] {strides = array<i32>} : memref<2x256x128xf32, #tpu.memory_space<vmem>>, vector<16xf32>,
        %add3A_1349 = arith.constant 9 : i32
        %add3A_1350 = arith.addi %mul3A_1294, %add3A_1349 : i32
        %get3A_1351 = arith.index_cast %select_n3A_628 : i32 to index
        %get3A_1352 = arith.index_cast %add3A_1350 : i32 to index
        %get3A_1353 = arith.constant 32 : index
        %get3A_1354 = tpu.vector_load %arg4[%get3A_1351, %get3A_1352, %get3A_1353] {strides = array<i32>} : memref<2x256x128xf32, #tpu.memory_space<vmem>>, vector<16xf32>,
        %add3A_1355 = arith.constant 10 : i32
        %add3A_1356 = arith.addi %mul3A_1294, %add3A_1355 : i32
        %get3A_1357 = arith.index_cast %select_n3A_628 : i32 to index
        %get3A_1358 = arith.index_cast %add3A_1356 : i32 to index
        %get3A_1359 = arith.constant 32 : index
        %get3A_1360 = tpu.vector_load %arg4[%get3A_1357, %get3A_1358, %get3A_1359] {strides = array<i32>} : memref<2x256x128xf32, #tpu.memory_space<vmem>>, vector<16xf32>,
        %add3A_1361 = arith.constant 11 : i32
        %add3A_1362 = arith.addi %mul3A_1294, %add3A_1361 : i32
        %get3A_1363 = arith.index_cast %select_n3A_628 : i32 to index
        %get3A_1364 = arith.index_cast %add3A_1362 : i32 to index
        %get3A_1365 = arith.constant 32 : index
        %get3A_1366 = tpu.vector_load %arg4[%get3A_1363, %get3A_1364, %get3A_1365] {strides = array<i32>} : memref<2x256x128xf32, #tpu.memory_space<vmem>>, vector<16xf32>,
        %add3A_1367 = arith.constant 12 : i32
        %add3A_1368 = arith.addi %mul3A_1294, %add3A_1367 : i32
        %get3A_1369 = arith.index_cast %select_n3A_628 : i32 to index
        %get3A_1370 = arith.index_cast %add3A_1368 : i32 to index
        %get3A_1371 = arith.constant 32 : index
        %get3A_1372 = tpu.vector_load %arg4[%get3A_1369, %get3A_1370, %get3A_1371] {strides = array<i32>} : memref<2x256x128xf32, #tpu.memory_space<vmem>>, vector<16xf32>,
        %add3A_1373 = arith.constant 13 : i32
        %add3A_1374 = arith.addi %mul3A_1294, %add3A_1373 : i32
        %get3A_1375 = arith.index_cast %select_n3A_628 : i32 to index
        %get3A_1376 = arith.index_cast %add3A_1374 : i32 to index
        %get3A_1377 = arith.constant 32 : index
        %get3A_1378 = tpu.vector_load %arg4[%get3A_1375, %get3A_1376, %get3A_1377] {strides = array<i32>} : memref<2x256x128xf32, #tpu.memory_space<vmem>>, vector<16xf32>,
        %add3A_1379 = arith.constant 14 : i32
        %add3A_1380 = arith.addi %mul3A_1294, %add3A_1379 : i32
        %get3A_1381 = arith.index_cast %select_n3A_628 : i32 to index
        %get3A_1382 = arith.index_cast %add3A_1380 : i32 to index
        %get3A_1383 = arith.constant 32 : index
        %get3A_1384 = tpu.vector_load %arg4[%get3A_1381, %get3A_1382, %get3A_1383] {strides = array<i32>} : memref<2x256x128xf32, #tpu.memory_space<vmem>>, vector<16xf32>,
        %add3A_1385 = arith.constant 15 : i32
        %add3A_1386 = arith.addi %mul3A_1294, %add3A_1385 : i32
        %get3A_1387 = arith.index_cast %select_n3A_628 : i32 to index
        %get3A_1388 = arith.index_cast %add3A_1386 : i32 to index
        %get3A_1389 = arith.constant 32 : index
        %get3A_1390 = tpu.vector_load %arg4[%get3A_1387, %get3A_1388, %get3A_1389] {strides = array<i32>} : memref<2x256x128xf32, #tpu.memory_space<vmem>>, vector<16xf32>,
        %max3A = arith.maximumf %get3A_1300, %get3A_1306 : vector<16xf32>
        %max3A_1391 = arith.maximumf %get3A_1312, %get3A_1318 : vector<16xf32>
        %max3A_1392 = arith.maximumf %get3A_1324, %get3A_1330 : vector<16xf32>
        %max3A_1393 = arith.maximumf %get3A_1336, %get3A_1342 : vector<16xf32>
        %max3A_1394 = arith.maximumf %get3A_1348, %get3A_1354 : vector<16xf32>
        %max3A_1395 = arith.maximumf %get3A_1360, %get3A_1366 : vector<16xf32>
        %max3A_1396 = arith.maximumf %get3A_1372, %get3A_1378 : vector<16xf32>
        %max3A_1397 = arith.maximumf %get3A_1384, %get3A_1390 : vector<16xf32>
        %max3A_1398 = arith.maximumf %max3A, %max3A_1391 : vector<16xf32>
        %max3A_1399 = arith.maximumf %max3A_1392, %max3A_1393 : vector<16xf32>
        %max3A_1400 = arith.maximumf %max3A_1394, %max3A_1395 : vector<16xf32>
        %max3A_1401 = arith.maximumf %max3A_1396, %max3A_1397 : vector<16xf32>
        %max3A_1402 = arith.maximumf %max3A_1398, %max3A_1399 : vector<16xf32>
        %max3A_1403 = arith.maximumf %max3A_1400, %max3A_1401 : vector<16xf32>
        %max3A_1404 = arith.maximumf %max3A_1402, %max3A_1403 : vector<16xf32>
        %broadcast_in_dim3A_1405 = arith.constant 0 : i32
        %broadcast_in_dim3A_1406 = vector.broadcast %broadcast_in_dim3A_1405 : i32 to vector<16xi32>
        %add3A_1407 = vector.broadcast %scan3A_1282 : i32 to vector<16xi32>
        %add3A_1408 = arith.addi %broadcast_in_dim3A_1406, %add3A_1407 : vector<16xi32>
        %gt3A = arith.cmpf ogt, %max3A_1404, %scan3A_1283 : vector<16xf32>
        %max3A_1409 = arith.maximumf %scan3A_1283, %max3A_1404 : vector<16xf32>
        %select_n3A_1410 = arith.select %gt3A, %add3A_1408, %scan3A_1288 : vector<16xi1>, vector<16xi32>
        %min3A = arith.minimumf %scan3A_1283, %max3A_1404 : vector<16xf32>
        %select_n3A_1411 = arith.select %gt3A, %scan3A_1288, %add3A_1408 : vector<16xi1>, vector<16xi32>
        %gt3A_1412 = arith.cmpf ogt, %min3A, %scan3A_1284 : vector<16xf32>
        %max3A_1413 = arith.maximumf %scan3A_1284, %min3A : vector<16xf32>
        %select_n3A_1414 = arith.select %gt3A_1412, %select_n3A_1411, %scan3A_1289 : vector<16xi1>, vector<16xi32>
        %min3A_1415 = arith.minimumf %scan3A_1284, %min3A : vector<16xf32>
        %select_n3A_1416 = arith.select %gt3A_1412, %scan3A_1289, %select_n3A_1411 : vector<16xi1>, vector<16xi32>
        %gt3A_1417 = arith.cmpf ogt, %min3A_1415, %scan3A_1285 : vector<16xf32>
        %max3A_1418 = arith.maximumf %scan3A_1285, %min3A_1415 : vector<16xf32>
        %select_n3A_1419 = arith.select %gt3A_1417, %select_n3A_1416, %scan3A_1290 : vector<16xi1>, vector<16xi32>
        %min3A_1420 = arith.minimumf %scan3A_1285, %min3A_1415 : vector<16xf32>
        %select_n3A_1421 = arith.select %gt3A_1417, %scan3A_1290, %select_n3A_1416 : vector<16xi1>, vector<16xi32>
        %gt3A_1422 = arith.cmpf ogt, %min3A_1420, %scan3A_1286 : vector<16xf32>
        %max3A_1423 = arith.maximumf %scan3A_1286, %min3A_1420 : vector<16xf32>
        %select_n3A_1424 = arith.select %gt3A_1422, %select_n3A_1421, %scan3A_1291 : vector<16xi1>, vector<16xi32>
        %min3A_1425 = arith.minimumf %scan3A_1286, %min3A_1420 : vector<16xf32>
        %select_n3A_1426 = arith.select %gt3A_1422, %scan3A_1291, %select_n3A_1421 : vector<16xi1>, vector<16xi32>
        %gt3A_1427 = arith.cmpf ogt, %min3A_1425, %scan3A_1287 : vector<16xf32>
        %max3A_1428 = arith.maximumf %scan3A_1287, %min3A_1425 : vector<16xf32>
        %select_n3A_1429 = arith.select %gt3A_1427, %select_n3A_1426, %scan3A_1292 : vector<16xi1>, vector<16xi32>
        %min3A_1430 = arith.minimumf %scan3A_1287, %min3A_1425 : vector<16xf32>
        %select_n3A_1431 = arith.select %gt3A_1427, %scan3A_1292, %select_n3A_1426 : vector<16xi1>, vector<16xi32>
        %scan3A_1432 = arith.constant 1 : i32
        %scan3A_1433 = arith.addi %scan3A_1282, %scan3A_1432 : i32
        %mul3A_1434 = arith.constant 16 : i32
        %mul3A_1435 = arith.muli %scan3A_1433, %mul3A_1434 : i32
        %add3A_1436 = arith.constant 0 : i32
        %add3A_1437 = arith.addi %mul3A_1435, %add3A_1436 : i32
        %get3A_1438 = arith.index_cast %select_n3A_628 : i32 to index
        %get3A_1439 = arith.index_cast %add3A_1437 : i32 to index
        %get3A_1440 = arith.constant 32 : index
        %get3A_1441 = tpu.vector_load %arg4[%get3A_1438, %get3A_1439, %get3A_1440] {strides = array<i32>} : memref<2x256x128xf32, #tpu.memory_space<vmem>>, vector<16xf32>,
        %add3A_1442 = arith.constant 1 : i32
        %add3A_1443 = arith.addi %mul3A_1435, %add3A_1442 : i32
        %get3A_1444 = arith.index_cast %select_n3A_628 : i32 to index
        %get3A_1445 = arith.index_cast %add3A_1443 : i32 to index
        %get3A_1446 = arith.constant 32 : index
        %get3A_1447 = tpu.vector_load %arg4[%get3A_1444, %get3A_1445, %get3A_1446] {strides = array<i32>} : memref<2x256x128xf32, #tpu.memory_space<vmem>>, vector<16xf32>,
        %add3A_1448 = arith.constant 2 : i32
        %add3A_1449 = arith.addi %mul3A_1435, %add3A_1448 : i32
        %get3A_1450 = arith.index_cast %select_n3A_628 : i32 to index
        %get3A_1451 = arith.index_cast %add3A_1449 : i32 to index
        %get3A_1452 = arith.constant 32 : index
        %get3A_1453 = tpu.vector_load %arg4[%get3A_1450, %get3A_1451, %get3A_1452] {strides = array<i32>} : memref<2x256x128xf32, #tpu.memory_space<vmem>>, vector<16xf32>,
        %add3A_1454 = arith.constant 3 : i32
        %add3A_1455 = arith.addi %mul3A_1435, %add3A_1454 : i32
        %get3A_1456 = arith.index_cast %select_n3A_628 : i32 to index
        %get3A_1457 = arith.index_cast %add3A_1455 : i32 to index
        %get3A_1458 = arith.constant 32 : index
        %get3A_1459 = tpu.vector_load %arg4[%get3A_1456, %get3A_1457, %get3A_1458] {strides = array<i32>} : memref<2x256x128xf32, #tpu.memory_space<vmem>>, vector<16xf32>,
        %add3A_1460 = arith.constant 4 : i32
        %add3A_1461 = arith.addi %mul3A_1435, %add3A_1460 : i32
        %get3A_1462 = arith.index_cast %select_n3A_628 : i32 to index
        %get3A_1463 = arith.index_cast %add3A_1461 : i32 to index
        %get3A_1464 = arith.constant 32 : index
        %get3A_1465 = tpu.vector_load %arg4[%get3A_1462, %get3A_1463, %get3A_1464] {strides = array<i32>} : memref<2x256x128xf32, #tpu.memory_space<vmem>>, vector<16xf32>,
        %add3A_1466 = arith.constant 5 : i32
        %add3A_1467 = arith.addi %mul3A_1435, %add3A_1466 : i32
        %get3A_1468 = arith.index_cast %select_n3A_628 : i32 to index
        %get3A_1469 = arith.index_cast %add3A_1467 : i32 to index
        %get3A_1470 = arith.constant 32 : index
        %get3A_1471 = tpu.vector_load %arg4[%get3A_1468, %get3A_1469, %get3A_1470] {strides = array<i32>} : memref<2x256x128xf32, #tpu.memory_space<vmem>>, vector<16xf32>,
        %add3A_1472 = arith.constant 6 : i32
        %add3A_1473 = arith.addi %mul3A_1435, %add3A_1472 : i32
        %get3A_1474 = arith.index_cast %select_n3A_628 : i32 to index
        %get3A_1475 = arith.index_cast %add3A_1473 : i32 to index
        %get3A_1476 = arith.constant 32 : index
        %get3A_1477 = tpu.vector_load %arg4[%get3A_1474, %get3A_1475, %get3A_1476] {strides = array<i32>} : memref<2x256x128xf32, #tpu.memory_space<vmem>>, vector<16xf32>,
        %add3A_1478 = arith.constant 7 : i32
        %add3A_1479 = arith.addi %mul3A_1435, %add3A_1478 : i32
        %get3A_1480 = arith.index_cast %select_n3A_628 : i32 to index
        %get3A_1481 = arith.index_cast %add3A_1479 : i32 to index
        %get3A_1482 = arith.constant 32 : index
        %get3A_1483 = tpu.vector_load %arg4[%get3A_1480, %get3A_1481, %get3A_1482] {strides = array<i32>} : memref<2x256x128xf32, #tpu.memory_space<vmem>>, vector<16xf32>,
        %add3A_1484 = arith.constant 8 : i32
        %add3A_1485 = arith.addi %mul3A_1435, %add3A_1484 : i32
        %get3A_1486 = arith.index_cast %select_n3A_628 : i32 to index
        %get3A_1487 = arith.index_cast %add3A_1485 : i32 to index
        %get3A_1488 = arith.constant 32 : index
        %get3A_1489 = tpu.vector_load %arg4[%get3A_1486, %get3A_1487, %get3A_1488] {strides = array<i32>} : memref<2x256x128xf32, #tpu.memory_space<vmem>>, vector<16xf32>,
        %add3A_1490 = arith.constant 9 : i32
        %add3A_1491 = arith.addi %mul3A_1435, %add3A_1490 : i32
        %get3A_1492 = arith.index_cast %select_n3A_628 : i32 to index
        %get3A_1493 = arith.index_cast %add3A_1491 : i32 to index
        %get3A_1494 = arith.constant 32 : index
        %get3A_1495 = tpu.vector_load %arg4[%get3A_1492, %get3A_1493, %get3A_1494] {strides = array<i32>} : memref<2x256x128xf32, #tpu.memory_space<vmem>>, vector<16xf32>,
        %add3A_1496 = arith.constant 10 : i32
        %add3A_1497 = arith.addi %mul3A_1435, %add3A_1496 : i32
        %get3A_1498 = arith.index_cast %select_n3A_628 : i32 to index
        %get3A_1499 = arith.index_cast %add3A_1497 : i32 to index
        %get3A_1500 = arith.constant 32 : index
        %get3A_1501 = tpu.vector_load %arg4[%get3A_1498, %get3A_1499, %get3A_1500] {strides = array<i32>} : memref<2x256x128xf32, #tpu.memory_space<vmem>>, vector<16xf32>,
        %add3A_1502 = arith.constant 11 : i32
        %add3A_1503 = arith.addi %mul3A_1435, %add3A_1502 : i32
        %get3A_1504 = arith.index_cast %select_n3A_628 : i32 to index
        %get3A_1505 = arith.index_cast %add3A_1503 : i32 to index
        %get3A_1506 = arith.constant 32 : index
        %get3A_1507 = tpu.vector_load %arg4[%get3A_1504, %get3A_1505, %get3A_1506] {strides = array<i32>} : memref<2x256x128xf32, #tpu.memory_space<vmem>>, vector<16xf32>,
        %add3A_1508 = arith.constant 12 : i32
        %add3A_1509 = arith.addi %mul3A_1435, %add3A_1508 : i32
        %get3A_1510 = arith.index_cast %select_n3A_628 : i32 to index
        %get3A_1511 = arith.index_cast %add3A_1509 : i32 to index
        %get3A_1512 = arith.constant 32 : index
        %get3A_1513 = tpu.vector_load %arg4[%get3A_1510, %get3A_1511, %get3A_1512] {strides = array<i32>} : memref<2x256x128xf32, #tpu.memory_space<vmem>>, vector<16xf32>,
        %add3A_1514 = arith.constant 13 : i32
        %add3A_1515 = arith.addi %mul3A_1435, %add3A_1514 : i32
        %get3A_1516 = arith.index_cast %select_n3A_628 : i32 to index
        %get3A_1517 = arith.index_cast %add3A_1515 : i32 to index
        %get3A_1518 = arith.constant 32 : index
        %get3A_1519 = tpu.vector_load %arg4[%get3A_1516, %get3A_1517, %get3A_1518] {strides = array<i32>} : memref<2x256x128xf32, #tpu.memory_space<vmem>>, vector<16xf32>,
        %add3A_1520 = arith.constant 14 : i32
        %add3A_1521 = arith.addi %mul3A_1435, %add3A_1520 : i32
        %get3A_1522 = arith.index_cast %select_n3A_628 : i32 to index
        %get3A_1523 = arith.index_cast %add3A_1521 : i32 to index
        %get3A_1524 = arith.constant 32 : index
        %get3A_1525 = tpu.vector_load %arg4[%get3A_1522, %get3A_1523, %get3A_1524] {strides = array<i32>} : memref<2x256x128xf32, #tpu.memory_space<vmem>>, vector<16xf32>,
        %add3A_1526 = arith.constant 15 : i32
        %add3A_1527 = arith.addi %mul3A_1435, %add3A_1526 : i32
        %get3A_1528 = arith.index_cast %select_n3A_628 : i32 to index
        %get3A_1529 = arith.index_cast %add3A_1527 : i32 to index
        %get3A_1530 = arith.constant 32 : index
        %get3A_1531 = tpu.vector_load %arg4[%get3A_1528, %get3A_1529, %get3A_1530] {strides = array<i32>} : memref<2x256x128xf32, #tpu.memory_space<vmem>>, vector<16xf32>,
        %max3A_1532 = arith.maximumf %get3A_1441, %get3A_1447 : vector<16xf32>
        %max3A_1533 = arith.maximumf %get3A_1453, %get3A_1459 : vector<16xf32>
        %max3A_1534 = arith.maximumf %get3A_1465, %get3A_1471 : vector<16xf32>
        %max3A_1535 = arith.maximumf %get3A_1477, %get3A_1483 : vector<16xf32>
        %max3A_1536 = arith.maximumf %get3A_1489, %get3A_1495 : vector<16xf32>
        %max3A_1537 = arith.maximumf %get3A_1501, %get3A_1507 : vector<16xf32>
        %max3A_1538 = arith.maximumf %get3A_1513, %get3A_1519 : vector<16xf32>
        %max3A_1539 = arith.maximumf %get3A_1525, %get3A_1531 : vector<16xf32>
        %max3A_1540 = arith.maximumf %max3A_1532, %max3A_1533 : vector<16xf32>
        %max3A_1541 = arith.maximumf %max3A_1534, %max3A_1535 : vector<16xf32>
        %max3A_1542 = arith.maximumf %max3A_1536, %max3A_1537 : vector<16xf32>
        %max3A_1543 = arith.maximumf %max3A_1538, %max3A_1539 : vector<16xf32>
        %max3A_1544 = arith.maximumf %max3A_1540, %max3A_1541 : vector<16xf32>
        %max3A_1545 = arith.maximumf %max3A_1542, %max3A_1543 : vector<16xf32>
        %max3A_1546 = arith.maximumf %max3A_1544, %max3A_1545 : vector<16xf32>
        %broadcast_in_dim3A_1547 = arith.constant 0 : i32
        %broadcast_in_dim3A_1548 = vector.broadcast %broadcast_in_dim3A_1547 : i32 to vector<16xi32>
        %add3A_1549 = vector.broadcast %scan3A_1433 : i32 to vector<16xi32>
        %add3A_1550 = arith.addi %broadcast_in_dim3A_1548, %add3A_1549 : vector<16xi32>
        %gt3A_1551 = arith.cmpf ogt, %max3A_1546, %max3A_1409 : vector<16xf32>
        %max3A_1552 = arith.maximumf %max3A_1409, %max3A_1546 : vector<16xf32>
        %select_n3A_1553 = arith.select %gt3A_1551, %add3A_1550, %select_n3A_1410 : vector<16xi1>, vector<16xi32>
        %min3A_1554 = arith.minimumf %max3A_1409, %max3A_1546 : vector<16xf32>
        %select_n3A_1555 = arith.select %gt3A_1551, %select_n3A_1410, %add3A_1550 : vector<16xi1>, vector<16xi32>
        %gt3A_1556 = arith.cmpf ogt, %min3A_1554, %max3A_1413 : vector<16xf32>
        %max3A_1557 = arith.maximumf %max3A_1413, %min3A_1554 : vector<16xf32>
        %select_n3A_1558 = arith.select %gt3A_1556, %select_n3A_1555, %select_n3A_1414 : vector<16xi1>, vector<16xi32>
        %min3A_1559 = arith.minimumf %max3A_1413, %min3A_1554 : vector<16xf32>
        %select_n3A_1560 = arith.select %gt3A_1556, %select_n3A_1414, %select_n3A_1555 : vector<16xi1>, vector<16xi32>
        %gt3A_1561 = arith.cmpf ogt, %min3A_1559, %max3A_1418 : vector<16xf32>
        %max3A_1562 = arith.maximumf %max3A_1418, %min3A_1559 : vector<16xf32>
        %select_n3A_1563 = arith.select %gt3A_1561, %select_n3A_1560, %select_n3A_1419 : vector<16xi1>, vector<16xi32>
        %min3A_1564 = arith.minimumf %max3A_1418, %min3A_1559 : vector<16xf32>
        %select_n3A_1565 = arith.select %gt3A_1561, %select_n3A_1419, %select_n3A_1560 : vector<16xi1>, vector<16xi32>
        %gt3A_1566 = arith.cmpf ogt, %min3A_1564, %max3A_1423 : vector<16xf32>
        %max3A_1567 = arith.maximumf %max3A_1423, %min3A_1564 : vector<16xf32>
        %select_n3A_1568 = arith.select %gt3A_1566, %select_n3A_1565, %select_n3A_1424 : vector<16xi1>, vector<16xi32>
        %min3A_1569 = arith.minimumf %max3A_1423, %min3A_1564 : vector<16xf32>
        %select_n3A_1570 = arith.select %gt3A_1566, %select_n3A_1424, %select_n3A_1565 : vector<16xi1>, vector<16xi32>
        %gt3A_1571 = arith.cmpf ogt, %min3A_1569, %max3A_1428 : vector<16xf32>
        %max3A_1572 = arith.maximumf %max3A_1428, %min3A_1569 : vector<16xf32>
        %select_n3A_1573 = arith.select %gt3A_1571, %select_n3A_1570, %select_n3A_1429 : vector<16xi1>, vector<16xi32>
        %min3A_1574 = arith.minimumf %max3A_1428, %min3A_1569 : vector<16xf32>
        %select_n3A_1575 = arith.select %gt3A_1571, %select_n3A_1429, %select_n3A_1570 : vector<16xi1>, vector<16xi32>
        scf.yield %max3A_1552, %max3A_1557, %max3A_1562, %max3A_1567, %max3A_1572, %select_n3A_1553, %select_n3A_1558, %select_n3A_1563, %select_n3A_1568, %select_n3A_1573 : vector<16xf32>, vector<16xf32>, vector<16xf32>, vector<16xf32>, vector<16xf32>, vector<16xi32>, vector<16xi32>, vector<16xi32>, vector<16xi32>, vector<16xi32>
      }
      %scan3A_856 = arith.constant 16 : i32
      %get3A_857 = arith.constant 10 : i32
      %get3A_858 = arith.index_cast %get3A_857 : i32 to index
      %get3A_859 = arith.constant 0 : index
      %get3A_860 = tpu.vector_load %arg5[%get3A_858, %get3A_859] {strides = array<i32>} : memref<40x16xf32, #tpu.memory_space<vmem>>, vector<16xf32>,
      %get3A_861 = arith.constant 11 : i32
      %get3A_862 = arith.index_cast %get3A_861 : i32 to index
      %get3A_863 = arith.constant 0 : index
      %get3A_864 = tpu.vector_load %arg5[%get3A_862, %get3A_863] {strides = array<i32>} : memref<40x16xf32, #tpu.memory_space<vmem>>, vector<16xf32>,
      %get3A_865 = arith.constant 12 : i32
      %get3A_866 = arith.index_cast %get3A_865 : i32 to index
      %get3A_867 = arith.constant 0 : index
      %get3A_868 = tpu.vector_load %arg5[%get3A_866, %get3A_867] {strides = array<i32>} : memref<40x16xf32, #tpu.memory_space<vmem>>, vector<16xf32>,
      %get3A_869 = arith.constant 13 : i32
      %get3A_870 = arith.index_cast %get3A_869 : i32 to index
      %get3A_871 = arith.constant 0 : index
      %get3A_872 = tpu.vector_load %arg5[%get3A_870, %get3A_871] {strides = array<i32>} : memref<40x16xf32, #tpu.memory_space<vmem>>, vector<16xf32>,
      %get3A_873 = arith.constant 14 : i32
      %get3A_874 = arith.index_cast %get3A_873 : i32 to index
      %get3A_875 = arith.constant 0 : index
      %get3A_876 = tpu.vector_load %arg5[%get3A_874, %get3A_875] {strides = array<i32>} : memref<40x16xf32, #tpu.memory_space<vmem>>, vector<16xf32>,
      %add3A_877 = arith.constant 32 : i32
      %add3A_878 = vector.broadcast %add3A_877 : i32 to vector<16xi32>
      %add3A_879 = arith.addi %add3A_878, %iota3A : vector<16xi32>
      %scan3A_880 = arith.constant 0 : i32
      %scan3A_881 = arith.constant 5 : i32
      %scan3A_882 = arith.addi %scan3A_880, %scan3A_881 : i32
      %scan3A_883 = arith.constant 1 : i32
      %scan3A_884:5 = scf.for %scan3A_1282 = %scan3A_880 to %scan3A_882 step %scan3A_883 iter_args(%scan3A_1283 = %get3A_860, %scan3A_1284 = %get3A_864, %scan3A_1285 = %get3A_868, %scan3A_1286 = %get3A_872, %scan3A_1287 = %get3A_876) -> (vector<16xf32>, vector<16xf32>, vector<16xf32>, vector<16xf32>, vector<16xf32>)  : i32 {
        %eq3A_1288 = arith.constant 0 : i32
        %eq3A_1289 = arith.cmpi eq, %scan3A_1282, %eq3A_1288 : i32
        %eq3A_1290 = arith.constant 1 : i32
        %eq3A_1291 = arith.cmpi eq, %scan3A_1282, %eq3A_1290 : i32
        %eq3A_1292 = arith.constant 2 : i32
        %eq3A_1293 = arith.cmpi eq, %scan3A_1282, %eq3A_1292 : i32
        %eq3A_1294 = arith.constant 3 : i32
        %eq3A_1295 = arith.cmpi eq, %scan3A_1282, %eq3A_1294 : i32
        %select_n3A_1296 = arith.select %eq3A_1295, %scan3A_855#8, %scan3A_855#9 : vector<16xi32>
        %select_n3A_1297 = arith.select %eq3A_1293, %scan3A_855#7, %select_n3A_1296 : vector<16xi32>
        %select_n3A_1298 = arith.select %eq3A_1291, %scan3A_855#6, %select_n3A_1297 : vector<16xi32>
        %select_n3A_1299 = arith.select %eq3A_1289, %scan3A_855#5, %select_n3A_1298 : vector<16xi32>
        %mul3A_1300 = arith.constant 16 : i32
        %mul3A_1301 = vector.broadcast %mul3A_1300 : i32 to vector<16xi32>
        %mul3A_1302 = arith.muli %select_n3A_1299, %mul3A_1301 : vector<16xi32>
        %scan3A_1303 = arith.constant 0 : i32
        %scan3A_1304 = arith.constant 16 : i32
        %scan3A_1305 = arith.addi %scan3A_1303, %scan3A_1304 : i32
        %scan3A_1306 = arith.constant 1 : i32
        %scan3A_1307:5 = scf.for %scan3A_1309 = %scan3A_1303 to %scan3A_1305 step %scan3A_1306 iter_args(%scan3A_1310 = %scan3A_1283, %scan3A_1311 = %scan3A_1284, %scan3A_1312 = %scan3A_1285, %scan3A_1313 = %scan3A_1286, %scan3A_1314 = %scan3A_1287) -> (vector<16xf32>, vector<16xf32>, vector<16xf32>, vector<16xf32>, vector<16xf32>)  : i32 {
          %add3A_1315 = vector.broadcast %scan3A_1309 : i32 to vector<16xi32>
          %add3A_1316 = arith.addi %mul3A_1302, %add3A_1315 : vector<16xi32>
          %gather3A = tpu.vector_load_idx %arg4[%add3A_681, %add3A_1316, %add3A_879] : memref<2x256x128xf32, #tpu.memory_space<vmem>>[vector<16xi32>, vector<16xi32>, vector<16xi32>], vector<16xf32>,
          %max3A = arith.maximumf %scan3A_1310, %gather3A : vector<16xf32>
          %min3A = arith.minimumf %scan3A_1310, %gather3A : vector<16xf32>
          %max3A_1317 = arith.maximumf %scan3A_1311, %min3A : vector<16xf32>
          %min3A_1318 = arith.minimumf %scan3A_1311, %min3A : vector<16xf32>
          %max3A_1319 = arith.maximumf %scan3A_1312, %min3A_1318 : vector<16xf32>
          %min3A_1320 = arith.minimumf %scan3A_1312, %min3A_1318 : vector<16xf32>
          %max3A_1321 = arith.maximumf %scan3A_1313, %min3A_1320 : vector<16xf32>
          %min3A_1322 = arith.minimumf %scan3A_1313, %min3A_1320 : vector<16xf32>
          %max3A_1323 = arith.maximumf %scan3A_1314, %min3A_1322 : vector<16xf32>
          %min3A_1324 = arith.minimumf %scan3A_1314, %min3A_1322 : vector<16xf32>
          scf.yield %max3A, %max3A_1317, %max3A_1319, %max3A_1321, %max3A_1323 : vector<16xf32>, vector<16xf32>, vector<16xf32>, vector<16xf32>, vector<16xf32>
        }
        %scan3A_1308 = arith.constant 16 : i32
        scf.yield %scan3A_1307#0, %scan3A_1307#1, %scan3A_1307#2, %scan3A_1307#3, %scan3A_1307#4 : vector<16xf32>, vector<16xf32>, vector<16xf32>, vector<16xf32>, vector<16xf32>
      }
      %scan3A_885 = arith.constant 5 : i32
      %swap3A_886 = arith.constant 10 : i32
      %swap3A_887 = arith.index_cast %swap3A_886 : i32 to index
      %swap3A_888 = arith.constant 0 : index
      %swap3A_889 = tpu.vector_load %arg5[%swap3A_887, %swap3A_888] {strides = array<i32>} : memref<40x16xf32, #tpu.memory_space<vmem>>, vector<16xf32>,
      tpu.vector_store %arg5[%swap3A_887, %swap3A_888], %scan3A_884#0 {strides = array<i32>} : memref<40x16xf32, #tpu.memory_space<vmem>>, vector<16xf32>,
      %swap3A_890 = arith.constant 11 : i32
      %swap3A_891 = arith.index_cast %swap3A_890 : i32 to index
      %swap3A_892 = arith.constant 0 : index
      %swap3A_893 = tpu.vector_load %arg5[%swap3A_891, %swap3A_892] {strides = array<i32>} : memref<40x16xf32, #tpu.memory_space<vmem>>, vector<16xf32>,
      tpu.vector_store %arg5[%swap3A_891, %swap3A_892], %scan3A_884#1 {strides = array<i32>} : memref<40x16xf32, #tpu.memory_space<vmem>>, vector<16xf32>,
      %swap3A_894 = arith.constant 12 : i32
      %swap3A_895 = arith.index_cast %swap3A_894 : i32 to index
      %swap3A_896 = arith.constant 0 : index
      %swap3A_897 = tpu.vector_load %arg5[%swap3A_895, %swap3A_896] {strides = array<i32>} : memref<40x16xf32, #tpu.memory_space<vmem>>, vector<16xf32>,
      tpu.vector_store %arg5[%swap3A_895, %swap3A_896], %scan3A_884#2 {strides = array<i32>} : memref<40x16xf32, #tpu.memory_space<vmem>>, vector<16xf32>,
      %swap3A_898 = arith.constant 13 : i32
      %swap3A_899 = arith.index_cast %swap3A_898 : i32 to index
      %swap3A_900 = arith.constant 0 : index
      %swap3A_901 = tpu.vector_load %arg5[%swap3A_899, %swap3A_900] {strides = array<i32>} : memref<40x16xf32, #tpu.memory_space<vmem>>, vector<16xf32>,
      tpu.vector_store %arg5[%swap3A_899, %swap3A_900], %scan3A_884#3 {strides = array<i32>} : memref<40x16xf32, #tpu.memory_space<vmem>>, vector<16xf32>,
      %swap3A_902 = arith.constant 14 : i32
      %swap3A_903 = arith.index_cast %swap3A_902 : i32 to index
      %swap3A_904 = arith.constant 0 : index
      %swap3A_905 = tpu.vector_load %arg5[%swap3A_903, %swap3A_904] {strides = array<i32>} : memref<40x16xf32, #tpu.memory_space<vmem>>, vector<16xf32>,
      tpu.vector_store %arg5[%swap3A_903, %swap3A_904], %scan3A_884#4 {strides = array<i32>} : memref<40x16xf32, #tpu.memory_space<vmem>>, vector<16xf32>,
      %broadcast_in_dim3A_906 = arith.constant 0xFF800000 : f32
      %broadcast_in_dim3A_907 = vector.broadcast %broadcast_in_dim3A_906 : f32 to vector<16xf32>
      %broadcast_in_dim3A_908 = arith.constant 0xFF800000 : f32
      %broadcast_in_dim3A_909 = vector.broadcast %broadcast_in_dim3A_908 : f32 to vector<16xf32>
      %broadcast_in_dim3A_910 = arith.constant 0xFF800000 : f32
      %broadcast_in_dim3A_911 = vector.broadcast %broadcast_in_dim3A_910 : f32 to vector<16xf32>
      %broadcast_in_dim3A_912 = arith.constant 0xFF800000 : f32
      %broadcast_in_dim3A_913 = vector.broadcast %broadcast_in_dim3A_912 : f32 to vector<16xf32>
      %broadcast_in_dim3A_914 = arith.constant 0xFF800000 : f32
      %broadcast_in_dim3A_915 = vector.broadcast %broadcast_in_dim3A_914 : f32 to vector<16xf32>
      %broadcast_in_dim3A_916 = arith.constant 0 : i32
      %broadcast_in_dim3A_917 = vector.broadcast %broadcast_in_dim3A_916 : i32 to vector<16xi32>
      %broadcast_in_dim3A_918 = arith.constant 0 : i32
      %broadcast_in_dim3A_919 = vector.broadcast %broadcast_in_dim3A_918 : i32 to vector<16xi32>
      %broadcast_in_dim3A_920 = arith.constant 0 : i32
      %broadcast_in_dim3A_921 = vector.broadcast %broadcast_in_dim3A_920 : i32 to vector<16xi32>
      %broadcast_in_dim3A_922 = arith.constant 0 : i32
      %broadcast_in_dim3A_923 = vector.broadcast %broadcast_in_dim3A_922 : i32 to vector<16xi32>
      %broadcast_in_dim3A_924 = arith.constant 0 : i32
      %broadcast_in_dim3A_925 = vector.broadcast %broadcast_in_dim3A_924 : i32 to vector<16xi32>
      %scan3A_926 = arith.constant 0 : i32
      %scan3A_927 = arith.constant 16 : i32
      %scan3A_928 = arith.addi %scan3A_926, %scan3A_927 : i32
      %scan3A_929 = arith.constant 2 : i32
      %scan3A_930:10 = scf.for %scan3A_1282 = %scan3A_926 to %scan3A_928 step %scan3A_929 iter_args(%scan3A_1283 = %broadcast_in_dim3A_907, %scan3A_1284 = %broadcast_in_dim3A_909, %scan3A_1285 = %broadcast_in_dim3A_911, %scan3A_1286 = %broadcast_in_dim3A_913, %scan3A_1287 = %broadcast_in_dim3A_915, %scan3A_1288 = %broadcast_in_dim3A_917, %scan3A_1289 = %broadcast_in_dim3A_919, %scan3A_1290 = %broadcast_in_dim3A_921, %scan3A_1291 = %broadcast_in_dim3A_923, %scan3A_1292 = %broadcast_in_dim3A_925) -> (vector<16xf32>, vector<16xf32>, vector<16xf32>, vector<16xf32>, vector<16xf32>, vector<16xi32>, vector<16xi32>, vector<16xi32>, vector<16xi32>, vector<16xi32>)  : i32 {
        %mul3A_1293 = arith.constant 16 : i32
        %mul3A_1294 = arith.muli %scan3A_1282, %mul3A_1293 : i32
        %add3A_1295 = arith.constant 0 : i32
        %add3A_1296 = arith.addi %mul3A_1294, %add3A_1295 : i32
        %get3A_1297 = arith.index_cast %select_n3A_628 : i32 to index
        %get3A_1298 = arith.index_cast %add3A_1296 : i32 to index
        %get3A_1299 = arith.constant 48 : index
        %get3A_1300 = tpu.vector_load %arg4[%get3A_1297, %get3A_1298, %get3A_1299] {strides = array<i32>} : memref<2x256x128xf32, #tpu.memory_space<vmem>>, vector<16xf32>,
        %add3A_1301 = arith.constant 1 : i32
        %add3A_1302 = arith.addi %mul3A_1294, %add3A_1301 : i32
        %get3A_1303 = arith.index_cast %select_n3A_628 : i32 to index
        %get3A_1304 = arith.index_cast %add3A_1302 : i32 to index
        %get3A_1305 = arith.constant 48 : index
        %get3A_1306 = tpu.vector_load %arg4[%get3A_1303, %get3A_1304, %get3A_1305] {strides = array<i32>} : memref<2x256x128xf32, #tpu.memory_space<vmem>>, vector<16xf32>,
        %add3A_1307 = arith.constant 2 : i32
        %add3A_1308 = arith.addi %mul3A_1294, %add3A_1307 : i32
        %get3A_1309 = arith.index_cast %select_n3A_628 : i32 to index
        %get3A_1310 = arith.index_cast %add3A_1308 : i32 to index
        %get3A_1311 = arith.constant 48 : index
        %get3A_1312 = tpu.vector_load %arg4[%get3A_1309, %get3A_1310, %get3A_1311] {strides = array<i32>} : memref<2x256x128xf32, #tpu.memory_space<vmem>>, vector<16xf32>,
        %add3A_1313 = arith.constant 3 : i32
        %add3A_1314 = arith.addi %mul3A_1294, %add3A_1313 : i32
        %get3A_1315 = arith.index_cast %select_n3A_628 : i32 to index
        %get3A_1316 = arith.index_cast %add3A_1314 : i32 to index
        %get3A_1317 = arith.constant 48 : index
        %get3A_1318 = tpu.vector_load %arg4[%get3A_1315, %get3A_1316, %get3A_1317] {strides = array<i32>} : memref<2x256x128xf32, #tpu.memory_space<vmem>>, vector<16xf32>,
        %add3A_1319 = arith.constant 4 : i32
        %add3A_1320 = arith.addi %mul3A_1294, %add3A_1319 : i32
        %get3A_1321 = arith.index_cast %select_n3A_628 : i32 to index
        %get3A_1322 = arith.index_cast %add3A_1320 : i32 to index
        %get3A_1323 = arith.constant 48 : index
        %get3A_1324 = tpu.vector_load %arg4[%get3A_1321, %get3A_1322, %get3A_1323] {strides = array<i32>} : memref<2x256x128xf32, #tpu.memory_space<vmem>>, vector<16xf32>,
        %add3A_1325 = arith.constant 5 : i32
        %add3A_1326 = arith.addi %mul3A_1294, %add3A_1325 : i32
        %get3A_1327 = arith.index_cast %select_n3A_628 : i32 to index
        %get3A_1328 = arith.index_cast %add3A_1326 : i32 to index
        %get3A_1329 = arith.constant 48 : index
        %get3A_1330 = tpu.vector_load %arg4[%get3A_1327, %get3A_1328, %get3A_1329] {strides = array<i32>} : memref<2x256x128xf32, #tpu.memory_space<vmem>>, vector<16xf32>,
        %add3A_1331 = arith.constant 6 : i32
        %add3A_1332 = arith.addi %mul3A_1294, %add3A_1331 : i32
        %get3A_1333 = arith.index_cast %select_n3A_628 : i32 to index
        %get3A_1334 = arith.index_cast %add3A_1332 : i32 to index
        %get3A_1335 = arith.constant 48 : index
        %get3A_1336 = tpu.vector_load %arg4[%get3A_1333, %get3A_1334, %get3A_1335] {strides = array<i32>} : memref<2x256x128xf32, #tpu.memory_space<vmem>>, vector<16xf32>,
        %add3A_1337 = arith.constant 7 : i32
        %add3A_1338 = arith.addi %mul3A_1294, %add3A_1337 : i32
        %get3A_1339 = arith.index_cast %select_n3A_628 : i32 to index
        %get3A_1340 = arith.index_cast %add3A_1338 : i32 to index
        %get3A_1341 = arith.constant 48 : index
        %get3A_1342 = tpu.vector_load %arg4[%get3A_1339, %get3A_1340, %get3A_1341] {strides = array<i32>} : memref<2x256x128xf32, #tpu.memory_space<vmem>>, vector<16xf32>,
        %add3A_1343 = arith.constant 8 : i32
        %add3A_1344 = arith.addi %mul3A_1294, %add3A_1343 : i32
        %get3A_1345 = arith.index_cast %select_n3A_628 : i32 to index
        %get3A_1346 = arith.index_cast %add3A_1344 : i32 to index
        %get3A_1347 = arith.constant 48 : index
        %get3A_1348 = tpu.vector_load %arg4[%get3A_1345, %get3A_1346, %get3A_1347] {strides = array<i32>} : memref<2x256x128xf32, #tpu.memory_space<vmem>>, vector<16xf32>,
        %add3A_1349 = arith.constant 9 : i32
        %add3A_1350 = arith.addi %mul3A_1294, %add3A_1349 : i32
        %get3A_1351 = arith.index_cast %select_n3A_628 : i32 to index
        %get3A_1352 = arith.index_cast %add3A_1350 : i32 to index
        %get3A_1353 = arith.constant 48 : index
        %get3A_1354 = tpu.vector_load %arg4[%get3A_1351, %get3A_1352, %get3A_1353] {strides = array<i32>} : memref<2x256x128xf32, #tpu.memory_space<vmem>>, vector<16xf32>,
        %add3A_1355 = arith.constant 10 : i32
        %add3A_1356 = arith.addi %mul3A_1294, %add3A_1355 : i32
        %get3A_1357 = arith.index_cast %select_n3A_628 : i32 to index
        %get3A_1358 = arith.index_cast %add3A_1356 : i32 to index
        %get3A_1359 = arith.constant 48 : index
        %get3A_1360 = tpu.vector_load %arg4[%get3A_1357, %get3A_1358, %get3A_1359] {strides = array<i32>} : memref<2x256x128xf32, #tpu.memory_space<vmem>>, vector<16xf32>,
        %add3A_1361 = arith.constant 11 : i32
        %add3A_1362 = arith.addi %mul3A_1294, %add3A_1361 : i32
        %get3A_1363 = arith.index_cast %select_n3A_628 : i32 to index
        %get3A_1364 = arith.index_cast %add3A_1362 : i32 to index
        %get3A_1365 = arith.constant 48 : index
        %get3A_1366 = tpu.vector_load %arg4[%get3A_1363, %get3A_1364, %get3A_1365] {strides = array<i32>} : memref<2x256x128xf32, #tpu.memory_space<vmem>>, vector<16xf32>,
        %add3A_1367 = arith.constant 12 : i32
        %add3A_1368 = arith.addi %mul3A_1294, %add3A_1367 : i32
        %get3A_1369 = arith.index_cast %select_n3A_628 : i32 to index
        %get3A_1370 = arith.index_cast %add3A_1368 : i32 to index
        %get3A_1371 = arith.constant 48 : index
        %get3A_1372 = tpu.vector_load %arg4[%get3A_1369, %get3A_1370, %get3A_1371] {strides = array<i32>} : memref<2x256x128xf32, #tpu.memory_space<vmem>>, vector<16xf32>,
        %add3A_1373 = arith.constant 13 : i32
        %add3A_1374 = arith.addi %mul3A_1294, %add3A_1373 : i32
        %get3A_1375 = arith.index_cast %select_n3A_628 : i32 to index
        %get3A_1376 = arith.index_cast %add3A_1374 : i32 to index
        %get3A_1377 = arith.constant 48 : index
        %get3A_1378 = tpu.vector_load %arg4[%get3A_1375, %get3A_1376, %get3A_1377] {strides = array<i32>} : memref<2x256x128xf32, #tpu.memory_space<vmem>>, vector<16xf32>,
        %add3A_1379 = arith.constant 14 : i32
        %add3A_1380 = arith.addi %mul3A_1294, %add3A_1379 : i32
        %get3A_1381 = arith.index_cast %select_n3A_628 : i32 to index
        %get3A_1382 = arith.index_cast %add3A_1380 : i32 to index
        %get3A_1383 = arith.constant 48 : index
        %get3A_1384 = tpu.vector_load %arg4[%get3A_1381, %get3A_1382, %get3A_1383] {strides = array<i32>} : memref<2x256x128xf32, #tpu.memory_space<vmem>>, vector<16xf32>,
        %add3A_1385 = arith.constant 15 : i32
        %add3A_1386 = arith.addi %mul3A_1294, %add3A_1385 : i32
        %get3A_1387 = arith.index_cast %select_n3A_628 : i32 to index
        %get3A_1388 = arith.index_cast %add3A_1386 : i32 to index
        %get3A_1389 = arith.constant 48 : index
        %get3A_1390 = tpu.vector_load %arg4[%get3A_1387, %get3A_1388, %get3A_1389] {strides = array<i32>} : memref<2x256x128xf32, #tpu.memory_space<vmem>>, vector<16xf32>,
        %max3A = arith.maximumf %get3A_1300, %get3A_1306 : vector<16xf32>
        %max3A_1391 = arith.maximumf %get3A_1312, %get3A_1318 : vector<16xf32>
        %max3A_1392 = arith.maximumf %get3A_1324, %get3A_1330 : vector<16xf32>
        %max3A_1393 = arith.maximumf %get3A_1336, %get3A_1342 : vector<16xf32>
        %max3A_1394 = arith.maximumf %get3A_1348, %get3A_1354 : vector<16xf32>
        %max3A_1395 = arith.maximumf %get3A_1360, %get3A_1366 : vector<16xf32>
        %max3A_1396 = arith.maximumf %get3A_1372, %get3A_1378 : vector<16xf32>
        %max3A_1397 = arith.maximumf %get3A_1384, %get3A_1390 : vector<16xf32>
        %max3A_1398 = arith.maximumf %max3A, %max3A_1391 : vector<16xf32>
        %max3A_1399 = arith.maximumf %max3A_1392, %max3A_1393 : vector<16xf32>
        %max3A_1400 = arith.maximumf %max3A_1394, %max3A_1395 : vector<16xf32>
        %max3A_1401 = arith.maximumf %max3A_1396, %max3A_1397 : vector<16xf32>
        %max3A_1402 = arith.maximumf %max3A_1398, %max3A_1399 : vector<16xf32>
        %max3A_1403 = arith.maximumf %max3A_1400, %max3A_1401 : vector<16xf32>
        %max3A_1404 = arith.maximumf %max3A_1402, %max3A_1403 : vector<16xf32>
        %broadcast_in_dim3A_1405 = arith.constant 0 : i32
        %broadcast_in_dim3A_1406 = vector.broadcast %broadcast_in_dim3A_1405 : i32 to vector<16xi32>
        %add3A_1407 = vector.broadcast %scan3A_1282 : i32 to vector<16xi32>
        %add3A_1408 = arith.addi %broadcast_in_dim3A_1406, %add3A_1407 : vector<16xi32>
        %gt3A = arith.cmpf ogt, %max3A_1404, %scan3A_1283 : vector<16xf32>
        %max3A_1409 = arith.maximumf %scan3A_1283, %max3A_1404 : vector<16xf32>
        %select_n3A_1410 = arith.select %gt3A, %add3A_1408, %scan3A_1288 : vector<16xi1>, vector<16xi32>
        %min3A = arith.minimumf %scan3A_1283, %max3A_1404 : vector<16xf32>
        %select_n3A_1411 = arith.select %gt3A, %scan3A_1288, %add3A_1408 : vector<16xi1>, vector<16xi32>
        %gt3A_1412 = arith.cmpf ogt, %min3A, %scan3A_1284 : vector<16xf32>
        %max3A_1413 = arith.maximumf %scan3A_1284, %min3A : vector<16xf32>
        %select_n3A_1414 = arith.select %gt3A_1412, %select_n3A_1411, %scan3A_1289 : vector<16xi1>, vector<16xi32>
        %min3A_1415 = arith.minimumf %scan3A_1284, %min3A : vector<16xf32>
        %select_n3A_1416 = arith.select %gt3A_1412, %scan3A_1289, %select_n3A_1411 : vector<16xi1>, vector<16xi32>
        %gt3A_1417 = arith.cmpf ogt, %min3A_1415, %scan3A_1285 : vector<16xf32>
        %max3A_1418 = arith.maximumf %scan3A_1285, %min3A_1415 : vector<16xf32>
        %select_n3A_1419 = arith.select %gt3A_1417, %select_n3A_1416, %scan3A_1290 : vector<16xi1>, vector<16xi32>
        %min3A_1420 = arith.minimumf %scan3A_1285, %min3A_1415 : vector<16xf32>
        %select_n3A_1421 = arith.select %gt3A_1417, %scan3A_1290, %select_n3A_1416 : vector<16xi1>, vector<16xi32>
        %gt3A_1422 = arith.cmpf ogt, %min3A_1420, %scan3A_1286 : vector<16xf32>
        %max3A_1423 = arith.maximumf %scan3A_1286, %min3A_1420 : vector<16xf32>
        %select_n3A_1424 = arith.select %gt3A_1422, %select_n3A_1421, %scan3A_1291 : vector<16xi1>, vector<16xi32>
        %min3A_1425 = arith.minimumf %scan3A_1286, %min3A_1420 : vector<16xf32>
        %select_n3A_1426 = arith.select %gt3A_1422, %scan3A_1291, %select_n3A_1421 : vector<16xi1>, vector<16xi32>
        %gt3A_1427 = arith.cmpf ogt, %min3A_1425, %scan3A_1287 : vector<16xf32>
        %max3A_1428 = arith.maximumf %scan3A_1287, %min3A_1425 : vector<16xf32>
        %select_n3A_1429 = arith.select %gt3A_1427, %select_n3A_1426, %scan3A_1292 : vector<16xi1>, vector<16xi32>
        %min3A_1430 = arith.minimumf %scan3A_1287, %min3A_1425 : vector<16xf32>
        %select_n3A_1431 = arith.select %gt3A_1427, %scan3A_1292, %select_n3A_1426 : vector<16xi1>, vector<16xi32>
        %scan3A_1432 = arith.constant 1 : i32
        %scan3A_1433 = arith.addi %scan3A_1282, %scan3A_1432 : i32
        %mul3A_1434 = arith.constant 16 : i32
        %mul3A_1435 = arith.muli %scan3A_1433, %mul3A_1434 : i32
        %add3A_1436 = arith.constant 0 : i32
        %add3A_1437 = arith.addi %mul3A_1435, %add3A_1436 : i32
        %get3A_1438 = arith.index_cast %select_n3A_628 : i32 to index
        %get3A_1439 = arith.index_cast %add3A_1437 : i32 to index
        %get3A_1440 = arith.constant 48 : index
        %get3A_1441 = tpu.vector_load %arg4[%get3A_1438, %get3A_1439, %get3A_1440] {strides = array<i32>} : memref<2x256x128xf32, #tpu.memory_space<vmem>>, vector<16xf32>,
        %add3A_1442 = arith.constant 1 : i32
        %add3A_1443 = arith.addi %mul3A_1435, %add3A_1442 : i32
        %get3A_1444 = arith.index_cast %select_n3A_628 : i32 to index
        %get3A_1445 = arith.index_cast %add3A_1443 : i32 to index
        %get3A_1446 = arith.constant 48 : index
        %get3A_1447 = tpu.vector_load %arg4[%get3A_1444, %get3A_1445, %get3A_1446] {strides = array<i32>} : memref<2x256x128xf32, #tpu.memory_space<vmem>>, vector<16xf32>,
        %add3A_1448 = arith.constant 2 : i32
        %add3A_1449 = arith.addi %mul3A_1435, %add3A_1448 : i32
        %get3A_1450 = arith.index_cast %select_n3A_628 : i32 to index
        %get3A_1451 = arith.index_cast %add3A_1449 : i32 to index
        %get3A_1452 = arith.constant 48 : index
        %get3A_1453 = tpu.vector_load %arg4[%get3A_1450, %get3A_1451, %get3A_1452] {strides = array<i32>} : memref<2x256x128xf32, #tpu.memory_space<vmem>>, vector<16xf32>,
        %add3A_1454 = arith.constant 3 : i32
        %add3A_1455 = arith.addi %mul3A_1435, %add3A_1454 : i32
        %get3A_1456 = arith.index_cast %select_n3A_628 : i32 to index
        %get3A_1457 = arith.index_cast %add3A_1455 : i32 to index
        %get3A_1458 = arith.constant 48 : index
        %get3A_1459 = tpu.vector_load %arg4[%get3A_1456, %get3A_1457, %get3A_1458] {strides = array<i32>} : memref<2x256x128xf32, #tpu.memory_space<vmem>>, vector<16xf32>,
        %add3A_1460 = arith.constant 4 : i32
        %add3A_1461 = arith.addi %mul3A_1435, %add3A_1460 : i32
        %get3A_1462 = arith.index_cast %select_n3A_628 : i32 to index
        %get3A_1463 = arith.index_cast %add3A_1461 : i32 to index
        %get3A_1464 = arith.constant 48 : index
        %get3A_1465 = tpu.vector_load %arg4[%get3A_1462, %get3A_1463, %get3A_1464] {strides = array<i32>} : memref<2x256x128xf32, #tpu.memory_space<vmem>>, vector<16xf32>,
        %add3A_1466 = arith.constant 5 : i32
        %add3A_1467 = arith.addi %mul3A_1435, %add3A_1466 : i32
        %get3A_1468 = arith.index_cast %select_n3A_628 : i32 to index
        %get3A_1469 = arith.index_cast %add3A_1467 : i32 to index
        %get3A_1470 = arith.constant 48 : index
        %get3A_1471 = tpu.vector_load %arg4[%get3A_1468, %get3A_1469, %get3A_1470] {strides = array<i32>} : memref<2x256x128xf32, #tpu.memory_space<vmem>>, vector<16xf32>,
        %add3A_1472 = arith.constant 6 : i32
        %add3A_1473 = arith.addi %mul3A_1435, %add3A_1472 : i32
        %get3A_1474 = arith.index_cast %select_n3A_628 : i32 to index
        %get3A_1475 = arith.index_cast %add3A_1473 : i32 to index
        %get3A_1476 = arith.constant 48 : index
        %get3A_1477 = tpu.vector_load %arg4[%get3A_1474, %get3A_1475, %get3A_1476] {strides = array<i32>} : memref<2x256x128xf32, #tpu.memory_space<vmem>>, vector<16xf32>,
        %add3A_1478 = arith.constant 7 : i32
        %add3A_1479 = arith.addi %mul3A_1435, %add3A_1478 : i32
        %get3A_1480 = arith.index_cast %select_n3A_628 : i32 to index
        %get3A_1481 = arith.index_cast %add3A_1479 : i32 to index
        %get3A_1482 = arith.constant 48 : index
        %get3A_1483 = tpu.vector_load %arg4[%get3A_1480, %get3A_1481, %get3A_1482] {strides = array<i32>} : memref<2x256x128xf32, #tpu.memory_space<vmem>>, vector<16xf32>,
        %add3A_1484 = arith.constant 8 : i32
        %add3A_1485 = arith.addi %mul3A_1435, %add3A_1484 : i32
        %get3A_1486 = arith.index_cast %select_n3A_628 : i32 to index
        %get3A_1487 = arith.index_cast %add3A_1485 : i32 to index
        %get3A_1488 = arith.constant 48 : index
        %get3A_1489 = tpu.vector_load %arg4[%get3A_1486, %get3A_1487, %get3A_1488] {strides = array<i32>} : memref<2x256x128xf32, #tpu.memory_space<vmem>>, vector<16xf32>,
        %add3A_1490 = arith.constant 9 : i32
        %add3A_1491 = arith.addi %mul3A_1435, %add3A_1490 : i32
        %get3A_1492 = arith.index_cast %select_n3A_628 : i32 to index
        %get3A_1493 = arith.index_cast %add3A_1491 : i32 to index
        %get3A_1494 = arith.constant 48 : index
        %get3A_1495 = tpu.vector_load %arg4[%get3A_1492, %get3A_1493, %get3A_1494] {strides = array<i32>} : memref<2x256x128xf32, #tpu.memory_space<vmem>>, vector<16xf32>,
        %add3A_1496 = arith.constant 10 : i32
        %add3A_1497 = arith.addi %mul3A_1435, %add3A_1496 : i32
        %get3A_1498 = arith.index_cast %select_n3A_628 : i32 to index
        %get3A_1499 = arith.index_cast %add3A_1497 : i32 to index
        %get3A_1500 = arith.constant 48 : index
        %get3A_1501 = tpu.vector_load %arg4[%get3A_1498, %get3A_1499, %get3A_1500] {strides = array<i32>} : memref<2x256x128xf32, #tpu.memory_space<vmem>>, vector<16xf32>,
        %add3A_1502 = arith.constant 11 : i32
        %add3A_1503 = arith.addi %mul3A_1435, %add3A_1502 : i32
        %get3A_1504 = arith.index_cast %select_n3A_628 : i32 to index
        %get3A_1505 = arith.index_cast %add3A_1503 : i32 to index
        %get3A_1506 = arith.constant 48 : index
        %get3A_1507 = tpu.vector_load %arg4[%get3A_1504, %get3A_1505, %get3A_1506] {strides = array<i32>} : memref<2x256x128xf32, #tpu.memory_space<vmem>>, vector<16xf32>,
        %add3A_1508 = arith.constant 12 : i32
        %add3A_1509 = arith.addi %mul3A_1435, %add3A_1508 : i32
        %get3A_1510 = arith.index_cast %select_n3A_628 : i32 to index
        %get3A_1511 = arith.index_cast %add3A_1509 : i32 to index
        %get3A_1512 = arith.constant 48 : index
        %get3A_1513 = tpu.vector_load %arg4[%get3A_1510, %get3A_1511, %get3A_1512] {strides = array<i32>} : memref<2x256x128xf32, #tpu.memory_space<vmem>>, vector<16xf32>,
        %add3A_1514 = arith.constant 13 : i32
        %add3A_1515 = arith.addi %mul3A_1435, %add3A_1514 : i32
        %get3A_1516 = arith.index_cast %select_n3A_628 : i32 to index
        %get3A_1517 = arith.index_cast %add3A_1515 : i32 to index
        %get3A_1518 = arith.constant 48 : index
        %get3A_1519 = tpu.vector_load %arg4[%get3A_1516, %get3A_1517, %get3A_1518] {strides = array<i32>} : memref<2x256x128xf32, #tpu.memory_space<vmem>>, vector<16xf32>,
        %add3A_1520 = arith.constant 14 : i32
        %add3A_1521 = arith.addi %mul3A_1435, %add3A_1520 : i32
        %get3A_1522 = arith.index_cast %select_n3A_628 : i32 to index
        %get3A_1523 = arith.index_cast %add3A_1521 : i32 to index
        %get3A_1524 = arith.constant 48 : index
        %get3A_1525 = tpu.vector_load %arg4[%get3A_1522, %get3A_1523, %get3A_1524] {strides = array<i32>} : memref<2x256x128xf32, #tpu.memory_space<vmem>>, vector<16xf32>,
        %add3A_1526 = arith.constant 15 : i32
        %add3A_1527 = arith.addi %mul3A_1435, %add3A_1526 : i32
        %get3A_1528 = arith.index_cast %select_n3A_628 : i32 to index
        %get3A_1529 = arith.index_cast %add3A_1527 : i32 to index
        %get3A_1530 = arith.constant 48 : index
        %get3A_1531 = tpu.vector_load %arg4[%get3A_1528, %get3A_1529, %get3A_1530] {strides = array<i32>} : memref<2x256x128xf32, #tpu.memory_space<vmem>>, vector<16xf32>,
        %max3A_1532 = arith.maximumf %get3A_1441, %get3A_1447 : vector<16xf32>
        %max3A_1533 = arith.maximumf %get3A_1453, %get3A_1459 : vector<16xf32>
        %max3A_1534 = arith.maximumf %get3A_1465, %get3A_1471 : vector<16xf32>
        %max3A_1535 = arith.maximumf %get3A_1477, %get3A_1483 : vector<16xf32>
        %max3A_1536 = arith.maximumf %get3A_1489, %get3A_1495 : vector<16xf32>
        %max3A_1537 = arith.maximumf %get3A_1501, %get3A_1507 : vector<16xf32>
        %max3A_1538 = arith.maximumf %get3A_1513, %get3A_1519 : vector<16xf32>
        %max3A_1539 = arith.maximumf %get3A_1525, %get3A_1531 : vector<16xf32>
        %max3A_1540 = arith.maximumf %max3A_1532, %max3A_1533 : vector<16xf32>
        %max3A_1541 = arith.maximumf %max3A_1534, %max3A_1535 : vector<16xf32>
        %max3A_1542 = arith.maximumf %max3A_1536, %max3A_1537 : vector<16xf32>
        %max3A_1543 = arith.maximumf %max3A_1538, %max3A_1539 : vector<16xf32>
        %max3A_1544 = arith.maximumf %max3A_1540, %max3A_1541 : vector<16xf32>
        %max3A_1545 = arith.maximumf %max3A_1542, %max3A_1543 : vector<16xf32>
        %max3A_1546 = arith.maximumf %max3A_1544, %max3A_1545 : vector<16xf32>
        %broadcast_in_dim3A_1547 = arith.constant 0 : i32
        %broadcast_in_dim3A_1548 = vector.broadcast %broadcast_in_dim3A_1547 : i32 to vector<16xi32>
        %add3A_1549 = vector.broadcast %scan3A_1433 : i32 to vector<16xi32>
        %add3A_1550 = arith.addi %broadcast_in_dim3A_1548, %add3A_1549 : vector<16xi32>
        %gt3A_1551 = arith.cmpf ogt, %max3A_1546, %max3A_1409 : vector<16xf32>
        %max3A_1552 = arith.maximumf %max3A_1409, %max3A_1546 : vector<16xf32>
        %select_n3A_1553 = arith.select %gt3A_1551, %add3A_1550, %select_n3A_1410 : vector<16xi1>, vector<16xi32>
        %min3A_1554 = arith.minimumf %max3A_1409, %max3A_1546 : vector<16xf32>
        %select_n3A_1555 = arith.select %gt3A_1551, %select_n3A_1410, %add3A_1550 : vector<16xi1>, vector<16xi32>
        %gt3A_1556 = arith.cmpf ogt, %min3A_1554, %max3A_1413 : vector<16xf32>
        %max3A_1557 = arith.maximumf %max3A_1413, %min3A_1554 : vector<16xf32>
        %select_n3A_1558 = arith.select %gt3A_1556, %select_n3A_1555, %select_n3A_1414 : vector<16xi1>, vector<16xi32>
        %min3A_1559 = arith.minimumf %max3A_1413, %min3A_1554 : vector<16xf32>
        %select_n3A_1560 = arith.select %gt3A_1556, %select_n3A_1414, %select_n3A_1555 : vector<16xi1>, vector<16xi32>
        %gt3A_1561 = arith.cmpf ogt, %min3A_1559, %max3A_1418 : vector<16xf32>
        %max3A_1562 = arith.maximumf %max3A_1418, %min3A_1559 : vector<16xf32>
        %select_n3A_1563 = arith.select %gt3A_1561, %select_n3A_1560, %select_n3A_1419 : vector<16xi1>, vector<16xi32>
        %min3A_1564 = arith.minimumf %max3A_1418, %min3A_1559 : vector<16xf32>
        %select_n3A_1565 = arith.select %gt3A_1561, %select_n3A_1419, %select_n3A_1560 : vector<16xi1>, vector<16xi32>
        %gt3A_1566 = arith.cmpf ogt, %min3A_1564, %max3A_1423 : vector<16xf32>
        %max3A_1567 = arith.maximumf %max3A_1423, %min3A_1564 : vector<16xf32>
        %select_n3A_1568 = arith.select %gt3A_1566, %select_n3A_1565, %select_n3A_1424 : vector<16xi1>, vector<16xi32>
        %min3A_1569 = arith.minimumf %max3A_1423, %min3A_1564 : vector<16xf32>
        %select_n3A_1570 = arith.select %gt3A_1566, %select_n3A_1424, %select_n3A_1565 : vector<16xi1>, vector<16xi32>
        %gt3A_1571 = arith.cmpf ogt, %min3A_1569, %max3A_1428 : vector<16xf32>
        %max3A_1572 = arith.maximumf %max3A_1428, %min3A_1569 : vector<16xf32>
        %select_n3A_1573 = arith.select %gt3A_1571, %select_n3A_1570, %select_n3A_1429 : vector<16xi1>, vector<16xi32>
        %min3A_1574 = arith.minimumf %max3A_1428, %min3A_1569 : vector<16xf32>
        %select_n3A_1575 = arith.select %gt3A_1571, %select_n3A_1429, %select_n3A_1570 : vector<16xi1>, vector<16xi32>
        scf.yield %max3A_1552, %max3A_1557, %max3A_1562, %max3A_1567, %max3A_1572, %select_n3A_1553, %select_n3A_1558, %select_n3A_1563, %select_n3A_1568, %select_n3A_1573 : vector<16xf32>, vector<16xf32>, vector<16xf32>, vector<16xf32>, vector<16xf32>, vector<16xi32>, vector<16xi32>, vector<16xi32>, vector<16xi32>, vector<16xi32>
      }
      %scan3A_931 = arith.constant 16 : i32
      %get3A_932 = arith.constant 15 : i32
      %get3A_933 = arith.index_cast %get3A_932 : i32 to index
      %get3A_934 = arith.constant 0 : index
      %get3A_935 = tpu.vector_load %arg5[%get3A_933, %get3A_934] {strides = array<i32>} : memref<40x16xf32, #tpu.memory_space<vmem>>, vector<16xf32>,
      %get3A_936 = arith.constant 16 : i32
      %get3A_937 = arith.index_cast %get3A_936 : i32 to index
      %get3A_938 = arith.constant 0 : index
      %get3A_939 = tpu.vector_load %arg5[%get3A_937, %get3A_938] {strides = array<i32>} : memref<40x16xf32, #tpu.memory_space<vmem>>, vector<16xf32>,
      %get3A_940 = arith.constant 17 : i32
      %get3A_941 = arith.index_cast %get3A_940 : i32 to index
      %get3A_942 = arith.constant 0 : index
      %get3A_943 = tpu.vector_load %arg5[%get3A_941, %get3A_942] {strides = array<i32>} : memref<40x16xf32, #tpu.memory_space<vmem>>, vector<16xf32>,
      %get3A_944 = arith.constant 18 : i32
      %get3A_945 = arith.index_cast %get3A_944 : i32 to index
      %get3A_946 = arith.constant 0 : index
      %get3A_947 = tpu.vector_load %arg5[%get3A_945, %get3A_946] {strides = array<i32>} : memref<40x16xf32, #tpu.memory_space<vmem>>, vector<16xf32>,
      %get3A_948 = arith.constant 19 : i32
      %get3A_949 = arith.index_cast %get3A_948 : i32 to index
      %get3A_950 = arith.constant 0 : index
      %get3A_951 = tpu.vector_load %arg5[%get3A_949, %get3A_950] {strides = array<i32>} : memref<40x16xf32, #tpu.memory_space<vmem>>, vector<16xf32>,
      %add3A_952 = arith.constant 48 : i32
      %add3A_953 = vector.broadcast %add3A_952 : i32 to vector<16xi32>
      %add3A_954 = arith.addi %add3A_953, %iota3A : vector<16xi32>
      %scan3A_955 = arith.constant 0 : i32
      %scan3A_956 = arith.constant 5 : i32
      %scan3A_957 = arith.addi %scan3A_955, %scan3A_956 : i32
      %scan3A_958 = arith.constant 1 : i32
      %scan3A_959:5 = scf.for %scan3A_1282 = %scan3A_955 to %scan3A_957 step %scan3A_958 iter_args(%scan3A_1283 = %get3A_935, %scan3A_1284 = %get3A_939, %scan3A_1285 = %get3A_943, %scan3A_1286 = %get3A_947, %scan3A_1287 = %get3A_951) -> (vector<16xf32>, vector<16xf32>, vector<16xf32>, vector<16xf32>, vector<16xf32>)  : i32 {
        %eq3A_1288 = arith.constant 0 : i32
        %eq3A_1289 = arith.cmpi eq, %scan3A_1282, %eq3A_1288 : i32
        %eq3A_1290 = arith.constant 1 : i32
        %eq3A_1291 = arith.cmpi eq, %scan3A_1282, %eq3A_1290 : i32
        %eq3A_1292 = arith.constant 2 : i32
        %eq3A_1293 = arith.cmpi eq, %scan3A_1282, %eq3A_1292 : i32
        %eq3A_1294 = arith.constant 3 : i32
        %eq3A_1295 = arith.cmpi eq, %scan3A_1282, %eq3A_1294 : i32
        %select_n3A_1296 = arith.select %eq3A_1295, %scan3A_930#8, %scan3A_930#9 : vector<16xi32>
        %select_n3A_1297 = arith.select %eq3A_1293, %scan3A_930#7, %select_n3A_1296 : vector<16xi32>
        %select_n3A_1298 = arith.select %eq3A_1291, %scan3A_930#6, %select_n3A_1297 : vector<16xi32>
        %select_n3A_1299 = arith.select %eq3A_1289, %scan3A_930#5, %select_n3A_1298 : vector<16xi32>
        %mul3A_1300 = arith.constant 16 : i32
        %mul3A_1301 = vector.broadcast %mul3A_1300 : i32 to vector<16xi32>
        %mul3A_1302 = arith.muli %select_n3A_1299, %mul3A_1301 : vector<16xi32>
        %scan3A_1303 = arith.constant 0 : i32
        %scan3A_1304 = arith.constant 16 : i32
        %scan3A_1305 = arith.addi %scan3A_1303, %scan3A_1304 : i32
        %scan3A_1306 = arith.constant 1 : i32
        %scan3A_1307:5 = scf.for %scan3A_1309 = %scan3A_1303 to %scan3A_1305 step %scan3A_1306 iter_args(%scan3A_1310 = %scan3A_1283, %scan3A_1311 = %scan3A_1284, %scan3A_1312 = %scan3A_1285, %scan3A_1313 = %scan3A_1286, %scan3A_1314 = %scan3A_1287) -> (vector<16xf32>, vector<16xf32>, vector<16xf32>, vector<16xf32>, vector<16xf32>)  : i32 {
          %add3A_1315 = vector.broadcast %scan3A_1309 : i32 to vector<16xi32>
          %add3A_1316 = arith.addi %mul3A_1302, %add3A_1315 : vector<16xi32>
          %gather3A = tpu.vector_load_idx %arg4[%add3A_681, %add3A_1316, %add3A_954] : memref<2x256x128xf32, #tpu.memory_space<vmem>>[vector<16xi32>, vector<16xi32>, vector<16xi32>], vector<16xf32>,
          %max3A = arith.maximumf %scan3A_1310, %gather3A : vector<16xf32>
          %min3A = arith.minimumf %scan3A_1310, %gather3A : vector<16xf32>
          %max3A_1317 = arith.maximumf %scan3A_1311, %min3A : vector<16xf32>
          %min3A_1318 = arith.minimumf %scan3A_1311, %min3A : vector<16xf32>
          %max3A_1319 = arith.maximumf %scan3A_1312, %min3A_1318 : vector<16xf32>
          %min3A_1320 = arith.minimumf %scan3A_1312, %min3A_1318 : vector<16xf32>
          %max3A_1321 = arith.maximumf %scan3A_1313, %min3A_1320 : vector<16xf32>
          %min3A_1322 = arith.minimumf %scan3A_1313, %min3A_1320 : vector<16xf32>
          %max3A_1323 = arith.maximumf %scan3A_1314, %min3A_1322 : vector<16xf32>
          %min3A_1324 = arith.minimumf %scan3A_1314, %min3A_1322 : vector<16xf32>
          scf.yield %max3A, %max3A_1317, %max3A_1319, %max3A_1321, %max3A_1323 : vector<16xf32>, vector<16xf32>, vector<16xf32>, vector<16xf32>, vector<16xf32>
        }
        %scan3A_1308 = arith.constant 16 : i32
        scf.yield %scan3A_1307#0, %scan3A_1307#1, %scan3A_1307#2, %scan3A_1307#3, %scan3A_1307#4 : vector<16xf32>, vector<16xf32>, vector<16xf32>, vector<16xf32>, vector<16xf32>
      }
      %scan3A_960 = arith.constant 5 : i32
      %swap3A_961 = arith.constant 15 : i32
      %swap3A_962 = arith.index_cast %swap3A_961 : i32 to index
      %swap3A_963 = arith.constant 0 : index
      %swap3A_964 = tpu.vector_load %arg5[%swap3A_962, %swap3A_963] {strides = array<i32>} : memref<40x16xf32, #tpu.memory_space<vmem>>, vector<16xf32>,
      tpu.vector_store %arg5[%swap3A_962, %swap3A_963], %scan3A_959#0 {strides = array<i32>} : memref<40x16xf32, #tpu.memory_space<vmem>>, vector<16xf32>,
      %swap3A_965 = arith.constant 16 : i32
      %swap3A_966 = arith.index_cast %swap3A_965 : i32 to index
      %swap3A_967 = arith.constant 0 : index
      %swap3A_968 = tpu.vector_load %arg5[%swap3A_966, %swap3A_967] {strides = array<i32>} : memref<40x16xf32, #tpu.memory_space<vmem>>, vector<16xf32>,
      tpu.vector_store %arg5[%swap3A_966, %swap3A_967], %scan3A_959#1 {strides = array<i32>} : memref<40x16xf32, #tpu.memory_space<vmem>>, vector<16xf32>,
      %swap3A_969 = arith.constant 17 : i32
      %swap3A_970 = arith.index_cast %swap3A_969 : i32 to index
      %swap3A_971 = arith.constant 0 : index
      %swap3A_972 = tpu.vector_load %arg5[%swap3A_970, %swap3A_971] {strides = array<i32>} : memref<40x16xf32, #tpu.memory_space<vmem>>, vector<16xf32>,
      tpu.vector_store %arg5[%swap3A_970, %swap3A_971], %scan3A_959#2 {strides = array<i32>} : memref<40x16xf32, #tpu.memory_space<vmem>>, vector<16xf32>,
      %swap3A_973 = arith.constant 18 : i32
      %swap3A_974 = arith.index_cast %swap3A_973 : i32 to index
      %swap3A_975 = arith.constant 0 : index
      %swap3A_976 = tpu.vector_load %arg5[%swap3A_974, %swap3A_975] {strides = array<i32>} : memref<40x16xf32, #tpu.memory_space<vmem>>, vector<16xf32>,
      tpu.vector_store %arg5[%swap3A_974, %swap3A_975], %scan3A_959#3 {strides = array<i32>} : memref<40x16xf32, #tpu.memory_space<vmem>>, vector<16xf32>,
      %swap3A_977 = arith.constant 19 : i32
      %swap3A_978 = arith.index_cast %swap3A_977 : i32 to index
      %swap3A_979 = arith.constant 0 : index
      %swap3A_980 = tpu.vector_load %arg5[%swap3A_978, %swap3A_979] {strides = array<i32>} : memref<40x16xf32, #tpu.memory_space<vmem>>, vector<16xf32>,
      tpu.vector_store %arg5[%swap3A_978, %swap3A_979], %scan3A_959#4 {strides = array<i32>} : memref<40x16xf32, #tpu.memory_space<vmem>>, vector<16xf32>,
      %broadcast_in_dim3A_981 = arith.constant 0xFF800000 : f32
      %broadcast_in_dim3A_982 = vector.broadcast %broadcast_in_dim3A_981 : f32 to vector<16xf32>
      %broadcast_in_dim3A_983 = arith.constant 0xFF800000 : f32
      %broadcast_in_dim3A_984 = vector.broadcast %broadcast_in_dim3A_983 : f32 to vector<16xf32>
      %broadcast_in_dim3A_985 = arith.constant 0xFF800000 : f32
      %broadcast_in_dim3A_986 = vector.broadcast %broadcast_in_dim3A_985 : f32 to vector<16xf32>
      %broadcast_in_dim3A_987 = arith.constant 0xFF800000 : f32
      %broadcast_in_dim3A_988 = vector.broadcast %broadcast_in_dim3A_987 : f32 to vector<16xf32>
      %broadcast_in_dim3A_989 = arith.constant 0xFF800000 : f32
      %broadcast_in_dim3A_990 = vector.broadcast %broadcast_in_dim3A_989 : f32 to vector<16xf32>
      %broadcast_in_dim3A_991 = arith.constant 0 : i32
      %broadcast_in_dim3A_992 = vector.broadcast %broadcast_in_dim3A_991 : i32 to vector<16xi32>
      %broadcast_in_dim3A_993 = arith.constant 0 : i32
      %broadcast_in_dim3A_994 = vector.broadcast %broadcast_in_dim3A_993 : i32 to vector<16xi32>
      %broadcast_in_dim3A_995 = arith.constant 0 : i32
      %broadcast_in_dim3A_996 = vector.broadcast %broadcast_in_dim3A_995 : i32 to vector<16xi32>
      %broadcast_in_dim3A_997 = arith.constant 0 : i32
      %broadcast_in_dim3A_998 = vector.broadcast %broadcast_in_dim3A_997 : i32 to vector<16xi32>
      %broadcast_in_dim3A_999 = arith.constant 0 : i32
      %broadcast_in_dim3A_1000 = vector.broadcast %broadcast_in_dim3A_999 : i32 to vector<16xi32>
      %scan3A_1001 = arith.constant 0 : i32
      %scan3A_1002 = arith.constant 16 : i32
      %scan3A_1003 = arith.addi %scan3A_1001, %scan3A_1002 : i32
      %scan3A_1004 = arith.constant 2 : i32
      %scan3A_1005:10 = scf.for %scan3A_1282 = %scan3A_1001 to %scan3A_1003 step %scan3A_1004 iter_args(%scan3A_1283 = %broadcast_in_dim3A_982, %scan3A_1284 = %broadcast_in_dim3A_984, %scan3A_1285 = %broadcast_in_dim3A_986, %scan3A_1286 = %broadcast_in_dim3A_988, %scan3A_1287 = %broadcast_in_dim3A_990, %scan3A_1288 = %broadcast_in_dim3A_992, %scan3A_1289 = %broadcast_in_dim3A_994, %scan3A_1290 = %broadcast_in_dim3A_996, %scan3A_1291 = %broadcast_in_dim3A_998, %scan3A_1292 = %broadcast_in_dim3A_1000) -> (vector<16xf32>, vector<16xf32>, vector<16xf32>, vector<16xf32>, vector<16xf32>, vector<16xi32>, vector<16xi32>, vector<16xi32>, vector<16xi32>, vector<16xi32>)  : i32 {
        %mul3A_1293 = arith.constant 16 : i32
        %mul3A_1294 = arith.muli %scan3A_1282, %mul3A_1293 : i32
        %add3A_1295 = arith.constant 0 : i32
        %add3A_1296 = arith.addi %mul3A_1294, %add3A_1295 : i32
        %get3A_1297 = arith.index_cast %select_n3A_628 : i32 to index
        %get3A_1298 = arith.index_cast %add3A_1296 : i32 to index
        %get3A_1299 = arith.constant 64 : index
        %get3A_1300 = tpu.vector_load %arg4[%get3A_1297, %get3A_1298, %get3A_1299] {strides = array<i32>} : memref<2x256x128xf32, #tpu.memory_space<vmem>>, vector<16xf32>,
        %add3A_1301 = arith.constant 1 : i32
        %add3A_1302 = arith.addi %mul3A_1294, %add3A_1301 : i32
        %get3A_1303 = arith.index_cast %select_n3A_628 : i32 to index
        %get3A_1304 = arith.index_cast %add3A_1302 : i32 to index
        %get3A_1305 = arith.constant 64 : index
        %get3A_1306 = tpu.vector_load %arg4[%get3A_1303, %get3A_1304, %get3A_1305] {strides = array<i32>} : memref<2x256x128xf32, #tpu.memory_space<vmem>>, vector<16xf32>,
        %add3A_1307 = arith.constant 2 : i32
        %add3A_1308 = arith.addi %mul3A_1294, %add3A_1307 : i32
        %get3A_1309 = arith.index_cast %select_n3A_628 : i32 to index
        %get3A_1310 = arith.index_cast %add3A_1308 : i32 to index
        %get3A_1311 = arith.constant 64 : index
        %get3A_1312 = tpu.vector_load %arg4[%get3A_1309, %get3A_1310, %get3A_1311] {strides = array<i32>} : memref<2x256x128xf32, #tpu.memory_space<vmem>>, vector<16xf32>,
        %add3A_1313 = arith.constant 3 : i32
        %add3A_1314 = arith.addi %mul3A_1294, %add3A_1313 : i32
        %get3A_1315 = arith.index_cast %select_n3A_628 : i32 to index
        %get3A_1316 = arith.index_cast %add3A_1314 : i32 to index
        %get3A_1317 = arith.constant 64 : index
        %get3A_1318 = tpu.vector_load %arg4[%get3A_1315, %get3A_1316, %get3A_1317] {strides = array<i32>} : memref<2x256x128xf32, #tpu.memory_space<vmem>>, vector<16xf32>,
        %add3A_1319 = arith.constant 4 : i32
        %add3A_1320 = arith.addi %mul3A_1294, %add3A_1319 : i32
        %get3A_1321 = arith.index_cast %select_n3A_628 : i32 to index
        %get3A_1322 = arith.index_cast %add3A_1320 : i32 to index
        %get3A_1323 = arith.constant 64 : index
        %get3A_1324 = tpu.vector_load %arg4[%get3A_1321, %get3A_1322, %get3A_1323] {strides = array<i32>} : memref<2x256x128xf32, #tpu.memory_space<vmem>>, vector<16xf32>,
        %add3A_1325 = arith.constant 5 : i32
        %add3A_1326 = arith.addi %mul3A_1294, %add3A_1325 : i32
        %get3A_1327 = arith.index_cast %select_n3A_628 : i32 to index
        %get3A_1328 = arith.index_cast %add3A_1326 : i32 to index
        %get3A_1329 = arith.constant 64 : index
        %get3A_1330 = tpu.vector_load %arg4[%get3A_1327, %get3A_1328, %get3A_1329] {strides = array<i32>} : memref<2x256x128xf32, #tpu.memory_space<vmem>>, vector<16xf32>,
        %add3A_1331 = arith.constant 6 : i32
        %add3A_1332 = arith.addi %mul3A_1294, %add3A_1331 : i32
        %get3A_1333 = arith.index_cast %select_n3A_628 : i32 to index
        %get3A_1334 = arith.index_cast %add3A_1332 : i32 to index
        %get3A_1335 = arith.constant 64 : index
        %get3A_1336 = tpu.vector_load %arg4[%get3A_1333, %get3A_1334, %get3A_1335] {strides = array<i32>} : memref<2x256x128xf32, #tpu.memory_space<vmem>>, vector<16xf32>,
        %add3A_1337 = arith.constant 7 : i32
        %add3A_1338 = arith.addi %mul3A_1294, %add3A_1337 : i32
        %get3A_1339 = arith.index_cast %select_n3A_628 : i32 to index
        %get3A_1340 = arith.index_cast %add3A_1338 : i32 to index
        %get3A_1341 = arith.constant 64 : index
        %get3A_1342 = tpu.vector_load %arg4[%get3A_1339, %get3A_1340, %get3A_1341] {strides = array<i32>} : memref<2x256x128xf32, #tpu.memory_space<vmem>>, vector<16xf32>,
        %add3A_1343 = arith.constant 8 : i32
        %add3A_1344 = arith.addi %mul3A_1294, %add3A_1343 : i32
        %get3A_1345 = arith.index_cast %select_n3A_628 : i32 to index
        %get3A_1346 = arith.index_cast %add3A_1344 : i32 to index
        %get3A_1347 = arith.constant 64 : index
        %get3A_1348 = tpu.vector_load %arg4[%get3A_1345, %get3A_1346, %get3A_1347] {strides = array<i32>} : memref<2x256x128xf32, #tpu.memory_space<vmem>>, vector<16xf32>,
        %add3A_1349 = arith.constant 9 : i32
        %add3A_1350 = arith.addi %mul3A_1294, %add3A_1349 : i32
        %get3A_1351 = arith.index_cast %select_n3A_628 : i32 to index
        %get3A_1352 = arith.index_cast %add3A_1350 : i32 to index
        %get3A_1353 = arith.constant 64 : index
        %get3A_1354 = tpu.vector_load %arg4[%get3A_1351, %get3A_1352, %get3A_1353] {strides = array<i32>} : memref<2x256x128xf32, #tpu.memory_space<vmem>>, vector<16xf32>,
        %add3A_1355 = arith.constant 10 : i32
        %add3A_1356 = arith.addi %mul3A_1294, %add3A_1355 : i32
        %get3A_1357 = arith.index_cast %select_n3A_628 : i32 to index
        %get3A_1358 = arith.index_cast %add3A_1356 : i32 to index
        %get3A_1359 = arith.constant 64 : index
        %get3A_1360 = tpu.vector_load %arg4[%get3A_1357, %get3A_1358, %get3A_1359] {strides = array<i32>} : memref<2x256x128xf32, #tpu.memory_space<vmem>>, vector<16xf32>,
        %add3A_1361 = arith.constant 11 : i32
        %add3A_1362 = arith.addi %mul3A_1294, %add3A_1361 : i32
        %get3A_1363 = arith.index_cast %select_n3A_628 : i32 to index
        %get3A_1364 = arith.index_cast %add3A_1362 : i32 to index
        %get3A_1365 = arith.constant 64 : index
        %get3A_1366 = tpu.vector_load %arg4[%get3A_1363, %get3A_1364, %get3A_1365] {strides = array<i32>} : memref<2x256x128xf32, #tpu.memory_space<vmem>>, vector<16xf32>,
        %add3A_1367 = arith.constant 12 : i32
        %add3A_1368 = arith.addi %mul3A_1294, %add3A_1367 : i32
        %get3A_1369 = arith.index_cast %select_n3A_628 : i32 to index
        %get3A_1370 = arith.index_cast %add3A_1368 : i32 to index
        %get3A_1371 = arith.constant 64 : index
        %get3A_1372 = tpu.vector_load %arg4[%get3A_1369, %get3A_1370, %get3A_1371] {strides = array<i32>} : memref<2x256x128xf32, #tpu.memory_space<vmem>>, vector<16xf32>,
        %add3A_1373 = arith.constant 13 : i32
        %add3A_1374 = arith.addi %mul3A_1294, %add3A_1373 : i32
        %get3A_1375 = arith.index_cast %select_n3A_628 : i32 to index
        %get3A_1376 = arith.index_cast %add3A_1374 : i32 to index
        %get3A_1377 = arith.constant 64 : index
        %get3A_1378 = tpu.vector_load %arg4[%get3A_1375, %get3A_1376, %get3A_1377] {strides = array<i32>} : memref<2x256x128xf32, #tpu.memory_space<vmem>>, vector<16xf32>,
        %add3A_1379 = arith.constant 14 : i32
        %add3A_1380 = arith.addi %mul3A_1294, %add3A_1379 : i32
        %get3A_1381 = arith.index_cast %select_n3A_628 : i32 to index
        %get3A_1382 = arith.index_cast %add3A_1380 : i32 to index
        %get3A_1383 = arith.constant 64 : index
        %get3A_1384 = tpu.vector_load %arg4[%get3A_1381, %get3A_1382, %get3A_1383] {strides = array<i32>} : memref<2x256x128xf32, #tpu.memory_space<vmem>>, vector<16xf32>,
        %add3A_1385 = arith.constant 15 : i32
        %add3A_1386 = arith.addi %mul3A_1294, %add3A_1385 : i32
        %get3A_1387 = arith.index_cast %select_n3A_628 : i32 to index
        %get3A_1388 = arith.index_cast %add3A_1386 : i32 to index
        %get3A_1389 = arith.constant 64 : index
        %get3A_1390 = tpu.vector_load %arg4[%get3A_1387, %get3A_1388, %get3A_1389] {strides = array<i32>} : memref<2x256x128xf32, #tpu.memory_space<vmem>>, vector<16xf32>,
        %max3A = arith.maximumf %get3A_1300, %get3A_1306 : vector<16xf32>
        %max3A_1391 = arith.maximumf %get3A_1312, %get3A_1318 : vector<16xf32>
        %max3A_1392 = arith.maximumf %get3A_1324, %get3A_1330 : vector<16xf32>
        %max3A_1393 = arith.maximumf %get3A_1336, %get3A_1342 : vector<16xf32>
        %max3A_1394 = arith.maximumf %get3A_1348, %get3A_1354 : vector<16xf32>
        %max3A_1395 = arith.maximumf %get3A_1360, %get3A_1366 : vector<16xf32>
        %max3A_1396 = arith.maximumf %get3A_1372, %get3A_1378 : vector<16xf32>
        %max3A_1397 = arith.maximumf %get3A_1384, %get3A_1390 : vector<16xf32>
        %max3A_1398 = arith.maximumf %max3A, %max3A_1391 : vector<16xf32>
        %max3A_1399 = arith.maximumf %max3A_1392, %max3A_1393 : vector<16xf32>
        %max3A_1400 = arith.maximumf %max3A_1394, %max3A_1395 : vector<16xf32>
        %max3A_1401 = arith.maximumf %max3A_1396, %max3A_1397 : vector<16xf32>
        %max3A_1402 = arith.maximumf %max3A_1398, %max3A_1399 : vector<16xf32>
        %max3A_1403 = arith.maximumf %max3A_1400, %max3A_1401 : vector<16xf32>
        %max3A_1404 = arith.maximumf %max3A_1402, %max3A_1403 : vector<16xf32>
        %broadcast_in_dim3A_1405 = arith.constant 0 : i32
        %broadcast_in_dim3A_1406 = vector.broadcast %broadcast_in_dim3A_1405 : i32 to vector<16xi32>
        %add3A_1407 = vector.broadcast %scan3A_1282 : i32 to vector<16xi32>
        %add3A_1408 = arith.addi %broadcast_in_dim3A_1406, %add3A_1407 : vector<16xi32>
        %gt3A = arith.cmpf ogt, %max3A_1404, %scan3A_1283 : vector<16xf32>
        %max3A_1409 = arith.maximumf %scan3A_1283, %max3A_1404 : vector<16xf32>
        %select_n3A_1410 = arith.select %gt3A, %add3A_1408, %scan3A_1288 : vector<16xi1>, vector<16xi32>
        %min3A = arith.minimumf %scan3A_1283, %max3A_1404 : vector<16xf32>
        %select_n3A_1411 = arith.select %gt3A, %scan3A_1288, %add3A_1408 : vector<16xi1>, vector<16xi32>
        %gt3A_1412 = arith.cmpf ogt, %min3A, %scan3A_1284 : vector<16xf32>
        %max3A_1413 = arith.maximumf %scan3A_1284, %min3A : vector<16xf32>
        %select_n3A_1414 = arith.select %gt3A_1412, %select_n3A_1411, %scan3A_1289 : vector<16xi1>, vector<16xi32>
        %min3A_1415 = arith.minimumf %scan3A_1284, %min3A : vector<16xf32>
        %select_n3A_1416 = arith.select %gt3A_1412, %scan3A_1289, %select_n3A_1411 : vector<16xi1>, vector<16xi32>
        %gt3A_1417 = arith.cmpf ogt, %min3A_1415, %scan3A_1285 : vector<16xf32>
        %max3A_1418 = arith.maximumf %scan3A_1285, %min3A_1415 : vector<16xf32>
        %select_n3A_1419 = arith.select %gt3A_1417, %select_n3A_1416, %scan3A_1290 : vector<16xi1>, vector<16xi32>
        %min3A_1420 = arith.minimumf %scan3A_1285, %min3A_1415 : vector<16xf32>
        %select_n3A_1421 = arith.select %gt3A_1417, %scan3A_1290, %select_n3A_1416 : vector<16xi1>, vector<16xi32>
        %gt3A_1422 = arith.cmpf ogt, %min3A_1420, %scan3A_1286 : vector<16xf32>
        %max3A_1423 = arith.maximumf %scan3A_1286, %min3A_1420 : vector<16xf32>
        %select_n3A_1424 = arith.select %gt3A_1422, %select_n3A_1421, %scan3A_1291 : vector<16xi1>, vector<16xi32>
        %min3A_1425 = arith.minimumf %scan3A_1286, %min3A_1420 : vector<16xf32>
        %select_n3A_1426 = arith.select %gt3A_1422, %scan3A_1291, %select_n3A_1421 : vector<16xi1>, vector<16xi32>
        %gt3A_1427 = arith.cmpf ogt, %min3A_1425, %scan3A_1287 : vector<16xf32>
        %max3A_1428 = arith.maximumf %scan3A_1287, %min3A_1425 : vector<16xf32>
        %select_n3A_1429 = arith.select %gt3A_1427, %select_n3A_1426, %scan3A_1292 : vector<16xi1>, vector<16xi32>
        %min3A_1430 = arith.minimumf %scan3A_1287, %min3A_1425 : vector<16xf32>
        %select_n3A_1431 = arith.select %gt3A_1427, %scan3A_1292, %select_n3A_1426 : vector<16xi1>, vector<16xi32>
        %scan3A_1432 = arith.constant 1 : i32
        %scan3A_1433 = arith.addi %scan3A_1282, %scan3A_1432 : i32
        %mul3A_1434 = arith.constant 16 : i32
        %mul3A_1435 = arith.muli %scan3A_1433, %mul3A_1434 : i32
        %add3A_1436 = arith.constant 0 : i32
        %add3A_1437 = arith.addi %mul3A_1435, %add3A_1436 : i32
        %get3A_1438 = arith.index_cast %select_n3A_628 : i32 to index
        %get3A_1439 = arith.index_cast %add3A_1437 : i32 to index
        %get3A_1440 = arith.constant 64 : index
        %get3A_1441 = tpu.vector_load %arg4[%get3A_1438, %get3A_1439, %get3A_1440] {strides = array<i32>} : memref<2x256x128xf32, #tpu.memory_space<vmem>>, vector<16xf32>,
        %add3A_1442 = arith.constant 1 : i32
        %add3A_1443 = arith.addi %mul3A_1435, %add3A_1442 : i32
        %get3A_1444 = arith.index_cast %select_n3A_628 : i32 to index
        %get3A_1445 = arith.index_cast %add3A_1443 : i32 to index
        %get3A_1446 = arith.constant 64 : index
        %get3A_1447 = tpu.vector_load %arg4[%get3A_1444, %get3A_1445, %get3A_1446] {strides = array<i32>} : memref<2x256x128xf32, #tpu.memory_space<vmem>>, vector<16xf32>,
        %add3A_1448 = arith.constant 2 : i32
        %add3A_1449 = arith.addi %mul3A_1435, %add3A_1448 : i32
        %get3A_1450 = arith.index_cast %select_n3A_628 : i32 to index
        %get3A_1451 = arith.index_cast %add3A_1449 : i32 to index
        %get3A_1452 = arith.constant 64 : index
        %get3A_1453 = tpu.vector_load %arg4[%get3A_1450, %get3A_1451, %get3A_1452] {strides = array<i32>} : memref<2x256x128xf32, #tpu.memory_space<vmem>>, vector<16xf32>,
        %add3A_1454 = arith.constant 3 : i32
        %add3A_1455 = arith.addi %mul3A_1435, %add3A_1454 : i32
        %get3A_1456 = arith.index_cast %select_n3A_628 : i32 to index
        %get3A_1457 = arith.index_cast %add3A_1455 : i32 to index
        %get3A_1458 = arith.constant 64 : index
        %get3A_1459 = tpu.vector_load %arg4[%get3A_1456, %get3A_1457, %get3A_1458] {strides = array<i32>} : memref<2x256x128xf32, #tpu.memory_space<vmem>>, vector<16xf32>,
        %add3A_1460 = arith.constant 4 : i32
        %add3A_1461 = arith.addi %mul3A_1435, %add3A_1460 : i32
        %get3A_1462 = arith.index_cast %select_n3A_628 : i32 to index
        %get3A_1463 = arith.index_cast %add3A_1461 : i32 to index
        %get3A_1464 = arith.constant 64 : index
        %get3A_1465 = tpu.vector_load %arg4[%get3A_1462, %get3A_1463, %get3A_1464] {strides = array<i32>} : memref<2x256x128xf32, #tpu.memory_space<vmem>>, vector<16xf32>,
        %add3A_1466 = arith.constant 5 : i32
        %add3A_1467 = arith.addi %mul3A_1435, %add3A_1466 : i32
        %get3A_1468 = arith.index_cast %select_n3A_628 : i32 to index
        %get3A_1469 = arith.index_cast %add3A_1467 : i32 to index
        %get3A_1470 = arith.constant 64 : index
        %get3A_1471 = tpu.vector_load %arg4[%get3A_1468, %get3A_1469, %get3A_1470] {strides = array<i32>} : memref<2x256x128xf32, #tpu.memory_space<vmem>>, vector<16xf32>,
        %add3A_1472 = arith.constant 6 : i32
        %add3A_1473 = arith.addi %mul3A_1435, %add3A_1472 : i32
        %get3A_1474 = arith.index_cast %select_n3A_628 : i32 to index
        %get3A_1475 = arith.index_cast %add3A_1473 : i32 to index
        %get3A_1476 = arith.constant 64 : index
        %get3A_1477 = tpu.vector_load %arg4[%get3A_1474, %get3A_1475, %get3A_1476] {strides = array<i32>} : memref<2x256x128xf32, #tpu.memory_space<vmem>>, vector<16xf32>,
        %add3A_1478 = arith.constant 7 : i32
        %add3A_1479 = arith.addi %mul3A_1435, %add3A_1478 : i32
        %get3A_1480 = arith.index_cast %select_n3A_628 : i32 to index
        %get3A_1481 = arith.index_cast %add3A_1479 : i32 to index
        %get3A_1482 = arith.constant 64 : index
        %get3A_1483 = tpu.vector_load %arg4[%get3A_1480, %get3A_1481, %get3A_1482] {strides = array<i32>} : memref<2x256x128xf32, #tpu.memory_space<vmem>>, vector<16xf32>,
        %add3A_1484 = arith.constant 8 : i32
        %add3A_1485 = arith.addi %mul3A_1435, %add3A_1484 : i32
        %get3A_1486 = arith.index_cast %select_n3A_628 : i32 to index
        %get3A_1487 = arith.index_cast %add3A_1485 : i32 to index
        %get3A_1488 = arith.constant 64 : index
        %get3A_1489 = tpu.vector_load %arg4[%get3A_1486, %get3A_1487, %get3A_1488] {strides = array<i32>} : memref<2x256x128xf32, #tpu.memory_space<vmem>>, vector<16xf32>,
        %add3A_1490 = arith.constant 9 : i32
        %add3A_1491 = arith.addi %mul3A_1435, %add3A_1490 : i32
        %get3A_1492 = arith.index_cast %select_n3A_628 : i32 to index
        %get3A_1493 = arith.index_cast %add3A_1491 : i32 to index
        %get3A_1494 = arith.constant 64 : index
        %get3A_1495 = tpu.vector_load %arg4[%get3A_1492, %get3A_1493, %get3A_1494] {strides = array<i32>} : memref<2x256x128xf32, #tpu.memory_space<vmem>>, vector<16xf32>,
        %add3A_1496 = arith.constant 10 : i32
        %add3A_1497 = arith.addi %mul3A_1435, %add3A_1496 : i32
        %get3A_1498 = arith.index_cast %select_n3A_628 : i32 to index
        %get3A_1499 = arith.index_cast %add3A_1497 : i32 to index
        %get3A_1500 = arith.constant 64 : index
        %get3A_1501 = tpu.vector_load %arg4[%get3A_1498, %get3A_1499, %get3A_1500] {strides = array<i32>} : memref<2x256x128xf32, #tpu.memory_space<vmem>>, vector<16xf32>,
        %add3A_1502 = arith.constant 11 : i32
        %add3A_1503 = arith.addi %mul3A_1435, %add3A_1502 : i32
        %get3A_1504 = arith.index_cast %select_n3A_628 : i32 to index
        %get3A_1505 = arith.index_cast %add3A_1503 : i32 to index
        %get3A_1506 = arith.constant 64 : index
        %get3A_1507 = tpu.vector_load %arg4[%get3A_1504, %get3A_1505, %get3A_1506] {strides = array<i32>} : memref<2x256x128xf32, #tpu.memory_space<vmem>>, vector<16xf32>,
        %add3A_1508 = arith.constant 12 : i32
        %add3A_1509 = arith.addi %mul3A_1435, %add3A_1508 : i32
        %get3A_1510 = arith.index_cast %select_n3A_628 : i32 to index
        %get3A_1511 = arith.index_cast %add3A_1509 : i32 to index
        %get3A_1512 = arith.constant 64 : index
        %get3A_1513 = tpu.vector_load %arg4[%get3A_1510, %get3A_1511, %get3A_1512] {strides = array<i32>} : memref<2x256x128xf32, #tpu.memory_space<vmem>>, vector<16xf32>,
        %add3A_1514 = arith.constant 13 : i32
        %add3A_1515 = arith.addi %mul3A_1435, %add3A_1514 : i32
        %get3A_1516 = arith.index_cast %select_n3A_628 : i32 to index
        %get3A_1517 = arith.index_cast %add3A_1515 : i32 to index
        %get3A_1518 = arith.constant 64 : index
        %get3A_1519 = tpu.vector_load %arg4[%get3A_1516, %get3A_1517, %get3A_1518] {strides = array<i32>} : memref<2x256x128xf32, #tpu.memory_space<vmem>>, vector<16xf32>,
        %add3A_1520 = arith.constant 14 : i32
        %add3A_1521 = arith.addi %mul3A_1435, %add3A_1520 : i32
        %get3A_1522 = arith.index_cast %select_n3A_628 : i32 to index
        %get3A_1523 = arith.index_cast %add3A_1521 : i32 to index
        %get3A_1524 = arith.constant 64 : index
        %get3A_1525 = tpu.vector_load %arg4[%get3A_1522, %get3A_1523, %get3A_1524] {strides = array<i32>} : memref<2x256x128xf32, #tpu.memory_space<vmem>>, vector<16xf32>,
        %add3A_1526 = arith.constant 15 : i32
        %add3A_1527 = arith.addi %mul3A_1435, %add3A_1526 : i32
        %get3A_1528 = arith.index_cast %select_n3A_628 : i32 to index
        %get3A_1529 = arith.index_cast %add3A_1527 : i32 to index
        %get3A_1530 = arith.constant 64 : index
        %get3A_1531 = tpu.vector_load %arg4[%get3A_1528, %get3A_1529, %get3A_1530] {strides = array<i32>} : memref<2x256x128xf32, #tpu.memory_space<vmem>>, vector<16xf32>,
        %max3A_1532 = arith.maximumf %get3A_1441, %get3A_1447 : vector<16xf32>
        %max3A_1533 = arith.maximumf %get3A_1453, %get3A_1459 : vector<16xf32>
        %max3A_1534 = arith.maximumf %get3A_1465, %get3A_1471 : vector<16xf32>
        %max3A_1535 = arith.maximumf %get3A_1477, %get3A_1483 : vector<16xf32>
        %max3A_1536 = arith.maximumf %get3A_1489, %get3A_1495 : vector<16xf32>
        %max3A_1537 = arith.maximumf %get3A_1501, %get3A_1507 : vector<16xf32>
        %max3A_1538 = arith.maximumf %get3A_1513, %get3A_1519 : vector<16xf32>
        %max3A_1539 = arith.maximumf %get3A_1525, %get3A_1531 : vector<16xf32>
        %max3A_1540 = arith.maximumf %max3A_1532, %max3A_1533 : vector<16xf32>
        %max3A_1541 = arith.maximumf %max3A_1534, %max3A_1535 : vector<16xf32>
        %max3A_1542 = arith.maximumf %max3A_1536, %max3A_1537 : vector<16xf32>
        %max3A_1543 = arith.maximumf %max3A_1538, %max3A_1539 : vector<16xf32>
        %max3A_1544 = arith.maximumf %max3A_1540, %max3A_1541 : vector<16xf32>
        %max3A_1545 = arith.maximumf %max3A_1542, %max3A_1543 : vector<16xf32>
        %max3A_1546 = arith.maximumf %max3A_1544, %max3A_1545 : vector<16xf32>
        %broadcast_in_dim3A_1547 = arith.constant 0 : i32
        %broadcast_in_dim3A_1548 = vector.broadcast %broadcast_in_dim3A_1547 : i32 to vector<16xi32>
        %add3A_1549 = vector.broadcast %scan3A_1433 : i32 to vector<16xi32>
        %add3A_1550 = arith.addi %broadcast_in_dim3A_1548, %add3A_1549 : vector<16xi32>
        %gt3A_1551 = arith.cmpf ogt, %max3A_1546, %max3A_1409 : vector<16xf32>
        %max3A_1552 = arith.maximumf %max3A_1409, %max3A_1546 : vector<16xf32>
        %select_n3A_1553 = arith.select %gt3A_1551, %add3A_1550, %select_n3A_1410 : vector<16xi1>, vector<16xi32>
        %min3A_1554 = arith.minimumf %max3A_1409, %max3A_1546 : vector<16xf32>
        %select_n3A_1555 = arith.select %gt3A_1551, %select_n3A_1410, %add3A_1550 : vector<16xi1>, vector<16xi32>
        %gt3A_1556 = arith.cmpf ogt, %min3A_1554, %max3A_1413 : vector<16xf32>
        %max3A_1557 = arith.maximumf %max3A_1413, %min3A_1554 : vector<16xf32>
        %select_n3A_1558 = arith.select %gt3A_1556, %select_n3A_1555, %select_n3A_1414 : vector<16xi1>, vector<16xi32>
        %min3A_1559 = arith.minimumf %max3A_1413, %min3A_1554 : vector<16xf32>
        %select_n3A_1560 = arith.select %gt3A_1556, %select_n3A_1414, %select_n3A_1555 : vector<16xi1>, vector<16xi32>
        %gt3A_1561 = arith.cmpf ogt, %min3A_1559, %max3A_1418 : vector<16xf32>
        %max3A_1562 = arith.maximumf %max3A_1418, %min3A_1559 : vector<16xf32>
        %select_n3A_1563 = arith.select %gt3A_1561, %select_n3A_1560, %select_n3A_1419 : vector<16xi1>, vector<16xi32>
        %min3A_1564 = arith.minimumf %max3A_1418, %min3A_1559 : vector<16xf32>
        %select_n3A_1565 = arith.select %gt3A_1561, %select_n3A_1419, %select_n3A_1560 : vector<16xi1>, vector<16xi32>
        %gt3A_1566 = arith.cmpf ogt, %min3A_1564, %max3A_1423 : vector<16xf32>
        %max3A_1567 = arith.maximumf %max3A_1423, %min3A_1564 : vector<16xf32>
        %select_n3A_1568 = arith.select %gt3A_1566, %select_n3A_1565, %select_n3A_1424 : vector<16xi1>, vector<16xi32>
        %min3A_1569 = arith.minimumf %max3A_1423, %min3A_1564 : vector<16xf32>
        %select_n3A_1570 = arith.select %gt3A_1566, %select_n3A_1424, %select_n3A_1565 : vector<16xi1>, vector<16xi32>
        %gt3A_1571 = arith.cmpf ogt, %min3A_1569, %max3A_1428 : vector<16xf32>
        %max3A_1572 = arith.maximumf %max3A_1428, %min3A_1569 : vector<16xf32>
        %select_n3A_1573 = arith.select %gt3A_1571, %select_n3A_1570, %select_n3A_1429 : vector<16xi1>, vector<16xi32>
        %min3A_1574 = arith.minimumf %max3A_1428, %min3A_1569 : vector<16xf32>
        %select_n3A_1575 = arith.select %gt3A_1571, %select_n3A_1429, %select_n3A_1570 : vector<16xi1>, vector<16xi32>
        scf.yield %max3A_1552, %max3A_1557, %max3A_1562, %max3A_1567, %max3A_1572, %select_n3A_1553, %select_n3A_1558, %select_n3A_1563, %select_n3A_1568, %select_n3A_1573 : vector<16xf32>, vector<16xf32>, vector<16xf32>, vector<16xf32>, vector<16xf32>, vector<16xi32>, vector<16xi32>, vector<16xi32>, vector<16xi32>, vector<16xi32>
      }
      %scan3A_1006 = arith.constant 16 : i32
      %get3A_1007 = arith.constant 20 : i32
      %get3A_1008 = arith.index_cast %get3A_1007 : i32 to index
      %get3A_1009 = arith.constant 0 : index
      %get3A_1010 = tpu.vector_load %arg5[%get3A_1008, %get3A_1009] {strides = array<i32>} : memref<40x16xf32, #tpu.memory_space<vmem>>, vector<16xf32>,
      %get3A_1011 = arith.constant 21 : i32
      %get3A_1012 = arith.index_cast %get3A_1011 : i32 to index
      %get3A_1013 = arith.constant 0 : index
      %get3A_1014 = tpu.vector_load %arg5[%get3A_1012, %get3A_1013] {strides = array<i32>} : memref<40x16xf32, #tpu.memory_space<vmem>>, vector<16xf32>,
      %get3A_1015 = arith.constant 22 : i32
      %get3A_1016 = arith.index_cast %get3A_1015 : i32 to index
      %get3A_1017 = arith.constant 0 : index
      %get3A_1018 = tpu.vector_load %arg5[%get3A_1016, %get3A_1017] {strides = array<i32>} : memref<40x16xf32, #tpu.memory_space<vmem>>, vector<16xf32>,
      %get3A_1019 = arith.constant 23 : i32
      %get3A_1020 = arith.index_cast %get3A_1019 : i32 to index
      %get3A_1021 = arith.constant 0 : index
      %get3A_1022 = tpu.vector_load %arg5[%get3A_1020, %get3A_1021] {strides = array<i32>} : memref<40x16xf32, #tpu.memory_space<vmem>>, vector<16xf32>,
      %get3A_1023 = arith.constant 24 : i32
      %get3A_1024 = arith.index_cast %get3A_1023 : i32 to index
      %get3A_1025 = arith.constant 0 : index
      %get3A_1026 = tpu.vector_load %arg5[%get3A_1024, %get3A_1025] {strides = array<i32>} : memref<40x16xf32, #tpu.memory_space<vmem>>, vector<16xf32>,
      %add3A_1027 = arith.constant 64 : i32
      %add3A_1028 = vector.broadcast %add3A_1027 : i32 to vector<16xi32>
      %add3A_1029 = arith.addi %add3A_1028, %iota3A : vector<16xi32>
      %scan3A_1030 = arith.constant 0 : i32
      %scan3A_1031 = arith.constant 5 : i32
      %scan3A_1032 = arith.addi %scan3A_1030, %scan3A_1031 : i32
      %scan3A_1033 = arith.constant 1 : i32
      %scan3A_1034:5 = scf.for %scan3A_1282 = %scan3A_1030 to %scan3A_1032 step %scan3A_1033 iter_args(%scan3A_1283 = %get3A_1010, %scan3A_1284 = %get3A_1014, %scan3A_1285 = %get3A_1018, %scan3A_1286 = %get3A_1022, %scan3A_1287 = %get3A_1026) -> (vector<16xf32>, vector<16xf32>, vector<16xf32>, vector<16xf32>, vector<16xf32>)  : i32 {
        %eq3A_1288 = arith.constant 0 : i32
        %eq3A_1289 = arith.cmpi eq, %scan3A_1282, %eq3A_1288 : i32
        %eq3A_1290 = arith.constant 1 : i32
        %eq3A_1291 = arith.cmpi eq, %scan3A_1282, %eq3A_1290 : i32
        %eq3A_1292 = arith.constant 2 : i32
        %eq3A_1293 = arith.cmpi eq, %scan3A_1282, %eq3A_1292 : i32
        %eq3A_1294 = arith.constant 3 : i32
        %eq3A_1295 = arith.cmpi eq, %scan3A_1282, %eq3A_1294 : i32
        %select_n3A_1296 = arith.select %eq3A_1295, %scan3A_1005#8, %scan3A_1005#9 : vector<16xi32>
        %select_n3A_1297 = arith.select %eq3A_1293, %scan3A_1005#7, %select_n3A_1296 : vector<16xi32>
        %select_n3A_1298 = arith.select %eq3A_1291, %scan3A_1005#6, %select_n3A_1297 : vector<16xi32>
        %select_n3A_1299 = arith.select %eq3A_1289, %scan3A_1005#5, %select_n3A_1298 : vector<16xi32>
        %mul3A_1300 = arith.constant 16 : i32
        %mul3A_1301 = vector.broadcast %mul3A_1300 : i32 to vector<16xi32>
        %mul3A_1302 = arith.muli %select_n3A_1299, %mul3A_1301 : vector<16xi32>
        %scan3A_1303 = arith.constant 0 : i32
        %scan3A_1304 = arith.constant 16 : i32
        %scan3A_1305 = arith.addi %scan3A_1303, %scan3A_1304 : i32
        %scan3A_1306 = arith.constant 1 : i32
        %scan3A_1307:5 = scf.for %scan3A_1309 = %scan3A_1303 to %scan3A_1305 step %scan3A_1306 iter_args(%scan3A_1310 = %scan3A_1283, %scan3A_1311 = %scan3A_1284, %scan3A_1312 = %scan3A_1285, %scan3A_1313 = %scan3A_1286, %scan3A_1314 = %scan3A_1287) -> (vector<16xf32>, vector<16xf32>, vector<16xf32>, vector<16xf32>, vector<16xf32>)  : i32 {
          %add3A_1315 = vector.broadcast %scan3A_1309 : i32 to vector<16xi32>
          %add3A_1316 = arith.addi %mul3A_1302, %add3A_1315 : vector<16xi32>
          %gather3A = tpu.vector_load_idx %arg4[%add3A_681, %add3A_1316, %add3A_1029] : memref<2x256x128xf32, #tpu.memory_space<vmem>>[vector<16xi32>, vector<16xi32>, vector<16xi32>], vector<16xf32>,
          %max3A = arith.maximumf %scan3A_1310, %gather3A : vector<16xf32>
          %min3A = arith.minimumf %scan3A_1310, %gather3A : vector<16xf32>
          %max3A_1317 = arith.maximumf %scan3A_1311, %min3A : vector<16xf32>
          %min3A_1318 = arith.minimumf %scan3A_1311, %min3A : vector<16xf32>
          %max3A_1319 = arith.maximumf %scan3A_1312, %min3A_1318 : vector<16xf32>
          %min3A_1320 = arith.minimumf %scan3A_1312, %min3A_1318 : vector<16xf32>
          %max3A_1321 = arith.maximumf %scan3A_1313, %min3A_1320 : vector<16xf32>
          %min3A_1322 = arith.minimumf %scan3A_1313, %min3A_1320 : vector<16xf32>
          %max3A_1323 = arith.maximumf %scan3A_1314, %min3A_1322 : vector<16xf32>
          %min3A_1324 = arith.minimumf %scan3A_1314, %min3A_1322 : vector<16xf32>
          scf.yield %max3A, %max3A_1317, %max3A_1319, %max3A_1321, %max3A_1323 : vector<16xf32>, vector<16xf32>, vector<16xf32>, vector<16xf32>, vector<16xf32>
        }
        %scan3A_1308 = arith.constant 16 : i32
        scf.yield %scan3A_1307#0, %scan3A_1307#1, %scan3A_1307#2, %scan3A_1307#3, %scan3A_1307#4 : vector<16xf32>, vector<16xf32>, vector<16xf32>, vector<16xf32>, vector<16xf32>
      }
      %scan3A_1035 = arith.constant 5 : i32
      %swap3A_1036 = arith.constant 20 : i32
      %swap3A_1037 = arith.index_cast %swap3A_1036 : i32 to index
      %swap3A_1038 = arith.constant 0 : index
      %swap3A_1039 = tpu.vector_load %arg5[%swap3A_1037, %swap3A_1038] {strides = array<i32>} : memref<40x16xf32, #tpu.memory_space<vmem>>, vector<16xf32>,
      tpu.vector_store %arg5[%swap3A_1037, %swap3A_1038], %scan3A_1034#0 {strides = array<i32>} : memref<40x16xf32, #tpu.memory_space<vmem>>, vector<16xf32>,
      %swap3A_1040 = arith.constant 21 : i32
      %swap3A_1041 = arith.index_cast %swap3A_1040 : i32 to index
      %swap3A_1042 = arith.constant 0 : index
      %swap3A_1043 = tpu.vector_load %arg5[%swap3A_1041, %swap3A_1042] {strides = array<i32>} : memref<40x16xf32, #tpu.memory_space<vmem>>, vector<16xf32>,
      tpu.vector_store %arg5[%swap3A_1041, %swap3A_1042], %scan3A_1034#1 {strides = array<i32>} : memref<40x16xf32, #tpu.memory_space<vmem>>, vector<16xf32>,
      %swap3A_1044 = arith.constant 22 : i32
      %swap3A_1045 = arith.index_cast %swap3A_1044 : i32 to index
      %swap3A_1046 = arith.constant 0 : index
      %swap3A_1047 = tpu.vector_load %arg5[%swap3A_1045, %swap3A_1046] {strides = array<i32>} : memref<40x16xf32, #tpu.memory_space<vmem>>, vector<16xf32>,
      tpu.vector_store %arg5[%swap3A_1045, %swap3A_1046], %scan3A_1034#2 {strides = array<i32>} : memref<40x16xf32, #tpu.memory_space<vmem>>, vector<16xf32>,
      %swap3A_1048 = arith.constant 23 : i32
      %swap3A_1049 = arith.index_cast %swap3A_1048 : i32 to index
      %swap3A_1050 = arith.constant 0 : index
      %swap3A_1051 = tpu.vector_load %arg5[%swap3A_1049, %swap3A_1050] {strides = array<i32>} : memref<40x16xf32, #tpu.memory_space<vmem>>, vector<16xf32>,
      tpu.vector_store %arg5[%swap3A_1049, %swap3A_1050], %scan3A_1034#3 {strides = array<i32>} : memref<40x16xf32, #tpu.memory_space<vmem>>, vector<16xf32>,
      %swap3A_1052 = arith.constant 24 : i32
      %swap3A_1053 = arith.index_cast %swap3A_1052 : i32 to index
      %swap3A_1054 = arith.constant 0 : index
      %swap3A_1055 = tpu.vector_load %arg5[%swap3A_1053, %swap3A_1054] {strides = array<i32>} : memref<40x16xf32, #tpu.memory_space<vmem>>, vector<16xf32>,
      tpu.vector_store %arg5[%swap3A_1053, %swap3A_1054], %scan3A_1034#4 {strides = array<i32>} : memref<40x16xf32, #tpu.memory_space<vmem>>, vector<16xf32>,
      %broadcast_in_dim3A_1056 = arith.constant 0xFF800000 : f32
      %broadcast_in_dim3A_1057 = vector.broadcast %broadcast_in_dim3A_1056 : f32 to vector<16xf32>
      %broadcast_in_dim3A_1058 = arith.constant 0xFF800000 : f32
      %broadcast_in_dim3A_1059 = vector.broadcast %broadcast_in_dim3A_1058 : f32 to vector<16xf32>
      %broadcast_in_dim3A_1060 = arith.constant 0xFF800000 : f32
      %broadcast_in_dim3A_1061 = vector.broadcast %broadcast_in_dim3A_1060 : f32 to vector<16xf32>
      %broadcast_in_dim3A_1062 = arith.constant 0xFF800000 : f32
      %broadcast_in_dim3A_1063 = vector.broadcast %broadcast_in_dim3A_1062 : f32 to vector<16xf32>
      %broadcast_in_dim3A_1064 = arith.constant 0xFF800000 : f32
      %broadcast_in_dim3A_1065 = vector.broadcast %broadcast_in_dim3A_1064 : f32 to vector<16xf32>
      %broadcast_in_dim3A_1066 = arith.constant 0 : i32
      %broadcast_in_dim3A_1067 = vector.broadcast %broadcast_in_dim3A_1066 : i32 to vector<16xi32>
      %broadcast_in_dim3A_1068 = arith.constant 0 : i32
      %broadcast_in_dim3A_1069 = vector.broadcast %broadcast_in_dim3A_1068 : i32 to vector<16xi32>
      %broadcast_in_dim3A_1070 = arith.constant 0 : i32
      %broadcast_in_dim3A_1071 = vector.broadcast %broadcast_in_dim3A_1070 : i32 to vector<16xi32>
      %broadcast_in_dim3A_1072 = arith.constant 0 : i32
      %broadcast_in_dim3A_1073 = vector.broadcast %broadcast_in_dim3A_1072 : i32 to vector<16xi32>
      %broadcast_in_dim3A_1074 = arith.constant 0 : i32
      %broadcast_in_dim3A_1075 = vector.broadcast %broadcast_in_dim3A_1074 : i32 to vector<16xi32>
      %scan3A_1076 = arith.constant 0 : i32
      %scan3A_1077 = arith.constant 16 : i32
      %scan3A_1078 = arith.addi %scan3A_1076, %scan3A_1077 : i32
      %scan3A_1079 = arith.constant 2 : i32
      %scan3A_1080:10 = scf.for %scan3A_1282 = %scan3A_1076 to %scan3A_1078 step %scan3A_1079 iter_args(%scan3A_1283 = %broadcast_in_dim3A_1057, %scan3A_1284 = %broadcast_in_dim3A_1059, %scan3A_1285 = %broadcast_in_dim3A_1061, %scan3A_1286 = %broadcast_in_dim3A_1063, %scan3A_1287 = %broadcast_in_dim3A_1065, %scan3A_1288 = %broadcast_in_dim3A_1067, %scan3A_1289 = %broadcast_in_dim3A_1069, %scan3A_1290 = %broadcast_in_dim3A_1071, %scan3A_1291 = %broadcast_in_dim3A_1073, %scan3A_1292 = %broadcast_in_dim3A_1075) -> (vector<16xf32>, vector<16xf32>, vector<16xf32>, vector<16xf32>, vector<16xf32>, vector<16xi32>, vector<16xi32>, vector<16xi32>, vector<16xi32>, vector<16xi32>)  : i32 {
        %mul3A_1293 = arith.constant 16 : i32
        %mul3A_1294 = arith.muli %scan3A_1282, %mul3A_1293 : i32
        %add3A_1295 = arith.constant 0 : i32
        %add3A_1296 = arith.addi %mul3A_1294, %add3A_1295 : i32
        %get3A_1297 = arith.index_cast %select_n3A_628 : i32 to index
        %get3A_1298 = arith.index_cast %add3A_1296 : i32 to index
        %get3A_1299 = arith.constant 80 : index
        %get3A_1300 = tpu.vector_load %arg4[%get3A_1297, %get3A_1298, %get3A_1299] {strides = array<i32>} : memref<2x256x128xf32, #tpu.memory_space<vmem>>, vector<16xf32>,
        %add3A_1301 = arith.constant 1 : i32
        %add3A_1302 = arith.addi %mul3A_1294, %add3A_1301 : i32
        %get3A_1303 = arith.index_cast %select_n3A_628 : i32 to index
        %get3A_1304 = arith.index_cast %add3A_1302 : i32 to index
        %get3A_1305 = arith.constant 80 : index
        %get3A_1306 = tpu.vector_load %arg4[%get3A_1303, %get3A_1304, %get3A_1305] {strides = array<i32>} : memref<2x256x128xf32, #tpu.memory_space<vmem>>, vector<16xf32>,
        %add3A_1307 = arith.constant 2 : i32
        %add3A_1308 = arith.addi %mul3A_1294, %add3A_1307 : i32
        %get3A_1309 = arith.index_cast %select_n3A_628 : i32 to index
        %get3A_1310 = arith.index_cast %add3A_1308 : i32 to index
        %get3A_1311 = arith.constant 80 : index
        %get3A_1312 = tpu.vector_load %arg4[%get3A_1309, %get3A_1310, %get3A_1311] {strides = array<i32>} : memref<2x256x128xf32, #tpu.memory_space<vmem>>, vector<16xf32>,
        %add3A_1313 = arith.constant 3 : i32
        %add3A_1314 = arith.addi %mul3A_1294, %add3A_1313 : i32
        %get3A_1315 = arith.index_cast %select_n3A_628 : i32 to index
        %get3A_1316 = arith.index_cast %add3A_1314 : i32 to index
        %get3A_1317 = arith.constant 80 : index
        %get3A_1318 = tpu.vector_load %arg4[%get3A_1315, %get3A_1316, %get3A_1317] {strides = array<i32>} : memref<2x256x128xf32, #tpu.memory_space<vmem>>, vector<16xf32>,
        %add3A_1319 = arith.constant 4 : i32
        %add3A_1320 = arith.addi %mul3A_1294, %add3A_1319 : i32
        %get3A_1321 = arith.index_cast %select_n3A_628 : i32 to index
        %get3A_1322 = arith.index_cast %add3A_1320 : i32 to index
        %get3A_1323 = arith.constant 80 : index
        %get3A_1324 = tpu.vector_load %arg4[%get3A_1321, %get3A_1322, %get3A_1323] {strides = array<i32>} : memref<2x256x128xf32, #tpu.memory_space<vmem>>, vector<16xf32>,
        %add3A_1325 = arith.constant 5 : i32
        %add3A_1326 = arith.addi %mul3A_1294, %add3A_1325 : i32
        %get3A_1327 = arith.index_cast %select_n3A_628 : i32 to index
        %get3A_1328 = arith.index_cast %add3A_1326 : i32 to index
        %get3A_1329 = arith.constant 80 : index
        %get3A_1330 = tpu.vector_load %arg4[%get3A_1327, %get3A_1328, %get3A_1329] {strides = array<i32>} : memref<2x256x128xf32, #tpu.memory_space<vmem>>, vector<16xf32>,
        %add3A_1331 = arith.constant 6 : i32
        %add3A_1332 = arith.addi %mul3A_1294, %add3A_1331 : i32
        %get3A_1333 = arith.index_cast %select_n3A_628 : i32 to index
        %get3A_1334 = arith.index_cast %add3A_1332 : i32 to index
        %get3A_1335 = arith.constant 80 : index
        %get3A_1336 = tpu.vector_load %arg4[%get3A_1333, %get3A_1334, %get3A_1335] {strides = array<i32>} : memref<2x256x128xf32, #tpu.memory_space<vmem>>, vector<16xf32>,
        %add3A_1337 = arith.constant 7 : i32
        %add3A_1338 = arith.addi %mul3A_1294, %add3A_1337 : i32
        %get3A_1339 = arith.index_cast %select_n3A_628 : i32 to index
        %get3A_1340 = arith.index_cast %add3A_1338 : i32 to index
        %get3A_1341 = arith.constant 80 : index
        %get3A_1342 = tpu.vector_load %arg4[%get3A_1339, %get3A_1340, %get3A_1341] {strides = array<i32>} : memref<2x256x128xf32, #tpu.memory_space<vmem>>, vector<16xf32>,
        %add3A_1343 = arith.constant 8 : i32
        %add3A_1344 = arith.addi %mul3A_1294, %add3A_1343 : i32
        %get3A_1345 = arith.index_cast %select_n3A_628 : i32 to index
        %get3A_1346 = arith.index_cast %add3A_1344 : i32 to index
        %get3A_1347 = arith.constant 80 : index
        %get3A_1348 = tpu.vector_load %arg4[%get3A_1345, %get3A_1346, %get3A_1347] {strides = array<i32>} : memref<2x256x128xf32, #tpu.memory_space<vmem>>, vector<16xf32>,
        %add3A_1349 = arith.constant 9 : i32
        %add3A_1350 = arith.addi %mul3A_1294, %add3A_1349 : i32
        %get3A_1351 = arith.index_cast %select_n3A_628 : i32 to index
        %get3A_1352 = arith.index_cast %add3A_1350 : i32 to index
        %get3A_1353 = arith.constant 80 : index
        %get3A_1354 = tpu.vector_load %arg4[%get3A_1351, %get3A_1352, %get3A_1353] {strides = array<i32>} : memref<2x256x128xf32, #tpu.memory_space<vmem>>, vector<16xf32>,
        %add3A_1355 = arith.constant 10 : i32
        %add3A_1356 = arith.addi %mul3A_1294, %add3A_1355 : i32
        %get3A_1357 = arith.index_cast %select_n3A_628 : i32 to index
        %get3A_1358 = arith.index_cast %add3A_1356 : i32 to index
        %get3A_1359 = arith.constant 80 : index
        %get3A_1360 = tpu.vector_load %arg4[%get3A_1357, %get3A_1358, %get3A_1359] {strides = array<i32>} : memref<2x256x128xf32, #tpu.memory_space<vmem>>, vector<16xf32>,
        %add3A_1361 = arith.constant 11 : i32
        %add3A_1362 = arith.addi %mul3A_1294, %add3A_1361 : i32
        %get3A_1363 = arith.index_cast %select_n3A_628 : i32 to index
        %get3A_1364 = arith.index_cast %add3A_1362 : i32 to index
        %get3A_1365 = arith.constant 80 : index
        %get3A_1366 = tpu.vector_load %arg4[%get3A_1363, %get3A_1364, %get3A_1365] {strides = array<i32>} : memref<2x256x128xf32, #tpu.memory_space<vmem>>, vector<16xf32>,
        %add3A_1367 = arith.constant 12 : i32
        %add3A_1368 = arith.addi %mul3A_1294, %add3A_1367 : i32
        %get3A_1369 = arith.index_cast %select_n3A_628 : i32 to index
        %get3A_1370 = arith.index_cast %add3A_1368 : i32 to index
        %get3A_1371 = arith.constant 80 : index
        %get3A_1372 = tpu.vector_load %arg4[%get3A_1369, %get3A_1370, %get3A_1371] {strides = array<i32>} : memref<2x256x128xf32, #tpu.memory_space<vmem>>, vector<16xf32>,
        %add3A_1373 = arith.constant 13 : i32
        %add3A_1374 = arith.addi %mul3A_1294, %add3A_1373 : i32
        %get3A_1375 = arith.index_cast %select_n3A_628 : i32 to index
        %get3A_1376 = arith.index_cast %add3A_1374 : i32 to index
        %get3A_1377 = arith.constant 80 : index
        %get3A_1378 = tpu.vector_load %arg4[%get3A_1375, %get3A_1376, %get3A_1377] {strides = array<i32>} : memref<2x256x128xf32, #tpu.memory_space<vmem>>, vector<16xf32>,
        %add3A_1379 = arith.constant 14 : i32
        %add3A_1380 = arith.addi %mul3A_1294, %add3A_1379 : i32
        %get3A_1381 = arith.index_cast %select_n3A_628 : i32 to index
        %get3A_1382 = arith.index_cast %add3A_1380 : i32 to index
        %get3A_1383 = arith.constant 80 : index
        %get3A_1384 = tpu.vector_load %arg4[%get3A_1381, %get3A_1382, %get3A_1383] {strides = array<i32>} : memref<2x256x128xf32, #tpu.memory_space<vmem>>, vector<16xf32>,
        %add3A_1385 = arith.constant 15 : i32
        %add3A_1386 = arith.addi %mul3A_1294, %add3A_1385 : i32
        %get3A_1387 = arith.index_cast %select_n3A_628 : i32 to index
        %get3A_1388 = arith.index_cast %add3A_1386 : i32 to index
        %get3A_1389 = arith.constant 80 : index
        %get3A_1390 = tpu.vector_load %arg4[%get3A_1387, %get3A_1388, %get3A_1389] {strides = array<i32>} : memref<2x256x128xf32, #tpu.memory_space<vmem>>, vector<16xf32>,
        %max3A = arith.maximumf %get3A_1300, %get3A_1306 : vector<16xf32>
        %max3A_1391 = arith.maximumf %get3A_1312, %get3A_1318 : vector<16xf32>
        %max3A_1392 = arith.maximumf %get3A_1324, %get3A_1330 : vector<16xf32>
        %max3A_1393 = arith.maximumf %get3A_1336, %get3A_1342 : vector<16xf32>
        %max3A_1394 = arith.maximumf %get3A_1348, %get3A_1354 : vector<16xf32>
        %max3A_1395 = arith.maximumf %get3A_1360, %get3A_1366 : vector<16xf32>
        %max3A_1396 = arith.maximumf %get3A_1372, %get3A_1378 : vector<16xf32>
        %max3A_1397 = arith.maximumf %get3A_1384, %get3A_1390 : vector<16xf32>
        %max3A_1398 = arith.maximumf %max3A, %max3A_1391 : vector<16xf32>
        %max3A_1399 = arith.maximumf %max3A_1392, %max3A_1393 : vector<16xf32>
        %max3A_1400 = arith.maximumf %max3A_1394, %max3A_1395 : vector<16xf32>
        %max3A_1401 = arith.maximumf %max3A_1396, %max3A_1397 : vector<16xf32>
        %max3A_1402 = arith.maximumf %max3A_1398, %max3A_1399 : vector<16xf32>
        %max3A_1403 = arith.maximumf %max3A_1400, %max3A_1401 : vector<16xf32>
        %max3A_1404 = arith.maximumf %max3A_1402, %max3A_1403 : vector<16xf32>
        %broadcast_in_dim3A_1405 = arith.constant 0 : i32
        %broadcast_in_dim3A_1406 = vector.broadcast %broadcast_in_dim3A_1405 : i32 to vector<16xi32>
        %add3A_1407 = vector.broadcast %scan3A_1282 : i32 to vector<16xi32>
        %add3A_1408 = arith.addi %broadcast_in_dim3A_1406, %add3A_1407 : vector<16xi32>
        %gt3A = arith.cmpf ogt, %max3A_1404, %scan3A_1283 : vector<16xf32>
        %max3A_1409 = arith.maximumf %scan3A_1283, %max3A_1404 : vector<16xf32>
        %select_n3A_1410 = arith.select %gt3A, %add3A_1408, %scan3A_1288 : vector<16xi1>, vector<16xi32>
        %min3A = arith.minimumf %scan3A_1283, %max3A_1404 : vector<16xf32>
        %select_n3A_1411 = arith.select %gt3A, %scan3A_1288, %add3A_1408 : vector<16xi1>, vector<16xi32>
        %gt3A_1412 = arith.cmpf ogt, %min3A, %scan3A_1284 : vector<16xf32>
        %max3A_1413 = arith.maximumf %scan3A_1284, %min3A : vector<16xf32>
        %select_n3A_1414 = arith.select %gt3A_1412, %select_n3A_1411, %scan3A_1289 : vector<16xi1>, vector<16xi32>
        %min3A_1415 = arith.minimumf %scan3A_1284, %min3A : vector<16xf32>
        %select_n3A_1416 = arith.select %gt3A_1412, %scan3A_1289, %select_n3A_1411 : vector<16xi1>, vector<16xi32>
        %gt3A_1417 = arith.cmpf ogt, %min3A_1415, %scan3A_1285 : vector<16xf32>
        %max3A_1418 = arith.maximumf %scan3A_1285, %min3A_1415 : vector<16xf32>
        %select_n3A_1419 = arith.select %gt3A_1417, %select_n3A_1416, %scan3A_1290 : vector<16xi1>, vector<16xi32>
        %min3A_1420 = arith.minimumf %scan3A_1285, %min3A_1415 : vector<16xf32>
        %select_n3A_1421 = arith.select %gt3A_1417, %scan3A_1290, %select_n3A_1416 : vector<16xi1>, vector<16xi32>
        %gt3A_1422 = arith.cmpf ogt, %min3A_1420, %scan3A_1286 : vector<16xf32>
        %max3A_1423 = arith.maximumf %scan3A_1286, %min3A_1420 : vector<16xf32>
        %select_n3A_1424 = arith.select %gt3A_1422, %select_n3A_1421, %scan3A_1291 : vector<16xi1>, vector<16xi32>
        %min3A_1425 = arith.minimumf %scan3A_1286, %min3A_1420 : vector<16xf32>
        %select_n3A_1426 = arith.select %gt3A_1422, %scan3A_1291, %select_n3A_1421 : vector<16xi1>, vector<16xi32>
        %gt3A_1427 = arith.cmpf ogt, %min3A_1425, %scan3A_1287 : vector<16xf32>
        %max3A_1428 = arith.maximumf %scan3A_1287, %min3A_1425 : vector<16xf32>
        %select_n3A_1429 = arith.select %gt3A_1427, %select_n3A_1426, %scan3A_1292 : vector<16xi1>, vector<16xi32>
        %min3A_1430 = arith.minimumf %scan3A_1287, %min3A_1425 : vector<16xf32>
        %select_n3A_1431 = arith.select %gt3A_1427, %scan3A_1292, %select_n3A_1426 : vector<16xi1>, vector<16xi32>
        %scan3A_1432 = arith.constant 1 : i32
        %scan3A_1433 = arith.addi %scan3A_1282, %scan3A_1432 : i32
        %mul3A_1434 = arith.constant 16 : i32
        %mul3A_1435 = arith.muli %scan3A_1433, %mul3A_1434 : i32
        %add3A_1436 = arith.constant 0 : i32
        %add3A_1437 = arith.addi %mul3A_1435, %add3A_1436 : i32
        %get3A_1438 = arith.index_cast %select_n3A_628 : i32 to index
        %get3A_1439 = arith.index_cast %add3A_1437 : i32 to index
        %get3A_1440 = arith.constant 80 : index
        %get3A_1441 = tpu.vector_load %arg4[%get3A_1438, %get3A_1439, %get3A_1440] {strides = array<i32>} : memref<2x256x128xf32, #tpu.memory_space<vmem>>, vector<16xf32>,
        %add3A_1442 = arith.constant 1 : i32
        %add3A_1443 = arith.addi %mul3A_1435, %add3A_1442 : i32
        %get3A_1444 = arith.index_cast %select_n3A_628 : i32 to index
        %get3A_1445 = arith.index_cast %add3A_1443 : i32 to index
        %get3A_1446 = arith.constant 80 : index
        %get3A_1447 = tpu.vector_load %arg4[%get3A_1444, %get3A_1445, %get3A_1446] {strides = array<i32>} : memref<2x256x128xf32, #tpu.memory_space<vmem>>, vector<16xf32>,
        %add3A_1448 = arith.constant 2 : i32
        %add3A_1449 = arith.addi %mul3A_1435, %add3A_1448 : i32
        %get3A_1450 = arith.index_cast %select_n3A_628 : i32 to index
        %get3A_1451 = arith.index_cast %add3A_1449 : i32 to index
        %get3A_1452 = arith.constant 80 : index
        %get3A_1453 = tpu.vector_load %arg4[%get3A_1450, %get3A_1451, %get3A_1452] {strides = array<i32>} : memref<2x256x128xf32, #tpu.memory_space<vmem>>, vector<16xf32>,
        %add3A_1454 = arith.constant 3 : i32
        %add3A_1455 = arith.addi %mul3A_1435, %add3A_1454 : i32
        %get3A_1456 = arith.index_cast %select_n3A_628 : i32 to index
        %get3A_1457 = arith.index_cast %add3A_1455 : i32 to index
        %get3A_1458 = arith.constant 80 : index
        %get3A_1459 = tpu.vector_load %arg4[%get3A_1456, %get3A_1457, %get3A_1458] {strides = array<i32>} : memref<2x256x128xf32, #tpu.memory_space<vmem>>, vector<16xf32>,
        %add3A_1460 = arith.constant 4 : i32
        %add3A_1461 = arith.addi %mul3A_1435, %add3A_1460 : i32
        %get3A_1462 = arith.index_cast %select_n3A_628 : i32 to index
        %get3A_1463 = arith.index_cast %add3A_1461 : i32 to index
        %get3A_1464 = arith.constant 80 : index
        %get3A_1465 = tpu.vector_load %arg4[%get3A_1462, %get3A_1463, %get3A_1464] {strides = array<i32>} : memref<2x256x128xf32, #tpu.memory_space<vmem>>, vector<16xf32>,
        %add3A_1466 = arith.constant 5 : i32
        %add3A_1467 = arith.addi %mul3A_1435, %add3A_1466 : i32
        %get3A_1468 = arith.index_cast %select_n3A_628 : i32 to index
        %get3A_1469 = arith.index_cast %add3A_1467 : i32 to index
        %get3A_1470 = arith.constant 80 : index
        %get3A_1471 = tpu.vector_load %arg4[%get3A_1468, %get3A_1469, %get3A_1470] {strides = array<i32>} : memref<2x256x128xf32, #tpu.memory_space<vmem>>, vector<16xf32>,
        %add3A_1472 = arith.constant 6 : i32
        %add3A_1473 = arith.addi %mul3A_1435, %add3A_1472 : i32
        %get3A_1474 = arith.index_cast %select_n3A_628 : i32 to index
        %get3A_1475 = arith.index_cast %add3A_1473 : i32 to index
        %get3A_1476 = arith.constant 80 : index
        %get3A_1477 = tpu.vector_load %arg4[%get3A_1474, %get3A_1475, %get3A_1476] {strides = array<i32>} : memref<2x256x128xf32, #tpu.memory_space<vmem>>, vector<16xf32>,
        %add3A_1478 = arith.constant 7 : i32
        %add3A_1479 = arith.addi %mul3A_1435, %add3A_1478 : i32
        %get3A_1480 = arith.index_cast %select_n3A_628 : i32 to index
        %get3A_1481 = arith.index_cast %add3A_1479 : i32 to index
        %get3A_1482 = arith.constant 80 : index
        %get3A_1483 = tpu.vector_load %arg4[%get3A_1480, %get3A_1481, %get3A_1482] {strides = array<i32>} : memref<2x256x128xf32, #tpu.memory_space<vmem>>, vector<16xf32>,
        %add3A_1484 = arith.constant 8 : i32
        %add3A_1485 = arith.addi %mul3A_1435, %add3A_1484 : i32
        %get3A_1486 = arith.index_cast %select_n3A_628 : i32 to index
        %get3A_1487 = arith.index_cast %add3A_1485 : i32 to index
        %get3A_1488 = arith.constant 80 : index
        %get3A_1489 = tpu.vector_load %arg4[%get3A_1486, %get3A_1487, %get3A_1488] {strides = array<i32>} : memref<2x256x128xf32, #tpu.memory_space<vmem>>, vector<16xf32>,
        %add3A_1490 = arith.constant 9 : i32
        %add3A_1491 = arith.addi %mul3A_1435, %add3A_1490 : i32
        %get3A_1492 = arith.index_cast %select_n3A_628 : i32 to index
        %get3A_1493 = arith.index_cast %add3A_1491 : i32 to index
        %get3A_1494 = arith.constant 80 : index
        %get3A_1495 = tpu.vector_load %arg4[%get3A_1492, %get3A_1493, %get3A_1494] {strides = array<i32>} : memref<2x256x128xf32, #tpu.memory_space<vmem>>, vector<16xf32>,
        %add3A_1496 = arith.constant 10 : i32
        %add3A_1497 = arith.addi %mul3A_1435, %add3A_1496 : i32
        %get3A_1498 = arith.index_cast %select_n3A_628 : i32 to index
        %get3A_1499 = arith.index_cast %add3A_1497 : i32 to index
        %get3A_1500 = arith.constant 80 : index
        %get3A_1501 = tpu.vector_load %arg4[%get3A_1498, %get3A_1499, %get3A_1500] {strides = array<i32>} : memref<2x256x128xf32, #tpu.memory_space<vmem>>, vector<16xf32>,
        %add3A_1502 = arith.constant 11 : i32
        %add3A_1503 = arith.addi %mul3A_1435, %add3A_1502 : i32
        %get3A_1504 = arith.index_cast %select_n3A_628 : i32 to index
        %get3A_1505 = arith.index_cast %add3A_1503 : i32 to index
        %get3A_1506 = arith.constant 80 : index
        %get3A_1507 = tpu.vector_load %arg4[%get3A_1504, %get3A_1505, %get3A_1506] {strides = array<i32>} : memref<2x256x128xf32, #tpu.memory_space<vmem>>, vector<16xf32>,
        %add3A_1508 = arith.constant 12 : i32
        %add3A_1509 = arith.addi %mul3A_1435, %add3A_1508 : i32
        %get3A_1510 = arith.index_cast %select_n3A_628 : i32 to index
        %get3A_1511 = arith.index_cast %add3A_1509 : i32 to index
        %get3A_1512 = arith.constant 80 : index
        %get3A_1513 = tpu.vector_load %arg4[%get3A_1510, %get3A_1511, %get3A_1512] {strides = array<i32>} : memref<2x256x128xf32, #tpu.memory_space<vmem>>, vector<16xf32>,
        %add3A_1514 = arith.constant 13 : i32
        %add3A_1515 = arith.addi %mul3A_1435, %add3A_1514 : i32
        %get3A_1516 = arith.index_cast %select_n3A_628 : i32 to index
        %get3A_1517 = arith.index_cast %add3A_1515 : i32 to index
        %get3A_1518 = arith.constant 80 : index
        %get3A_1519 = tpu.vector_load %arg4[%get3A_1516, %get3A_1517, %get3A_1518] {strides = array<i32>} : memref<2x256x128xf32, #tpu.memory_space<vmem>>, vector<16xf32>,
        %add3A_1520 = arith.constant 14 : i32
        %add3A_1521 = arith.addi %mul3A_1435, %add3A_1520 : i32
        %get3A_1522 = arith.index_cast %select_n3A_628 : i32 to index
        %get3A_1523 = arith.index_cast %add3A_1521 : i32 to index
        %get3A_1524 = arith.constant 80 : index
        %get3A_1525 = tpu.vector_load %arg4[%get3A_1522, %get3A_1523, %get3A_1524] {strides = array<i32>} : memref<2x256x128xf32, #tpu.memory_space<vmem>>, vector<16xf32>,
        %add3A_1526 = arith.constant 15 : i32
        %add3A_1527 = arith.addi %mul3A_1435, %add3A_1526 : i32
        %get3A_1528 = arith.index_cast %select_n3A_628 : i32 to index
        %get3A_1529 = arith.index_cast %add3A_1527 : i32 to index
        %get3A_1530 = arith.constant 80 : index
        %get3A_1531 = tpu.vector_load %arg4[%get3A_1528, %get3A_1529, %get3A_1530] {strides = array<i32>} : memref<2x256x128xf32, #tpu.memory_space<vmem>>, vector<16xf32>,
        %max3A_1532 = arith.maximumf %get3A_1441, %get3A_1447 : vector<16xf32>
        %max3A_1533 = arith.maximumf %get3A_1453, %get3A_1459 : vector<16xf32>
        %max3A_1534 = arith.maximumf %get3A_1465, %get3A_1471 : vector<16xf32>
        %max3A_1535 = arith.maximumf %get3A_1477, %get3A_1483 : vector<16xf32>
        %max3A_1536 = arith.maximumf %get3A_1489, %get3A_1495 : vector<16xf32>
        %max3A_1537 = arith.maximumf %get3A_1501, %get3A_1507 : vector<16xf32>
        %max3A_1538 = arith.maximumf %get3A_1513, %get3A_1519 : vector<16xf32>
        %max3A_1539 = arith.maximumf %get3A_1525, %get3A_1531 : vector<16xf32>
        %max3A_1540 = arith.maximumf %max3A_1532, %max3A_1533 : vector<16xf32>
        %max3A_1541 = arith.maximumf %max3A_1534, %max3A_1535 : vector<16xf32>
        %max3A_1542 = arith.maximumf %max3A_1536, %max3A_1537 : vector<16xf32>
        %max3A_1543 = arith.maximumf %max3A_1538, %max3A_1539 : vector<16xf32>
        %max3A_1544 = arith.maximumf %max3A_1540, %max3A_1541 : vector<16xf32>
        %max3A_1545 = arith.maximumf %max3A_1542, %max3A_1543 : vector<16xf32>
        %max3A_1546 = arith.maximumf %max3A_1544, %max3A_1545 : vector<16xf32>
        %broadcast_in_dim3A_1547 = arith.constant 0 : i32
        %broadcast_in_dim3A_1548 = vector.broadcast %broadcast_in_dim3A_1547 : i32 to vector<16xi32>
        %add3A_1549 = vector.broadcast %scan3A_1433 : i32 to vector<16xi32>
        %add3A_1550 = arith.addi %broadcast_in_dim3A_1548, %add3A_1549 : vector<16xi32>
        %gt3A_1551 = arith.cmpf ogt, %max3A_1546, %max3A_1409 : vector<16xf32>
        %max3A_1552 = arith.maximumf %max3A_1409, %max3A_1546 : vector<16xf32>
        %select_n3A_1553 = arith.select %gt3A_1551, %add3A_1550, %select_n3A_1410 : vector<16xi1>, vector<16xi32>
        %min3A_1554 = arith.minimumf %max3A_1409, %max3A_1546 : vector<16xf32>
        %select_n3A_1555 = arith.select %gt3A_1551, %select_n3A_1410, %add3A_1550 : vector<16xi1>, vector<16xi32>
        %gt3A_1556 = arith.cmpf ogt, %min3A_1554, %max3A_1413 : vector<16xf32>
        %max3A_1557 = arith.maximumf %max3A_1413, %min3A_1554 : vector<16xf32>
        %select_n3A_1558 = arith.select %gt3A_1556, %select_n3A_1555, %select_n3A_1414 : vector<16xi1>, vector<16xi32>
        %min3A_1559 = arith.minimumf %max3A_1413, %min3A_1554 : vector<16xf32>
        %select_n3A_1560 = arith.select %gt3A_1556, %select_n3A_1414, %select_n3A_1555 : vector<16xi1>, vector<16xi32>
        %gt3A_1561 = arith.cmpf ogt, %min3A_1559, %max3A_1418 : vector<16xf32>
        %max3A_1562 = arith.maximumf %max3A_1418, %min3A_1559 : vector<16xf32>
        %select_n3A_1563 = arith.select %gt3A_1561, %select_n3A_1560, %select_n3A_1419 : vector<16xi1>, vector<16xi32>
        %min3A_1564 = arith.minimumf %max3A_1418, %min3A_1559 : vector<16xf32>
        %select_n3A_1565 = arith.select %gt3A_1561, %select_n3A_1419, %select_n3A_1560 : vector<16xi1>, vector<16xi32>
        %gt3A_1566 = arith.cmpf ogt, %min3A_1564, %max3A_1423 : vector<16xf32>
        %max3A_1567 = arith.maximumf %max3A_1423, %min3A_1564 : vector<16xf32>
        %select_n3A_1568 = arith.select %gt3A_1566, %select_n3A_1565, %select_n3A_1424 : vector<16xi1>, vector<16xi32>
        %min3A_1569 = arith.minimumf %max3A_1423, %min3A_1564 : vector<16xf32>
        %select_n3A_1570 = arith.select %gt3A_1566, %select_n3A_1424, %select_n3A_1565 : vector<16xi1>, vector<16xi32>
        %gt3A_1571 = arith.cmpf ogt, %min3A_1569, %max3A_1428 : vector<16xf32>
        %max3A_1572 = arith.maximumf %max3A_1428, %min3A_1569 : vector<16xf32>
        %select_n3A_1573 = arith.select %gt3A_1571, %select_n3A_1570, %select_n3A_1429 : vector<16xi1>, vector<16xi32>
        %min3A_1574 = arith.minimumf %max3A_1428, %min3A_1569 : vector<16xf32>
        %select_n3A_1575 = arith.select %gt3A_1571, %select_n3A_1429, %select_n3A_1570 : vector<16xi1>, vector<16xi32>
        scf.yield %max3A_1552, %max3A_1557, %max3A_1562, %max3A_1567, %max3A_1572, %select_n3A_1553, %select_n3A_1558, %select_n3A_1563, %select_n3A_1568, %select_n3A_1573 : vector<16xf32>, vector<16xf32>, vector<16xf32>, vector<16xf32>, vector<16xf32>, vector<16xi32>, vector<16xi32>, vector<16xi32>, vector<16xi32>, vector<16xi32>
      }
      %scan3A_1081 = arith.constant 16 : i32
      %get3A_1082 = arith.constant 25 : i32
      %get3A_1083 = arith.index_cast %get3A_1082 : i32 to index
      %get3A_1084 = arith.constant 0 : index
      %get3A_1085 = tpu.vector_load %arg5[%get3A_1083, %get3A_1084] {strides = array<i32>} : memref<40x16xf32, #tpu.memory_space<vmem>>, vector<16xf32>,
      %get3A_1086 = arith.constant 26 : i32
      %get3A_1087 = arith.index_cast %get3A_1086 : i32 to index
      %get3A_1088 = arith.constant 0 : index
      %get3A_1089 = tpu.vector_load %arg5[%get3A_1087, %get3A_1088] {strides = array<i32>} : memref<40x16xf32, #tpu.memory_space<vmem>>, vector<16xf32>,
      %get3A_1090 = arith.constant 27 : i32
      %get3A_1091 = arith.index_cast %get3A_1090 : i32 to index
      %get3A_1092 = arith.constant 0 : index
      %get3A_1093 = tpu.vector_load %arg5[%get3A_1091, %get3A_1092] {strides = array<i32>} : memref<40x16xf32, #tpu.memory_space<vmem>>, vector<16xf32>,
      %get3A_1094 = arith.constant 28 : i32
      %get3A_1095 = arith.index_cast %get3A_1094 : i32 to index
      %get3A_1096 = arith.constant 0 : index
      %get3A_1097 = tpu.vector_load %arg5[%get3A_1095, %get3A_1096] {strides = array<i32>} : memref<40x16xf32, #tpu.memory_space<vmem>>, vector<16xf32>,
      %get3A_1098 = arith.constant 29 : i32
      %get3A_1099 = arith.index_cast %get3A_1098 : i32 to index
      %get3A_1100 = arith.constant 0 : index
      %get3A_1101 = tpu.vector_load %arg5[%get3A_1099, %get3A_1100] {strides = array<i32>} : memref<40x16xf32, #tpu.memory_space<vmem>>, vector<16xf32>,
      %add3A_1102 = arith.constant 80 : i32
      %add3A_1103 = vector.broadcast %add3A_1102 : i32 to vector<16xi32>
      %add3A_1104 = arith.addi %add3A_1103, %iota3A : vector<16xi32>
      %scan3A_1105 = arith.constant 0 : i32
      %scan3A_1106 = arith.constant 5 : i32
      %scan3A_1107 = arith.addi %scan3A_1105, %scan3A_1106 : i32
      %scan3A_1108 = arith.constant 1 : i32
      %scan3A_1109:5 = scf.for %scan3A_1282 = %scan3A_1105 to %scan3A_1107 step %scan3A_1108 iter_args(%scan3A_1283 = %get3A_1085, %scan3A_1284 = %get3A_1089, %scan3A_1285 = %get3A_1093, %scan3A_1286 = %get3A_1097, %scan3A_1287 = %get3A_1101) -> (vector<16xf32>, vector<16xf32>, vector<16xf32>, vector<16xf32>, vector<16xf32>)  : i32 {
        %eq3A_1288 = arith.constant 0 : i32
        %eq3A_1289 = arith.cmpi eq, %scan3A_1282, %eq3A_1288 : i32
        %eq3A_1290 = arith.constant 1 : i32
        %eq3A_1291 = arith.cmpi eq, %scan3A_1282, %eq3A_1290 : i32
        %eq3A_1292 = arith.constant 2 : i32
        %eq3A_1293 = arith.cmpi eq, %scan3A_1282, %eq3A_1292 : i32
        %eq3A_1294 = arith.constant 3 : i32
        %eq3A_1295 = arith.cmpi eq, %scan3A_1282, %eq3A_1294 : i32
        %select_n3A_1296 = arith.select %eq3A_1295, %scan3A_1080#8, %scan3A_1080#9 : vector<16xi32>
        %select_n3A_1297 = arith.select %eq3A_1293, %scan3A_1080#7, %select_n3A_1296 : vector<16xi32>
        %select_n3A_1298 = arith.select %eq3A_1291, %scan3A_1080#6, %select_n3A_1297 : vector<16xi32>
        %select_n3A_1299 = arith.select %eq3A_1289, %scan3A_1080#5, %select_n3A_1298 : vector<16xi32>
        %mul3A_1300 = arith.constant 16 : i32
        %mul3A_1301 = vector.broadcast %mul3A_1300 : i32 to vector<16xi32>
        %mul3A_1302 = arith.muli %select_n3A_1299, %mul3A_1301 : vector<16xi32>
        %scan3A_1303 = arith.constant 0 : i32
        %scan3A_1304 = arith.constant 16 : i32
        %scan3A_1305 = arith.addi %scan3A_1303, %scan3A_1304 : i32
        %scan3A_1306 = arith.constant 1 : i32
        %scan3A_1307:5 = scf.for %scan3A_1309 = %scan3A_1303 to %scan3A_1305 step %scan3A_1306 iter_args(%scan3A_1310 = %scan3A_1283, %scan3A_1311 = %scan3A_1284, %scan3A_1312 = %scan3A_1285, %scan3A_1313 = %scan3A_1286, %scan3A_1314 = %scan3A_1287) -> (vector<16xf32>, vector<16xf32>, vector<16xf32>, vector<16xf32>, vector<16xf32>)  : i32 {
          %add3A_1315 = vector.broadcast %scan3A_1309 : i32 to vector<16xi32>
          %add3A_1316 = arith.addi %mul3A_1302, %add3A_1315 : vector<16xi32>
          %gather3A = tpu.vector_load_idx %arg4[%add3A_681, %add3A_1316, %add3A_1104] : memref<2x256x128xf32, #tpu.memory_space<vmem>>[vector<16xi32>, vector<16xi32>, vector<16xi32>], vector<16xf32>,
          %max3A = arith.maximumf %scan3A_1310, %gather3A : vector<16xf32>
          %min3A = arith.minimumf %scan3A_1310, %gather3A : vector<16xf32>
          %max3A_1317 = arith.maximumf %scan3A_1311, %min3A : vector<16xf32>
          %min3A_1318 = arith.minimumf %scan3A_1311, %min3A : vector<16xf32>
          %max3A_1319 = arith.maximumf %scan3A_1312, %min3A_1318 : vector<16xf32>
          %min3A_1320 = arith.minimumf %scan3A_1312, %min3A_1318 : vector<16xf32>
          %max3A_1321 = arith.maximumf %scan3A_1313, %min3A_1320 : vector<16xf32>
          %min3A_1322 = arith.minimumf %scan3A_1313, %min3A_1320 : vector<16xf32>
          %max3A_1323 = arith.maximumf %scan3A_1314, %min3A_1322 : vector<16xf32>
          %min3A_1324 = arith.minimumf %scan3A_1314, %min3A_1322 : vector<16xf32>
          scf.yield %max3A, %max3A_1317, %max3A_1319, %max3A_1321, %max3A_1323 : vector<16xf32>, vector<16xf32>, vector<16xf32>, vector<16xf32>, vector<16xf32>
        }
        %scan3A_1308 = arith.constant 16 : i32
        scf.yield %scan3A_1307#0, %scan3A_1307#1, %scan3A_1307#2, %scan3A_1307#3, %scan3A_1307#4 : vector<16xf32>, vector<16xf32>, vector<16xf32>, vector<16xf32>, vector<16xf32>
      }
      %scan3A_1110 = arith.constant 5 : i32
      %swap3A_1111 = arith.constant 25 : i32
      %swap3A_1112 = arith.index_cast %swap3A_1111 : i32 to index
      %swap3A_1113 = arith.constant 0 : index
      %swap3A_1114 = tpu.vector_load %arg5[%swap3A_1112, %swap3A_1113] {strides = array<i32>} : memref<40x16xf32, #tpu.memory_space<vmem>>, vector<16xf32>,
      tpu.vector_store %arg5[%swap3A_1112, %swap3A_1113], %scan3A_1109#0 {strides = array<i32>} : memref<40x16xf32, #tpu.memory_space<vmem>>, vector<16xf32>,
      %swap3A_1115 = arith.constant 26 : i32
      %swap3A_1116 = arith.index_cast %swap3A_1115 : i32 to index
      %swap3A_1117 = arith.constant 0 : index
      %swap3A_1118 = tpu.vector_load %arg5[%swap3A_1116, %swap3A_1117] {strides = array<i32>} : memref<40x16xf32, #tpu.memory_space<vmem>>, vector<16xf32>,
      tpu.vector_store %arg5[%swap3A_1116, %swap3A_1117], %scan3A_1109#1 {strides = array<i32>} : memref<40x16xf32, #tpu.memory_space<vmem>>, vector<16xf32>,
      %swap3A_1119 = arith.constant 27 : i32
      %swap3A_1120 = arith.index_cast %swap3A_1119 : i32 to index
      %swap3A_1121 = arith.constant 0 : index
      %swap3A_1122 = tpu.vector_load %arg5[%swap3A_1120, %swap3A_1121] {strides = array<i32>} : memref<40x16xf32, #tpu.memory_space<vmem>>, vector<16xf32>,
      tpu.vector_store %arg5[%swap3A_1120, %swap3A_1121], %scan3A_1109#2 {strides = array<i32>} : memref<40x16xf32, #tpu.memory_space<vmem>>, vector<16xf32>,
      %swap3A_1123 = arith.constant 28 : i32
      %swap3A_1124 = arith.index_cast %swap3A_1123 : i32 to index
      %swap3A_1125 = arith.constant 0 : index
      %swap3A_1126 = tpu.vector_load %arg5[%swap3A_1124, %swap3A_1125] {strides = array<i32>} : memref<40x16xf32, #tpu.memory_space<vmem>>, vector<16xf32>,
      tpu.vector_store %arg5[%swap3A_1124, %swap3A_1125], %scan3A_1109#3 {strides = array<i32>} : memref<40x16xf32, #tpu.memory_space<vmem>>, vector<16xf32>,
      %swap3A_1127 = arith.constant 29 : i32
      %swap3A_1128 = arith.index_cast %swap3A_1127 : i32 to index
      %swap3A_1129 = arith.constant 0 : index
      %swap3A_1130 = tpu.vector_load %arg5[%swap3A_1128, %swap3A_1129] {strides = array<i32>} : memref<40x16xf32, #tpu.memory_space<vmem>>, vector<16xf32>,
      tpu.vector_store %arg5[%swap3A_1128, %swap3A_1129], %scan3A_1109#4 {strides = array<i32>} : memref<40x16xf32, #tpu.memory_space<vmem>>, vector<16xf32>,
      %broadcast_in_dim3A_1131 = arith.constant 0xFF800000 : f32
      %broadcast_in_dim3A_1132 = vector.broadcast %broadcast_in_dim3A_1131 : f32 to vector<16xf32>
      %broadcast_in_dim3A_1133 = arith.constant 0xFF800000 : f32
      %broadcast_in_dim3A_1134 = vector.broadcast %broadcast_in_dim3A_1133 : f32 to vector<16xf32>
      %broadcast_in_dim3A_1135 = arith.constant 0xFF800000 : f32
      %broadcast_in_dim3A_1136 = vector.broadcast %broadcast_in_dim3A_1135 : f32 to vector<16xf32>
      %broadcast_in_dim3A_1137 = arith.constant 0xFF800000 : f32
      %broadcast_in_dim3A_1138 = vector.broadcast %broadcast_in_dim3A_1137 : f32 to vector<16xf32>
      %broadcast_in_dim3A_1139 = arith.constant 0xFF800000 : f32
      %broadcast_in_dim3A_1140 = vector.broadcast %broadcast_in_dim3A_1139 : f32 to vector<16xf32>
      %broadcast_in_dim3A_1141 = arith.constant 0 : i32
      %broadcast_in_dim3A_1142 = vector.broadcast %broadcast_in_dim3A_1141 : i32 to vector<16xi32>
      %broadcast_in_dim3A_1143 = arith.constant 0 : i32
      %broadcast_in_dim3A_1144 = vector.broadcast %broadcast_in_dim3A_1143 : i32 to vector<16xi32>
      %broadcast_in_dim3A_1145 = arith.constant 0 : i32
      %broadcast_in_dim3A_1146 = vector.broadcast %broadcast_in_dim3A_1145 : i32 to vector<16xi32>
      %broadcast_in_dim3A_1147 = arith.constant 0 : i32
      %broadcast_in_dim3A_1148 = vector.broadcast %broadcast_in_dim3A_1147 : i32 to vector<16xi32>
      %broadcast_in_dim3A_1149 = arith.constant 0 : i32
      %broadcast_in_dim3A_1150 = vector.broadcast %broadcast_in_dim3A_1149 : i32 to vector<16xi32>
      %scan3A_1151 = arith.constant 0 : i32
      %scan3A_1152 = arith.constant 16 : i32
      %scan3A_1153 = arith.addi %scan3A_1151, %scan3A_1152 : i32
      %scan3A_1154 = arith.constant 2 : i32
      %scan3A_1155:10 = scf.for %scan3A_1282 = %scan3A_1151 to %scan3A_1153 step %scan3A_1154 iter_args(%scan3A_1283 = %broadcast_in_dim3A_1132, %scan3A_1284 = %broadcast_in_dim3A_1134, %scan3A_1285 = %broadcast_in_dim3A_1136, %scan3A_1286 = %broadcast_in_dim3A_1138, %scan3A_1287 = %broadcast_in_dim3A_1140, %scan3A_1288 = %broadcast_in_dim3A_1142, %scan3A_1289 = %broadcast_in_dim3A_1144, %scan3A_1290 = %broadcast_in_dim3A_1146, %scan3A_1291 = %broadcast_in_dim3A_1148, %scan3A_1292 = %broadcast_in_dim3A_1150) -> (vector<16xf32>, vector<16xf32>, vector<16xf32>, vector<16xf32>, vector<16xf32>, vector<16xi32>, vector<16xi32>, vector<16xi32>, vector<16xi32>, vector<16xi32>)  : i32 {
        %mul3A_1293 = arith.constant 16 : i32
        %mul3A_1294 = arith.muli %scan3A_1282, %mul3A_1293 : i32
        %add3A_1295 = arith.constant 0 : i32
        %add3A_1296 = arith.addi %mul3A_1294, %add3A_1295 : i32
        %get3A_1297 = arith.index_cast %select_n3A_628 : i32 to index
        %get3A_1298 = arith.index_cast %add3A_1296 : i32 to index
        %get3A_1299 = arith.constant 96 : index
        %get3A_1300 = tpu.vector_load %arg4[%get3A_1297, %get3A_1298, %get3A_1299] {strides = array<i32>} : memref<2x256x128xf32, #tpu.memory_space<vmem>>, vector<16xf32>,
        %add3A_1301 = arith.constant 1 : i32
        %add3A_1302 = arith.addi %mul3A_1294, %add3A_1301 : i32
        %get3A_1303 = arith.index_cast %select_n3A_628 : i32 to index
        %get3A_1304 = arith.index_cast %add3A_1302 : i32 to index
        %get3A_1305 = arith.constant 96 : index
        %get3A_1306 = tpu.vector_load %arg4[%get3A_1303, %get3A_1304, %get3A_1305] {strides = array<i32>} : memref<2x256x128xf32, #tpu.memory_space<vmem>>, vector<16xf32>,
        %add3A_1307 = arith.constant 2 : i32
        %add3A_1308 = arith.addi %mul3A_1294, %add3A_1307 : i32
        %get3A_1309 = arith.index_cast %select_n3A_628 : i32 to index
        %get3A_1310 = arith.index_cast %add3A_1308 : i32 to index
        %get3A_1311 = arith.constant 96 : index
        %get3A_1312 = tpu.vector_load %arg4[%get3A_1309, %get3A_1310, %get3A_1311] {strides = array<i32>} : memref<2x256x128xf32, #tpu.memory_space<vmem>>, vector<16xf32>,
        %add3A_1313 = arith.constant 3 : i32
        %add3A_1314 = arith.addi %mul3A_1294, %add3A_1313 : i32
        %get3A_1315 = arith.index_cast %select_n3A_628 : i32 to index
        %get3A_1316 = arith.index_cast %add3A_1314 : i32 to index
        %get3A_1317 = arith.constant 96 : index
        %get3A_1318 = tpu.vector_load %arg4[%get3A_1315, %get3A_1316, %get3A_1317] {strides = array<i32>} : memref<2x256x128xf32, #tpu.memory_space<vmem>>, vector<16xf32>,
        %add3A_1319 = arith.constant 4 : i32
        %add3A_1320 = arith.addi %mul3A_1294, %add3A_1319 : i32
        %get3A_1321 = arith.index_cast %select_n3A_628 : i32 to index
        %get3A_1322 = arith.index_cast %add3A_1320 : i32 to index
        %get3A_1323 = arith.constant 96 : index
        %get3A_1324 = tpu.vector_load %arg4[%get3A_1321, %get3A_1322, %get3A_1323] {strides = array<i32>} : memref<2x256x128xf32, #tpu.memory_space<vmem>>, vector<16xf32>,
        %add3A_1325 = arith.constant 5 : i32
        %add3A_1326 = arith.addi %mul3A_1294, %add3A_1325 : i32
        %get3A_1327 = arith.index_cast %select_n3A_628 : i32 to index
        %get3A_1328 = arith.index_cast %add3A_1326 : i32 to index
        %get3A_1329 = arith.constant 96 : index
        %get3A_1330 = tpu.vector_load %arg4[%get3A_1327, %get3A_1328, %get3A_1329] {strides = array<i32>} : memref<2x256x128xf32, #tpu.memory_space<vmem>>, vector<16xf32>,
        %add3A_1331 = arith.constant 6 : i32
        %add3A_1332 = arith.addi %mul3A_1294, %add3A_1331 : i32
        %get3A_1333 = arith.index_cast %select_n3A_628 : i32 to index
        %get3A_1334 = arith.index_cast %add3A_1332 : i32 to index
        %get3A_1335 = arith.constant 96 : index
        %get3A_1336 = tpu.vector_load %arg4[%get3A_1333, %get3A_1334, %get3A_1335] {strides = array<i32>} : memref<2x256x128xf32, #tpu.memory_space<vmem>>, vector<16xf32>,
        %add3A_1337 = arith.constant 7 : i32
        %add3A_1338 = arith.addi %mul3A_1294, %add3A_1337 : i32
        %get3A_1339 = arith.index_cast %select_n3A_628 : i32 to index
        %get3A_1340 = arith.index_cast %add3A_1338 : i32 to index
        %get3A_1341 = arith.constant 96 : index
        %get3A_1342 = tpu.vector_load %arg4[%get3A_1339, %get3A_1340, %get3A_1341] {strides = array<i32>} : memref<2x256x128xf32, #tpu.memory_space<vmem>>, vector<16xf32>,
        %add3A_1343 = arith.constant 8 : i32
        %add3A_1344 = arith.addi %mul3A_1294, %add3A_1343 : i32
        %get3A_1345 = arith.index_cast %select_n3A_628 : i32 to index
        %get3A_1346 = arith.index_cast %add3A_1344 : i32 to index
        %get3A_1347 = arith.constant 96 : index
        %get3A_1348 = tpu.vector_load %arg4[%get3A_1345, %get3A_1346, %get3A_1347] {strides = array<i32>} : memref<2x256x128xf32, #tpu.memory_space<vmem>>, vector<16xf32>,
        %add3A_1349 = arith.constant 9 : i32
        %add3A_1350 = arith.addi %mul3A_1294, %add3A_1349 : i32
        %get3A_1351 = arith.index_cast %select_n3A_628 : i32 to index
        %get3A_1352 = arith.index_cast %add3A_1350 : i32 to index
        %get3A_1353 = arith.constant 96 : index
        %get3A_1354 = tpu.vector_load %arg4[%get3A_1351, %get3A_1352, %get3A_1353] {strides = array<i32>} : memref<2x256x128xf32, #tpu.memory_space<vmem>>, vector<16xf32>,
        %add3A_1355 = arith.constant 10 : i32
        %add3A_1356 = arith.addi %mul3A_1294, %add3A_1355 : i32
        %get3A_1357 = arith.index_cast %select_n3A_628 : i32 to index
        %get3A_1358 = arith.index_cast %add3A_1356 : i32 to index
        %get3A_1359 = arith.constant 96 : index
        %get3A_1360 = tpu.vector_load %arg4[%get3A_1357, %get3A_1358, %get3A_1359] {strides = array<i32>} : memref<2x256x128xf32, #tpu.memory_space<vmem>>, vector<16xf32>,
        %add3A_1361 = arith.constant 11 : i32
        %add3A_1362 = arith.addi %mul3A_1294, %add3A_1361 : i32
        %get3A_1363 = arith.index_cast %select_n3A_628 : i32 to index
        %get3A_1364 = arith.index_cast %add3A_1362 : i32 to index
        %get3A_1365 = arith.constant 96 : index
        %get3A_1366 = tpu.vector_load %arg4[%get3A_1363, %get3A_1364, %get3A_1365] {strides = array<i32>} : memref<2x256x128xf32, #tpu.memory_space<vmem>>, vector<16xf32>,
        %add3A_1367 = arith.constant 12 : i32
        %add3A_1368 = arith.addi %mul3A_1294, %add3A_1367 : i32
        %get3A_1369 = arith.index_cast %select_n3A_628 : i32 to index
        %get3A_1370 = arith.index_cast %add3A_1368 : i32 to index
        %get3A_1371 = arith.constant 96 : index
        %get3A_1372 = tpu.vector_load %arg4[%get3A_1369, %get3A_1370, %get3A_1371] {strides = array<i32>} : memref<2x256x128xf32, #tpu.memory_space<vmem>>, vector<16xf32>,
        %add3A_1373 = arith.constant 13 : i32
        %add3A_1374 = arith.addi %mul3A_1294, %add3A_1373 : i32
        %get3A_1375 = arith.index_cast %select_n3A_628 : i32 to index
        %get3A_1376 = arith.index_cast %add3A_1374 : i32 to index
        %get3A_1377 = arith.constant 96 : index
        %get3A_1378 = tpu.vector_load %arg4[%get3A_1375, %get3A_1376, %get3A_1377] {strides = array<i32>} : memref<2x256x128xf32, #tpu.memory_space<vmem>>, vector<16xf32>,
        %add3A_1379 = arith.constant 14 : i32
        %add3A_1380 = arith.addi %mul3A_1294, %add3A_1379 : i32
        %get3A_1381 = arith.index_cast %select_n3A_628 : i32 to index
        %get3A_1382 = arith.index_cast %add3A_1380 : i32 to index
        %get3A_1383 = arith.constant 96 : index
        %get3A_1384 = tpu.vector_load %arg4[%get3A_1381, %get3A_1382, %get3A_1383] {strides = array<i32>} : memref<2x256x128xf32, #tpu.memory_space<vmem>>, vector<16xf32>,
        %add3A_1385 = arith.constant 15 : i32
        %add3A_1386 = arith.addi %mul3A_1294, %add3A_1385 : i32
        %get3A_1387 = arith.index_cast %select_n3A_628 : i32 to index
        %get3A_1388 = arith.index_cast %add3A_1386 : i32 to index
        %get3A_1389 = arith.constant 96 : index
        %get3A_1390 = tpu.vector_load %arg4[%get3A_1387, %get3A_1388, %get3A_1389] {strides = array<i32>} : memref<2x256x128xf32, #tpu.memory_space<vmem>>, vector<16xf32>,
        %max3A = arith.maximumf %get3A_1300, %get3A_1306 : vector<16xf32>
        %max3A_1391 = arith.maximumf %get3A_1312, %get3A_1318 : vector<16xf32>
        %max3A_1392 = arith.maximumf %get3A_1324, %get3A_1330 : vector<16xf32>
        %max3A_1393 = arith.maximumf %get3A_1336, %get3A_1342 : vector<16xf32>
        %max3A_1394 = arith.maximumf %get3A_1348, %get3A_1354 : vector<16xf32>
        %max3A_1395 = arith.maximumf %get3A_1360, %get3A_1366 : vector<16xf32>
        %max3A_1396 = arith.maximumf %get3A_1372, %get3A_1378 : vector<16xf32>
        %max3A_1397 = arith.maximumf %get3A_1384, %get3A_1390 : vector<16xf32>
        %max3A_1398 = arith.maximumf %max3A, %max3A_1391 : vector<16xf32>
        %max3A_1399 = arith.maximumf %max3A_1392, %max3A_1393 : vector<16xf32>
        %max3A_1400 = arith.maximumf %max3A_1394, %max3A_1395 : vector<16xf32>
        %max3A_1401 = arith.maximumf %max3A_1396, %max3A_1397 : vector<16xf32>
        %max3A_1402 = arith.maximumf %max3A_1398, %max3A_1399 : vector<16xf32>
        %max3A_1403 = arith.maximumf %max3A_1400, %max3A_1401 : vector<16xf32>
        %max3A_1404 = arith.maximumf %max3A_1402, %max3A_1403 : vector<16xf32>
        %broadcast_in_dim3A_1405 = arith.constant 0 : i32
        %broadcast_in_dim3A_1406 = vector.broadcast %broadcast_in_dim3A_1405 : i32 to vector<16xi32>
        %add3A_1407 = vector.broadcast %scan3A_1282 : i32 to vector<16xi32>
        %add3A_1408 = arith.addi %broadcast_in_dim3A_1406, %add3A_1407 : vector<16xi32>
        %gt3A = arith.cmpf ogt, %max3A_1404, %scan3A_1283 : vector<16xf32>
        %max3A_1409 = arith.maximumf %scan3A_1283, %max3A_1404 : vector<16xf32>
        %select_n3A_1410 = arith.select %gt3A, %add3A_1408, %scan3A_1288 : vector<16xi1>, vector<16xi32>
        %min3A = arith.minimumf %scan3A_1283, %max3A_1404 : vector<16xf32>
        %select_n3A_1411 = arith.select %gt3A, %scan3A_1288, %add3A_1408 : vector<16xi1>, vector<16xi32>
        %gt3A_1412 = arith.cmpf ogt, %min3A, %scan3A_1284 : vector<16xf32>
        %max3A_1413 = arith.maximumf %scan3A_1284, %min3A : vector<16xf32>
        %select_n3A_1414 = arith.select %gt3A_1412, %select_n3A_1411, %scan3A_1289 : vector<16xi1>, vector<16xi32>
        %min3A_1415 = arith.minimumf %scan3A_1284, %min3A : vector<16xf32>
        %select_n3A_1416 = arith.select %gt3A_1412, %scan3A_1289, %select_n3A_1411 : vector<16xi1>, vector<16xi32>
        %gt3A_1417 = arith.cmpf ogt, %min3A_1415, %scan3A_1285 : vector<16xf32>
        %max3A_1418 = arith.maximumf %scan3A_1285, %min3A_1415 : vector<16xf32>
        %select_n3A_1419 = arith.select %gt3A_1417, %select_n3A_1416, %scan3A_1290 : vector<16xi1>, vector<16xi32>
        %min3A_1420 = arith.minimumf %scan3A_1285, %min3A_1415 : vector<16xf32>
        %select_n3A_1421 = arith.select %gt3A_1417, %scan3A_1290, %select_n3A_1416 : vector<16xi1>, vector<16xi32>
        %gt3A_1422 = arith.cmpf ogt, %min3A_1420, %scan3A_1286 : vector<16xf32>
        %max3A_1423 = arith.maximumf %scan3A_1286, %min3A_1420 : vector<16xf32>
        %select_n3A_1424 = arith.select %gt3A_1422, %select_n3A_1421, %scan3A_1291 : vector<16xi1>, vector<16xi32>
        %min3A_1425 = arith.minimumf %scan3A_1286, %min3A_1420 : vector<16xf32>
        %select_n3A_1426 = arith.select %gt3A_1422, %scan3A_1291, %select_n3A_1421 : vector<16xi1>, vector<16xi32>
        %gt3A_1427 = arith.cmpf ogt, %min3A_1425, %scan3A_1287 : vector<16xf32>
        %max3A_1428 = arith.maximumf %scan3A_1287, %min3A_1425 : vector<16xf32>
        %select_n3A_1429 = arith.select %gt3A_1427, %select_n3A_1426, %scan3A_1292 : vector<16xi1>, vector<16xi32>
        %min3A_1430 = arith.minimumf %scan3A_1287, %min3A_1425 : vector<16xf32>
        %select_n3A_1431 = arith.select %gt3A_1427, %scan3A_1292, %select_n3A_1426 : vector<16xi1>, vector<16xi32>
        %scan3A_1432 = arith.constant 1 : i32
        %scan3A_1433 = arith.addi %scan3A_1282, %scan3A_1432 : i32
        %mul3A_1434 = arith.constant 16 : i32
        %mul3A_1435 = arith.muli %scan3A_1433, %mul3A_1434 : i32
        %add3A_1436 = arith.constant 0 : i32
        %add3A_1437 = arith.addi %mul3A_1435, %add3A_1436 : i32
        %get3A_1438 = arith.index_cast %select_n3A_628 : i32 to index
        %get3A_1439 = arith.index_cast %add3A_1437 : i32 to index
        %get3A_1440 = arith.constant 96 : index
        %get3A_1441 = tpu.vector_load %arg4[%get3A_1438, %get3A_1439, %get3A_1440] {strides = array<i32>} : memref<2x256x128xf32, #tpu.memory_space<vmem>>, vector<16xf32>,
        %add3A_1442 = arith.constant 1 : i32
        %add3A_1443 = arith.addi %mul3A_1435, %add3A_1442 : i32
        %get3A_1444 = arith.index_cast %select_n3A_628 : i32 to index
        %get3A_1445 = arith.index_cast %add3A_1443 : i32 to index
        %get3A_1446 = arith.constant 96 : index
        %get3A_1447 = tpu.vector_load %arg4[%get3A_1444, %get3A_1445, %get3A_1446] {strides = array<i32>} : memref<2x256x128xf32, #tpu.memory_space<vmem>>, vector<16xf32>,
        %add3A_1448 = arith.constant 2 : i32
        %add3A_1449 = arith.addi %mul3A_1435, %add3A_1448 : i32
        %get3A_1450 = arith.index_cast %select_n3A_628 : i32 to index
        %get3A_1451 = arith.index_cast %add3A_1449 : i32 to index
        %get3A_1452 = arith.constant 96 : index
        %get3A_1453 = tpu.vector_load %arg4[%get3A_1450, %get3A_1451, %get3A_1452] {strides = array<i32>} : memref<2x256x128xf32, #tpu.memory_space<vmem>>, vector<16xf32>,
        %add3A_1454 = arith.constant 3 : i32
        %add3A_1455 = arith.addi %mul3A_1435, %add3A_1454 : i32
        %get3A_1456 = arith.index_cast %select_n3A_628 : i32 to index
        %get3A_1457 = arith.index_cast %add3A_1455 : i32 to index
        %get3A_1458 = arith.constant 96 : index
        %get3A_1459 = tpu.vector_load %arg4[%get3A_1456, %get3A_1457, %get3A_1458] {strides = array<i32>} : memref<2x256x128xf32, #tpu.memory_space<vmem>>, vector<16xf32>,
        %add3A_1460 = arith.constant 4 : i32
        %add3A_1461 = arith.addi %mul3A_1435, %add3A_1460 : i32
        %get3A_1462 = arith.index_cast %select_n3A_628 : i32 to index
        %get3A_1463 = arith.index_cast %add3A_1461 : i32 to index
        %get3A_1464 = arith.constant 96 : index
        %get3A_1465 = tpu.vector_load %arg4[%get3A_1462, %get3A_1463, %get3A_1464] {strides = array<i32>} : memref<2x256x128xf32, #tpu.memory_space<vmem>>, vector<16xf32>,
        %add3A_1466 = arith.constant 5 : i32
        %add3A_1467 = arith.addi %mul3A_1435, %add3A_1466 : i32
        %get3A_1468 = arith.index_cast %select_n3A_628 : i32 to index
        %get3A_1469 = arith.index_cast %add3A_1467 : i32 to index
        %get3A_1470 = arith.constant 96 : index
        %get3A_1471 = tpu.vector_load %arg4[%get3A_1468, %get3A_1469, %get3A_1470] {strides = array<i32>} : memref<2x256x128xf32, #tpu.memory_space<vmem>>, vector<16xf32>,
        %add3A_1472 = arith.constant 6 : i32
        %add3A_1473 = arith.addi %mul3A_1435, %add3A_1472 : i32
        %get3A_1474 = arith.index_cast %select_n3A_628 : i32 to index
        %get3A_1475 = arith.index_cast %add3A_1473 : i32 to index
        %get3A_1476 = arith.constant 96 : index
        %get3A_1477 = tpu.vector_load %arg4[%get3A_1474, %get3A_1475, %get3A_1476] {strides = array<i32>} : memref<2x256x128xf32, #tpu.memory_space<vmem>>, vector<16xf32>,
        %add3A_1478 = arith.constant 7 : i32
        %add3A_1479 = arith.addi %mul3A_1435, %add3A_1478 : i32
        %get3A_1480 = arith.index_cast %select_n3A_628 : i32 to index
        %get3A_1481 = arith.index_cast %add3A_1479 : i32 to index
        %get3A_1482 = arith.constant 96 : index
        %get3A_1483 = tpu.vector_load %arg4[%get3A_1480, %get3A_1481, %get3A_1482] {strides = array<i32>} : memref<2x256x128xf32, #tpu.memory_space<vmem>>, vector<16xf32>,
        %add3A_1484 = arith.constant 8 : i32
        %add3A_1485 = arith.addi %mul3A_1435, %add3A_1484 : i32
        %get3A_1486 = arith.index_cast %select_n3A_628 : i32 to index
        %get3A_1487 = arith.index_cast %add3A_1485 : i32 to index
        %get3A_1488 = arith.constant 96 : index
        %get3A_1489 = tpu.vector_load %arg4[%get3A_1486, %get3A_1487, %get3A_1488] {strides = array<i32>} : memref<2x256x128xf32, #tpu.memory_space<vmem>>, vector<16xf32>,
        %add3A_1490 = arith.constant 9 : i32
        %add3A_1491 = arith.addi %mul3A_1435, %add3A_1490 : i32
        %get3A_1492 = arith.index_cast %select_n3A_628 : i32 to index
        %get3A_1493 = arith.index_cast %add3A_1491 : i32 to index
        %get3A_1494 = arith.constant 96 : index
        %get3A_1495 = tpu.vector_load %arg4[%get3A_1492, %get3A_1493, %get3A_1494] {strides = array<i32>} : memref<2x256x128xf32, #tpu.memory_space<vmem>>, vector<16xf32>,
        %add3A_1496 = arith.constant 10 : i32
        %add3A_1497 = arith.addi %mul3A_1435, %add3A_1496 : i32
        %get3A_1498 = arith.index_cast %select_n3A_628 : i32 to index
        %get3A_1499 = arith.index_cast %add3A_1497 : i32 to index
        %get3A_1500 = arith.constant 96 : index
        %get3A_1501 = tpu.vector_load %arg4[%get3A_1498, %get3A_1499, %get3A_1500] {strides = array<i32>} : memref<2x256x128xf32, #tpu.memory_space<vmem>>, vector<16xf32>,
        %add3A_1502 = arith.constant 11 : i32
        %add3A_1503 = arith.addi %mul3A_1435, %add3A_1502 : i32
        %get3A_1504 = arith.index_cast %select_n3A_628 : i32 to index
        %get3A_1505 = arith.index_cast %add3A_1503 : i32 to index
        %get3A_1506 = arith.constant 96 : index
        %get3A_1507 = tpu.vector_load %arg4[%get3A_1504, %get3A_1505, %get3A_1506] {strides = array<i32>} : memref<2x256x128xf32, #tpu.memory_space<vmem>>, vector<16xf32>,
        %add3A_1508 = arith.constant 12 : i32
        %add3A_1509 = arith.addi %mul3A_1435, %add3A_1508 : i32
        %get3A_1510 = arith.index_cast %select_n3A_628 : i32 to index
        %get3A_1511 = arith.index_cast %add3A_1509 : i32 to index
        %get3A_1512 = arith.constant 96 : index
        %get3A_1513 = tpu.vector_load %arg4[%get3A_1510, %get3A_1511, %get3A_1512] {strides = array<i32>} : memref<2x256x128xf32, #tpu.memory_space<vmem>>, vector<16xf32>,
        %add3A_1514 = arith.constant 13 : i32
        %add3A_1515 = arith.addi %mul3A_1435, %add3A_1514 : i32
        %get3A_1516 = arith.index_cast %select_n3A_628 : i32 to index
        %get3A_1517 = arith.index_cast %add3A_1515 : i32 to index
        %get3A_1518 = arith.constant 96 : index
        %get3A_1519 = tpu.vector_load %arg4[%get3A_1516, %get3A_1517, %get3A_1518] {strides = array<i32>} : memref<2x256x128xf32, #tpu.memory_space<vmem>>, vector<16xf32>,
        %add3A_1520 = arith.constant 14 : i32
        %add3A_1521 = arith.addi %mul3A_1435, %add3A_1520 : i32
        %get3A_1522 = arith.index_cast %select_n3A_628 : i32 to index
        %get3A_1523 = arith.index_cast %add3A_1521 : i32 to index
        %get3A_1524 = arith.constant 96 : index
        %get3A_1525 = tpu.vector_load %arg4[%get3A_1522, %get3A_1523, %get3A_1524] {strides = array<i32>} : memref<2x256x128xf32, #tpu.memory_space<vmem>>, vector<16xf32>,
        %add3A_1526 = arith.constant 15 : i32
        %add3A_1527 = arith.addi %mul3A_1435, %add3A_1526 : i32
        %get3A_1528 = arith.index_cast %select_n3A_628 : i32 to index
        %get3A_1529 = arith.index_cast %add3A_1527 : i32 to index
        %get3A_1530 = arith.constant 96 : index
        %get3A_1531 = tpu.vector_load %arg4[%get3A_1528, %get3A_1529, %get3A_1530] {strides = array<i32>} : memref<2x256x128xf32, #tpu.memory_space<vmem>>, vector<16xf32>,
        %max3A_1532 = arith.maximumf %get3A_1441, %get3A_1447 : vector<16xf32>
        %max3A_1533 = arith.maximumf %get3A_1453, %get3A_1459 : vector<16xf32>
        %max3A_1534 = arith.maximumf %get3A_1465, %get3A_1471 : vector<16xf32>
        %max3A_1535 = arith.maximumf %get3A_1477, %get3A_1483 : vector<16xf32>
        %max3A_1536 = arith.maximumf %get3A_1489, %get3A_1495 : vector<16xf32>
        %max3A_1537 = arith.maximumf %get3A_1501, %get3A_1507 : vector<16xf32>
        %max3A_1538 = arith.maximumf %get3A_1513, %get3A_1519 : vector<16xf32>
        %max3A_1539 = arith.maximumf %get3A_1525, %get3A_1531 : vector<16xf32>
        %max3A_1540 = arith.maximumf %max3A_1532, %max3A_1533 : vector<16xf32>
        %max3A_1541 = arith.maximumf %max3A_1534, %max3A_1535 : vector<16xf32>
        %max3A_1542 = arith.maximumf %max3A_1536, %max3A_1537 : vector<16xf32>
        %max3A_1543 = arith.maximumf %max3A_1538, %max3A_1539 : vector<16xf32>
        %max3A_1544 = arith.maximumf %max3A_1540, %max3A_1541 : vector<16xf32>
        %max3A_1545 = arith.maximumf %max3A_1542, %max3A_1543 : vector<16xf32>
        %max3A_1546 = arith.maximumf %max3A_1544, %max3A_1545 : vector<16xf32>
        %broadcast_in_dim3A_1547 = arith.constant 0 : i32
        %broadcast_in_dim3A_1548 = vector.broadcast %broadcast_in_dim3A_1547 : i32 to vector<16xi32>
        %add3A_1549 = vector.broadcast %scan3A_1433 : i32 to vector<16xi32>
        %add3A_1550 = arith.addi %broadcast_in_dim3A_1548, %add3A_1549 : vector<16xi32>
        %gt3A_1551 = arith.cmpf ogt, %max3A_1546, %max3A_1409 : vector<16xf32>
        %max3A_1552 = arith.maximumf %max3A_1409, %max3A_1546 : vector<16xf32>
        %select_n3A_1553 = arith.select %gt3A_1551, %add3A_1550, %select_n3A_1410 : vector<16xi1>, vector<16xi32>
        %min3A_1554 = arith.minimumf %max3A_1409, %max3A_1546 : vector<16xf32>
        %select_n3A_1555 = arith.select %gt3A_1551, %select_n3A_1410, %add3A_1550 : vector<16xi1>, vector<16xi32>
        %gt3A_1556 = arith.cmpf ogt, %min3A_1554, %max3A_1413 : vector<16xf32>
        %max3A_1557 = arith.maximumf %max3A_1413, %min3A_1554 : vector<16xf32>
        %select_n3A_1558 = arith.select %gt3A_1556, %select_n3A_1555, %select_n3A_1414 : vector<16xi1>, vector<16xi32>
        %min3A_1559 = arith.minimumf %max3A_1413, %min3A_1554 : vector<16xf32>
        %select_n3A_1560 = arith.select %gt3A_1556, %select_n3A_1414, %select_n3A_1555 : vector<16xi1>, vector<16xi32>
        %gt3A_1561 = arith.cmpf ogt, %min3A_1559, %max3A_1418 : vector<16xf32>
        %max3A_1562 = arith.maximumf %max3A_1418, %min3A_1559 : vector<16xf32>
        %select_n3A_1563 = arith.select %gt3A_1561, %select_n3A_1560, %select_n3A_1419 : vector<16xi1>, vector<16xi32>
        %min3A_1564 = arith.minimumf %max3A_1418, %min3A_1559 : vector<16xf32>
        %select_n3A_1565 = arith.select %gt3A_1561, %select_n3A_1419, %select_n3A_1560 : vector<16xi1>, vector<16xi32>
        %gt3A_1566 = arith.cmpf ogt, %min3A_1564, %max3A_1423 : vector<16xf32>
        %max3A_1567 = arith.maximumf %max3A_1423, %min3A_1564 : vector<16xf32>
        %select_n3A_1568 = arith.select %gt3A_1566, %select_n3A_1565, %select_n3A_1424 : vector<16xi1>, vector<16xi32>
        %min3A_1569 = arith.minimumf %max3A_1423, %min3A_1564 : vector<16xf32>
        %select_n3A_1570 = arith.select %gt3A_1566, %select_n3A_1424, %select_n3A_1565 : vector<16xi1>, vector<16xi32>
        %gt3A_1571 = arith.cmpf ogt, %min3A_1569, %max3A_1428 : vector<16xf32>
        %max3A_1572 = arith.maximumf %max3A_1428, %min3A_1569 : vector<16xf32>
        %select_n3A_1573 = arith.select %gt3A_1571, %select_n3A_1570, %select_n3A_1429 : vector<16xi1>, vector<16xi32>
        %min3A_1574 = arith.minimumf %max3A_1428, %min3A_1569 : vector<16xf32>
        %select_n3A_1575 = arith.select %gt3A_1571, %select_n3A_1429, %select_n3A_1570 : vector<16xi1>, vector<16xi32>
        scf.yield %max3A_1552, %max3A_1557, %max3A_1562, %max3A_1567, %max3A_1572, %select_n3A_1553, %select_n3A_1558, %select_n3A_1563, %select_n3A_1568, %select_n3A_1573 : vector<16xf32>, vector<16xf32>, vector<16xf32>, vector<16xf32>, vector<16xf32>, vector<16xi32>, vector<16xi32>, vector<16xi32>, vector<16xi32>, vector<16xi32>
      }
      %scan3A_1156 = arith.constant 16 : i32
      %get3A_1157 = arith.constant 30 : i32
      %get3A_1158 = arith.index_cast %get3A_1157 : i32 to index
      %get3A_1159 = arith.constant 0 : index
      %get3A_1160 = tpu.vector_load %arg5[%get3A_1158, %get3A_1159] {strides = array<i32>} : memref<40x16xf32, #tpu.memory_space<vmem>>, vector<16xf32>,
      %get3A_1161 = arith.constant 31 : i32
      %get3A_1162 = arith.index_cast %get3A_1161 : i32 to index
      %get3A_1163 = arith.constant 0 : index
      %get3A_1164 = tpu.vector_load %arg5[%get3A_1162, %get3A_1163] {strides = array<i32>} : memref<40x16xf32, #tpu.memory_space<vmem>>, vector<16xf32>,
      %get3A_1165 = arith.constant 32 : i32
      %get3A_1166 = arith.index_cast %get3A_1165 : i32 to index
      %get3A_1167 = arith.constant 0 : index
      %get3A_1168 = tpu.vector_load %arg5[%get3A_1166, %get3A_1167] {strides = array<i32>} : memref<40x16xf32, #tpu.memory_space<vmem>>, vector<16xf32>,
      %get3A_1169 = arith.constant 33 : i32
      %get3A_1170 = arith.index_cast %get3A_1169 : i32 to index
      %get3A_1171 = arith.constant 0 : index
      %get3A_1172 = tpu.vector_load %arg5[%get3A_1170, %get3A_1171] {strides = array<i32>} : memref<40x16xf32, #tpu.memory_space<vmem>>, vector<16xf32>,
      %get3A_1173 = arith.constant 34 : i32
      %get3A_1174 = arith.index_cast %get3A_1173 : i32 to index
      %get3A_1175 = arith.constant 0 : index
      %get3A_1176 = tpu.vector_load %arg5[%get3A_1174, %get3A_1175] {strides = array<i32>} : memref<40x16xf32, #tpu.memory_space<vmem>>, vector<16xf32>,
      %add3A_1177 = arith.constant 96 : i32
      %add3A_1178 = vector.broadcast %add3A_1177 : i32 to vector<16xi32>
      %add3A_1179 = arith.addi %add3A_1178, %iota3A : vector<16xi32>
      %scan3A_1180 = arith.constant 0 : i32
      %scan3A_1181 = arith.constant 5 : i32
      %scan3A_1182 = arith.addi %scan3A_1180, %scan3A_1181 : i32
      %scan3A_1183 = arith.constant 1 : i32
      %scan3A_1184:5 = scf.for %scan3A_1282 = %scan3A_1180 to %scan3A_1182 step %scan3A_1183 iter_args(%scan3A_1283 = %get3A_1160, %scan3A_1284 = %get3A_1164, %scan3A_1285 = %get3A_1168, %scan3A_1286 = %get3A_1172, %scan3A_1287 = %get3A_1176) -> (vector<16xf32>, vector<16xf32>, vector<16xf32>, vector<16xf32>, vector<16xf32>)  : i32 {
        %eq3A_1288 = arith.constant 0 : i32
        %eq3A_1289 = arith.cmpi eq, %scan3A_1282, %eq3A_1288 : i32
        %eq3A_1290 = arith.constant 1 : i32
        %eq3A_1291 = arith.cmpi eq, %scan3A_1282, %eq3A_1290 : i32
        %eq3A_1292 = arith.constant 2 : i32
        %eq3A_1293 = arith.cmpi eq, %scan3A_1282, %eq3A_1292 : i32
        %eq3A_1294 = arith.constant 3 : i32
        %eq3A_1295 = arith.cmpi eq, %scan3A_1282, %eq3A_1294 : i32
        %select_n3A_1296 = arith.select %eq3A_1295, %scan3A_1155#8, %scan3A_1155#9 : vector<16xi32>
        %select_n3A_1297 = arith.select %eq3A_1293, %scan3A_1155#7, %select_n3A_1296 : vector<16xi32>
        %select_n3A_1298 = arith.select %eq3A_1291, %scan3A_1155#6, %select_n3A_1297 : vector<16xi32>
        %select_n3A_1299 = arith.select %eq3A_1289, %scan3A_1155#5, %select_n3A_1298 : vector<16xi32>
        %mul3A_1300 = arith.constant 16 : i32
        %mul3A_1301 = vector.broadcast %mul3A_1300 : i32 to vector<16xi32>
        %mul3A_1302 = arith.muli %select_n3A_1299, %mul3A_1301 : vector<16xi32>
        %scan3A_1303 = arith.constant 0 : i32
        %scan3A_1304 = arith.constant 16 : i32
        %scan3A_1305 = arith.addi %scan3A_1303, %scan3A_1304 : i32
        %scan3A_1306 = arith.constant 1 : i32
        %scan3A_1307:5 = scf.for %scan3A_1309 = %scan3A_1303 to %scan3A_1305 step %scan3A_1306 iter_args(%scan3A_1310 = %scan3A_1283, %scan3A_1311 = %scan3A_1284, %scan3A_1312 = %scan3A_1285, %scan3A_1313 = %scan3A_1286, %scan3A_1314 = %scan3A_1287) -> (vector<16xf32>, vector<16xf32>, vector<16xf32>, vector<16xf32>, vector<16xf32>)  : i32 {
          %add3A_1315 = vector.broadcast %scan3A_1309 : i32 to vector<16xi32>
          %add3A_1316 = arith.addi %mul3A_1302, %add3A_1315 : vector<16xi32>
          %gather3A = tpu.vector_load_idx %arg4[%add3A_681, %add3A_1316, %add3A_1179] : memref<2x256x128xf32, #tpu.memory_space<vmem>>[vector<16xi32>, vector<16xi32>, vector<16xi32>], vector<16xf32>,
          %max3A = arith.maximumf %scan3A_1310, %gather3A : vector<16xf32>
          %min3A = arith.minimumf %scan3A_1310, %gather3A : vector<16xf32>
          %max3A_1317 = arith.maximumf %scan3A_1311, %min3A : vector<16xf32>
          %min3A_1318 = arith.minimumf %scan3A_1311, %min3A : vector<16xf32>
          %max3A_1319 = arith.maximumf %scan3A_1312, %min3A_1318 : vector<16xf32>
          %min3A_1320 = arith.minimumf %scan3A_1312, %min3A_1318 : vector<16xf32>
          %max3A_1321 = arith.maximumf %scan3A_1313, %min3A_1320 : vector<16xf32>
          %min3A_1322 = arith.minimumf %scan3A_1313, %min3A_1320 : vector<16xf32>
          %max3A_1323 = arith.maximumf %scan3A_1314, %min3A_1322 : vector<16xf32>
          %min3A_1324 = arith.minimumf %scan3A_1314, %min3A_1322 : vector<16xf32>
          scf.yield %max3A, %max3A_1317, %max3A_1319, %max3A_1321, %max3A_1323 : vector<16xf32>, vector<16xf32>, vector<16xf32>, vector<16xf32>, vector<16xf32>
        }
        %scan3A_1308 = arith.constant 16 : i32
        scf.yield %scan3A_1307#0, %scan3A_1307#1, %scan3A_1307#2, %scan3A_1307#3, %scan3A_1307#4 : vector<16xf32>, vector<16xf32>, vector<16xf32>, vector<16xf32>, vector<16xf32>
      }
      %scan3A_1185 = arith.constant 5 : i32
      %swap3A_1186 = arith.constant 30 : i32
      %swap3A_1187 = arith.index_cast %swap3A_1186 : i32 to index
      %swap3A_1188 = arith.constant 0 : index
      %swap3A_1189 = tpu.vector_load %arg5[%swap3A_1187, %swap3A_1188] {strides = array<i32>} : memref<40x16xf32, #tpu.memory_space<vmem>>, vector<16xf32>,
      tpu.vector_store %arg5[%swap3A_1187, %swap3A_1188], %scan3A_1184#0 {strides = array<i32>} : memref<40x16xf32, #tpu.memory_space<vmem>>, vector<16xf32>,
      %swap3A_1190 = arith.constant 31 : i32
      %swap3A_1191 = arith.index_cast %swap3A_1190 : i32 to index
      %swap3A_1192 = arith.constant 0 : index
      %swap3A_1193 = tpu.vector_load %arg5[%swap3A_1191, %swap3A_1192] {strides = array<i32>} : memref<40x16xf32, #tpu.memory_space<vmem>>, vector<16xf32>,
      tpu.vector_store %arg5[%swap3A_1191, %swap3A_1192], %scan3A_1184#1 {strides = array<i32>} : memref<40x16xf32, #tpu.memory_space<vmem>>, vector<16xf32>,
      %swap3A_1194 = arith.constant 32 : i32
      %swap3A_1195 = arith.index_cast %swap3A_1194 : i32 to index
      %swap3A_1196 = arith.constant 0 : index
      %swap3A_1197 = tpu.vector_load %arg5[%swap3A_1195, %swap3A_1196] {strides = array<i32>} : memref<40x16xf32, #tpu.memory_space<vmem>>, vector<16xf32>,
      tpu.vector_store %arg5[%swap3A_1195, %swap3A_1196], %scan3A_1184#2 {strides = array<i32>} : memref<40x16xf32, #tpu.memory_space<vmem>>, vector<16xf32>,
      %swap3A_1198 = arith.constant 33 : i32
      %swap3A_1199 = arith.index_cast %swap3A_1198 : i32 to index
      %swap3A_1200 = arith.constant 0 : index
      %swap3A_1201 = tpu.vector_load %arg5[%swap3A_1199, %swap3A_1200] {strides = array<i32>} : memref<40x16xf32, #tpu.memory_space<vmem>>, vector<16xf32>,
      tpu.vector_store %arg5[%swap3A_1199, %swap3A_1200], %scan3A_1184#3 {strides = array<i32>} : memref<40x16xf32, #tpu.memory_space<vmem>>, vector<16xf32>,
      %swap3A_1202 = arith.constant 34 : i32
      %swap3A_1203 = arith.index_cast %swap3A_1202 : i32 to index
      %swap3A_1204 = arith.constant 0 : index
      %swap3A_1205 = tpu.vector_load %arg5[%swap3A_1203, %swap3A_1204] {strides = array<i32>} : memref<40x16xf32, #tpu.memory_space<vmem>>, vector<16xf32>,
      tpu.vector_store %arg5[%swap3A_1203, %swap3A_1204], %scan3A_1184#4 {strides = array<i32>} : memref<40x16xf32, #tpu.memory_space<vmem>>, vector<16xf32>,
      %broadcast_in_dim3A_1206 = arith.constant 0xFF800000 : f32
      %broadcast_in_dim3A_1207 = vector.broadcast %broadcast_in_dim3A_1206 : f32 to vector<16xf32>
      %broadcast_in_dim3A_1208 = arith.constant 0xFF800000 : f32
      %broadcast_in_dim3A_1209 = vector.broadcast %broadcast_in_dim3A_1208 : f32 to vector<16xf32>
      %broadcast_in_dim3A_1210 = arith.constant 0xFF800000 : f32
      %broadcast_in_dim3A_1211 = vector.broadcast %broadcast_in_dim3A_1210 : f32 to vector<16xf32>
      %broadcast_in_dim3A_1212 = arith.constant 0xFF800000 : f32
      %broadcast_in_dim3A_1213 = vector.broadcast %broadcast_in_dim3A_1212 : f32 to vector<16xf32>
      %broadcast_in_dim3A_1214 = arith.constant 0xFF800000 : f32
      %broadcast_in_dim3A_1215 = vector.broadcast %broadcast_in_dim3A_1214 : f32 to vector<16xf32>
      %broadcast_in_dim3A_1216 = arith.constant 0 : i32
      %broadcast_in_dim3A_1217 = vector.broadcast %broadcast_in_dim3A_1216 : i32 to vector<16xi32>
      %broadcast_in_dim3A_1218 = arith.constant 0 : i32
      %broadcast_in_dim3A_1219 = vector.broadcast %broadcast_in_dim3A_1218 : i32 to vector<16xi32>
      %broadcast_in_dim3A_1220 = arith.constant 0 : i32
      %broadcast_in_dim3A_1221 = vector.broadcast %broadcast_in_dim3A_1220 : i32 to vector<16xi32>
      %broadcast_in_dim3A_1222 = arith.constant 0 : i32
      %broadcast_in_dim3A_1223 = vector.broadcast %broadcast_in_dim3A_1222 : i32 to vector<16xi32>
      %broadcast_in_dim3A_1224 = arith.constant 0 : i32
      %broadcast_in_dim3A_1225 = vector.broadcast %broadcast_in_dim3A_1224 : i32 to vector<16xi32>
      %scan3A_1226 = arith.constant 0 : i32
      %scan3A_1227 = arith.constant 16 : i32
      %scan3A_1228 = arith.addi %scan3A_1226, %scan3A_1227 : i32
      %scan3A_1229 = arith.constant 2 : i32
      %scan3A_1230:10 = scf.for %scan3A_1282 = %scan3A_1226 to %scan3A_1228 step %scan3A_1229 iter_args(%scan3A_1283 = %broadcast_in_dim3A_1207, %scan3A_1284 = %broadcast_in_dim3A_1209, %scan3A_1285 = %broadcast_in_dim3A_1211, %scan3A_1286 = %broadcast_in_dim3A_1213, %scan3A_1287 = %broadcast_in_dim3A_1215, %scan3A_1288 = %broadcast_in_dim3A_1217, %scan3A_1289 = %broadcast_in_dim3A_1219, %scan3A_1290 = %broadcast_in_dim3A_1221, %scan3A_1291 = %broadcast_in_dim3A_1223, %scan3A_1292 = %broadcast_in_dim3A_1225) -> (vector<16xf32>, vector<16xf32>, vector<16xf32>, vector<16xf32>, vector<16xf32>, vector<16xi32>, vector<16xi32>, vector<16xi32>, vector<16xi32>, vector<16xi32>)  : i32 {
        %mul3A_1293 = arith.constant 16 : i32
        %mul3A_1294 = arith.muli %scan3A_1282, %mul3A_1293 : i32
        %add3A_1295 = arith.constant 0 : i32
        %add3A_1296 = arith.addi %mul3A_1294, %add3A_1295 : i32
        %get3A_1297 = arith.index_cast %select_n3A_628 : i32 to index
        %get3A_1298 = arith.index_cast %add3A_1296 : i32 to index
        %get3A_1299 = arith.constant 112 : index
        %get3A_1300 = tpu.vector_load %arg4[%get3A_1297, %get3A_1298, %get3A_1299] {strides = array<i32>} : memref<2x256x128xf32, #tpu.memory_space<vmem>>, vector<16xf32>,
        %add3A_1301 = arith.constant 1 : i32
        %add3A_1302 = arith.addi %mul3A_1294, %add3A_1301 : i32
        %get3A_1303 = arith.index_cast %select_n3A_628 : i32 to index
        %get3A_1304 = arith.index_cast %add3A_1302 : i32 to index
        %get3A_1305 = arith.constant 112 : index
        %get3A_1306 = tpu.vector_load %arg4[%get3A_1303, %get3A_1304, %get3A_1305] {strides = array<i32>} : memref<2x256x128xf32, #tpu.memory_space<vmem>>, vector<16xf32>,
        %add3A_1307 = arith.constant 2 : i32
        %add3A_1308 = arith.addi %mul3A_1294, %add3A_1307 : i32
        %get3A_1309 = arith.index_cast %select_n3A_628 : i32 to index
        %get3A_1310 = arith.index_cast %add3A_1308 : i32 to index
        %get3A_1311 = arith.constant 112 : index
        %get3A_1312 = tpu.vector_load %arg4[%get3A_1309, %get3A_1310, %get3A_1311] {strides = array<i32>} : memref<2x256x128xf32, #tpu.memory_space<vmem>>, vector<16xf32>,
        %add3A_1313 = arith.constant 3 : i32
        %add3A_1314 = arith.addi %mul3A_1294, %add3A_1313 : i32
        %get3A_1315 = arith.index_cast %select_n3A_628 : i32 to index
        %get3A_1316 = arith.index_cast %add3A_1314 : i32 to index
        %get3A_1317 = arith.constant 112 : index
        %get3A_1318 = tpu.vector_load %arg4[%get3A_1315, %get3A_1316, %get3A_1317] {strides = array<i32>} : memref<2x256x128xf32, #tpu.memory_space<vmem>>, vector<16xf32>,
        %add3A_1319 = arith.constant 4 : i32
        %add3A_1320 = arith.addi %mul3A_1294, %add3A_1319 : i32
        %get3A_1321 = arith.index_cast %select_n3A_628 : i32 to index
        %get3A_1322 = arith.index_cast %add3A_1320 : i32 to index
        %get3A_1323 = arith.constant 112 : index
        %get3A_1324 = tpu.vector_load %arg4[%get3A_1321, %get3A_1322, %get3A_1323] {strides = array<i32>} : memref<2x256x128xf32, #tpu.memory_space<vmem>>, vector<16xf32>,
        %add3A_1325 = arith.constant 5 : i32
        %add3A_1326 = arith.addi %mul3A_1294, %add3A_1325 : i32
        %get3A_1327 = arith.index_cast %select_n3A_628 : i32 to index
        %get3A_1328 = arith.index_cast %add3A_1326 : i32 to index
        %get3A_1329 = arith.constant 112 : index
        %get3A_1330 = tpu.vector_load %arg4[%get3A_1327, %get3A_1328, %get3A_1329] {strides = array<i32>} : memref<2x256x128xf32, #tpu.memory_space<vmem>>, vector<16xf32>,
        %add3A_1331 = arith.constant 6 : i32
        %add3A_1332 = arith.addi %mul3A_1294, %add3A_1331 : i32
        %get3A_1333 = arith.index_cast %select_n3A_628 : i32 to index
        %get3A_1334 = arith.index_cast %add3A_1332 : i32 to index
        %get3A_1335 = arith.constant 112 : index
        %get3A_1336 = tpu.vector_load %arg4[%get3A_1333, %get3A_1334, %get3A_1335] {strides = array<i32>} : memref<2x256x128xf32, #tpu.memory_space<vmem>>, vector<16xf32>,
        %add3A_1337 = arith.constant 7 : i32
        %add3A_1338 = arith.addi %mul3A_1294, %add3A_1337 : i32
        %get3A_1339 = arith.index_cast %select_n3A_628 : i32 to index
        %get3A_1340 = arith.index_cast %add3A_1338 : i32 to index
        %get3A_1341 = arith.constant 112 : index
        %get3A_1342 = tpu.vector_load %arg4[%get3A_1339, %get3A_1340, %get3A_1341] {strides = array<i32>} : memref<2x256x128xf32, #tpu.memory_space<vmem>>, vector<16xf32>,
        %add3A_1343 = arith.constant 8 : i32
        %add3A_1344 = arith.addi %mul3A_1294, %add3A_1343 : i32
        %get3A_1345 = arith.index_cast %select_n3A_628 : i32 to index
        %get3A_1346 = arith.index_cast %add3A_1344 : i32 to index
        %get3A_1347 = arith.constant 112 : index
        %get3A_1348 = tpu.vector_load %arg4[%get3A_1345, %get3A_1346, %get3A_1347] {strides = array<i32>} : memref<2x256x128xf32, #tpu.memory_space<vmem>>, vector<16xf32>,
        %add3A_1349 = arith.constant 9 : i32
        %add3A_1350 = arith.addi %mul3A_1294, %add3A_1349 : i32
        %get3A_1351 = arith.index_cast %select_n3A_628 : i32 to index
        %get3A_1352 = arith.index_cast %add3A_1350 : i32 to index
        %get3A_1353 = arith.constant 112 : index
        %get3A_1354 = tpu.vector_load %arg4[%get3A_1351, %get3A_1352, %get3A_1353] {strides = array<i32>} : memref<2x256x128xf32, #tpu.memory_space<vmem>>, vector<16xf32>,
        %add3A_1355 = arith.constant 10 : i32
        %add3A_1356 = arith.addi %mul3A_1294, %add3A_1355 : i32
        %get3A_1357 = arith.index_cast %select_n3A_628 : i32 to index
        %get3A_1358 = arith.index_cast %add3A_1356 : i32 to index
        %get3A_1359 = arith.constant 112 : index
        %get3A_1360 = tpu.vector_load %arg4[%get3A_1357, %get3A_1358, %get3A_1359] {strides = array<i32>} : memref<2x256x128xf32, #tpu.memory_space<vmem>>, vector<16xf32>,
        %add3A_1361 = arith.constant 11 : i32
        %add3A_1362 = arith.addi %mul3A_1294, %add3A_1361 : i32
        %get3A_1363 = arith.index_cast %select_n3A_628 : i32 to index
        %get3A_1364 = arith.index_cast %add3A_1362 : i32 to index
        %get3A_1365 = arith.constant 112 : index
        %get3A_1366 = tpu.vector_load %arg4[%get3A_1363, %get3A_1364, %get3A_1365] {strides = array<i32>} : memref<2x256x128xf32, #tpu.memory_space<vmem>>, vector<16xf32>,
        %add3A_1367 = arith.constant 12 : i32
        %add3A_1368 = arith.addi %mul3A_1294, %add3A_1367 : i32
        %get3A_1369 = arith.index_cast %select_n3A_628 : i32 to index
        %get3A_1370 = arith.index_cast %add3A_1368 : i32 to index
        %get3A_1371 = arith.constant 112 : index
        %get3A_1372 = tpu.vector_load %arg4[%get3A_1369, %get3A_1370, %get3A_1371] {strides = array<i32>} : memref<2x256x128xf32, #tpu.memory_space<vmem>>, vector<16xf32>,
        %add3A_1373 = arith.constant 13 : i32
        %add3A_1374 = arith.addi %mul3A_1294, %add3A_1373 : i32
        %get3A_1375 = arith.index_cast %select_n3A_628 : i32 to index
        %get3A_1376 = arith.index_cast %add3A_1374 : i32 to index
        %get3A_1377 = arith.constant 112 : index
        %get3A_1378 = tpu.vector_load %arg4[%get3A_1375, %get3A_1376, %get3A_1377] {strides = array<i32>} : memref<2x256x128xf32, #tpu.memory_space<vmem>>, vector<16xf32>,
        %add3A_1379 = arith.constant 14 : i32
        %add3A_1380 = arith.addi %mul3A_1294, %add3A_1379 : i32
        %get3A_1381 = arith.index_cast %select_n3A_628 : i32 to index
        %get3A_1382 = arith.index_cast %add3A_1380 : i32 to index
        %get3A_1383 = arith.constant 112 : index
        %get3A_1384 = tpu.vector_load %arg4[%get3A_1381, %get3A_1382, %get3A_1383] {strides = array<i32>} : memref<2x256x128xf32, #tpu.memory_space<vmem>>, vector<16xf32>,
        %add3A_1385 = arith.constant 15 : i32
        %add3A_1386 = arith.addi %mul3A_1294, %add3A_1385 : i32
        %get3A_1387 = arith.index_cast %select_n3A_628 : i32 to index
        %get3A_1388 = arith.index_cast %add3A_1386 : i32 to index
        %get3A_1389 = arith.constant 112 : index
        %get3A_1390 = tpu.vector_load %arg4[%get3A_1387, %get3A_1388, %get3A_1389] {strides = array<i32>} : memref<2x256x128xf32, #tpu.memory_space<vmem>>, vector<16xf32>,
        %max3A = arith.maximumf %get3A_1300, %get3A_1306 : vector<16xf32>
        %max3A_1391 = arith.maximumf %get3A_1312, %get3A_1318 : vector<16xf32>
        %max3A_1392 = arith.maximumf %get3A_1324, %get3A_1330 : vector<16xf32>
        %max3A_1393 = arith.maximumf %get3A_1336, %get3A_1342 : vector<16xf32>
        %max3A_1394 = arith.maximumf %get3A_1348, %get3A_1354 : vector<16xf32>
        %max3A_1395 = arith.maximumf %get3A_1360, %get3A_1366 : vector<16xf32>
        %max3A_1396 = arith.maximumf %get3A_1372, %get3A_1378 : vector<16xf32>
        %max3A_1397 = arith.maximumf %get3A_1384, %get3A_1390 : vector<16xf32>
        %max3A_1398 = arith.maximumf %max3A, %max3A_1391 : vector<16xf32>
        %max3A_1399 = arith.maximumf %max3A_1392, %max3A_1393 : vector<16xf32>
        %max3A_1400 = arith.maximumf %max3A_1394, %max3A_1395 : vector<16xf32>
        %max3A_1401 = arith.maximumf %max3A_1396, %max3A_1397 : vector<16xf32>
        %max3A_1402 = arith.maximumf %max3A_1398, %max3A_1399 : vector<16xf32>
        %max3A_1403 = arith.maximumf %max3A_1400, %max3A_1401 : vector<16xf32>
        %max3A_1404 = arith.maximumf %max3A_1402, %max3A_1403 : vector<16xf32>
        %broadcast_in_dim3A_1405 = arith.constant 0 : i32
        %broadcast_in_dim3A_1406 = vector.broadcast %broadcast_in_dim3A_1405 : i32 to vector<16xi32>
        %add3A_1407 = vector.broadcast %scan3A_1282 : i32 to vector<16xi32>
        %add3A_1408 = arith.addi %broadcast_in_dim3A_1406, %add3A_1407 : vector<16xi32>
        %gt3A = arith.cmpf ogt, %max3A_1404, %scan3A_1283 : vector<16xf32>
        %max3A_1409 = arith.maximumf %scan3A_1283, %max3A_1404 : vector<16xf32>
        %select_n3A_1410 = arith.select %gt3A, %add3A_1408, %scan3A_1288 : vector<16xi1>, vector<16xi32>
        %min3A = arith.minimumf %scan3A_1283, %max3A_1404 : vector<16xf32>
        %select_n3A_1411 = arith.select %gt3A, %scan3A_1288, %add3A_1408 : vector<16xi1>, vector<16xi32>
        %gt3A_1412 = arith.cmpf ogt, %min3A, %scan3A_1284 : vector<16xf32>
        %max3A_1413 = arith.maximumf %scan3A_1284, %min3A : vector<16xf32>
        %select_n3A_1414 = arith.select %gt3A_1412, %select_n3A_1411, %scan3A_1289 : vector<16xi1>, vector<16xi32>
        %min3A_1415 = arith.minimumf %scan3A_1284, %min3A : vector<16xf32>
        %select_n3A_1416 = arith.select %gt3A_1412, %scan3A_1289, %select_n3A_1411 : vector<16xi1>, vector<16xi32>
        %gt3A_1417 = arith.cmpf ogt, %min3A_1415, %scan3A_1285 : vector<16xf32>
        %max3A_1418 = arith.maximumf %scan3A_1285, %min3A_1415 : vector<16xf32>
        %select_n3A_1419 = arith.select %gt3A_1417, %select_n3A_1416, %scan3A_1290 : vector<16xi1>, vector<16xi32>
        %min3A_1420 = arith.minimumf %scan3A_1285, %min3A_1415 : vector<16xf32>
        %select_n3A_1421 = arith.select %gt3A_1417, %scan3A_1290, %select_n3A_1416 : vector<16xi1>, vector<16xi32>
        %gt3A_1422 = arith.cmpf ogt, %min3A_1420, %scan3A_1286 : vector<16xf32>
        %max3A_1423 = arith.maximumf %scan3A_1286, %min3A_1420 : vector<16xf32>
        %select_n3A_1424 = arith.select %gt3A_1422, %select_n3A_1421, %scan3A_1291 : vector<16xi1>, vector<16xi32>
        %min3A_1425 = arith.minimumf %scan3A_1286, %min3A_1420 : vector<16xf32>
        %select_n3A_1426 = arith.select %gt3A_1422, %scan3A_1291, %select_n3A_1421 : vector<16xi1>, vector<16xi32>
        %gt3A_1427 = arith.cmpf ogt, %min3A_1425, %scan3A_1287 : vector<16xf32>
        %max3A_1428 = arith.maximumf %scan3A_1287, %min3A_1425 : vector<16xf32>
        %select_n3A_1429 = arith.select %gt3A_1427, %select_n3A_1426, %scan3A_1292 : vector<16xi1>, vector<16xi32>
        %min3A_1430 = arith.minimumf %scan3A_1287, %min3A_1425 : vector<16xf32>
        %select_n3A_1431 = arith.select %gt3A_1427, %scan3A_1292, %select_n3A_1426 : vector<16xi1>, vector<16xi32>
        %scan3A_1432 = arith.constant 1 : i32
        %scan3A_1433 = arith.addi %scan3A_1282, %scan3A_1432 : i32
        %mul3A_1434 = arith.constant 16 : i32
        %mul3A_1435 = arith.muli %scan3A_1433, %mul3A_1434 : i32
        %add3A_1436 = arith.constant 0 : i32
        %add3A_1437 = arith.addi %mul3A_1435, %add3A_1436 : i32
        %get3A_1438 = arith.index_cast %select_n3A_628 : i32 to index
        %get3A_1439 = arith.index_cast %add3A_1437 : i32 to index
        %get3A_1440 = arith.constant 112 : index
        %get3A_1441 = tpu.vector_load %arg4[%get3A_1438, %get3A_1439, %get3A_1440] {strides = array<i32>} : memref<2x256x128xf32, #tpu.memory_space<vmem>>, vector<16xf32>,
        %add3A_1442 = arith.constant 1 : i32
        %add3A_1443 = arith.addi %mul3A_1435, %add3A_1442 : i32
        %get3A_1444 = arith.index_cast %select_n3A_628 : i32 to index
        %get3A_1445 = arith.index_cast %add3A_1443 : i32 to index
        %get3A_1446 = arith.constant 112 : index
        %get3A_1447 = tpu.vector_load %arg4[%get3A_1444, %get3A_1445, %get3A_1446] {strides = array<i32>} : memref<2x256x128xf32, #tpu.memory_space<vmem>>, vector<16xf32>,
        %add3A_1448 = arith.constant 2 : i32
        %add3A_1449 = arith.addi %mul3A_1435, %add3A_1448 : i32
        %get3A_1450 = arith.index_cast %select_n3A_628 : i32 to index
        %get3A_1451 = arith.index_cast %add3A_1449 : i32 to index
        %get3A_1452 = arith.constant 112 : index
        %get3A_1453 = tpu.vector_load %arg4[%get3A_1450, %get3A_1451, %get3A_1452] {strides = array<i32>} : memref<2x256x128xf32, #tpu.memory_space<vmem>>, vector<16xf32>,
        %add3A_1454 = arith.constant 3 : i32
        %add3A_1455 = arith.addi %mul3A_1435, %add3A_1454 : i32
        %get3A_1456 = arith.index_cast %select_n3A_628 : i32 to index
        %get3A_1457 = arith.index_cast %add3A_1455 : i32 to index
        %get3A_1458 = arith.constant 112 : index
        %get3A_1459 = tpu.vector_load %arg4[%get3A_1456, %get3A_1457, %get3A_1458] {strides = array<i32>} : memref<2x256x128xf32, #tpu.memory_space<vmem>>, vector<16xf32>,
        %add3A_1460 = arith.constant 4 : i32
        %add3A_1461 = arith.addi %mul3A_1435, %add3A_1460 : i32
        %get3A_1462 = arith.index_cast %select_n3A_628 : i32 to index
        %get3A_1463 = arith.index_cast %add3A_1461 : i32 to index
        %get3A_1464 = arith.constant 112 : index
        %get3A_1465 = tpu.vector_load %arg4[%get3A_1462, %get3A_1463, %get3A_1464] {strides = array<i32>} : memref<2x256x128xf32, #tpu.memory_space<vmem>>, vector<16xf32>,
        %add3A_1466 = arith.constant 5 : i32
        %add3A_1467 = arith.addi %mul3A_1435, %add3A_1466 : i32
        %get3A_1468 = arith.index_cast %select_n3A_628 : i32 to index
        %get3A_1469 = arith.index_cast %add3A_1467 : i32 to index
        %get3A_1470 = arith.constant 112 : index
        %get3A_1471 = tpu.vector_load %arg4[%get3A_1468, %get3A_1469, %get3A_1470] {strides = array<i32>} : memref<2x256x128xf32, #tpu.memory_space<vmem>>, vector<16xf32>,
        %add3A_1472 = arith.constant 6 : i32
        %add3A_1473 = arith.addi %mul3A_1435, %add3A_1472 : i32
        %get3A_1474 = arith.index_cast %select_n3A_628 : i32 to index
        %get3A_1475 = arith.index_cast %add3A_1473 : i32 to index
        %get3A_1476 = arith.constant 112 : index
        %get3A_1477 = tpu.vector_load %arg4[%get3A_1474, %get3A_1475, %get3A_1476] {strides = array<i32>} : memref<2x256x128xf32, #tpu.memory_space<vmem>>, vector<16xf32>,
        %add3A_1478 = arith.constant 7 : i32
        %add3A_1479 = arith.addi %mul3A_1435, %add3A_1478 : i32
        %get3A_1480 = arith.index_cast %select_n3A_628 : i32 to index
        %get3A_1481 = arith.index_cast %add3A_1479 : i32 to index
        %get3A_1482 = arith.constant 112 : index
        %get3A_1483 = tpu.vector_load %arg4[%get3A_1480, %get3A_1481, %get3A_1482] {strides = array<i32>} : memref<2x256x128xf32, #tpu.memory_space<vmem>>, vector<16xf32>,
        %add3A_1484 = arith.constant 8 : i32
        %add3A_1485 = arith.addi %mul3A_1435, %add3A_1484 : i32
        %get3A_1486 = arith.index_cast %select_n3A_628 : i32 to index
        %get3A_1487 = arith.index_cast %add3A_1485 : i32 to index
        %get3A_1488 = arith.constant 112 : index
        %get3A_1489 = tpu.vector_load %arg4[%get3A_1486, %get3A_1487, %get3A_1488] {strides = array<i32>} : memref<2x256x128xf32, #tpu.memory_space<vmem>>, vector<16xf32>,
        %add3A_1490 = arith.constant 9 : i32
        %add3A_1491 = arith.addi %mul3A_1435, %add3A_1490 : i32
        %get3A_1492 = arith.index_cast %select_n3A_628 : i32 to index
        %get3A_1493 = arith.index_cast %add3A_1491 : i32 to index
        %get3A_1494 = arith.constant 112 : index
        %get3A_1495 = tpu.vector_load %arg4[%get3A_1492, %get3A_1493, %get3A_1494] {strides = array<i32>} : memref<2x256x128xf32, #tpu.memory_space<vmem>>, vector<16xf32>,
        %add3A_1496 = arith.constant 10 : i32
        %add3A_1497 = arith.addi %mul3A_1435, %add3A_1496 : i32
        %get3A_1498 = arith.index_cast %select_n3A_628 : i32 to index
        %get3A_1499 = arith.index_cast %add3A_1497 : i32 to index
        %get3A_1500 = arith.constant 112 : index
        %get3A_1501 = tpu.vector_load %arg4[%get3A_1498, %get3A_1499, %get3A_1500] {strides = array<i32>} : memref<2x256x128xf32, #tpu.memory_space<vmem>>, vector<16xf32>,
        %add3A_1502 = arith.constant 11 : i32
        %add3A_1503 = arith.addi %mul3A_1435, %add3A_1502 : i32
        %get3A_1504 = arith.index_cast %select_n3A_628 : i32 to index
        %get3A_1505 = arith.index_cast %add3A_1503 : i32 to index
        %get3A_1506 = arith.constant 112 : index
        %get3A_1507 = tpu.vector_load %arg4[%get3A_1504, %get3A_1505, %get3A_1506] {strides = array<i32>} : memref<2x256x128xf32, #tpu.memory_space<vmem>>, vector<16xf32>,
        %add3A_1508 = arith.constant 12 : i32
        %add3A_1509 = arith.addi %mul3A_1435, %add3A_1508 : i32
        %get3A_1510 = arith.index_cast %select_n3A_628 : i32 to index
        %get3A_1511 = arith.index_cast %add3A_1509 : i32 to index
        %get3A_1512 = arith.constant 112 : index
        %get3A_1513 = tpu.vector_load %arg4[%get3A_1510, %get3A_1511, %get3A_1512] {strides = array<i32>} : memref<2x256x128xf32, #tpu.memory_space<vmem>>, vector<16xf32>,
        %add3A_1514 = arith.constant 13 : i32
        %add3A_1515 = arith.addi %mul3A_1435, %add3A_1514 : i32
        %get3A_1516 = arith.index_cast %select_n3A_628 : i32 to index
        %get3A_1517 = arith.index_cast %add3A_1515 : i32 to index
        %get3A_1518 = arith.constant 112 : index
        %get3A_1519 = tpu.vector_load %arg4[%get3A_1516, %get3A_1517, %get3A_1518] {strides = array<i32>} : memref<2x256x128xf32, #tpu.memory_space<vmem>>, vector<16xf32>,
        %add3A_1520 = arith.constant 14 : i32
        %add3A_1521 = arith.addi %mul3A_1435, %add3A_1520 : i32
        %get3A_1522 = arith.index_cast %select_n3A_628 : i32 to index
        %get3A_1523 = arith.index_cast %add3A_1521 : i32 to index
        %get3A_1524 = arith.constant 112 : index
        %get3A_1525 = tpu.vector_load %arg4[%get3A_1522, %get3A_1523, %get3A_1524] {strides = array<i32>} : memref<2x256x128xf32, #tpu.memory_space<vmem>>, vector<16xf32>,
        %add3A_1526 = arith.constant 15 : i32
        %add3A_1527 = arith.addi %mul3A_1435, %add3A_1526 : i32
        %get3A_1528 = arith.index_cast %select_n3A_628 : i32 to index
        %get3A_1529 = arith.index_cast %add3A_1527 : i32 to index
        %get3A_1530 = arith.constant 112 : index
        %get3A_1531 = tpu.vector_load %arg4[%get3A_1528, %get3A_1529, %get3A_1530] {strides = array<i32>} : memref<2x256x128xf32, #tpu.memory_space<vmem>>, vector<16xf32>,
        %max3A_1532 = arith.maximumf %get3A_1441, %get3A_1447 : vector<16xf32>
        %max3A_1533 = arith.maximumf %get3A_1453, %get3A_1459 : vector<16xf32>
        %max3A_1534 = arith.maximumf %get3A_1465, %get3A_1471 : vector<16xf32>
        %max3A_1535 = arith.maximumf %get3A_1477, %get3A_1483 : vector<16xf32>
        %max3A_1536 = arith.maximumf %get3A_1489, %get3A_1495 : vector<16xf32>
        %max3A_1537 = arith.maximumf %get3A_1501, %get3A_1507 : vector<16xf32>
        %max3A_1538 = arith.maximumf %get3A_1513, %get3A_1519 : vector<16xf32>
        %max3A_1539 = arith.maximumf %get3A_1525, %get3A_1531 : vector<16xf32>
        %max3A_1540 = arith.maximumf %max3A_1532, %max3A_1533 : vector<16xf32>
        %max3A_1541 = arith.maximumf %max3A_1534, %max3A_1535 : vector<16xf32>
        %max3A_1542 = arith.maximumf %max3A_1536, %max3A_1537 : vector<16xf32>
        %max3A_1543 = arith.maximumf %max3A_1538, %max3A_1539 : vector<16xf32>
        %max3A_1544 = arith.maximumf %max3A_1540, %max3A_1541 : vector<16xf32>
        %max3A_1545 = arith.maximumf %max3A_1542, %max3A_1543 : vector<16xf32>
        %max3A_1546 = arith.maximumf %max3A_1544, %max3A_1545 : vector<16xf32>
        %broadcast_in_dim3A_1547 = arith.constant 0 : i32
        %broadcast_in_dim3A_1548 = vector.broadcast %broadcast_in_dim3A_1547 : i32 to vector<16xi32>
        %add3A_1549 = vector.broadcast %scan3A_1433 : i32 to vector<16xi32>
        %add3A_1550 = arith.addi %broadcast_in_dim3A_1548, %add3A_1549 : vector<16xi32>
        %gt3A_1551 = arith.cmpf ogt, %max3A_1546, %max3A_1409 : vector<16xf32>
        %max3A_1552 = arith.maximumf %max3A_1409, %max3A_1546 : vector<16xf32>
        %select_n3A_1553 = arith.select %gt3A_1551, %add3A_1550, %select_n3A_1410 : vector<16xi1>, vector<16xi32>
        %min3A_1554 = arith.minimumf %max3A_1409, %max3A_1546 : vector<16xf32>
        %select_n3A_1555 = arith.select %gt3A_1551, %select_n3A_1410, %add3A_1550 : vector<16xi1>, vector<16xi32>
        %gt3A_1556 = arith.cmpf ogt, %min3A_1554, %max3A_1413 : vector<16xf32>
        %max3A_1557 = arith.maximumf %max3A_1413, %min3A_1554 : vector<16xf32>
        %select_n3A_1558 = arith.select %gt3A_1556, %select_n3A_1555, %select_n3A_1414 : vector<16xi1>, vector<16xi32>
        %min3A_1559 = arith.minimumf %max3A_1413, %min3A_1554 : vector<16xf32>
        %select_n3A_1560 = arith.select %gt3A_1556, %select_n3A_1414, %select_n3A_1555 : vector<16xi1>, vector<16xi32>
        %gt3A_1561 = arith.cmpf ogt, %min3A_1559, %max3A_1418 : vector<16xf32>
        %max3A_1562 = arith.maximumf %max3A_1418, %min3A_1559 : vector<16xf32>
        %select_n3A_1563 = arith.select %gt3A_1561, %select_n3A_1560, %select_n3A_1419 : vector<16xi1>, vector<16xi32>
        %min3A_1564 = arith.minimumf %max3A_1418, %min3A_1559 : vector<16xf32>
        %select_n3A_1565 = arith.select %gt3A_1561, %select_n3A_1419, %select_n3A_1560 : vector<16xi1>, vector<16xi32>
        %gt3A_1566 = arith.cmpf ogt, %min3A_1564, %max3A_1423 : vector<16xf32>
        %max3A_1567 = arith.maximumf %max3A_1423, %min3A_1564 : vector<16xf32>
        %select_n3A_1568 = arith.select %gt3A_1566, %select_n3A_1565, %select_n3A_1424 : vector<16xi1>, vector<16xi32>
        %min3A_1569 = arith.minimumf %max3A_1423, %min3A_1564 : vector<16xf32>
        %select_n3A_1570 = arith.select %gt3A_1566, %select_n3A_1424, %select_n3A_1565 : vector<16xi1>, vector<16xi32>
        %gt3A_1571 = arith.cmpf ogt, %min3A_1569, %max3A_1428 : vector<16xf32>
        %max3A_1572 = arith.maximumf %max3A_1428, %min3A_1569 : vector<16xf32>
        %select_n3A_1573 = arith.select %gt3A_1571, %select_n3A_1570, %select_n3A_1429 : vector<16xi1>, vector<16xi32>
        %min3A_1574 = arith.minimumf %max3A_1428, %min3A_1569 : vector<16xf32>
        %select_n3A_1575 = arith.select %gt3A_1571, %select_n3A_1429, %select_n3A_1570 : vector<16xi1>, vector<16xi32>
        scf.yield %max3A_1552, %max3A_1557, %max3A_1562, %max3A_1567, %max3A_1572, %select_n3A_1553, %select_n3A_1558, %select_n3A_1563, %select_n3A_1568, %select_n3A_1573 : vector<16xf32>, vector<16xf32>, vector<16xf32>, vector<16xf32>, vector<16xf32>, vector<16xi32>, vector<16xi32>, vector<16xi32>, vector<16xi32>, vector<16xi32>
      }
      %scan3A_1231 = arith.constant 16 : i32
      %get3A_1232 = arith.constant 35 : i32
      %get3A_1233 = arith.index_cast %get3A_1232 : i32 to index
      %get3A_1234 = arith.constant 0 : index
      %get3A_1235 = tpu.vector_load %arg5[%get3A_1233, %get3A_1234] {strides = array<i32>} : memref<40x16xf32, #tpu.memory_space<vmem>>, vector<16xf32>,
      %get3A_1236 = arith.constant 36 : i32
      %get3A_1237 = arith.index_cast %get3A_1236 : i32 to index
      %get3A_1238 = arith.constant 0 : index
      %get3A_1239 = tpu.vector_load %arg5[%get3A_1237, %get3A_1238] {strides = array<i32>} : memref<40x16xf32, #tpu.memory_space<vmem>>, vector<16xf32>,
      %get3A_1240 = arith.constant 37 : i32
      %get3A_1241 = arith.index_cast %get3A_1240 : i32 to index
      %get3A_1242 = arith.constant 0 : index
      %get3A_1243 = tpu.vector_load %arg5[%get3A_1241, %get3A_1242] {strides = array<i32>} : memref<40x16xf32, #tpu.memory_space<vmem>>, vector<16xf32>,
      %get3A_1244 = arith.constant 38 : i32
      %get3A_1245 = arith.index_cast %get3A_1244 : i32 to index
      %get3A_1246 = arith.constant 0 : index
      %get3A_1247 = tpu.vector_load %arg5[%get3A_1245, %get3A_1246] {strides = array<i32>} : memref<40x16xf32, #tpu.memory_space<vmem>>, vector<16xf32>,
      %get3A_1248 = arith.constant 39 : i32
      %get3A_1249 = arith.index_cast %get3A_1248 : i32 to index
      %get3A_1250 = arith.constant 0 : index
      %get3A_1251 = tpu.vector_load %arg5[%get3A_1249, %get3A_1250] {strides = array<i32>} : memref<40x16xf32, #tpu.memory_space<vmem>>, vector<16xf32>,
      %add3A_1252 = arith.constant 112 : i32
      %add3A_1253 = vector.broadcast %add3A_1252 : i32 to vector<16xi32>
      %add3A_1254 = arith.addi %add3A_1253, %iota3A : vector<16xi32>
      %scan3A_1255 = arith.constant 0 : i32
      %scan3A_1256 = arith.constant 5 : i32
      %scan3A_1257 = arith.addi %scan3A_1255, %scan3A_1256 : i32
      %scan3A_1258 = arith.constant 1 : i32
      %scan3A_1259:5 = scf.for %scan3A_1282 = %scan3A_1255 to %scan3A_1257 step %scan3A_1258 iter_args(%scan3A_1283 = %get3A_1235, %scan3A_1284 = %get3A_1239, %scan3A_1285 = %get3A_1243, %scan3A_1286 = %get3A_1247, %scan3A_1287 = %get3A_1251) -> (vector<16xf32>, vector<16xf32>, vector<16xf32>, vector<16xf32>, vector<16xf32>)  : i32 {
        %eq3A_1288 = arith.constant 0 : i32
        %eq3A_1289 = arith.cmpi eq, %scan3A_1282, %eq3A_1288 : i32
        %eq3A_1290 = arith.constant 1 : i32
        %eq3A_1291 = arith.cmpi eq, %scan3A_1282, %eq3A_1290 : i32
        %eq3A_1292 = arith.constant 2 : i32
        %eq3A_1293 = arith.cmpi eq, %scan3A_1282, %eq3A_1292 : i32
        %eq3A_1294 = arith.constant 3 : i32
        %eq3A_1295 = arith.cmpi eq, %scan3A_1282, %eq3A_1294 : i32
        %select_n3A_1296 = arith.select %eq3A_1295, %scan3A_1230#8, %scan3A_1230#9 : vector<16xi32>
        %select_n3A_1297 = arith.select %eq3A_1293, %scan3A_1230#7, %select_n3A_1296 : vector<16xi32>
        %select_n3A_1298 = arith.select %eq3A_1291, %scan3A_1230#6, %select_n3A_1297 : vector<16xi32>
        %select_n3A_1299 = arith.select %eq3A_1289, %scan3A_1230#5, %select_n3A_1298 : vector<16xi32>
        %mul3A_1300 = arith.constant 16 : i32
        %mul3A_1301 = vector.broadcast %mul3A_1300 : i32 to vector<16xi32>
        %mul3A_1302 = arith.muli %select_n3A_1299, %mul3A_1301 : vector<16xi32>
        %scan3A_1303 = arith.constant 0 : i32
        %scan3A_1304 = arith.constant 16 : i32
        %scan3A_1305 = arith.addi %scan3A_1303, %scan3A_1304 : i32
        %scan3A_1306 = arith.constant 1 : i32
        %scan3A_1307:5 = scf.for %scan3A_1309 = %scan3A_1303 to %scan3A_1305 step %scan3A_1306 iter_args(%scan3A_1310 = %scan3A_1283, %scan3A_1311 = %scan3A_1284, %scan3A_1312 = %scan3A_1285, %scan3A_1313 = %scan3A_1286, %scan3A_1314 = %scan3A_1287) -> (vector<16xf32>, vector<16xf32>, vector<16xf32>, vector<16xf32>, vector<16xf32>)  : i32 {
          %add3A_1315 = vector.broadcast %scan3A_1309 : i32 to vector<16xi32>
          %add3A_1316 = arith.addi %mul3A_1302, %add3A_1315 : vector<16xi32>
          %gather3A = tpu.vector_load_idx %arg4[%add3A_681, %add3A_1316, %add3A_1254] : memref<2x256x128xf32, #tpu.memory_space<vmem>>[vector<16xi32>, vector<16xi32>, vector<16xi32>], vector<16xf32>,
          %max3A = arith.maximumf %scan3A_1310, %gather3A : vector<16xf32>
          %min3A = arith.minimumf %scan3A_1310, %gather3A : vector<16xf32>
          %max3A_1317 = arith.maximumf %scan3A_1311, %min3A : vector<16xf32>
          %min3A_1318 = arith.minimumf %scan3A_1311, %min3A : vector<16xf32>
          %max3A_1319 = arith.maximumf %scan3A_1312, %min3A_1318 : vector<16xf32>
          %min3A_1320 = arith.minimumf %scan3A_1312, %min3A_1318 : vector<16xf32>
          %max3A_1321 = arith.maximumf %scan3A_1313, %min3A_1320 : vector<16xf32>
          %min3A_1322 = arith.minimumf %scan3A_1313, %min3A_1320 : vector<16xf32>
          %max3A_1323 = arith.maximumf %scan3A_1314, %min3A_1322 : vector<16xf32>
          %min3A_1324 = arith.minimumf %scan3A_1314, %min3A_1322 : vector<16xf32>
          scf.yield %max3A, %max3A_1317, %max3A_1319, %max3A_1321, %max3A_1323 : vector<16xf32>, vector<16xf32>, vector<16xf32>, vector<16xf32>, vector<16xf32>
        }
        %scan3A_1308 = arith.constant 16 : i32
        scf.yield %scan3A_1307#0, %scan3A_1307#1, %scan3A_1307#2, %scan3A_1307#3, %scan3A_1307#4 : vector<16xf32>, vector<16xf32>, vector<16xf32>, vector<16xf32>, vector<16xf32>
      }
      %scan3A_1260 = arith.constant 5 : i32
      %swap3A_1261 = arith.constant 35 : i32
      %swap3A_1262 = arith.index_cast %swap3A_1261 : i32 to index
      %swap3A_1263 = arith.constant 0 : index
      %swap3A_1264 = tpu.vector_load %arg5[%swap3A_1262, %swap3A_1263] {strides = array<i32>} : memref<40x16xf32, #tpu.memory_space<vmem>>, vector<16xf32>,
      tpu.vector_store %arg5[%swap3A_1262, %swap3A_1263], %scan3A_1259#0 {strides = array<i32>} : memref<40x16xf32, #tpu.memory_space<vmem>>, vector<16xf32>,
      %swap3A_1265 = arith.constant 36 : i32
      %swap3A_1266 = arith.index_cast %swap3A_1265 : i32 to index
      %swap3A_1267 = arith.constant 0 : index
      %swap3A_1268 = tpu.vector_load %arg5[%swap3A_1266, %swap3A_1267] {strides = array<i32>} : memref<40x16xf32, #tpu.memory_space<vmem>>, vector<16xf32>,
      tpu.vector_store %arg5[%swap3A_1266, %swap3A_1267], %scan3A_1259#1 {strides = array<i32>} : memref<40x16xf32, #tpu.memory_space<vmem>>, vector<16xf32>,
      %swap3A_1269 = arith.constant 37 : i32
      %swap3A_1270 = arith.index_cast %swap3A_1269 : i32 to index
      %swap3A_1271 = arith.constant 0 : index
      %swap3A_1272 = tpu.vector_load %arg5[%swap3A_1270, %swap3A_1271] {strides = array<i32>} : memref<40x16xf32, #tpu.memory_space<vmem>>, vector<16xf32>,
      tpu.vector_store %arg5[%swap3A_1270, %swap3A_1271], %scan3A_1259#2 {strides = array<i32>} : memref<40x16xf32, #tpu.memory_space<vmem>>, vector<16xf32>,
      %swap3A_1273 = arith.constant 38 : i32
      %swap3A_1274 = arith.index_cast %swap3A_1273 : i32 to index
      %swap3A_1275 = arith.constant 0 : index
      %swap3A_1276 = tpu.vector_load %arg5[%swap3A_1274, %swap3A_1275] {strides = array<i32>} : memref<40x16xf32, #tpu.memory_space<vmem>>, vector<16xf32>,
      tpu.vector_store %arg5[%swap3A_1274, %swap3A_1275], %scan3A_1259#3 {strides = array<i32>} : memref<40x16xf32, #tpu.memory_space<vmem>>, vector<16xf32>,
      %swap3A_1277 = arith.constant 39 : i32
      %swap3A_1278 = arith.index_cast %swap3A_1277 : i32 to index
      %swap3A_1279 = arith.constant 0 : index
      %swap3A_1280 = tpu.vector_load %arg5[%swap3A_1278, %swap3A_1279] {strides = array<i32>} : memref<40x16xf32, #tpu.memory_space<vmem>>, vector<16xf32>,
      tpu.vector_store %arg5[%swap3A_1278, %swap3A_1279], %scan3A_1259#4 {strides = array<i32>} : memref<40x16xf32, #tpu.memory_space<vmem>>, vector<16xf32>,
      %scan3A_1281 = arith.constant 0 : i32
      scf.yield %scan3A_1281 : i32
    }
    %scan3A_84 = arith.constant 32 : i32
    %add3A_85 = arith.constant 0 : i32
    %add3A_86 = vector.broadcast %add3A_85 : i32 to vector<16xi32>
    %add3A_87 = arith.addi %iota3A, %add3A_86 : vector<16xi32>
    %mul3A_88 = arith.constant 5 : i32
    %mul3A_89 = vector.broadcast %mul3A_88 : i32 to vector<16xi32>
    %mul3A_90 = arith.muli %add3A_87, %mul3A_89 : vector<16xi32>
    %add3A_91 = arith.constant 0 : i32
    %add3A_92 = vector.broadcast %add3A_91 : i32 to vector<16xi32>
    %add3A_93 = arith.addi %mul3A_90, %add3A_92 : vector<16xi32>
    %get3A = arith.constant 0 : i32
    %get3A_94 = arith.index_cast %get3A : i32 to index
    %get3A_95 = arith.constant 0 : index
    %get3A_96 = tpu.vector_load %arg5[%get3A_94, %get3A_95] {strides = array<i32>} : memref<40x16xf32, #tpu.memory_space<vmem>>, vector<16xf32>,
    tpu.vector_store_idx %arg6[%add3A_93], %get3A_96 : memref<640xf32, #tpu.memory_space<vmem>>[vector<16xi32>], vector<16xf32>,
    %add3A_97 = arith.constant 0 : i32
    %add3A_98 = vector.broadcast %add3A_97 : i32 to vector<16xi32>
    %add3A_99 = arith.addi %iota3A, %add3A_98 : vector<16xi32>
    %mul3A_100 = arith.constant 5 : i32
    %mul3A_101 = vector.broadcast %mul3A_100 : i32 to vector<16xi32>
    %mul3A_102 = arith.muli %add3A_99, %mul3A_101 : vector<16xi32>
    %add3A_103 = arith.constant 1 : i32
    %add3A_104 = vector.broadcast %add3A_103 : i32 to vector<16xi32>
    %add3A_105 = arith.addi %mul3A_102, %add3A_104 : vector<16xi32>
    %get3A_106 = arith.constant 1 : i32
    %get3A_107 = arith.index_cast %get3A_106 : i32 to index
    %get3A_108 = arith.constant 0 : index
    %get3A_109 = tpu.vector_load %arg5[%get3A_107, %get3A_108] {strides = array<i32>} : memref<40x16xf32, #tpu.memory_space<vmem>>, vector<16xf32>,
    tpu.vector_store_idx %arg6[%add3A_105], %get3A_109 : memref<640xf32, #tpu.memory_space<vmem>>[vector<16xi32>], vector<16xf32>,
    %add3A_110 = arith.constant 0 : i32
    %add3A_111 = vector.broadcast %add3A_110 : i32 to vector<16xi32>
    %add3A_112 = arith.addi %iota3A, %add3A_111 : vector<16xi32>
    %mul3A_113 = arith.constant 5 : i32
    %mul3A_114 = vector.broadcast %mul3A_113 : i32 to vector<16xi32>
    %mul3A_115 = arith.muli %add3A_112, %mul3A_114 : vector<16xi32>
    %add3A_116 = arith.constant 2 : i32
    %add3A_117 = vector.broadcast %add3A_116 : i32 to vector<16xi32>
    %add3A_118 = arith.addi %mul3A_115, %add3A_117 : vector<16xi32>
    %get3A_119 = arith.constant 2 : i32
    %get3A_120 = arith.index_cast %get3A_119 : i32 to index
    %get3A_121 = arith.constant 0 : index
    %get3A_122 = tpu.vector_load %arg5[%get3A_120, %get3A_121] {strides = array<i32>} : memref<40x16xf32, #tpu.memory_space<vmem>>, vector<16xf32>,
    tpu.vector_store_idx %arg6[%add3A_118], %get3A_122 : memref<640xf32, #tpu.memory_space<vmem>>[vector<16xi32>], vector<16xf32>,
    %add3A_123 = arith.constant 0 : i32
    %add3A_124 = vector.broadcast %add3A_123 : i32 to vector<16xi32>
    %add3A_125 = arith.addi %iota3A, %add3A_124 : vector<16xi32>
    %mul3A_126 = arith.constant 5 : i32
    %mul3A_127 = vector.broadcast %mul3A_126 : i32 to vector<16xi32>
    %mul3A_128 = arith.muli %add3A_125, %mul3A_127 : vector<16xi32>
    %add3A_129 = arith.constant 3 : i32
    %add3A_130 = vector.broadcast %add3A_129 : i32 to vector<16xi32>
    %add3A_131 = arith.addi %mul3A_128, %add3A_130 : vector<16xi32>
    %get3A_132 = arith.constant 3 : i32
    %get3A_133 = arith.index_cast %get3A_132 : i32 to index
    %get3A_134 = arith.constant 0 : index
    %get3A_135 = tpu.vector_load %arg5[%get3A_133, %get3A_134] {strides = array<i32>} : memref<40x16xf32, #tpu.memory_space<vmem>>, vector<16xf32>,
    tpu.vector_store_idx %arg6[%add3A_131], %get3A_135 : memref<640xf32, #tpu.memory_space<vmem>>[vector<16xi32>], vector<16xf32>,
    %add3A_136 = arith.constant 0 : i32
    %add3A_137 = vector.broadcast %add3A_136 : i32 to vector<16xi32>
    %add3A_138 = arith.addi %iota3A, %add3A_137 : vector<16xi32>
    %mul3A_139 = arith.constant 5 : i32
    %mul3A_140 = vector.broadcast %mul3A_139 : i32 to vector<16xi32>
    %mul3A_141 = arith.muli %add3A_138, %mul3A_140 : vector<16xi32>
    %add3A_142 = arith.constant 4 : i32
    %add3A_143 = vector.broadcast %add3A_142 : i32 to vector<16xi32>
    %add3A_144 = arith.addi %mul3A_141, %add3A_143 : vector<16xi32>
    %get3A_145 = arith.constant 4 : i32
    %get3A_146 = arith.index_cast %get3A_145 : i32 to index
    %get3A_147 = arith.constant 0 : index
    %get3A_148 = tpu.vector_load %arg5[%get3A_146, %get3A_147] {strides = array<i32>} : memref<40x16xf32, #tpu.memory_space<vmem>>, vector<16xf32>,
    tpu.vector_store_idx %arg6[%add3A_144], %get3A_148 : memref<640xf32, #tpu.memory_space<vmem>>[vector<16xi32>], vector<16xf32>,
    %add3A_149 = arith.constant 16 : i32
    %add3A_150 = vector.broadcast %add3A_149 : i32 to vector<16xi32>
    %add3A_151 = arith.addi %iota3A, %add3A_150 : vector<16xi32>
    %mul3A_152 = arith.constant 5 : i32
    %mul3A_153 = vector.broadcast %mul3A_152 : i32 to vector<16xi32>
    %mul3A_154 = arith.muli %add3A_151, %mul3A_153 : vector<16xi32>
    %add3A_155 = arith.constant 0 : i32
    %add3A_156 = vector.broadcast %add3A_155 : i32 to vector<16xi32>
    %add3A_157 = arith.addi %mul3A_154, %add3A_156 : vector<16xi32>
    %get3A_158 = arith.constant 5 : i32
    %get3A_159 = arith.index_cast %get3A_158 : i32 to index
    %get3A_160 = arith.constant 0 : index
    %get3A_161 = tpu.vector_load %arg5[%get3A_159, %get3A_160] {strides = array<i32>} : memref<40x16xf32, #tpu.memory_space<vmem>>, vector<16xf32>,
    tpu.vector_store_idx %arg6[%add3A_157], %get3A_161 : memref<640xf32, #tpu.memory_space<vmem>>[vector<16xi32>], vector<16xf32>,
    %add3A_162 = arith.constant 16 : i32
    %add3A_163 = vector.broadcast %add3A_162 : i32 to vector<16xi32>
    %add3A_164 = arith.addi %iota3A, %add3A_163 : vector<16xi32>
    %mul3A_165 = arith.constant 5 : i32
    %mul3A_166 = vector.broadcast %mul3A_165 : i32 to vector<16xi32>
    %mul3A_167 = arith.muli %add3A_164, %mul3A_166 : vector<16xi32>
    %add3A_168 = arith.constant 1 : i32
    %add3A_169 = vector.broadcast %add3A_168 : i32 to vector<16xi32>
    %add3A_170 = arith.addi %mul3A_167, %add3A_169 : vector<16xi32>
    %get3A_171 = arith.constant 6 : i32
    %get3A_172 = arith.index_cast %get3A_171 : i32 to index
    %get3A_173 = arith.constant 0 : index
    %get3A_174 = tpu.vector_load %arg5[%get3A_172, %get3A_173] {strides = array<i32>} : memref<40x16xf32, #tpu.memory_space<vmem>>, vector<16xf32>,
    tpu.vector_store_idx %arg6[%add3A_170], %get3A_174 : memref<640xf32, #tpu.memory_space<vmem>>[vector<16xi32>], vector<16xf32>,
    %add3A_175 = arith.constant 16 : i32
    %add3A_176 = vector.broadcast %add3A_175 : i32 to vector<16xi32>
    %add3A_177 = arith.addi %iota3A, %add3A_176 : vector<16xi32>
    %mul3A_178 = arith.constant 5 : i32
    %mul3A_179 = vector.broadcast %mul3A_178 : i32 to vector<16xi32>
    %mul3A_180 = arith.muli %add3A_177, %mul3A_179 : vector<16xi32>
    %add3A_181 = arith.constant 2 : i32
    %add3A_182 = vector.broadcast %add3A_181 : i32 to vector<16xi32>
    %add3A_183 = arith.addi %mul3A_180, %add3A_182 : vector<16xi32>
    %get3A_184 = arith.constant 7 : i32
    %get3A_185 = arith.index_cast %get3A_184 : i32 to index
    %get3A_186 = arith.constant 0 : index
    %get3A_187 = tpu.vector_load %arg5[%get3A_185, %get3A_186] {strides = array<i32>} : memref<40x16xf32, #tpu.memory_space<vmem>>, vector<16xf32>,
    tpu.vector_store_idx %arg6[%add3A_183], %get3A_187 : memref<640xf32, #tpu.memory_space<vmem>>[vector<16xi32>], vector<16xf32>,
    %add3A_188 = arith.constant 16 : i32
    %add3A_189 = vector.broadcast %add3A_188 : i32 to vector<16xi32>
    %add3A_190 = arith.addi %iota3A, %add3A_189 : vector<16xi32>
    %mul3A_191 = arith.constant 5 : i32
    %mul3A_192 = vector.broadcast %mul3A_191 : i32 to vector<16xi32>
    %mul3A_193 = arith.muli %add3A_190, %mul3A_192 : vector<16xi32>
    %add3A_194 = arith.constant 3 : i32
    %add3A_195 = vector.broadcast %add3A_194 : i32 to vector<16xi32>
    %add3A_196 = arith.addi %mul3A_193, %add3A_195 : vector<16xi32>
    %get3A_197 = arith.constant 8 : i32
    %get3A_198 = arith.index_cast %get3A_197 : i32 to index
    %get3A_199 = arith.constant 0 : index
    %get3A_200 = tpu.vector_load %arg5[%get3A_198, %get3A_199] {strides = array<i32>} : memref<40x16xf32, #tpu.memory_space<vmem>>, vector<16xf32>,
    tpu.vector_store_idx %arg6[%add3A_196], %get3A_200 : memref<640xf32, #tpu.memory_space<vmem>>[vector<16xi32>], vector<16xf32>,
    %add3A_201 = arith.constant 16 : i32
    %add3A_202 = vector.broadcast %add3A_201 : i32 to vector<16xi32>
    %add3A_203 = arith.addi %iota3A, %add3A_202 : vector<16xi32>
    %mul3A_204 = arith.constant 5 : i32
    %mul3A_205 = vector.broadcast %mul3A_204 : i32 to vector<16xi32>
    %mul3A_206 = arith.muli %add3A_203, %mul3A_205 : vector<16xi32>
    %add3A_207 = arith.constant 4 : i32
    %add3A_208 = vector.broadcast %add3A_207 : i32 to vector<16xi32>
    %add3A_209 = arith.addi %mul3A_206, %add3A_208 : vector<16xi32>
    %get3A_210 = arith.constant 9 : i32
    %get3A_211 = arith.index_cast %get3A_210 : i32 to index
    %get3A_212 = arith.constant 0 : index
    %get3A_213 = tpu.vector_load %arg5[%get3A_211, %get3A_212] {strides = array<i32>} : memref<40x16xf32, #tpu.memory_space<vmem>>, vector<16xf32>,
    tpu.vector_store_idx %arg6[%add3A_209], %get3A_213 : memref<640xf32, #tpu.memory_space<vmem>>[vector<16xi32>], vector<16xf32>,
    %add3A_214 = arith.constant 32 : i32
    %add3A_215 = vector.broadcast %add3A_214 : i32 to vector<16xi32>
    %add3A_216 = arith.addi %iota3A, %add3A_215 : vector<16xi32>
    %mul3A_217 = arith.constant 5 : i32
    %mul3A_218 = vector.broadcast %mul3A_217 : i32 to vector<16xi32>
    %mul3A_219 = arith.muli %add3A_216, %mul3A_218 : vector<16xi32>
    %add3A_220 = arith.constant 0 : i32
    %add3A_221 = vector.broadcast %add3A_220 : i32 to vector<16xi32>
    %add3A_222 = arith.addi %mul3A_219, %add3A_221 : vector<16xi32>
    %get3A_223 = arith.constant 10 : i32
    %get3A_224 = arith.index_cast %get3A_223 : i32 to index
    %get3A_225 = arith.constant 0 : index
    %get3A_226 = tpu.vector_load %arg5[%get3A_224, %get3A_225] {strides = array<i32>} : memref<40x16xf32, #tpu.memory_space<vmem>>, vector<16xf32>,
    tpu.vector_store_idx %arg6[%add3A_222], %get3A_226 : memref<640xf32, #tpu.memory_space<vmem>>[vector<16xi32>], vector<16xf32>,
    %add3A_227 = arith.constant 32 : i32
    %add3A_228 = vector.broadcast %add3A_227 : i32 to vector<16xi32>
    %add3A_229 = arith.addi %iota3A, %add3A_228 : vector<16xi32>
    %mul3A_230 = arith.constant 5 : i32
    %mul3A_231 = vector.broadcast %mul3A_230 : i32 to vector<16xi32>
    %mul3A_232 = arith.muli %add3A_229, %mul3A_231 : vector<16xi32>
    %add3A_233 = arith.constant 1 : i32
    %add3A_234 = vector.broadcast %add3A_233 : i32 to vector<16xi32>
    %add3A_235 = arith.addi %mul3A_232, %add3A_234 : vector<16xi32>
    %get3A_236 = arith.constant 11 : i32
    %get3A_237 = arith.index_cast %get3A_236 : i32 to index
    %get3A_238 = arith.constant 0 : index
    %get3A_239 = tpu.vector_load %arg5[%get3A_237, %get3A_238] {strides = array<i32>} : memref<40x16xf32, #tpu.memory_space<vmem>>, vector<16xf32>,
    tpu.vector_store_idx %arg6[%add3A_235], %get3A_239 : memref<640xf32, #tpu.memory_space<vmem>>[vector<16xi32>], vector<16xf32>,
    %add3A_240 = arith.constant 32 : i32
    %add3A_241 = vector.broadcast %add3A_240 : i32 to vector<16xi32>
    %add3A_242 = arith.addi %iota3A, %add3A_241 : vector<16xi32>
    %mul3A_243 = arith.constant 5 : i32
    %mul3A_244 = vector.broadcast %mul3A_243 : i32 to vector<16xi32>
    %mul3A_245 = arith.muli %add3A_242, %mul3A_244 : vector<16xi32>
    %add3A_246 = arith.constant 2 : i32
    %add3A_247 = vector.broadcast %add3A_246 : i32 to vector<16xi32>
    %add3A_248 = arith.addi %mul3A_245, %add3A_247 : vector<16xi32>
    %get3A_249 = arith.constant 12 : i32
    %get3A_250 = arith.index_cast %get3A_249 : i32 to index
    %get3A_251 = arith.constant 0 : index
    %get3A_252 = tpu.vector_load %arg5[%get3A_250, %get3A_251] {strides = array<i32>} : memref<40x16xf32, #tpu.memory_space<vmem>>, vector<16xf32>,
    tpu.vector_store_idx %arg6[%add3A_248], %get3A_252 : memref<640xf32, #tpu.memory_space<vmem>>[vector<16xi32>], vector<16xf32>,
    %add3A_253 = arith.constant 32 : i32
    %add3A_254 = vector.broadcast %add3A_253 : i32 to vector<16xi32>
    %add3A_255 = arith.addi %iota3A, %add3A_254 : vector<16xi32>
    %mul3A_256 = arith.constant 5 : i32
    %mul3A_257 = vector.broadcast %mul3A_256 : i32 to vector<16xi32>
    %mul3A_258 = arith.muli %add3A_255, %mul3A_257 : vector<16xi32>
    %add3A_259 = arith.constant 3 : i32
    %add3A_260 = vector.broadcast %add3A_259 : i32 to vector<16xi32>
    %add3A_261 = arith.addi %mul3A_258, %add3A_260 : vector<16xi32>
    %get3A_262 = arith.constant 13 : i32
    %get3A_263 = arith.index_cast %get3A_262 : i32 to index
    %get3A_264 = arith.constant 0 : index
    %get3A_265 = tpu.vector_load %arg5[%get3A_263, %get3A_264] {strides = array<i32>} : memref<40x16xf32, #tpu.memory_space<vmem>>, vector<16xf32>,
    tpu.vector_store_idx %arg6[%add3A_261], %get3A_265 : memref<640xf32, #tpu.memory_space<vmem>>[vector<16xi32>], vector<16xf32>,
    %add3A_266 = arith.constant 32 : i32
    %add3A_267 = vector.broadcast %add3A_266 : i32 to vector<16xi32>
    %add3A_268 = arith.addi %iota3A, %add3A_267 : vector<16xi32>
    %mul3A_269 = arith.constant 5 : i32
    %mul3A_270 = vector.broadcast %mul3A_269 : i32 to vector<16xi32>
    %mul3A_271 = arith.muli %add3A_268, %mul3A_270 : vector<16xi32>
    %add3A_272 = arith.constant 4 : i32
    %add3A_273 = vector.broadcast %add3A_272 : i32 to vector<16xi32>
    %add3A_274 = arith.addi %mul3A_271, %add3A_273 : vector<16xi32>
    %get3A_275 = arith.constant 14 : i32
    %get3A_276 = arith.index_cast %get3A_275 : i32 to index
    %get3A_277 = arith.constant 0 : index
    %get3A_278 = tpu.vector_load %arg5[%get3A_276, %get3A_277] {strides = array<i32>} : memref<40x16xf32, #tpu.memory_space<vmem>>, vector<16xf32>,
    tpu.vector_store_idx %arg6[%add3A_274], %get3A_278 : memref<640xf32, #tpu.memory_space<vmem>>[vector<16xi32>], vector<16xf32>,
    %add3A_279 = arith.constant 48 : i32
    %add3A_280 = vector.broadcast %add3A_279 : i32 to vector<16xi32>
    %add3A_281 = arith.addi %iota3A, %add3A_280 : vector<16xi32>
    %mul3A_282 = arith.constant 5 : i32
    %mul3A_283 = vector.broadcast %mul3A_282 : i32 to vector<16xi32>
    %mul3A_284 = arith.muli %add3A_281, %mul3A_283 : vector<16xi32>
    %add3A_285 = arith.constant 0 : i32
    %add3A_286 = vector.broadcast %add3A_285 : i32 to vector<16xi32>
    %add3A_287 = arith.addi %mul3A_284, %add3A_286 : vector<16xi32>
    %get3A_288 = arith.constant 15 : i32
    %get3A_289 = arith.index_cast %get3A_288 : i32 to index
    %get3A_290 = arith.constant 0 : index
    %get3A_291 = tpu.vector_load %arg5[%get3A_289, %get3A_290] {strides = array<i32>} : memref<40x16xf32, #tpu.memory_space<vmem>>, vector<16xf32>,
    tpu.vector_store_idx %arg6[%add3A_287], %get3A_291 : memref<640xf32, #tpu.memory_space<vmem>>[vector<16xi32>], vector<16xf32>,
    %add3A_292 = arith.constant 48 : i32
    %add3A_293 = vector.broadcast %add3A_292 : i32 to vector<16xi32>
    %add3A_294 = arith.addi %iota3A, %add3A_293 : vector<16xi32>
    %mul3A_295 = arith.constant 5 : i32
    %mul3A_296 = vector.broadcast %mul3A_295 : i32 to vector<16xi32>
    %mul3A_297 = arith.muli %add3A_294, %mul3A_296 : vector<16xi32>
    %add3A_298 = arith.constant 1 : i32
    %add3A_299 = vector.broadcast %add3A_298 : i32 to vector<16xi32>
    %add3A_300 = arith.addi %mul3A_297, %add3A_299 : vector<16xi32>
    %get3A_301 = arith.constant 16 : i32
    %get3A_302 = arith.index_cast %get3A_301 : i32 to index
    %get3A_303 = arith.constant 0 : index
    %get3A_304 = tpu.vector_load %arg5[%get3A_302, %get3A_303] {strides = array<i32>} : memref<40x16xf32, #tpu.memory_space<vmem>>, vector<16xf32>,
    tpu.vector_store_idx %arg6[%add3A_300], %get3A_304 : memref<640xf32, #tpu.memory_space<vmem>>[vector<16xi32>], vector<16xf32>,
    %add3A_305 = arith.constant 48 : i32
    %add3A_306 = vector.broadcast %add3A_305 : i32 to vector<16xi32>
    %add3A_307 = arith.addi %iota3A, %add3A_306 : vector<16xi32>
    %mul3A_308 = arith.constant 5 : i32
    %mul3A_309 = vector.broadcast %mul3A_308 : i32 to vector<16xi32>
    %mul3A_310 = arith.muli %add3A_307, %mul3A_309 : vector<16xi32>
    %add3A_311 = arith.constant 2 : i32
    %add3A_312 = vector.broadcast %add3A_311 : i32 to vector<16xi32>
    %add3A_313 = arith.addi %mul3A_310, %add3A_312 : vector<16xi32>
    %get3A_314 = arith.constant 17 : i32
    %get3A_315 = arith.index_cast %get3A_314 : i32 to index
    %get3A_316 = arith.constant 0 : index
    %get3A_317 = tpu.vector_load %arg5[%get3A_315, %get3A_316] {strides = array<i32>} : memref<40x16xf32, #tpu.memory_space<vmem>>, vector<16xf32>,
    tpu.vector_store_idx %arg6[%add3A_313], %get3A_317 : memref<640xf32, #tpu.memory_space<vmem>>[vector<16xi32>], vector<16xf32>,
    %add3A_318 = arith.constant 48 : i32
    %add3A_319 = vector.broadcast %add3A_318 : i32 to vector<16xi32>
    %add3A_320 = arith.addi %iota3A, %add3A_319 : vector<16xi32>
    %mul3A_321 = arith.constant 5 : i32
    %mul3A_322 = vector.broadcast %mul3A_321 : i32 to vector<16xi32>
    %mul3A_323 = arith.muli %add3A_320, %mul3A_322 : vector<16xi32>
    %add3A_324 = arith.constant 3 : i32
    %add3A_325 = vector.broadcast %add3A_324 : i32 to vector<16xi32>
    %add3A_326 = arith.addi %mul3A_323, %add3A_325 : vector<16xi32>
    %get3A_327 = arith.constant 18 : i32
    %get3A_328 = arith.index_cast %get3A_327 : i32 to index
    %get3A_329 = arith.constant 0 : index
    %get3A_330 = tpu.vector_load %arg5[%get3A_328, %get3A_329] {strides = array<i32>} : memref<40x16xf32, #tpu.memory_space<vmem>>, vector<16xf32>,
    tpu.vector_store_idx %arg6[%add3A_326], %get3A_330 : memref<640xf32, #tpu.memory_space<vmem>>[vector<16xi32>], vector<16xf32>,
    %add3A_331 = arith.constant 48 : i32
    %add3A_332 = vector.broadcast %add3A_331 : i32 to vector<16xi32>
    %add3A_333 = arith.addi %iota3A, %add3A_332 : vector<16xi32>
    %mul3A_334 = arith.constant 5 : i32
    %mul3A_335 = vector.broadcast %mul3A_334 : i32 to vector<16xi32>
    %mul3A_336 = arith.muli %add3A_333, %mul3A_335 : vector<16xi32>
    %add3A_337 = arith.constant 4 : i32
    %add3A_338 = vector.broadcast %add3A_337 : i32 to vector<16xi32>
    %add3A_339 = arith.addi %mul3A_336, %add3A_338 : vector<16xi32>
    %get3A_340 = arith.constant 19 : i32
    %get3A_341 = arith.index_cast %get3A_340 : i32 to index
    %get3A_342 = arith.constant 0 : index
    %get3A_343 = tpu.vector_load %arg5[%get3A_341, %get3A_342] {strides = array<i32>} : memref<40x16xf32, #tpu.memory_space<vmem>>, vector<16xf32>,
    tpu.vector_store_idx %arg6[%add3A_339], %get3A_343 : memref<640xf32, #tpu.memory_space<vmem>>[vector<16xi32>], vector<16xf32>,
    %add3A_344 = arith.constant 64 : i32
    %add3A_345 = vector.broadcast %add3A_344 : i32 to vector<16xi32>
    %add3A_346 = arith.addi %iota3A, %add3A_345 : vector<16xi32>
    %mul3A_347 = arith.constant 5 : i32
    %mul3A_348 = vector.broadcast %mul3A_347 : i32 to vector<16xi32>
    %mul3A_349 = arith.muli %add3A_346, %mul3A_348 : vector<16xi32>
    %add3A_350 = arith.constant 0 : i32
    %add3A_351 = vector.broadcast %add3A_350 : i32 to vector<16xi32>
    %add3A_352 = arith.addi %mul3A_349, %add3A_351 : vector<16xi32>
    %get3A_353 = arith.constant 20 : i32
    %get3A_354 = arith.index_cast %get3A_353 : i32 to index
    %get3A_355 = arith.constant 0 : index
    %get3A_356 = tpu.vector_load %arg5[%get3A_354, %get3A_355] {strides = array<i32>} : memref<40x16xf32, #tpu.memory_space<vmem>>, vector<16xf32>,
    tpu.vector_store_idx %arg6[%add3A_352], %get3A_356 : memref<640xf32, #tpu.memory_space<vmem>>[vector<16xi32>], vector<16xf32>,
    %add3A_357 = arith.constant 64 : i32
    %add3A_358 = vector.broadcast %add3A_357 : i32 to vector<16xi32>
    %add3A_359 = arith.addi %iota3A, %add3A_358 : vector<16xi32>
    %mul3A_360 = arith.constant 5 : i32
    %mul3A_361 = vector.broadcast %mul3A_360 : i32 to vector<16xi32>
    %mul3A_362 = arith.muli %add3A_359, %mul3A_361 : vector<16xi32>
    %add3A_363 = arith.constant 1 : i32
    %add3A_364 = vector.broadcast %add3A_363 : i32 to vector<16xi32>
    %add3A_365 = arith.addi %mul3A_362, %add3A_364 : vector<16xi32>
    %get3A_366 = arith.constant 21 : i32
    %get3A_367 = arith.index_cast %get3A_366 : i32 to index
    %get3A_368 = arith.constant 0 : index
    %get3A_369 = tpu.vector_load %arg5[%get3A_367, %get3A_368] {strides = array<i32>} : memref<40x16xf32, #tpu.memory_space<vmem>>, vector<16xf32>,
    tpu.vector_store_idx %arg6[%add3A_365], %get3A_369 : memref<640xf32, #tpu.memory_space<vmem>>[vector<16xi32>], vector<16xf32>,
    %add3A_370 = arith.constant 64 : i32
    %add3A_371 = vector.broadcast %add3A_370 : i32 to vector<16xi32>
    %add3A_372 = arith.addi %iota3A, %add3A_371 : vector<16xi32>
    %mul3A_373 = arith.constant 5 : i32
    %mul3A_374 = vector.broadcast %mul3A_373 : i32 to vector<16xi32>
    %mul3A_375 = arith.muli %add3A_372, %mul3A_374 : vector<16xi32>
    %add3A_376 = arith.constant 2 : i32
    %add3A_377 = vector.broadcast %add3A_376 : i32 to vector<16xi32>
    %add3A_378 = arith.addi %mul3A_375, %add3A_377 : vector<16xi32>
    %get3A_379 = arith.constant 22 : i32
    %get3A_380 = arith.index_cast %get3A_379 : i32 to index
    %get3A_381 = arith.constant 0 : index
    %get3A_382 = tpu.vector_load %arg5[%get3A_380, %get3A_381] {strides = array<i32>} : memref<40x16xf32, #tpu.memory_space<vmem>>, vector<16xf32>,
    tpu.vector_store_idx %arg6[%add3A_378], %get3A_382 : memref<640xf32, #tpu.memory_space<vmem>>[vector<16xi32>], vector<16xf32>,
    %add3A_383 = arith.constant 64 : i32
    %add3A_384 = vector.broadcast %add3A_383 : i32 to vector<16xi32>
    %add3A_385 = arith.addi %iota3A, %add3A_384 : vector<16xi32>
    %mul3A_386 = arith.constant 5 : i32
    %mul3A_387 = vector.broadcast %mul3A_386 : i32 to vector<16xi32>
    %mul3A_388 = arith.muli %add3A_385, %mul3A_387 : vector<16xi32>
    %add3A_389 = arith.constant 3 : i32
    %add3A_390 = vector.broadcast %add3A_389 : i32 to vector<16xi32>
    %add3A_391 = arith.addi %mul3A_388, %add3A_390 : vector<16xi32>
    %get3A_392 = arith.constant 23 : i32
    %get3A_393 = arith.index_cast %get3A_392 : i32 to index
    %get3A_394 = arith.constant 0 : index
    %get3A_395 = tpu.vector_load %arg5[%get3A_393, %get3A_394] {strides = array<i32>} : memref<40x16xf32, #tpu.memory_space<vmem>>, vector<16xf32>,
    tpu.vector_store_idx %arg6[%add3A_391], %get3A_395 : memref<640xf32, #tpu.memory_space<vmem>>[vector<16xi32>], vector<16xf32>,
    %add3A_396 = arith.constant 64 : i32
    %add3A_397 = vector.broadcast %add3A_396 : i32 to vector<16xi32>
    %add3A_398 = arith.addi %iota3A, %add3A_397 : vector<16xi32>
    %mul3A_399 = arith.constant 5 : i32
    %mul3A_400 = vector.broadcast %mul3A_399 : i32 to vector<16xi32>
    %mul3A_401 = arith.muli %add3A_398, %mul3A_400 : vector<16xi32>
    %add3A_402 = arith.constant 4 : i32
    %add3A_403 = vector.broadcast %add3A_402 : i32 to vector<16xi32>
    %add3A_404 = arith.addi %mul3A_401, %add3A_403 : vector<16xi32>
    %get3A_405 = arith.constant 24 : i32
    %get3A_406 = arith.index_cast %get3A_405 : i32 to index
    %get3A_407 = arith.constant 0 : index
    %get3A_408 = tpu.vector_load %arg5[%get3A_406, %get3A_407] {strides = array<i32>} : memref<40x16xf32, #tpu.memory_space<vmem>>, vector<16xf32>,
    tpu.vector_store_idx %arg6[%add3A_404], %get3A_408 : memref<640xf32, #tpu.memory_space<vmem>>[vector<16xi32>], vector<16xf32>,
    %add3A_409 = arith.constant 80 : i32
    %add3A_410 = vector.broadcast %add3A_409 : i32 to vector<16xi32>
    %add3A_411 = arith.addi %iota3A, %add3A_410 : vector<16xi32>
    %mul3A_412 = arith.constant 5 : i32
    %mul3A_413 = vector.broadcast %mul3A_412 : i32 to vector<16xi32>
    %mul3A_414 = arith.muli %add3A_411, %mul3A_413 : vector<16xi32>
    %add3A_415 = arith.constant 0 : i32
    %add3A_416 = vector.broadcast %add3A_415 : i32 to vector<16xi32>
    %add3A_417 = arith.addi %mul3A_414, %add3A_416 : vector<16xi32>
    %get3A_418 = arith.constant 25 : i32
    %get3A_419 = arith.index_cast %get3A_418 : i32 to index
    %get3A_420 = arith.constant 0 : index
    %get3A_421 = tpu.vector_load %arg5[%get3A_419, %get3A_420] {strides = array<i32>} : memref<40x16xf32, #tpu.memory_space<vmem>>, vector<16xf32>,
    tpu.vector_store_idx %arg6[%add3A_417], %get3A_421 : memref<640xf32, #tpu.memory_space<vmem>>[vector<16xi32>], vector<16xf32>,
    %add3A_422 = arith.constant 80 : i32
    %add3A_423 = vector.broadcast %add3A_422 : i32 to vector<16xi32>
    %add3A_424 = arith.addi %iota3A, %add3A_423 : vector<16xi32>
    %mul3A_425 = arith.constant 5 : i32
    %mul3A_426 = vector.broadcast %mul3A_425 : i32 to vector<16xi32>
    %mul3A_427 = arith.muli %add3A_424, %mul3A_426 : vector<16xi32>
    %add3A_428 = arith.constant 1 : i32
    %add3A_429 = vector.broadcast %add3A_428 : i32 to vector<16xi32>
    %add3A_430 = arith.addi %mul3A_427, %add3A_429 : vector<16xi32>
    %get3A_431 = arith.constant 26 : i32
    %get3A_432 = arith.index_cast %get3A_431 : i32 to index
    %get3A_433 = arith.constant 0 : index
    %get3A_434 = tpu.vector_load %arg5[%get3A_432, %get3A_433] {strides = array<i32>} : memref<40x16xf32, #tpu.memory_space<vmem>>, vector<16xf32>,
    tpu.vector_store_idx %arg6[%add3A_430], %get3A_434 : memref<640xf32, #tpu.memory_space<vmem>>[vector<16xi32>], vector<16xf32>,
    %add3A_435 = arith.constant 80 : i32
    %add3A_436 = vector.broadcast %add3A_435 : i32 to vector<16xi32>
    %add3A_437 = arith.addi %iota3A, %add3A_436 : vector<16xi32>
    %mul3A_438 = arith.constant 5 : i32
    %mul3A_439 = vector.broadcast %mul3A_438 : i32 to vector<16xi32>
    %mul3A_440 = arith.muli %add3A_437, %mul3A_439 : vector<16xi32>
    %add3A_441 = arith.constant 2 : i32
    %add3A_442 = vector.broadcast %add3A_441 : i32 to vector<16xi32>
    %add3A_443 = arith.addi %mul3A_440, %add3A_442 : vector<16xi32>
    %get3A_444 = arith.constant 27 : i32
    %get3A_445 = arith.index_cast %get3A_444 : i32 to index
    %get3A_446 = arith.constant 0 : index
    %get3A_447 = tpu.vector_load %arg5[%get3A_445, %get3A_446] {strides = array<i32>} : memref<40x16xf32, #tpu.memory_space<vmem>>, vector<16xf32>,
    tpu.vector_store_idx %arg6[%add3A_443], %get3A_447 : memref<640xf32, #tpu.memory_space<vmem>>[vector<16xi32>], vector<16xf32>,
    %add3A_448 = arith.constant 80 : i32
    %add3A_449 = vector.broadcast %add3A_448 : i32 to vector<16xi32>
    %add3A_450 = arith.addi %iota3A, %add3A_449 : vector<16xi32>
    %mul3A_451 = arith.constant 5 : i32
    %mul3A_452 = vector.broadcast %mul3A_451 : i32 to vector<16xi32>
    %mul3A_453 = arith.muli %add3A_450, %mul3A_452 : vector<16xi32>
    %add3A_454 = arith.constant 3 : i32
    %add3A_455 = vector.broadcast %add3A_454 : i32 to vector<16xi32>
    %add3A_456 = arith.addi %mul3A_453, %add3A_455 : vector<16xi32>
    %get3A_457 = arith.constant 28 : i32
    %get3A_458 = arith.index_cast %get3A_457 : i32 to index
    %get3A_459 = arith.constant 0 : index
    %get3A_460 = tpu.vector_load %arg5[%get3A_458, %get3A_459] {strides = array<i32>} : memref<40x16xf32, #tpu.memory_space<vmem>>, vector<16xf32>,
    tpu.vector_store_idx %arg6[%add3A_456], %get3A_460 : memref<640xf32, #tpu.memory_space<vmem>>[vector<16xi32>], vector<16xf32>,
    %add3A_461 = arith.constant 80 : i32
    %add3A_462 = vector.broadcast %add3A_461 : i32 to vector<16xi32>
    %add3A_463 = arith.addi %iota3A, %add3A_462 : vector<16xi32>
    %mul3A_464 = arith.constant 5 : i32
    %mul3A_465 = vector.broadcast %mul3A_464 : i32 to vector<16xi32>
    %mul3A_466 = arith.muli %add3A_463, %mul3A_465 : vector<16xi32>
    %add3A_467 = arith.constant 4 : i32
    %add3A_468 = vector.broadcast %add3A_467 : i32 to vector<16xi32>
    %add3A_469 = arith.addi %mul3A_466, %add3A_468 : vector<16xi32>
    %get3A_470 = arith.constant 29 : i32
    %get3A_471 = arith.index_cast %get3A_470 : i32 to index
    %get3A_472 = arith.constant 0 : index
    %get3A_473 = tpu.vector_load %arg5[%get3A_471, %get3A_472] {strides = array<i32>} : memref<40x16xf32, #tpu.memory_space<vmem>>, vector<16xf32>,
    tpu.vector_store_idx %arg6[%add3A_469], %get3A_473 : memref<640xf32, #tpu.memory_space<vmem>>[vector<16xi32>], vector<16xf32>,
    %add3A_474 = arith.constant 96 : i32
    %add3A_475 = vector.broadcast %add3A_474 : i32 to vector<16xi32>
    %add3A_476 = arith.addi %iota3A, %add3A_475 : vector<16xi32>
    %mul3A_477 = arith.constant 5 : i32
    %mul3A_478 = vector.broadcast %mul3A_477 : i32 to vector<16xi32>
    %mul3A_479 = arith.muli %add3A_476, %mul3A_478 : vector<16xi32>
    %add3A_480 = arith.constant 0 : i32
    %add3A_481 = vector.broadcast %add3A_480 : i32 to vector<16xi32>
    %add3A_482 = arith.addi %mul3A_479, %add3A_481 : vector<16xi32>
    %get3A_483 = arith.constant 30 : i32
    %get3A_484 = arith.index_cast %get3A_483 : i32 to index
    %get3A_485 = arith.constant 0 : index
    %get3A_486 = tpu.vector_load %arg5[%get3A_484, %get3A_485] {strides = array<i32>} : memref<40x16xf32, #tpu.memory_space<vmem>>, vector<16xf32>,
    tpu.vector_store_idx %arg6[%add3A_482], %get3A_486 : memref<640xf32, #tpu.memory_space<vmem>>[vector<16xi32>], vector<16xf32>,
    %add3A_487 = arith.constant 96 : i32
    %add3A_488 = vector.broadcast %add3A_487 : i32 to vector<16xi32>
    %add3A_489 = arith.addi %iota3A, %add3A_488 : vector<16xi32>
    %mul3A_490 = arith.constant 5 : i32
    %mul3A_491 = vector.broadcast %mul3A_490 : i32 to vector<16xi32>
    %mul3A_492 = arith.muli %add3A_489, %mul3A_491 : vector<16xi32>
    %add3A_493 = arith.constant 1 : i32
    %add3A_494 = vector.broadcast %add3A_493 : i32 to vector<16xi32>
    %add3A_495 = arith.addi %mul3A_492, %add3A_494 : vector<16xi32>
    %get3A_496 = arith.constant 31 : i32
    %get3A_497 = arith.index_cast %get3A_496 : i32 to index
    %get3A_498 = arith.constant 0 : index
    %get3A_499 = tpu.vector_load %arg5[%get3A_497, %get3A_498] {strides = array<i32>} : memref<40x16xf32, #tpu.memory_space<vmem>>, vector<16xf32>,
    tpu.vector_store_idx %arg6[%add3A_495], %get3A_499 : memref<640xf32, #tpu.memory_space<vmem>>[vector<16xi32>], vector<16xf32>,
    %add3A_500 = arith.constant 96 : i32
    %add3A_501 = vector.broadcast %add3A_500 : i32 to vector<16xi32>
    %add3A_502 = arith.addi %iota3A, %add3A_501 : vector<16xi32>
    %mul3A_503 = arith.constant 5 : i32
    %mul3A_504 = vector.broadcast %mul3A_503 : i32 to vector<16xi32>
    %mul3A_505 = arith.muli %add3A_502, %mul3A_504 : vector<16xi32>
    %add3A_506 = arith.constant 2 : i32
    %add3A_507 = vector.broadcast %add3A_506 : i32 to vector<16xi32>
    %add3A_508 = arith.addi %mul3A_505, %add3A_507 : vector<16xi32>
    %get3A_509 = arith.constant 32 : i32
    %get3A_510 = arith.index_cast %get3A_509 : i32 to index
    %get3A_511 = arith.constant 0 : index
    %get3A_512 = tpu.vector_load %arg5[%get3A_510, %get3A_511] {strides = array<i32>} : memref<40x16xf32, #tpu.memory_space<vmem>>, vector<16xf32>,
    tpu.vector_store_idx %arg6[%add3A_508], %get3A_512 : memref<640xf32, #tpu.memory_space<vmem>>[vector<16xi32>], vector<16xf32>,
    %add3A_513 = arith.constant 96 : i32
    %add3A_514 = vector.broadcast %add3A_513 : i32 to vector<16xi32>
    %add3A_515 = arith.addi %iota3A, %add3A_514 : vector<16xi32>
    %mul3A_516 = arith.constant 5 : i32
    %mul3A_517 = vector.broadcast %mul3A_516 : i32 to vector<16xi32>
    %mul3A_518 = arith.muli %add3A_515, %mul3A_517 : vector<16xi32>
    %add3A_519 = arith.constant 3 : i32
    %add3A_520 = vector.broadcast %add3A_519 : i32 to vector<16xi32>
    %add3A_521 = arith.addi %mul3A_518, %add3A_520 : vector<16xi32>
    %get3A_522 = arith.constant 33 : i32
    %get3A_523 = arith.index_cast %get3A_522 : i32 to index
    %get3A_524 = arith.constant 0 : index
    %get3A_525 = tpu.vector_load %arg5[%get3A_523, %get3A_524] {strides = array<i32>} : memref<40x16xf32, #tpu.memory_space<vmem>>, vector<16xf32>,
    tpu.vector_store_idx %arg6[%add3A_521], %get3A_525 : memref<640xf32, #tpu.memory_space<vmem>>[vector<16xi32>], vector<16xf32>,
    %add3A_526 = arith.constant 96 : i32
    %add3A_527 = vector.broadcast %add3A_526 : i32 to vector<16xi32>
    %add3A_528 = arith.addi %iota3A, %add3A_527 : vector<16xi32>
    %mul3A_529 = arith.constant 5 : i32
    %mul3A_530 = vector.broadcast %mul3A_529 : i32 to vector<16xi32>
    %mul3A_531 = arith.muli %add3A_528, %mul3A_530 : vector<16xi32>
    %add3A_532 = arith.constant 4 : i32
    %add3A_533 = vector.broadcast %add3A_532 : i32 to vector<16xi32>
    %add3A_534 = arith.addi %mul3A_531, %add3A_533 : vector<16xi32>
    %get3A_535 = arith.constant 34 : i32
    %get3A_536 = arith.index_cast %get3A_535 : i32 to index
    %get3A_537 = arith.constant 0 : index
    %get3A_538 = tpu.vector_load %arg5[%get3A_536, %get3A_537] {strides = array<i32>} : memref<40x16xf32, #tpu.memory_space<vmem>>, vector<16xf32>,
    tpu.vector_store_idx %arg6[%add3A_534], %get3A_538 : memref<640xf32, #tpu.memory_space<vmem>>[vector<16xi32>], vector<16xf32>,
    %add3A_539 = arith.constant 112 : i32
    %add3A_540 = vector.broadcast %add3A_539 : i32 to vector<16xi32>
    %add3A_541 = arith.addi %iota3A, %add3A_540 : vector<16xi32>
    %mul3A_542 = arith.constant 5 : i32
    %mul3A_543 = vector.broadcast %mul3A_542 : i32 to vector<16xi32>
    %mul3A_544 = arith.muli %add3A_541, %mul3A_543 : vector<16xi32>
    %add3A_545 = arith.constant 0 : i32
    %add3A_546 = vector.broadcast %add3A_545 : i32 to vector<16xi32>
    %add3A_547 = arith.addi %mul3A_544, %add3A_546 : vector<16xi32>
    %get3A_548 = arith.constant 35 : i32
    %get3A_549 = arith.index_cast %get3A_548 : i32 to index
    %get3A_550 = arith.constant 0 : index
    %get3A_551 = tpu.vector_load %arg5[%get3A_549, %get3A_550] {strides = array<i32>} : memref<40x16xf32, #tpu.memory_space<vmem>>, vector<16xf32>,
    tpu.vector_store_idx %arg6[%add3A_547], %get3A_551 : memref<640xf32, #tpu.memory_space<vmem>>[vector<16xi32>], vector<16xf32>,
    %add3A_552 = arith.constant 112 : i32
    %add3A_553 = vector.broadcast %add3A_552 : i32 to vector<16xi32>
    %add3A_554 = arith.addi %iota3A, %add3A_553 : vector<16xi32>
    %mul3A_555 = arith.constant 5 : i32
    %mul3A_556 = vector.broadcast %mul3A_555 : i32 to vector<16xi32>
    %mul3A_557 = arith.muli %add3A_554, %mul3A_556 : vector<16xi32>
    %add3A_558 = arith.constant 1 : i32
    %add3A_559 = vector.broadcast %add3A_558 : i32 to vector<16xi32>
    %add3A_560 = arith.addi %mul3A_557, %add3A_559 : vector<16xi32>
    %get3A_561 = arith.constant 36 : i32
    %get3A_562 = arith.index_cast %get3A_561 : i32 to index
    %get3A_563 = arith.constant 0 : index
    %get3A_564 = tpu.vector_load %arg5[%get3A_562, %get3A_563] {strides = array<i32>} : memref<40x16xf32, #tpu.memory_space<vmem>>, vector<16xf32>,
    tpu.vector_store_idx %arg6[%add3A_560], %get3A_564 : memref<640xf32, #tpu.memory_space<vmem>>[vector<16xi32>], vector<16xf32>,
    %add3A_565 = arith.constant 112 : i32
    %add3A_566 = vector.broadcast %add3A_565 : i32 to vector<16xi32>
    %add3A_567 = arith.addi %iota3A, %add3A_566 : vector<16xi32>
    %mul3A_568 = arith.constant 5 : i32
    %mul3A_569 = vector.broadcast %mul3A_568 : i32 to vector<16xi32>
    %mul3A_570 = arith.muli %add3A_567, %mul3A_569 : vector<16xi32>
    %add3A_571 = arith.constant 2 : i32
    %add3A_572 = vector.broadcast %add3A_571 : i32 to vector<16xi32>
    %add3A_573 = arith.addi %mul3A_570, %add3A_572 : vector<16xi32>
    %get3A_574 = arith.constant 37 : i32
    %get3A_575 = arith.index_cast %get3A_574 : i32 to index
    %get3A_576 = arith.constant 0 : index
    %get3A_577 = tpu.vector_load %arg5[%get3A_575, %get3A_576] {strides = array<i32>} : memref<40x16xf32, #tpu.memory_space<vmem>>, vector<16xf32>,
    tpu.vector_store_idx %arg6[%add3A_573], %get3A_577 : memref<640xf32, #tpu.memory_space<vmem>>[vector<16xi32>], vector<16xf32>,
    %add3A_578 = arith.constant 112 : i32
    %add3A_579 = vector.broadcast %add3A_578 : i32 to vector<16xi32>
    %add3A_580 = arith.addi %iota3A, %add3A_579 : vector<16xi32>
    %mul3A_581 = arith.constant 5 : i32
    %mul3A_582 = vector.broadcast %mul3A_581 : i32 to vector<16xi32>
    %mul3A_583 = arith.muli %add3A_580, %mul3A_582 : vector<16xi32>
    %add3A_584 = arith.constant 3 : i32
    %add3A_585 = vector.broadcast %add3A_584 : i32 to vector<16xi32>
    %add3A_586 = arith.addi %mul3A_583, %add3A_585 : vector<16xi32>
    %get3A_587 = arith.constant 38 : i32
    %get3A_588 = arith.index_cast %get3A_587 : i32 to index
    %get3A_589 = arith.constant 0 : index
    %get3A_590 = tpu.vector_load %arg5[%get3A_588, %get3A_589] {strides = array<i32>} : memref<40x16xf32, #tpu.memory_space<vmem>>, vector<16xf32>,
    tpu.vector_store_idx %arg6[%add3A_586], %get3A_590 : memref<640xf32, #tpu.memory_space<vmem>>[vector<16xi32>], vector<16xf32>,
    %add3A_591 = arith.constant 112 : i32
    %add3A_592 = vector.broadcast %add3A_591 : i32 to vector<16xi32>
    %add3A_593 = arith.addi %iota3A, %add3A_592 : vector<16xi32>
    %mul3A_594 = arith.constant 5 : i32
    %mul3A_595 = vector.broadcast %mul3A_594 : i32 to vector<16xi32>
    %mul3A_596 = arith.muli %add3A_593, %mul3A_595 : vector<16xi32>
    %add3A_597 = arith.constant 4 : i32
    %add3A_598 = vector.broadcast %add3A_597 : i32 to vector<16xi32>
    %add3A_599 = arith.addi %mul3A_596, %add3A_598 : vector<16xi32>
    %get3A_600 = arith.constant 39 : i32
    %get3A_601 = arith.index_cast %get3A_600 : i32 to index
    %get3A_602 = arith.constant 0 : index
    %get3A_603 = tpu.vector_load %arg5[%get3A_601, %get3A_602] {strides = array<i32>} : memref<40x16xf32, #tpu.memory_space<vmem>>, vector<16xf32>,
    tpu.vector_store_idx %arg6[%add3A_599], %get3A_603 : memref<640xf32, #tpu.memory_space<vmem>>[vector<16xi32>], vector<16xf32>,
    %mul3A_604 = arith.constant 1024 : i32
    %mul3A_605 = arith.muli %select_n3A, %mul3A_604 : i32
    %mul3A_606 = arith.constant 5 : i32
    %mul3A_607 = arith.muli %mul3A_605, %mul3A_606 : i32
    %mul3A_608 = arith.constant 5 : i32
    %mul3A_609 = arith.muli %mul3A_32, %mul3A_608 : i32
    %add3A_610 = arith.addi %mul3A_607, %mul3A_609 : i32
    "tpu.region"() ({
      %run_scoped3A = tpu.sem_alloc : memref<!tpu.dma_semaphore, #tpu.memory_space<semaphore_mem>>
      %dma_start3A_611 = tpu.memref_slice %arg3[%add3A_610] : memref<20480xf32, #tpu.memory_space<hbm>> -> memref<640xf32, #tpu.memory_space<hbm>>
      %dma_start3A_612 = tpu.memref_slice %arg3[%add3A_610] : memref<20480xf32, #tpu.memory_space<hbm>> -> memref<640xf32, #tpu.memory_space<hbm>>
      tpu.enqueue_dma source(%arg6 : memref<640xf32, #tpu.memory_space<vmem>>) target(%dma_start3A_612 : memref<640xf32, #tpu.memory_space<hbm>>) target_semaphore(%run_scoped3A : memref<!tpu.dma_semaphore, #tpu.memory_space<semaphore_mem>>)
      %dma_wait3A = tpu.memref_slice %arg3[%add3A_610] : memref<20480xf32, #tpu.memory_space<hbm>> -> memref<640xf32, #tpu.memory_space<hbm>>
      %dma_wait3A_613 = tpu.memref_slice %arg3[%add3A_610] : memref<20480xf32, #tpu.memory_space<hbm>> -> memref<640xf32, #tpu.memory_space<hbm>>
      tpu.wait_dma2 semaphore(%run_scoped3A : memref<!tpu.dma_semaphore, #tpu.memory_space<semaphore_mem>>) src(%arg6 : memref<640xf32, #tpu.memory_space<vmem>>) dst(%dma_wait3A_613 : memref<640xf32, #tpu.memory_space<hbm>>)
      tpu.yield
    }) : () -> ()
    return
  }
}

</mosaic_0001>

<sc_bundles>
// kernel: kernel.3.cloned.1.call-start
scs
__scs_entry_jumppad:
0x0: {  	(pc) =	sbr.rel $0x88, $3  }
0x1: {  	(tag) =	ssettag $0x0;
	lr =	simm.s32 $0x1  }
0x2: {  	[smem:$0x3FA0] =	sst lr;
	_ =	strace $0xD0000000  }
0x3: {  	_ = 	snop  }
0x4: {  	_ = 	snop  }
0x5: {  	_ = 	snop  }
0x6: {  	_ = 	snop  }
0x7: {  	_ = 	snop  }
__scs_overlays_trampoline_lowered:
0x8: {  	[smem:$0x3FAF] =	sst s0  }
0x9: {  	[smem:$0x3FB0] =	sst s1  }
0xa: {  	[smem:$0x3FB1] =	sst s2  }
0xb: {  	[smem:$0x3FB2] =	sst s3  }
0xc: {  	[smem:$0x3FB3] =	sst s4  }
0xd: {  	[smem:$0x3FB4] =	sst s5  }
0xe: {  	[smem:$0x3FB5] =	sst s6  }
0xf: {  	[smem:$0x3FB6] =	sst s7  }
0x10: {  	[smem:$0x3FB7] =	sst s8  }
0x11: {  	[smem:$0x3FB8] =	sst s9;
	s0 =	simm.s32 @!p0 $0x0  }
0x12: {  	s1 =	sld [smem:$0x3F9E];
	s0 =	simm.s32 @p0 $0x1  }
0x13: {  	[smem:$0x3FB9] =	sst s0;
	s0 =	simm.s32 @!p1 $0x0  }
0x14: {  	s2 =	sld [smem:$0x3F9D];
	s0 =	simm.s32 @p1 $0x1  }
0x15: {  	[smem:$0x3FBA] =	sst s0;
	s0 =	simm.s32 @!p2 $0x0  }
0x16: {  	s3 =	sld [smem:$0x3FDB];
	s0 =	simm.s32 @p2 $0x1  }
0x17: {  	s4 =	simm.s32 $0x1BF5;
	[smem:$0x3FBC] =	sst s0  }
0x18: {  	s0 =	sld [smem:$0x3F9F];
	_ =	swait.ge [sflag:s4], $0x0  }
0x19: {  	s7 =	sld [smem:$0x3FA0]  }
0x1a: {  	s8 =	sadd.s32 $0xFFFFE003, lr  }
0x1b: {  	s9 =	sadd.s32 $0xFFFFFEF7, lr;
	s5 =	simm.s32 $0xFFFFFFFF;
	p2 =	slt.u32 s8, $0xFFFFF086  }
0x1c: {  	p1 =	slt.u32 s9, $0xF7A;
	s5 =	simm.s32 @!p2 $0x0  }
0x1d: {  	s5 =	simm.s32 @p1 $0x1;
	p0 =	seq.s32 s7, s2  }
0x1e: {  	s7 =	smul.u32 @!p0 $0xF7A, s2;
	p2 =	seq.s32 @!p0 s5, $0x0  }
0x1f: {  	s9 =	smul.u32 $0xF7A, s1;
	s8 =	simm.s32 @!p0 $0x1BF5;
	p2 =	por !p2, p0  }
0x20: {  	[sflag:s8] =	ssyncset.s32 @!p0 $0xFFFFF086;
	s6 =	sadd.s32 @!p0 s3, s7;
	s7 =	simm.s32 @!p0 $0x108  }
0x21: {  	s3 =	sadd.s32 s3, s9;
	s6 =	sadd.s32 @!p0 $0x88, s6;
	s7 =	simm.s32 @p2 $0x1082  }
0x22: {  	[simem:s7], [sflag:s8] =	dma.local @!p0 [hbm:s6], $0xF7A  }
0x23: {  	s9 =	sor.u32 $0xD0000000, s2;
	s6 =	simm.s32 $0x108;
	_ =	swait.ge @!p0 [sflag:s8], $0x0  }
0x24: {  	s3 =	sadd.s32 $0x88, s3;
	s6 =	simm.s32 @!p1 $0x1082;
	[sflag:s4] =	ssyncset.s32 $0xFFFFF086  }
0x25: {  	[simem:s6], [sflag:s4] =	dma.local [hbm:s3], $0xF7A  }
0x26: {  	[smem:$0x3FA0] =	sst s1;
	(tag) =	ssettag s2;
	_ =	strace s9  }
0x27: {  	s1 =	sld [smem:$0x3FB0]  }
0x28: {  	s2 =	sld [smem:$0x3FB1]  }
0x29: {  	s4 =	sld [smem:$0x3FB3]  }
0x2a: {  	p0 =	seq.s32 s5, $0x0;
	s5 =	sld [smem:$0x3FB4]  }
0x2b: {  	s6 =	sld [smem:$0x3FB5]  }
0x2c: {  	s7 =	sld [smem:$0x3FB6]  }
0x2d: {  	s3 =	simm.s32 $0x108;
	s8 =	sld [smem:$0x3FB7]  }
0x2e: {  	s3 =	simm.s32 @!p0 $0x1082;
	s9 =	sld [smem:$0x3FB8]  }
0x2f: {  	lr =	sadd.s32 s0, s3;
	s0 =	sld [smem:$0x3FAF]  }
0x30: {  	s3 =	sld [smem:$0x3FB2]  }
0x31: {  	[smem:$0x3FBB] =	sst s10  }
0x32: {  	s10 =	sld [smem:$0x3FB9];
	_ =	sdelay $0x3  }
0x33: {  	p0 =	seq.s32 s10, $0x1;
	s10 =	sld [smem:$0x3FBB];
	_ =	sdelay $0x3  }
0x34: {  	[smem:$0x3FBB] =	sst s10  }
0x35: {  	s10 =	sld [smem:$0x3FBA];
	_ =	sdelay $0x3  }
0x36: {  	p1 =	seq.s32 s10, $0x1;
	s10 =	sld [smem:$0x3FBB];
	_ =	sdelay $0x3  }
0x37: {  	[smem:$0x3FBB] =	sst s10  }
0x38: {  	s10 =	sld [smem:$0x3FBC]  }
0x39: {  	_ = 	snop;
	(pc) =	sbr.ind lr, $3  }
0x3a: {  	_ = 	snop  }
0x3b: {  	_ = 	snop  }
0x3c: {  	p2 =	seq.s32 s10, $0x1;
	s10 =	sld [smem:$0x3FBB]  }
0x3d: {  	_ =	shalt  }
0x3e: {  	_ =	shalt  }
0x3f: {  	_ =	shalt  }
0x40: {  	_ =	shalt  }
0x41: {  	_ =	shalt  }
0x42: {  	_ =	shalt  }
0x43: {  	_ =	shalt  }
0x44: {  	_ =	shalt  }
0x45: {  	_ =	shalt  }
0x46: {  	_ =	shalt  }
0x47: {  	_ =	shalt  }
0x48: {  	_ =	shalt  }
0x49: {  	_ =	shalt  }
0x4a: {  	_ =	shalt  }
0x4b: {  	_ =	shalt  }
0x4c: {  	_ =	shalt  }
0x4d: {  	_ =	shalt  }
0x4e: {  	_ =	shalt  }
0x4f: {  	_ =	shalt  }
0x50: {  	_ =	shalt  }
0x51: {  	_ =	shalt  }
0x52: {  	_ =	shalt  }
0x53: {  	_ =	shalt  }
0x54: {  	_ =	shalt  }
0x55: {  	_ =	shalt  }
0x56: {  	_ =	shalt  }
0x57: {  	_ =	shalt  }
0x58: {  	_ =	shalt  }
0x59: {  	_ =	shalt  }
0x5a: {  	_ =	shalt  }
0x5b: {  	_ =	shalt  }
0x5c: {  	_ =	shalt  }
0x5d: {  	_ =	shalt  }
0x5e: {  	_ =	shalt  }
0x5f: {  	_ =	shalt  }
0x60: {  	_ =	shalt  }
0x61: {  	_ =	shalt  }
0x62: {  	_ =	shalt  }
0x63: {  	_ =	shalt  }
0x64: {  	_ =	shalt  }
0x65: {  	_ =	shalt  }
0x66: {  	_ =	shalt  }
0x67: {  	_ =	shalt  }
0x68: {  	_ =	shalt  }
0x69: {  	_ =	shalt  }
0x6a: {  	_ =	shalt  }
0x6b: {  	_ =	shalt  }
0x6c: {  	_ =	shalt  }
0x6d: {  	_ =	shalt  }
0x6e: {  	_ =	shalt  }
0x6f: {  	_ =	shalt  }
0x70: {  	_ =	shalt  }
0x71: {  	_ =	shalt  }
0x72: {  	_ =	shalt  }
0x73: {  	_ =	shalt  }
0x74: {  	_ =	shalt  }
0x75: {  	_ =	shalt  }
0x76: {  	_ =	shalt  }
0x77: {  	_ =	shalt  }
0x78: {  	_ =	shalt  }
0x79: {  	_ =	shalt  }
0x7a: {  	_ =	shalt  }
0x7b: {  	_ =	shalt  }
0x7c: {  	_ =	shalt  }
0x7d: {  	_ =	shalt  }
0x7e: {  	_ =	shalt  }
0x7f: {  	_ =	shalt  }
0x80: {  	_ =	shalt  }
0x81: {  	_ =	shalt  }
0x82: {  	_ =	shalt  }
0x83: {  	_ =	shalt  }
0x84: {  	_ =	shalt  }
0x85: {  	_ =	shalt  }
0x86: {  	_ =	shalt  }
0x87: {  	_ =	shalt  }
.Lfunc_end0:
.L_simem_size_0:
called_computation_lowered:
.L_overlay_start_0:
0x88: {  	s2 =	sld [smem:$0x3FD9]  }
0x89: {  	s3 =	sld [smem:$0x3FFE];
	_ =	sdelay $0x1  }
0x8a: {  	s1 =	srdreg.scid  }
0x8b: {  	s0 =	sand.u32 $0x1, s1  }
0x8c: {  	s17 =	sshll.u32 s0, $0xA;
	s2 =	sadd.s32 s3, s2  }
0x8d: {  	s2 =	sadd.s32 s2, s17  }
0x8e: {  	[smem:$0x3FC7] =	sst s2  }
0x8f: {  	_ = 	snop  }
0x90: {  	s2 =	sld [smem:$0x3FC9];
	(tm) =	ssettm $0x1  }
0x91: {  	s18 =	sld [smem:$0x3FFB];
	_ =	sdelay $0x3  }
0x92: {  	_ =	strace s18  }
0x93: {  	s3 =	sld [smem:$0x3FFC];
	_ =	sdelay $0x3  }
0x94: {  	_ =	strace s3  }
0x95: {  	s3 =	sld [smem:$0x3FFD];
	_ =	sdelay $0x3  }
0x96: {  	_ =	strace s3  }
0x97: {  	_ =	strace $0x8FFFFFFF  }
0x98: {  	s19 =	sld [smem:$0x3FDB];
	_ =	sdelay $0x1  }
0x99: {  	s4 =	simm.s32 $_scs_section_size  }
0x9a: {  	s5 =	simm.s32 $_size__tile_overlayer_lowered;
	s6 =	simm.s32 $_tile_overlayer_lowered  }
0x9b: {  	s22 =	simm.s32 $0x1BFF;
	s21 =	sshll.u32 s6, $0x1;
	s3 =	sadd.s32 s4, s19  }
0x9c: {  	s7 =	simm.s32 $0x0;
	s20 =	sshll.u32 s5, $0x1;
	s5 =	sadd.s32 s21, s3  }
0x9d: {  	[timem:s7], [sflag:s22] =	dma.local [hbm:s5], s20  }
0x9e: {  	_ =	swait.ge [sflag:s22], s20  }
0x9f: {  	s4 =	ssub.s32 $0x0, s20;
	[sflag:s22] =	ssyncset.done $0x0  }
0xa0: {  	[sflag:s22] =	ssyncadd.s32 s4;
	_ =	sdelay $0x1  }
0xa1: {  	s23 =	simm.s32 $0x1B8B  }
0xa2: {  	_ =	swait.ge [sflag:s23], $0x1  }
0xa3: {  	[sflag:s23] =	ssyncset.done $0x0  }
0xa4: {  	s25 =	simm.s32 $0x1B8E;
	s24 =	sld [smem:$0x3FFE];
	[sflag:s23] =	ssyncadd.s32 $0xFFFFFFFF  }
0xa5: {  	s26 =	simm.s32 $execute0_lowered;
	[smem:$0x3FD2] =	sst s25  }
0xa6: {  	s5 =	sshll.u32 s26, $0x1;
	_ =	strace $0x80000046;
	[dreg:$0x1] =	wrdreg $0xFFFFFFFF  }
0xa7: {  	s28 =	simm.s32 $_size_execute0_lowered;
	s3 =	sadd.s32 s3, s5;
	[dreg:$0x0] =	wrdreg $0x0  }
0xa8: {  	s5 =	sshll.u32 s28, $0x1;
	[dreg:$0x2] =	wrdreg s3  }
0xa9: {  	[dreg:$0x3] =	wrdreg s5  }
0xaa: {  	[dreg:$0x4] =	wrdreg $0xC0  }
0xab: {  	_ =	task [dreg:s7], $0x5FFFF  }
0xac: {  	[dreg:$0x1] =	wrdreg $0xFFFFFFFF  }
0xad: {  	[dreg:$0x0] =	wrdreg $0x60  }
0xae: {  	[dreg:$0x2] =	wrdreg s2  }
0xaf: {  	[dreg:$0x3] =	wrdreg s24  }
0xb0: {  	[dreg:$0x4] =	wrdreg $0x9  }
0xb1: {  	_ =	task.clear_ibuf [dreg:s7], $0x5FFFF;
	_ =	strace $0x90000046  }
0xb2: {  	s29 =	simm.s32 $0x9;
	_ =	strace $0x80000048  }
0xb3: {  	_ =	swait.ge [sflag:s29], $0x1  }
0xb4: {  	[sflag:s29] =	ssyncadd.s32 $0xFFFFFFFF  }
0xb5: {  	_ =	strace $0x90000048  }
0xb6: {  	_ =	sfence  }
0xb7: {  	s30 =	sld [smem:$0x0];
	_ =	sdelay $0x2  }
0xb8: {  	s31 =	sshll.u32 s1, $0xD;
	s1 =	sshrl.u32 s1, $0x2  }
0xb9: {  	s3 =	sand.u32 $0x4000, s31;
	s1 =	sadd.s32 s1, s30  }
0xba: {  	s0 =	sor.u32 s3, s0;
	s1 =	sshll.u32 s1, $0x11  }
0xbb: {  	s0 =	sor.u32 s1, s0  }
0xbc: {  	s0 =	sadd.s32 $0x8F2B, s0  }
0xbd: {  	[sflag:s0] =	ssyncadd.remote.s32 $0x1  }
0xbe: {  	_ =	sfence.sel $0xFFFF  }
0xbf: {  	[dreg:$0x0] =	wrdreg $0xFFFFFFFF;
	(pc) =	sbr.abs _section_cstart, $3  }
0xc0: {  	[dreg:$0x1] =	wrdreg $0xFFFFFFFF  }
0xc1: {  	_ =	task.clear_ibuf [dreg:s7], $0x2FFFF;
	_ =	strace $0x9FFFFFFF  }
0xc2: {  	(tm) =	ssettm $0x7FFFFFFF  }
0xc3: {  	_ =	shalt  }
tec
execute0_lowered:
.L_overlay_start_1:
0x0: {  	(tag) =	ssettag $0x1  }
0x1: {  	s0 =	stileid.u32;
	s1 =	srdreg.scid  }
0x2: {  	s8 =	rddreg [dreg:$0x1];
	s3 =	simm.s32 $0x0;
	s11 =	simm.s32 $0x2000  }
0x3: {  	s12 =	simm.s32 $0x4000;
	s13 =	simm.s32 $0x11400;
	s14 =	simm.s32 $0x5  }
0x4: {  	s15 =	simm.s32 $0x0;
	s4 =	sand.u32 $0x1, s1;
	s1 =	rddreg [dreg:$0x2]  }
0x5: {  	s2 =	sshll.u32 s0, $0x1;
	s5 =	sshrl.u32 s0, $0x2;
	[smem:$0x7FF] =	sst s3  }
0x6: {  	s26 =	sand.u32 $0x6, s2;
	s2 =	rddreg [dreg:$0x0];
	s7 =	smul.u32 $0x1400, s5  }
0x7: {  	_ =	strace $0x80000047;
	s28 =	ssub.s32 $0x2, s4;
	s6 =	sor.u32 s4, s26  }
0x8: {  	s29 =	sshll.u32 s5, $0xD;
	s5 =	sshll.u32 s5, $0x14;
	s9 =	smul.u32 $0x280, s6  }
0x9: {  	s30 =	sshrl.u32 s28, $0x1;
	s10 =	sadd.s32 s2, s5;
	s4 =	sor.u32 s6, s29  }
0xa: {  	s6 =	sshll.u32 s6, $0x7;
	s5 =	sor.u32 $0x1000, s4;
	s7 =	sadd.s32 s7, s9  }
0xb: {  	s6 =	sadd.s32 s6, s10;
	s10 =	simm.s32 $0x400;
	s7 =	sshrl.u32 s7, $0x3  }
0xc: {  	s9 =	ssub.s32 s28, s30;
	s31 =	sshll.u32 s5, $0x7;
	s8 =	sadd.s32 s7, s8  }
0xd: {  	v0 =	vimm.f32 $-Inf;
	v1 =	vlaneseq.u32;
	s9 =	smax.u32 s9, $0x1;
	s7 =	sadd.s32 s2, s31;
	s8 =	sadd.s32 $0x400, s8  }
.LBB2_1:
0xe: {  	[tilespmem:$0x10000] =	vst v0  }
0xf: {  	[tilespmem:$0x10080] =	vst v0  }
0x10: {  	[tilespmem:$0x10100] =	vst v0  }
0x11: {  	[tilespmem:$0x10180] =	vst v0  }
0x12: {  	[tilespmem:$0x10200] =	vst v0  }
0x13: {  	[tilespmem:$0x10280] =	vst v0  }
0x14: {  	[tilespmem:$0x10300] =	vst v0  }
0x15: {  	[tilespmem:$0x10380] =	vst v0  }
0x16: {  	[tilespmem:$0x10400] =	vst v0  }
0x17: {  	[tilespmem:$0x10480] =	vst v0  }
0x18: {  	[tilespmem:$0x10500] =	vst v0  }
0x19: {  	[tilespmem:$0x10580] =	vst v0  }
0x1a: {  	[tilespmem:$0x10600] =	vst v0  }
0x1b: {  	[tilespmem:$0x10680] =	vst v0  }
0x1c: {  	[tilespmem:$0x10700] =	vst v0  }
0x1d: {  	[tilespmem:$0x10780] =	vst v0  }
0x1e: {  	[tilespmem:$0x10800] =	vst v0  }
0x1f: {  	[tilespmem:$0x10880] =	vst v0  }
0x20: {  	[tilespmem:$0x10900] =	vst v0  }
0x21: {  	[tilespmem:$0x10980] =	vst v0  }
0x22: {  	[tilespmem:$0x10A00] =	vst v0  }
0x23: {  	[tilespmem:$0x10A80] =	vst v0  }
0x24: {  	[tilespmem:$0x10B00] =	vst v0  }
0x25: {  	[tilespmem:$0x10B80] =	vst v0  }
0x26: {  	[tilespmem:$0x10C00] =	vst v0  }
0x27: {  	[tilespmem:$0x10C80] =	vst v0  }
0x28: {  	[tilespmem:$0x10D00] =	vst v0  }
0x29: {  	[tilespmem:$0x10D80] =	vst v0  }
0x2a: {  	[tilespmem:$0x10E00] =	vst v0  }
0x2b: {  	[tilespmem:$0x10E80] =	vst v0  }
0x2c: {  	[tilespmem:$0x10F00] =	vst v0  }
0x2d: {  	[tilespmem:$0x10F80] =	vst v0  }
0x2e: {  	[tilespmem:$0x11000] =	vst v0  }
0x2f: {  	[tilespmem:$0x11080] =	vst v0  }
0x30: {  	[tilespmem:$0x11100] =	vst v0  }
0x31: {  	[tilespmem:$0x11180] =	vst v0  }
0x32: {  	[tilespmem:$0x11200] =	vst v0  }
0x33: {  	[tilespmem:$0x11280] =	vst v0  }
0x34: {  	[tilespmem:$0x11300] =	vst v0  }
0x35: {  	[tilespmem:$0x11380] =	vst v0  }
0x36: {  	[tilespmem:s3], [sflag:$0x1] =	stream.strided.gather [hbm4b:s6+s10], $0x4000, s11, s10, $0x38;
	[tilespmem:$0x11680] =	vst v63  }
0x37: {  	p0 =	por $0x0, $0x0;
	s16 =	simm.s32 $0x0  }
0x38: {  	[tilespmem:s12], [sflag:$0x2] =	stream.strided.gather [hbm4b:s7+s10], $0x4000, s11, s10, $0x38;
	[tilespmem:$0x11680] =	vst v63  }
.LBB2_2:
0x39: {  	s24 =	sand.u32 $0x1, s16  }
0x3a: {  	s17 =	smov.u32 s16;
	s19 =	simm.s32 $0x1;
	s16 =	sshllo.u32 s24, $0x1  }
0x3b: {  	s18 =	sshll.u32 s24, $0x1;
	p1 =	seq.s32 s17, $0x1F;
	_ =	swait.ge [sflag:s16], $0x4000  }
0x3c: {  	s19 =	simm.s32 @!p0 $0x0;
	s18 =	sadd.s32 $0x2, s18;
	[sflag:s16] =	ssyncset.done $0x0  }
0x3d: {  	s25 =	simm.s32 @!p1 $0x400;
	s26 =	simm.s32 @!p1 $0x2000;
	[sflag:s16] =	ssyncadd.s32 $0xFFFFC000  }
0x3e: {  	s23 =	sshll.u32 s19, $0xF;
	s16 =	sadd.s32 $0x1, s17;
	_ =	swait.ge [sflag:s18], $0x4000  }
0x3f: {  	s28 =	sor.u32 $0x800, s23;
	s17 =	sshll.u32 @!p1 s16, $0x7;
	[sflag:s18] =	ssyncset.done $0x0  }
0x40: {  	s20 =	sor.u32 @!p1 s4, s17;
	s17 =	sadd.s32 @!p1 s5, s17;
	[sflag:s18] =	ssyncadd.s32 $0xFFFFC000  }
0x41: {  	s18 =	sxor.u32 @!p1 $0x1, s24;
	s20 =	sshll.u32 @!p1 s20, $0x7;
	s17 =	sshll.u32 @!p1 s17, $0x7  }
0x42: {  	s21 =	sshll.u32 @!p1 s18, $0xF;
	s22 =	sshllo.u32 @!p1 s18, $0x1;
	s20 =	sand.u32 @!p1 $0x1FFFC380, s20  }
0x43: {  	s18 =	sshll.u32 @!p1 s18, $0x1;
	s17 =	sand.u32 @!p1 $0x1FFFC380, s17;
	s20 =	sadd.s32 @!p1 s2, s20  }
0x44: {  	[tilespmem:s21], [sflag:s22] =	stream.strided.gather @!p1 [hbm4b:s20+s25], $0x4000, s26, s25, $0x38;
	[tilespmem:$0x11680] =	vst v63  }
0x45: {  	s19 =	sor.u32 @!p1 $0x4000, s21;
	s18 =	sadd.s32 @!p1 $0x2, s18;
	s17 =	sadd.s32 @!p1 s2, s17  }
0x46: {  	[tilespmem:s19], [sflag:s18] =	stream.strided.gather @!p1 [hbm4b:s17+s25], $0x4000, s26, s25, $0x38;
	[tilespmem:$0x11680] =	vst v63  }
0x47: {  	v3 =	vld [tilespmem:s28+$0x100]  }
0x48: {  	v4 =	vld [tilespmem:s28+$0x500]  }
0x49: {  	v5 =	vld [tilespmem:s28+$0x0]  }
0x4a: {  	v6 =	vld [tilespmem:s28+$0xFFFFF880]  }
0x4b: {  	v8 =	vld [tilespmem:s28+$0xFFFFF900]  }
0x4c: {  	v2 =	vld [tilespmem:s28+$0x780]  }
0x4d: {  	v9 =	vld [tilespmem:s28+$0x380]  }
0x4e: {  	v10 =	vld [tilespmem:s28+$0x700]  }
0x4f: {  	v11 =	vld [tilespmem:s28+$0x300]  }
0x50: {  	v12 =	vld [tilespmem:s28+$0x680]  }
0x51: {  	v13 =	vld [tilespmem:s28+$0xFFFFF980]  }
0x52: {  	v14 =	vld [tilespmem:s28+$0x280]  }
0x53: {  	v15 =	vld [tilespmem:s28+$0x200]  }
0x54: {  	v16 =	vld [tilespmem:s28+$0x600]  }
0x55: {  	v17 =	vld [tilespmem:s28+$0xFFFFFF00]  }
0x56: {  	v18 =	vld [tilespmem:s28+$0x580]  }
0x57: {  	v19 =	vld [tilespmem:s28+$0x480]  }
0x58: {  	v20 =	vld [tilespmem:s28+$0xFFFFFF80]  }
0x59: {  	v21 =	vld [tilespmem:s28+$0x400]  }
0x5a: {  	v22 =	vld [tilespmem:s28+$0xFFFFF800]  }
0x5b: {  	v23 =	vld [tilespmem:s28+$0x80]  }
0x5c: {  	v24 =	vld [tilespmem:s28+$0x180]  }
0x5d: {  	v25 =	vld [tilespmem:s28+$0xFFFFFE80]  }
0x5e: {  	v7 =	vimm.f32 $-Inf;
	v26 =	vld [tilespmem:s28+$0xFFFFFE00];
	v10 =	vmax.f32 v10, v2  }
0x5f: {  	v9 =	vmax.f32 v11, v9;
	v2 =	vimm.s32 $0x0;
	v11 =	vmax.f32 v15, v14  }
0x60: {  	v15 =	vmax.f32 v16, v12;
	v14 =	vld [tilespmem:s28+$0xFFFFFD80];
	v8 =	vmax.f32 v8, v13;
	v13 =	vmax.f32 v17, v20  }
0x61: {  	v12 =	vld [tilespmem:s28+$0xFFFFFA00];
	v4 =	vmax.f32 v4, v18;
	v6 =	vmax.f32 v22, v6;
	v5 =	vmax.f32 v5, v23  }
0x62: {  	v16 =	vld [tilespmem:s28+$0xFFFFFC80];
	v3 =	vmax.f32 v3, v24;
	v9 =	vmax.f32 v11, v9;
	v11 =	vmax.f32 v21, v19  }
0x63: {  	v18 =	vld [tilespmem:s28+$0xFFFFFD00];
	v3 =	vmax.f32 v5, v3;
	v5 =	vmax.f32 v15, v10;
	v19 =	vmax.f32 v26, v25  }
0x64: {  	s20 =	sor.u32 $0x840, s23;
	v20 =	vld [tilespmem:s28+$0xFFFFFC00];
	v21 =	vmax.f32 v6, v8;
	v10 =	vimm.f32 $-Inf;
	v8 =	vimm.f32 $-Inf  }
0x65: {  	s21 =	sor.u32 $0x830, s23;
	s22 =	sor.u32 $0x820, s23;
	s17 =	sor.u32 $0x870, s23;
	v22 =	vld [tilespmem:s28+$0xFFFFFB80];
	v6 =	vimm.s32 $0x0;
	v4 =	vmax.f32 v11, v4;
	v15 =	vmax.f32 v3, v9  }
0x66: {  	s18 =	sor.u32 $0x860, s23;
	s19 =	sor.u32 $0x850, s23;
	s23 =	sor.u32 $0x810, s23;
	v23 =	vld [tilespmem:s28+$0xFFFFFB00];
	v11 =	vimm.f32 $-Inf;
	v3 =	vimm.s32 $0x0;
	v9 =	vimm.f32 $-Inf  }
0x67: {  	s25 =	simm.s32 $0x0;
	s26 =	simm.s32 $0x2;
	v24 =	vld [tilespmem:s28+$0xFFFFFA80];
	s28 =	sadd.s32 $0x1000, s28;
	v17 =	vmax.f32 v4, v5;
	v4 =	vimm.s32 $0x0;
	v5 =	vimm.s32 $0x0  }
.LBB2_3:
0x68: {  	v25 =	vld [tilespmem:s28+$0x100];
	p1 =	slt.u32 s26, $0xE;
	s29 =	smov.u32 s26;
	s26 =	sadd.s32 $0x2, s26  }
0x69: {  	v14 =	vmax.f32 v18, v14;
	v26 =	vld [tilespmem:s28+$0x500];
	v16 =	vmax.f32 v20, v16  }
0x6a: {  	v20 =	vld [tilespmem:s28+$0x0];
	v14 =	vmax.f32 v16, v14  }
0x6b: {  	v18 =	vld [tilespmem:s28+$0xFFFFF880];
	v16 =	vmax.f32 v23, v22  }
0x6c: {  	v22 =	vld [tilespmem:s28+$0xFFFFF900];
	v12 =	vmax.f32 v12, v24  }
0x6d: {  	v13 =	vmax.f32 v19, v13;
	v23 =	vld [tilespmem:s28+$0x780];
	v12 =	vmax.f32 v12, v16  }
0x6e: {  	v13 =	vmax.f32 v14, v13;
	v16 =	vld [tilespmem:s28+$0x380];
	v12 =	vmax.f32 v21, v12  }
0x6f: {  	v14 =	vld [tilespmem:s28+$0x700];
	v12 =	vmax.f32 v12, v13;
	v13 =	vmax.f32 v15, v17  }
0x70: {  	v15 =	vld [tilespmem:s28+$0x300];
	vm1 =	vgt.f32 v12, v7;
	v17 =	vmax.f32 v7, v12;
	v7 =	vmin.f32 v7, v12  }
0x71: {  	v12 =	vld [tilespmem:s28+$0x680];
	v19 =	vnsel vm1, s25, v2;
	vm5 =	vgt.f32 v13, v17;
	v21 =	vmin.f32 v17, v13  }
0x72: {  	vm6 =	vgt.f32 v7, v10;
	v27 =	vmax.f32 v10, v7;
	v7 =	vmin.f32 v10, v7;
	v24 =	vld [tilespmem:s28+$0xFFFFF980]  }
0x73: {  	vm4 =	vgt.f32 v7, v8;
	v28 =	vmax.f32 v8, v7;
	vm3 =	vgt.f32 v21, v27;
	v10 =	vld [tilespmem:s28+$0x280]  }
0x74: {  	v7 =	vmin.f32 v8, v7;
	v30 =	vmin.f32 v27, v21;
	v29 =	vld [tilespmem:s28+$0x200];
	v23 =	vmax.f32 v14, v23  }
0x75: {  	vm0 =	vgt.f32 v7, v11;
	v8 =	vld [tilespmem:s28+$0x600];
	v14 =	vmax.f32 v15, v16;
	v15 =	vmax.f32 v11, v7  }
0x76: {  	v31 =	vsel vm1, s25, v2;
	v2 =	vmin.f32 v11, v7;
	vm1 =	vgt.f32 v30, v28;
	v16 =	vld [tilespmem:s28+$0xFFFFFF00]  }
0x77: {  	s30 =	sadd.s32 $0x1, s25;
	s25 =	smov.u32 s29;
	vm2 =	vgt.f32 v2, v9;
	v32 =	vmax.f32 v9, v2;
	v7 =	vsel vm6, v19, v3;
	v11 =	vld [tilespmem:s28+$0x580]  }
0x78: {  	v2 =	vsel vm5, s30, v31;
	v31 =	vnsel vm5, s30, v31;
	v19 =	vsel vm6, v3, v19;
	v9 =	vld [tilespmem:s28+$0x480]  }
0x79: {  	v3 =	vsel vm3, v31, v7;
	v33 =	vld [tilespmem:s28+$0xFFFFFF80];
	v10 =	vmax.f32 v29, v10;
	v29 =	vsel vm4, v19, v4  }
0x7a: {  	v19 =	vsel vm4, v4, v19;
	v34 =	vld [tilespmem:s28+$0x400];
	v35 =	vmax.f32 v8, v12;
	v36 =	vmax.f32 v10, v14  }
0x7b: {  	v31 =	vsel vm3, v7, v31;
	v37 =	vsel vm0, v5, v19;
	v8 =	vmax.f32 v28, v30;
	v14 =	vld [tilespmem:s28+$0xFFFFFD80]  }
0x7c: {  	v7 =	vmax.f32 v17, v13;
	v10 =	vmax.f32 v27, v21;
	v4 =	vsel vm1, v31, v29;
	v12 =	vld [tilespmem:s28+$0xFFFFFA00]  }
0x7d: {  	v21 =	vmax.f32 v22, v24;
	v17 =	vld [tilespmem:s28+$0xFFFFF800]  }
0x7e: {  	v13 =	vmax.f32 v16, v33;
	v22 =	vld [tilespmem:s28+$0x80]  }
0x7f: {  	v24 =	vld [tilespmem:s28+$0x180];
	v9 =	vmax.f32 v34, v9  }
0x80: {  	v6 =	vsel vm2, v37, v6;
	v11 =	vmax.f32 v26, v11;
	v27 =	vld [tilespmem:s28+$0xFFFFFE80]  }
0x81: {  	v5 =	vsel vm0, v19, v5;
	v19 =	vmin.f32 v28, v30;
	v28 =	vsel vm1, v29, v31;
	v26 =	vld [tilespmem:s28+$0xFFFFFE00]  }
0x82: {  	vm0 =	vgt.f32 v19, v15;
	v30 =	vmin.f32 v15, v19;
	v16 =	vld [tilespmem:s28+$0xFFFFFC80];
	v29 =	vmax.f32 v17, v18  }
.Ltmp0:
0x83: {  	v31 =	vmax.f32 v9, v11;
	v9 =	vmax.f32 v32, v30;
	v18 =	vld [tilespmem:s28+$0xFFFFFD00];
	v17 =	vmax.f32 v20, v22;
	(pc) =	sbr.rel @p1 .LBB2_3-.Ltmp0, $4  }
0x84: {  	v11 =	vmax.f32 v15, v19;
	v20 =	vld [tilespmem:s28+$0xFFFFFC00];
	v24 =	vmax.f32 v25, v24;
	v25 =	vsel vm0, v5, v28  }
0x85: {  	v5 =	vsel vm0, v28, v5;
	v22 =	vld [tilespmem:s28+$0xFFFFFB80];
	v15 =	vmax.f32 v17, v24;
	v17 =	vmax.f32 v35, v23  }
0x86: {  	vm0 =	vgt.f32 v30, v32;
	v23 =	vld [tilespmem:s28+$0xFFFFFB00];
	v15 =	vmax.f32 v15, v36;
	v17 =	vmax.f32 v31, v17  }
0x87: {  	v21 =	vmax.f32 v29, v21;
	v6 =	vsel vm0, v25, v6;
	v19 =	vmax.f32 v26, v27;
	v24 =	vld [tilespmem:s28+$0xFFFFFA80];
	s28 =	sadd.s32 $0x1000, s28  }
0x88: {  	_ =	sdelay $0x2  }
0x89: {  	v14 =	vmax.f32 v18, v14  }
0x8a: {  	v16 =	vmax.f32 v20, v16;
	v62 =	vmax.f32 v23, v22;
	v12 =	vmax.f32 v12, v24  }
0x8b: {  	v13 =	vmax.f32 v19, v13;
	v14 =	vmax.f32 v16, v14;
	v12 =	vmax.f32 v12, v62  }
0x8c: {  	v13 =	vmax.f32 v14, v13;
	v12 =	vmax.f32 v21, v12  }
0x8d: {  	v12 =	vmax.f32 v12, v13  }
0x8e: {  	v13 =	vmax.f32 v15, v17;
	vm0 =	vgt.f32 v12, v7;
	v14 =	vmax.f32 v7, v12  }
0x8f: {  	v7 =	vmin.f32 v7, v12;
	vm1 =	vgt.f32 v13, v14;
	v13 =	vmin.f32 v14, v13  }
0x90: {  	vm2 =	vgt.f32 v7, v10;
	v14 =	vmax.f32 v10, v7;
	v7 =	vmin.f32 v10, v7  }
0x91: {  	v12 =	vnsel vm0, s25, v2;
	v2 =	vsel vm0, s25, v2;
	vm3 =	vgt.f32 v7, v8  }
0x92: {  	v10 =	vmax.f32 v8, v7;
	v7 =	vmin.f32 v8, v7;
	vm4 =	vgt.f32 v13, v14  }
0x93: {  	v8 =	vmin.f32 v14, v13;
	vm5 =	vgt.f32 v7, v11;
	v13 =	vmax.f32 v11, v7  }
0x94: {  	v7 =	vmin.f32 v11, v7;
	vm13 =	vgt.f32 v8, v10;
	v11 =	vsel vm2, v12, v3  }
0x95: {  	s31 =	sadd.s32 $0x1, s25;
	v8 =	vmin.f32 v10, v8;
	vm6 =	vgt.f32 v7, v9;
	v14 =	vmax.f32 v9, v7  }
0x96: {  	v7 =	vsel vm2, v3, v12;
	v3 =	vsel vm1, s31, v2;
	v2 =	vnsel vm1, s31, v2  }
0x97: {  	vm14 =	vgt.f32 v8, v13;
	v8 =	vmin.f32 v13, v8;
	v12 =	vsel vm3, v7, v4  }
0x98: {  	v9 =	vsel vm3, v4, v7;
	v4 =	vsel vm4, v2, v11;
	v2 =	vsel vm4, v11, v2  }
0x99: {  	v11 =	vmov s24;
	vm15 =	vgt.f32 v8, v14;
	v15 =	vsel vm5, v5, v9  }
0x9a: {  	v7 =	vsel vm13, v2, v12;
	v5 =	vsel vm5, v9, v5;
	v63 =	vsel vm13, v12, v2  }
0x9b: {  	v2 =	vshll.u32 v11, $0xF;
	v11 =	vld [tilespmem:$0x10180];
	v6 =	vsel vm6, v15, v6;
	v13 =	vsel vm14, v5, v63  }
0x9c: {  	v6 =	vsel vm15, v13, v6;
	v13 =	vld [tilespmem:$0x10200]  }
0x9d: {  	v9 =	vld [tilespmem:$0x10000];
	v2 =	vbroadcast v2, $0x0  }
0x9e: {  	v10 =	vld [tilespmem:$0x10080]  }
0x9f: {  	s25 =	simm.s32 $0x0;
	s24 =	simm.s32 $0x0;
	v12 =	vld [tilespmem:$0x10100];
	v5 =	vsel vm14, v63, v5;
	v8 =	vor.u32 v1, v2  }
.LBB2_5:
0xa0: {  	p1 =	seq.s32 s25, $0x3  }
0xa1: {  	p2 =	seq.s32 s25, $0x2;
	v14 =	vpsel p1, v5, v6  }
0xa2: {  	p5 =	seq.s32 s25, $0x1;
	v14 =	vpsel p2, v7, v14  }
0xa3: {  	p6 =	seq.s32 s25, $0x0;
	v15 =	vmov s24;
	v14 =	vpsel p5, v4, v14  }
0xa4: {  	v15 =	vshll.u32 v15, $0x7;
	v14 =	vpsel p6, v3, v14  }
0xa5: {  	v15 =	vbroadcast v15, $0x0;
	v14 =	vshll.u32 v14, $0xB  }
0xa6: {  	v14 =	vadd.s32 v14, v8  }
0xa7: {  	v15 =	vadd.s32 v15, v14  }
0xa8: {  	s26 =	simm.s32 $0x1  }
0xa9: {  	v16 =	vmov s26  }
0xaa: {  	v16 =	vshll.u32 v16, $0x7  }
0xab: {  	v16 =	vbroadcast v16, $0x0  }
0xac: {  	v17 =	vld.idx.msk [tilespmem:v15+s3+$0x0], $0xffff  }
0xad: {  	s31 =	simm.s32 $0x2;
	v15 =	vadd.s32 v16, v14  }
0xae: {  	v16 =	vmov s31  }
0xaf: {  	v16 =	vshll.u32 v16, $0x7  }
0xb0: {  	v20 =	vbroadcast v16, $0x0  }
0xb1: {  	v19 =	vmin.f32 v9, v17  }
0xb2: {  	v20 =	vadd.s32 v20, v14;
	v18 =	vld.idx.msk [tilespmem:v15+s3+$0x0], $0xffff;
	v16 =	vmin.f32 v10, v19  }
0xb3: {  	s26 =	simm.s32 $0x3;
	v15 =	vmin.f32 v12, v16  }
.LBB2_6:
0xb4: {  	v21 =	vmov s26;
	p1 =	sne.s32 s26, $0xF;
	s26 =	sadd.s32 $0x1, s26;
	v22 =	vmin.f32 v11, v15  }
.Ltmp1:
0xb5: {  	v21 =	vshll.u32 v21, $0x7;
	v13 =	vmax.f32 v13, v22;
	(pc) =	sbr.rel @p1 .LBB2_6-.Ltmp1, $4  }
0xb6: {  	v9 =	vmax.f32 v9, v17;
	v21 =	vbroadcast v21, $0x0  }
0xb7: {  	v10 =	vmax.f32 v10, v19;
	v19 =	vmin.f32 v9, v18;
	v17 =	vmov v18;
	v18 =	vld.idx.msk [tilespmem:v20+s3+$0x0], $0xffff  }
0xb8: {  	v12 =	vmax.f32 v12, v16;
	v16 =	vmin.f32 v10, v19;
	v20 =	vadd.s32 v21, v14  }
0xb9: {  	v11 =	vmax.f32 v11, v15;
	v15 =	vmin.f32 v12, v16  }
0xba: {  	_ =	sdelay $0x3  }
0xbb: {  	v14 =	vld.idx.msk [tilespmem:v20+s3+$0x0], $0xffff;
	_ =	sdelay $0x1  }
0xbc: {  	v62 =	vmin.f32 v11, v15;
	v9 =	vmax.f32 v9, v17;
	v10 =	vmax.f32 v10, v19  }
0xbd: {  	v12 =	vmax.f32 v12, v16;
	v11 =	vmax.f32 v11, v15;
	s25 =	sadd.s32 $0x1, s25;
	v17 =	vmin.f32 v9, v18  }
0xbe: {  	v13 =	vmax.f32 v13, v62;
	p1 =	sne.s32 s25, $0x5;
	v9 =	vmax.f32 v9, v18;
	v19 =	vmin.f32 v10, v17  }
.Ltmp2:
0xbf: {  	v10 =	vmax.f32 v10, v17;
	v16 =	vmin.f32 v12, v19;
	v18 =	vmin.f32 v9, v14;
	(pc) =	sbr.rel @p1 .LBB2_5-.Ltmp2, $4  }
0xc0: {  	v12 =	vmax.f32 v12, v19;
	v63 =	vmin.f32 v11, v16;
	v15 =	vmin.f32 v10, v18  }
0xc1: {  	v11 =	vmax.f32 v11, v16;
	v9 =	vmax.f32 v9, v14;
	v19 =	vmin.f32 v12, v15  }
0xc2: {  	v13 =	vmax.f32 v13, v63;
	v10 =	vmax.f32 v10, v18;
	v16 =	vmin.f32 v11, v19  }
0xc3: {  	v12 =	vmax.f32 v12, v15;
	v11 =	vmax.f32 v11, v19;
	v13 =	vmax.f32 v13, v16  }
0xc4: {  	[tilespmem:$0x10000] =	vst v9  }
0xc5: {  	[tilespmem:$0x10080] =	vst v10  }
0xc6: {  	[tilespmem:$0x10100] =	vst v12  }
0xc7: {  	[tilespmem:$0x10180] =	vst v11  }
0xc8: {  	[tilespmem:$0x10200] =	vst v13  }
0xc9: {  	v4 =	vld [tilespmem:s23+$0x100]  }
0xca: {  	v5 =	vld [tilespmem:s23+$0x500]  }
0xcb: {  	v6 =	vld [tilespmem:s23+$0x0]  }
0xcc: {  	v7 =	vld [tilespmem:s23+$0xFFFFF880]  }
0xcd: {  	v8 =	vld [tilespmem:s23+$0xFFFFF900]  }
0xce: {  	v3 =	vld [tilespmem:s23+$0x780]  }
0xcf: {  	v10 =	vld [tilespmem:s23+$0x380]  }
0xd0: {  	v11 =	vld [tilespmem:s23+$0x700]  }
0xd1: {  	v12 =	vld [tilespmem:s23+$0x300]  }
0xd2: {  	v13 =	vld [tilespmem:s23+$0x680]  }
0xd3: {  	v14 =	vld [tilespmem:s23+$0xFFFFF980]  }
0xd4: {  	v15 =	vld [tilespmem:s23+$0x280]  }
0xd5: {  	v16 =	vld [tilespmem:s23+$0x200]  }
0xd6: {  	v17 =	vld [tilespmem:s23+$0x600]  }
0xd7: {  	v18 =	vld [tilespmem:s23+$0xFFFFFF00]  }
0xd8: {  	v19 =	vld [tilespmem:s23+$0x580]  }
0xd9: {  	v20 =	vld [tilespmem:s23+$0x480]  }
0xda: {  	v21 =	vld [tilespmem:s23+$0xFFFFFF80]  }
0xdb: {  	v23 =	vld [tilespmem:s23+$0xFFFFF800]  }
0xdc: {  	v24 =	vld [tilespmem:s23+$0x80]  }
0xdd: {  	v25 =	vld [tilespmem:s23+$0x180]  }
0xde: {  	v26 =	vld [tilespmem:s23+$0xFFFFFE80]  }
0xdf: {  	v27 =	vld [tilespmem:s23+$0xFFFFFE00]  }
0xe0: {  	v9 =	vimm.f32 $-Inf;
	v22 =	vld [tilespmem:s23+$0x400];
	v11 =	vmax.f32 v11, v3  }
0xe1: {  	v10 =	vmax.f32 v12, v10;
	v3 =	vimm.s32 $0x0;
	v12 =	vmax.f32 v16, v15  }
0xe2: {  	v16 =	vmax.f32 v17, v13;
	v15 =	vld [tilespmem:s23+$0xFFFFFD80];
	v8 =	vmax.f32 v8, v14;
	v14 =	vmax.f32 v18, v21  }
0xe3: {  	v13 =	vld [tilespmem:s23+$0xFFFFFA00];
	v5 =	vmax.f32 v5, v19;
	v7 =	vmax.f32 v23, v7;
	v6 =	vmax.f32 v6, v24  }
0xe4: {  	v17 =	vld [tilespmem:s23+$0xFFFFFC80];
	v4 =	vmax.f32 v4, v25;
	v21 =	vmax.f32 v27, v26;
	v10 =	vmax.f32 v12, v10  }
0xe5: {  	v19 =	vld [tilespmem:s23+$0xFFFFFD00];
	v12 =	vmax.f32 v22, v20;
	v4 =	vmax.f32 v6, v4;
	v6 =	vmax.f32 v16, v11  }
0xe6: {  	v22 =	vld [tilespmem:s23+$0xFFFFFC00];
	v20 =	vmax.f32 v7, v8;
	v11 =	vimm.f32 $-Inf;
	v8 =	vimm.f32 $-Inf  }
0xe7: {  	v23 =	vld [tilespmem:s23+$0xFFFFFB80];
	v7 =	vimm.s32 $0x0;
	v5 =	vmax.f32 v12, v5;
	v16 =	vmax.f32 v4, v10  }
0xe8: {  	v24 =	vld [tilespmem:s23+$0xFFFFFB00];
	v12 =	vimm.f32 $-Inf;
	v4 =	vimm.s32 $0x0;
	v10 =	vimm.f32 $-Inf  }
0xe9: {  	s24 =	simm.s32 $0x0;
	s25 =	simm.s32 $0x2;
	v25 =	vld [tilespmem:s23+$0xFFFFFA80];
	s23 =	sadd.s32 $0x1000, s23;
	v18 =	vmax.f32 v5, v6;
	v5 =	vimm.s32 $0x0;
	v6 =	vimm.s32 $0x0  }
.LBB2_9:
0xea: {  	v26 =	vld [tilespmem:s23+$0x100];
	p1 =	slt.u32 s25, $0xE;
	s26 =	smov.u32 s25;
	s25 =	sadd.s32 $0x2, s25  }
0xeb: {  	v15 =	vmax.f32 v19, v15;
	v27 =	vld [tilespmem:s23+$0x500];
	v17 =	vmax.f32 v22, v17  }
0xec: {  	v22 =	vld [tilespmem:s23+$0x0];
	v15 =	vmax.f32 v17, v15  }
0xed: {  	v19 =	vld [tilespmem:s23+$0xFFFFF880];
	v17 =	vmax.f32 v24, v23  }
0xee: {  	v23 =	vld [tilespmem:s23+$0xFFFFF900];
	v13 =	vmax.f32 v13, v25  }
0xef: {  	v14 =	vmax.f32 v21, v14;
	v24 =	vld [tilespmem:s23+$0x780];
	v13 =	vmax.f32 v13, v17  }
0xf0: {  	v14 =	vmax.f32 v15, v14;
	v17 =	vld [tilespmem:s23+$0x380];
	v13 =	vmax.f32 v20, v13  }
0xf1: {  	v15 =	vld [tilespmem:s23+$0x700];
	v13 =	vmax.f32 v13, v14;
	v14 =	vmax.f32 v16, v18  }
0xf2: {  	v16 =	vld [tilespmem:s23+$0x300];
	vm1 =	vgt.f32 v13, v9;
	v18 =	vmax.f32 v9, v13;
	v9 =	vmin.f32 v9, v13  }
0xf3: {  	v13 =	vld [tilespmem:s23+$0x680];
	v20 =	vnsel vm1, s24, v3;
	vm5 =	vgt.f32 v14, v18;
	v21 =	vmin.f32 v18, v14  }
0xf4: {  	vm6 =	vgt.f32 v9, v11;
	v28 =	vmax.f32 v11, v9;
	v9 =	vmin.f32 v11, v9;
	v25 =	vld [tilespmem:s23+$0xFFFFF980]  }
0xf5: {  	vm4 =	vgt.f32 v9, v8;
	v29 =	vmax.f32 v8, v9;
	vm3 =	vgt.f32 v21, v28;
	v11 =	vld [tilespmem:s23+$0x280]  }
0xf6: {  	v8 =	vmin.f32 v8, v9;
	v31 =	vmin.f32 v28, v21;
	v30 =	vld [tilespmem:s23+$0x200];
	v24 =	vmax.f32 v15, v24  }
0xf7: {  	vm0 =	vgt.f32 v8, v12;
	v9 =	vld [tilespmem:s23+$0x600];
	v15 =	vmax.f32 v16, v17;
	v16 =	vmax.f32 v12, v8  }
0xf8: {  	v32 =	vsel vm1, s24, v3;
	v3 =	vmin.f32 v12, v8;
	vm1 =	vgt.f32 v31, v29;
	v17 =	vld [tilespmem:s23+$0xFFFFFF00]  }
0xf9: {  	s28 =	sadd.s32 $0x1, s24;
	s24 =	smov.u32 s26;
	vm2 =	vgt.f32 v3, v10;
	v33 =	vmax.f32 v10, v3;
	v8 =	vsel vm6, v20, v4;
	v12 =	vld [tilespmem:s23+$0x580]  }
0xfa: {  	v3 =	vsel vm5, s28, v32;
	v32 =	vnsel vm5, s28, v32;
	v20 =	vsel vm6, v4, v20;
	v10 =	vld [tilespmem:s23+$0x480]  }
0xfb: {  	v4 =	vsel vm3, v32, v8;
	v34 =	vld [tilespmem:s23+$0xFFFFFF80];
	v11 =	vmax.f32 v30, v11;
	v30 =	vsel vm4, v20, v5  }
0xfc: {  	v20 =	vsel vm4, v5, v20;
	v35 =	vld [tilespmem:s23+$0x400];
	v36 =	vmax.f32 v9, v13;
	v37 =	vmax.f32 v11, v15  }
0xfd: {  	v32 =	vsel vm3, v8, v32;
	v8 =	vmax.f32 v29, v31;
	v38 =	vsel vm0, v6, v20;
	v15 =	vld [tilespmem:s23+$0xFFFFFD80]  }
0xfe: {  	v9 =	vmax.f32 v18, v14;
	v11 =	vmax.f32 v28, v21;
	v5 =	vsel vm1, v32, v30;
	v13 =	vld [tilespmem:s23+$0xFFFFFA00]  }
0xff: {  	v28 =	vmax.f32 v23, v25;
	v18 =	vld [tilespmem:s23+$0xFFFFF800]  }
0x100: {  	v14 =	vmax.f32 v17, v34;
	v21 =	vld [tilespmem:s23+$0x80]  }
0x101: {  	v23 =	vld [tilespmem:s23+$0x180];
	v10 =	vmax.f32 v35, v10  }
0x102: {  	v7 =	vsel vm2, v38, v7;
	v12 =	vmax.f32 v27, v12;
	v34 =	vld [tilespmem:s23+$0xFFFFFE80]  }
0x103: {  	v6 =	vsel vm0, v20, v6;
	v20 =	vmin.f32 v29, v31;
	v25 =	vsel vm1, v30, v32;
	v27 =	vld [tilespmem:s23+$0xFFFFFE00]  }
0x104: {  	vm0 =	vgt.f32 v20, v16;
	v30 =	vmin.f32 v16, v20;
	v17 =	vld [tilespmem:s23+$0xFFFFFC80];
	v29 =	vmax.f32 v18, v19  }
.Ltmp3:
0x105: {  	v19 =	vld [tilespmem:s23+$0xFFFFFD00];
	v18 =	vmax.f32 v22, v21;
	v21 =	vmax.f32 v10, v12;
	v10 =	vmax.f32 v33, v30;
	(pc) =	sbr.rel @p1 .LBB2_9-.Ltmp3, $4  }
0x106: {  	v31 =	vsel vm0, v6, v25;
	v12 =	vmax.f32 v16, v20;
	v22 =	vld [tilespmem:s23+$0xFFFFFC00];
	v26 =	vmax.f32 v26, v23  }
0x107: {  	v6 =	vsel vm0, v25, v6;
	v23 =	vld [tilespmem:s23+$0xFFFFFB80];
	v16 =	vmax.f32 v18, v26;
	v18 =	vmax.f32 v36, v24  }
0x108: {  	vm0 =	vgt.f32 v30, v33;
	v24 =	vld [tilespmem:s23+$0xFFFFFB00];
	v16 =	vmax.f32 v16, v37;
	v18 =	vmax.f32 v21, v18  }
0x109: {  	v7 =	vsel vm0, v31, v7;
	v20 =	vmax.f32 v29, v28;
	v21 =	vmax.f32 v27, v34;
	v25 =	vld [tilespmem:s23+$0xFFFFFA80];
	s23 =	sadd.s32 $0x1000, s23  }
0x10a: {  	_ =	sdelay $0x2  }
0x10b: {  	v15 =	vmax.f32 v19, v15  }
0x10c: {  	v17 =	vmax.f32 v22, v17;
	v62 =	vmax.f32 v24, v23;
	v13 =	vmax.f32 v13, v25  }
0x10d: {  	v14 =	vmax.f32 v21, v14;
	v15 =	vmax.f32 v17, v15;
	v13 =	vmax.f32 v13, v62  }
0x10e: {  	v14 =	vmax.f32 v15, v14;
	v13 =	vmax.f32 v20, v13  }
0x10f: {  	v13 =	vmax.f32 v13, v14  }
0x110: {  	v14 =	vmax.f32 v16, v18;
	vm0 =	vgt.f32 v13, v9;
	v15 =	vmax.f32 v9, v13  }
0x111: {  	v9 =	vmin.f32 v9, v13;
	v13 =	vnsel vm0, s24, v3;
	vm1 =	vgt.f32 v14, v15  }
0x112: {  	v14 =	vmin.f32 v15, v14;
	v15 =	vmin.f32 v11, v9;
	vm2 =	vgt.f32 v9, v11  }
0x113: {  	v9 =	vmax.f32 v11, v9;
	vm3 =	vgt.f32 v15, v8;
	v11 =	vmax.f32 v8, v15  }
0x114: {  	vm4 =	vgt.f32 v14, v9;
	v8 =	vmin.f32 v8, v15;
	v14 =	vmin.f32 v9, v14  }
0x115: {  	v9 =	vsel vm0, s24, v3;
	vm5 =	vgt.f32 v8, v12;
	v15 =	vmax.f32 v12, v8  }
0x116: {  	s23 =	sadd.s32 $0x1, s24;
	v3 =	vmin.f32 v12, v8;
	v8 =	vsel vm2, v13, v4;
	v4 =	vsel vm2, v4, v13  }
0x117: {  	vm6 =	vgt.f32 v3, v10;
	v10 =	vmax.f32 v10, v3;
	v3 =	vsel vm1, s23, v9  }
0x118: {  	v9 =	vnsel vm1, s23, v9;
	v12 =	vsel vm3, v4, v5;
	v13 =	vsel vm3, v5, v4  }
0x119: {  	v63 =	vsel vm4, v8, v9;
	v4 =	vsel vm4, v9, v8;
	v8 =	vsel vm5, v6, v13  }
0x11a: {  	v7 =	vsel vm6, v8, v7;
	v8 =	vmin.f32 v11, v14  }
0x11b: {  	vm13 =	vgt.f32 v14, v11;
	vm14 =	vgt.f32 v8, v15;
	v8 =	vmin.f32 v15, v8  }
0x11c: {  	v6 =	vsel vm5, v13, v6;
	v13 =	vsel vm13, v12, v63;
	vm15 =	vgt.f32 v8, v10;
	v10 =	vld [tilespmem:$0x10400]  }
0x11d: {  	v14 =	vsel vm14, v6, v13;
	v6 =	vsel vm14, v13, v6;
	v13 =	vld [tilespmem:$0x10480]  }
0x11e: {  	v9 =	vld [tilespmem:$0x10280]  }
0x11f: {  	v11 =	vld [tilespmem:$0x10300];
	v8 =	vor.u32 $0x10, v1  }
0x120: {  	s24 =	simm.s32 $0x0;
	s23 =	simm.s32 $0x0;
	v5 =	vsel vm13, v63, v12;
	v12 =	vld [tilespmem:$0x10380];
	v7 =	vsel vm15, v14, v7;
	v8 =	vor.u32 v8, v2  }
.LBB2_11:
0x121: {  	p1 =	seq.s32 s24, $0x3  }
0x122: {  	p2 =	seq.s32 s24, $0x2;
	v14 =	vpsel p1, v6, v7  }
0x123: {  	p5 =	seq.s32 s24, $0x1;
	v14 =	vpsel p2, v5, v14  }
0x124: {  	p6 =	seq.s32 s24, $0x0;
	v15 =	vmov s23;
	v14 =	vpsel p5, v4, v14  }
0x125: {  	v15 =	vshll.u32 v15, $0x7;
	v14 =	vpsel p6, v3, v14  }
0x126: {  	v15 =	vbroadcast v15, $0x0;
	v14 =	vshll.u32 v14, $0xB  }
0x127: {  	v14 =	vadd.s32 v14, v8  }
0x128: {  	v15 =	vadd.s32 v15, v14  }
0x129: {  	s25 =	simm.s32 $0x1  }
0x12a: {  	v16 =	vmov s25  }
0x12b: {  	v16 =	vshll.u32 v16, $0x7  }
0x12c: {  	v16 =	vbroadcast v16, $0x0  }
0x12d: {  	v17 =	vld.idx.msk [tilespmem:v15+s3+$0x0], $0xffff  }
0x12e: {  	s31 =	simm.s32 $0x2;
	v15 =	vadd.s32 v16, v14  }
0x12f: {  	v16 =	vmov s31  }
0x130: {  	v16 =	vshll.u32 v16, $0x7  }
0x131: {  	v20 =	vbroadcast v16, $0x0  }
0x132: {  	v19 =	vmin.f32 v9, v17  }
0x133: {  	v20 =	vadd.s32 v20, v14;
	v18 =	vld.idx.msk [tilespmem:v15+s3+$0x0], $0xffff;
	v16 =	vmin.f32 v11, v19  }
0x134: {  	s25 =	simm.s32 $0x3;
	v15 =	vmin.f32 v12, v16  }
.LBB2_12:
0x135: {  	v21 =	vmov s25;
	p1 =	sne.s32 s25, $0xF;
	s25 =	sadd.s32 $0x1, s25;
	v22 =	vmin.f32 v10, v15  }
.Ltmp4:
0x136: {  	v21 =	vshll.u32 v21, $0x7;
	v13 =	vmax.f32 v13, v22;
	(pc) =	sbr.rel @p1 .LBB2_12-.Ltmp4, $4  }
0x137: {  	v9 =	vmax.f32 v9, v17;
	v21 =	vbroadcast v21, $0x0  }
0x138: {  	v11 =	vmax.f32 v11, v19;
	v19 =	vmin.f32 v9, v18;
	v17 =	vmov v18;
	v18 =	vld.idx.msk [tilespmem:v20+s3+$0x0], $0xffff  }
0x139: {  	v12 =	vmax.f32 v12, v16;
	v16 =	vmin.f32 v11, v19;
	v20 =	vadd.s32 v21, v14  }
0x13a: {  	v10 =	vmax.f32 v10, v15;
	v15 =	vmin.f32 v12, v16  }
0x13b: {  	_ =	sdelay $0x3  }
0x13c: {  	v14 =	vld.idx.msk [tilespmem:v20+s3+$0x0], $0xffff;
	_ =	sdelay $0x1  }
0x13d: {  	v62 =	vmin.f32 v10, v15;
	v9 =	vmax.f32 v9, v17;
	v11 =	vmax.f32 v11, v19  }
0x13e: {  	v12 =	vmax.f32 v12, v16;
	v10 =	vmax.f32 v10, v15;
	s24 =	sadd.s32 $0x1, s24;
	v17 =	vmin.f32 v9, v18  }
0x13f: {  	v13 =	vmax.f32 v13, v62;
	p1 =	sne.s32 s24, $0x5;
	v9 =	vmax.f32 v9, v18;
	v19 =	vmin.f32 v11, v17  }
.Ltmp5:
0x140: {  	v11 =	vmax.f32 v11, v17;
	v16 =	vmin.f32 v12, v19;
	v18 =	vmin.f32 v9, v14;
	(pc) =	sbr.rel @p1 .LBB2_11-.Ltmp5, $4  }
0x141: {  	v12 =	vmax.f32 v12, v19;
	v63 =	vmin.f32 v10, v16;
	v15 =	vmin.f32 v11, v18  }
0x142: {  	v10 =	vmax.f32 v10, v16;
	v9 =	vmax.f32 v9, v14;
	v19 =	vmin.f32 v12, v15  }
0x143: {  	v13 =	vmax.f32 v13, v63;
	v11 =	vmax.f32 v11, v18;
	v16 =	vmin.f32 v10, v19  }
0x144: {  	v12 =	vmax.f32 v12, v15;
	v10 =	vmax.f32 v10, v19;
	v13 =	vmax.f32 v13, v16  }
0x145: {  	[tilespmem:$0x10280] =	vst v9  }
0x146: {  	[tilespmem:$0x10300] =	vst v11  }
0x147: {  	[tilespmem:$0x10380] =	vst v12  }
0x148: {  	[tilespmem:$0x10400] =	vst v10  }
0x149: {  	[tilespmem:$0x10480] =	vst v13  }
0x14a: {  	v4 =	vld [tilespmem:s22+$0x100]  }
0x14b: {  	v5 =	vld [tilespmem:s22+$0x500]  }
0x14c: {  	v6 =	vld [tilespmem:s22+$0x0]  }
0x14d: {  	v7 =	vld [tilespmem:s22+$0xFFFFF880]  }
0x14e: {  	v8 =	vld [tilespmem:s22+$0xFFFFF900]  }
0x14f: {  	v3 =	vld [tilespmem:s22+$0x780]  }
0x150: {  	v10 =	vld [tilespmem:s22+$0x380]  }
0x151: {  	v11 =	vld [tilespmem:s22+$0x700]  }
0x152: {  	v12 =	vld [tilespmem:s22+$0x300]  }
0x153: {  	v13 =	vld [tilespmem:s22+$0x680]  }
0x154: {  	v14 =	vld [tilespmem:s22+$0xFFFFF980]  }
0x155: {  	v15 =	vld [tilespmem:s22+$0x280]  }
0x156: {  	v16 =	vld [tilespmem:s22+$0x200]  }
0x157: {  	v17 =	vld [tilespmem:s22+$0x600]  }
0x158: {  	v18 =	vld [tilespmem:s22+$0xFFFFFF00]  }
0x159: {  	v19 =	vld [tilespmem:s22+$0x580]  }
0x15a: {  	v20 =	vld [tilespmem:s22+$0x480]  }
0x15b: {  	v21 =	vld [tilespmem:s22+$0xFFFFFF80]  }
0x15c: {  	v23 =	vld [tilespmem:s22+$0xFFFFF800]  }
0x15d: {  	v24 =	vld [tilespmem:s22+$0x80]  }
0x15e: {  	v25 =	vld [tilespmem:s22+$0x180]  }
0x15f: {  	v26 =	vld [tilespmem:s22+$0xFFFFFE80]  }
0x160: {  	v27 =	vld [tilespmem:s22+$0xFFFFFE00]  }
0x161: {  	v9 =	vimm.f32 $-Inf;
	v22 =	vld [tilespmem:s22+$0x400];
	v11 =	vmax.f32 v11, v3  }
0x162: {  	v10 =	vmax.f32 v12, v10;
	v3 =	vimm.s32 $0x0;
	v12 =	vmax.f32 v16, v15  }
0x163: {  	v16 =	vmax.f32 v17, v13;
	v15 =	vld [tilespmem:s22+$0xFFFFFD80];
	v8 =	vmax.f32 v8, v14;
	v14 =	vmax.f32 v18, v21  }
0x164: {  	v13 =	vld [tilespmem:s22+$0xFFFFFA00];
	v5 =	vmax.f32 v5, v19;
	v7 =	vmax.f32 v23, v7;
	v6 =	vmax.f32 v6, v24  }
0x165: {  	v17 =	vld [tilespmem:s22+$0xFFFFFC80];
	v4 =	vmax.f32 v4, v25;
	v21 =	vmax.f32 v27, v26;
	v10 =	vmax.f32 v12, v10  }
0x166: {  	v19 =	vld [tilespmem:s22+$0xFFFFFD00];
	v12 =	vmax.f32 v22, v20;
	v4 =	vmax.f32 v6, v4;
	v6 =	vmax.f32 v16, v11  }
0x167: {  	v22 =	vld [tilespmem:s22+$0xFFFFFC00];
	v20 =	vmax.f32 v7, v8;
	v11 =	vimm.f32 $-Inf;
	v8 =	vimm.f32 $-Inf  }
0x168: {  	v23 =	vld [tilespmem:s22+$0xFFFFFB80];
	v7 =	vimm.s32 $0x0;
	v5 =	vmax.f32 v12, v5;
	v16 =	vmax.f32 v4, v10  }
0x169: {  	v24 =	vld [tilespmem:s22+$0xFFFFFB00];
	v12 =	vimm.f32 $-Inf;
	v4 =	vimm.s32 $0x0;
	v10 =	vimm.f32 $-Inf  }
0x16a: {  	s23 =	simm.s32 $0x0;
	s24 =	simm.s32 $0x2;
	v25 =	vld [tilespmem:s22+$0xFFFFFA80];
	s22 =	sadd.s32 $0x1000, s22;
	v18 =	vmax.f32 v5, v6;
	v5 =	vimm.s32 $0x0;
	v6 =	vimm.s32 $0x0  }
.LBB2_15:
0x16b: {  	v26 =	vld [tilespmem:s22+$0x100];
	p1 =	slt.u32 s24, $0xE;
	s25 =	smov.u32 s24;
	s24 =	sadd.s32 $0x2, s24  }
0x16c: {  	v15 =	vmax.f32 v19, v15;
	v27 =	vld [tilespmem:s22+$0x500];
	v17 =	vmax.f32 v22, v17  }
0x16d: {  	v22 =	vld [tilespmem:s22+$0x0];
	v15 =	vmax.f32 v17, v15  }
0x16e: {  	v19 =	vld [tilespmem:s22+$0xFFFFF880];
	v17 =	vmax.f32 v24, v23  }
0x16f: {  	v23 =	vld [tilespmem:s22+$0xFFFFF900];
	v13 =	vmax.f32 v13, v25  }
0x170: {  	v14 =	vmax.f32 v21, v14;
	v24 =	vld [tilespmem:s22+$0x780];
	v13 =	vmax.f32 v13, v17  }
0x171: {  	v14 =	vmax.f32 v15, v14;
	v17 =	vld [tilespmem:s22+$0x380];
	v13 =	vmax.f32 v20, v13  }
0x172: {  	v15 =	vld [tilespmem:s22+$0x700];
	v13 =	vmax.f32 v13, v14;
	v14 =	vmax.f32 v16, v18  }
0x173: {  	v16 =	vld [tilespmem:s22+$0x300];
	vm1 =	vgt.f32 v13, v9;
	v18 =	vmax.f32 v9, v13;
	v9 =	vmin.f32 v9, v13  }
0x174: {  	v13 =	vld [tilespmem:s22+$0x680];
	v20 =	vnsel vm1, s23, v3;
	vm5 =	vgt.f32 v14, v18;
	v21 =	vmin.f32 v18, v14  }
0x175: {  	vm6 =	vgt.f32 v9, v11;
	v28 =	vmax.f32 v11, v9;
	v9 =	vmin.f32 v11, v9;
	v25 =	vld [tilespmem:s22+$0xFFFFF980]  }
0x176: {  	vm4 =	vgt.f32 v9, v8;
	v29 =	vmax.f32 v8, v9;
	vm3 =	vgt.f32 v21, v28;
	v11 =	vld [tilespmem:s22+$0x280]  }
0x177: {  	v8 =	vmin.f32 v8, v9;
	v31 =	vmin.f32 v28, v21;
	v30 =	vld [tilespmem:s22+$0x200];
	v24 =	vmax.f32 v15, v24  }
0x178: {  	vm0 =	vgt.f32 v8, v12;
	v9 =	vld [tilespmem:s22+$0x600];
	v15 =	vmax.f32 v16, v17;
	v16 =	vmax.f32 v12, v8  }
0x179: {  	v32 =	vsel vm1, s23, v3;
	v3 =	vmin.f32 v12, v8;
	vm1 =	vgt.f32 v31, v29;
	v17 =	vld [tilespmem:s22+$0xFFFFFF00]  }
0x17a: {  	s26 =	sadd.s32 $0x1, s23;
	s23 =	smov.u32 s25;
	vm2 =	vgt.f32 v3, v10;
	v33 =	vmax.f32 v10, v3;
	v8 =	vsel vm6, v20, v4;
	v12 =	vld [tilespmem:s22+$0x580]  }
0x17b: {  	v3 =	vsel vm5, s26, v32;
	v32 =	vnsel vm5, s26, v32;
	v20 =	vsel vm6, v4, v20;
	v10 =	vld [tilespmem:s22+$0x480]  }
0x17c: {  	v4 =	vsel vm3, v32, v8;
	v34 =	vld [tilespmem:s22+$0xFFFFFF80];
	v11 =	vmax.f32 v30, v11;
	v30 =	vsel vm4, v20, v5  }
0x17d: {  	v20 =	vsel vm4, v5, v20;
	v35 =	vld [tilespmem:s22+$0x400];
	v36 =	vmax.f32 v9, v13;
	v37 =	vmax.f32 v11, v15  }
0x17e: {  	v32 =	vsel vm3, v8, v32;
	v8 =	vmax.f32 v29, v31;
	v38 =	vsel vm0, v6, v20;
	v15 =	vld [tilespmem:s22+$0xFFFFFD80]  }
0x17f: {  	v9 =	vmax.f32 v18, v14;
	v11 =	vmax.f32 v28, v21;
	v5 =	vsel vm1, v32, v30;
	v13 =	vld [tilespmem:s22+$0xFFFFFA00]  }
0x180: {  	v28 =	vmax.f32 v23, v25;
	v18 =	vld [tilespmem:s22+$0xFFFFF800]  }
0x181: {  	v14 =	vmax.f32 v17, v34;
	v21 =	vld [tilespmem:s22+$0x80]  }
0x182: {  	v23 =	vld [tilespmem:s22+$0x180];
	v10 =	vmax.f32 v35, v10  }
0x183: {  	v7 =	vsel vm2, v38, v7;
	v12 =	vmax.f32 v27, v12;
	v34 =	vld [tilespmem:s22+$0xFFFFFE80]  }
0x184: {  	v6 =	vsel vm0, v20, v6;
	v20 =	vmin.f32 v29, v31;
	v25 =	vsel vm1, v30, v32;
	v27 =	vld [tilespmem:s22+$0xFFFFFE00]  }
0x185: {  	vm0 =	vgt.f32 v20, v16;
	v30 =	vmin.f32 v16, v20;
	v17 =	vld [tilespmem:s22+$0xFFFFFC80];
	v29 =	vmax.f32 v18, v19  }
.Ltmp6:
0x186: {  	v19 =	vld [tilespmem:s22+$0xFFFFFD00];
	v18 =	vmax.f32 v22, v21;
	v21 =	vmax.f32 v10, v12;
	v10 =	vmax.f32 v33, v30;
	(pc) =	sbr.rel @p1 .LBB2_15-.Ltmp6, $4  }
0x187: {  	v31 =	vsel vm0, v6, v25;
	v12 =	vmax.f32 v16, v20;
	v22 =	vld [tilespmem:s22+$0xFFFFFC00];
	v26 =	vmax.f32 v26, v23  }
0x188: {  	v6 =	vsel vm0, v25, v6;
	v23 =	vld [tilespmem:s22+$0xFFFFFB80];
	v16 =	vmax.f32 v18, v26;
	v18 =	vmax.f32 v36, v24  }
0x189: {  	vm0 =	vgt.f32 v30, v33;
	v24 =	vld [tilespmem:s22+$0xFFFFFB00];
	v16 =	vmax.f32 v16, v37;
	v18 =	vmax.f32 v21, v18  }
0x18a: {  	v7 =	vsel vm0, v31, v7;
	v20 =	vmax.f32 v29, v28;
	v21 =	vmax.f32 v27, v34;
	v25 =	vld [tilespmem:s22+$0xFFFFFA80];
	s22 =	sadd.s32 $0x1000, s22  }
0x18b: {  	_ =	sdelay $0x2  }
0x18c: {  	v15 =	vmax.f32 v19, v15  }
0x18d: {  	v17 =	vmax.f32 v22, v17;
	v62 =	vmax.f32 v24, v23;
	v13 =	vmax.f32 v13, v25  }
0x18e: {  	v14 =	vmax.f32 v21, v14;
	v15 =	vmax.f32 v17, v15;
	v13 =	vmax.f32 v13, v62  }
0x18f: {  	v14 =	vmax.f32 v15, v14;
	v13 =	vmax.f32 v20, v13  }
0x190: {  	v13 =	vmax.f32 v13, v14  }
0x191: {  	v14 =	vmax.f32 v16, v18;
	vm0 =	vgt.f32 v13, v9;
	v15 =	vmax.f32 v9, v13  }
0x192: {  	v9 =	vmin.f32 v9, v13;
	v13 =	vnsel vm0, s23, v3;
	vm1 =	vgt.f32 v14, v15  }
0x193: {  	v14 =	vmin.f32 v15, v14;
	v15 =	vmin.f32 v11, v9;
	vm2 =	vgt.f32 v9, v11  }
0x194: {  	v9 =	vmax.f32 v11, v9;
	vm3 =	vgt.f32 v15, v8;
	v11 =	vmax.f32 v8, v15  }
0x195: {  	vm4 =	vgt.f32 v14, v9;
	v8 =	vmin.f32 v8, v15;
	v14 =	vmin.f32 v9, v14  }
0x196: {  	v9 =	vsel vm0, s23, v3;
	vm5 =	vgt.f32 v8, v12;
	v15 =	vmax.f32 v12, v8  }
0x197: {  	s22 =	sadd.s32 $0x1, s23;
	v3 =	vmin.f32 v12, v8;
	v8 =	vsel vm2, v13, v4;
	v4 =	vsel vm2, v4, v13  }
0x198: {  	vm6 =	vgt.f32 v3, v10;
	v10 =	vmax.f32 v10, v3;
	v3 =	vsel vm1, s22, v9  }
0x199: {  	v9 =	vnsel vm1, s22, v9;
	v12 =	vsel vm3, v4, v5;
	v13 =	vsel vm3, v5, v4  }
0x19a: {  	v63 =	vsel vm4, v8, v9;
	v4 =	vsel vm4, v9, v8;
	v8 =	vsel vm5, v6, v13  }
0x19b: {  	v7 =	vsel vm6, v8, v7;
	v8 =	vmin.f32 v11, v14  }
0x19c: {  	vm13 =	vgt.f32 v14, v11;
	vm14 =	vgt.f32 v8, v15;
	v8 =	vmin.f32 v15, v8  }
0x19d: {  	v6 =	vsel vm5, v13, v6;
	v13 =	vsel vm13, v12, v63;
	vm15 =	vgt.f32 v8, v10;
	v10 =	vld [tilespmem:$0x10680]  }
0x19e: {  	v14 =	vsel vm14, v6, v13;
	v6 =	vsel vm14, v13, v6;
	v13 =	vld [tilespmem:$0x10700]  }
0x19f: {  	v9 =	vld [tilespmem:$0x10500]  }
0x1a0: {  	v11 =	vld [tilespmem:$0x10580];
	v8 =	vor.u32 $0x20, v1  }
0x1a1: {  	s23 =	simm.s32 $0x0;
	s22 =	simm.s32 $0x0;
	v5 =	vsel vm13, v63, v12;
	v12 =	vld [tilespmem:$0x10600];
	v7 =	vsel vm15, v14, v7;
	v8 =	vor.u32 v8, v2  }
.LBB2_17:
0x1a2: {  	p1 =	seq.s32 s23, $0x3  }
0x1a3: {  	p2 =	seq.s32 s23, $0x2;
	v14 =	vpsel p1, v6, v7  }
0x1a4: {  	p5 =	seq.s32 s23, $0x1;
	v14 =	vpsel p2, v5, v14  }
0x1a5: {  	p6 =	seq.s32 s23, $0x0;
	v15 =	vmov s22;
	v14 =	vpsel p5, v4, v14  }
0x1a6: {  	v15 =	vshll.u32 v15, $0x7;
	v14 =	vpsel p6, v3, v14  }
0x1a7: {  	v15 =	vbroadcast v15, $0x0;
	v14 =	vshll.u32 v14, $0xB  }
0x1a8: {  	v14 =	vadd.s32 v14, v8  }
0x1a9: {  	v15 =	vadd.s32 v15, v14  }
0x1aa: {  	s24 =	simm.s32 $0x1  }
0x1ab: {  	v16 =	vmov s24  }
0x1ac: {  	v16 =	vshll.u32 v16, $0x7  }
0x1ad: {  	v16 =	vbroadcast v16, $0x0  }
0x1ae: {  	v17 =	vld.idx.msk [tilespmem:v15+s3+$0x0], $0xffff  }
0x1af: {  	s31 =	simm.s32 $0x2;
	v15 =	vadd.s32 v16, v14  }
0x1b0: {  	v16 =	vmov s31  }
0x1b1: {  	v16 =	vshll.u32 v16, $0x7  }
0x1b2: {  	v20 =	vbroadcast v16, $0x0  }
0x1b3: {  	v19 =	vmin.f32 v9, v17  }
0x1b4: {  	v20 =	vadd.s32 v20, v14;
	v18 =	vld.idx.msk [tilespmem:v15+s3+$0x0], $0xffff;
	v16 =	vmin.f32 v11, v19  }
0x1b5: {  	s24 =	simm.s32 $0x3;
	v15 =	vmin.f32 v12, v16  }
.LBB2_18:
0x1b6: {  	v21 =	vmov s24;
	p1 =	sne.s32 s24, $0xF;
	s24 =	sadd.s32 $0x1, s24;
	v22 =	vmin.f32 v10, v15  }
.Ltmp7:
0x1b7: {  	v21 =	vshll.u32 v21, $0x7;
	v13 =	vmax.f32 v13, v22;
	(pc) =	sbr.rel @p1 .LBB2_18-.Ltmp7, $4  }
0x1b8: {  	v9 =	vmax.f32 v9, v17;
	v21 =	vbroadcast v21, $0x0  }
0x1b9: {  	v11 =	vmax.f32 v11, v19;
	v19 =	vmin.f32 v9, v18;
	v17 =	vmov v18;
	v18 =	vld.idx.msk [tilespmem:v20+s3+$0x0], $0xffff  }
0x1ba: {  	v12 =	vmax.f32 v12, v16;
	v16 =	vmin.f32 v11, v19;
	v20 =	vadd.s32 v21, v14  }
0x1bb: {  	v10 =	vmax.f32 v10, v15;
	v15 =	vmin.f32 v12, v16  }
0x1bc: {  	_ =	sdelay $0x3  }
0x1bd: {  	v14 =	vld.idx.msk [tilespmem:v20+s3+$0x0], $0xffff;
	_ =	sdelay $0x1  }
0x1be: {  	v62 =	vmin.f32 v10, v15;
	v9 =	vmax.f32 v9, v17;
	v11 =	vmax.f32 v11, v19  }
0x1bf: {  	v12 =	vmax.f32 v12, v16;
	v10 =	vmax.f32 v10, v15;
	s23 =	sadd.s32 $0x1, s23;
	v17 =	vmin.f32 v9, v18  }
0x1c0: {  	v13 =	vmax.f32 v13, v62;
	p1 =	sne.s32 s23, $0x5;
	v9 =	vmax.f32 v9, v18;
	v19 =	vmin.f32 v11, v17  }
.Ltmp8:
0x1c1: {  	v11 =	vmax.f32 v11, v17;
	v16 =	vmin.f32 v12, v19;
	v18 =	vmin.f32 v9, v14;
	(pc) =	sbr.rel @p1 .LBB2_17-.Ltmp8, $4  }
0x1c2: {  	v12 =	vmax.f32 v12, v19;
	v63 =	vmin.f32 v10, v16;
	v15 =	vmin.f32 v11, v18  }
0x1c3: {  	v10 =	vmax.f32 v10, v16;
	v9 =	vmax.f32 v9, v14;
	v19 =	vmin.f32 v12, v15  }
0x1c4: {  	v13 =	vmax.f32 v13, v63;
	v11 =	vmax.f32 v11, v18;
	v16 =	vmin.f32 v10, v19  }
0x1c5: {  	v12 =	vmax.f32 v12, v15;
	v10 =	vmax.f32 v10, v19;
	v13 =	vmax.f32 v13, v16  }
0x1c6: {  	[tilespmem:$0x10500] =	vst v9  }
0x1c7: {  	[tilespmem:$0x10580] =	vst v11  }
0x1c8: {  	[tilespmem:$0x10600] =	vst v12  }
0x1c9: {  	[tilespmem:$0x10680] =	vst v10  }
0x1ca: {  	[tilespmem:$0x10700] =	vst v13  }
0x1cb: {  	v4 =	vld [tilespmem:s21+$0x100]  }
0x1cc: {  	v5 =	vld [tilespmem:s21+$0x500]  }
0x1cd: {  	v6 =	vld [tilespmem:s21+$0x0]  }
0x1ce: {  	v7 =	vld [tilespmem:s21+$0xFFFFF880]  }
0x1cf: {  	v8 =	vld [tilespmem:s21+$0xFFFFF900]  }
0x1d0: {  	v3 =	vld [tilespmem:s21+$0x780]  }
0x1d1: {  	v10 =	vld [tilespmem:s21+$0x380]  }
0x1d2: {  	v11 =	vld [tilespmem:s21+$0x700]  }
0x1d3: {  	v12 =	vld [tilespmem:s21+$0x300]  }
0x1d4: {  	v13 =	vld [tilespmem:s21+$0x680]  }
0x1d5: {  	v14 =	vld [tilespmem:s21+$0xFFFFF980]  }
0x1d6: {  	v15 =	vld [tilespmem:s21+$0x280]  }
0x1d7: {  	v16 =	vld [tilespmem:s21+$0x200]  }
0x1d8: {  	v17 =	vld [tilespmem:s21+$0x600]  }
0x1d9: {  	v18 =	vld [tilespmem:s21+$0xFFFFFF00]  }
0x1da: {  	v19 =	vld [tilespmem:s21+$0x580]  }
0x1db: {  	v20 =	vld [tilespmem:s21+$0x480]  }
0x1dc: {  	v21 =	vld [tilespmem:s21+$0xFFFFFF80]  }
0x1dd: {  	v23 =	vld [tilespmem:s21+$0xFFFFF800]  }
0x1de: {  	v24 =	vld [tilespmem:s21+$0x80]  }
0x1df: {  	v25 =	vld [tilespmem:s21+$0x180]  }
0x1e0: {  	v26 =	vld [tilespmem:s21+$0xFFFFFE80]  }
0x1e1: {  	v27 =	vld [tilespmem:s21+$0xFFFFFE00]  }
0x1e2: {  	v9 =	vimm.f32 $-Inf;
	v22 =	vld [tilespmem:s21+$0x400];
	v11 =	vmax.f32 v11, v3  }
0x1e3: {  	v10 =	vmax.f32 v12, v10;
	v3 =	vimm.s32 $0x0;
	v12 =	vmax.f32 v16, v15  }
0x1e4: {  	v16 =	vmax.f32 v17, v13;
	v15 =	vld [tilespmem:s21+$0xFFFFFD80];
	v8 =	vmax.f32 v8, v14;
	v14 =	vmax.f32 v18, v21  }
0x1e5: {  	v13 =	vld [tilespmem:s21+$0xFFFFFA00];
	v5 =	vmax.f32 v5, v19;
	v7 =	vmax.f32 v23, v7;
	v6 =	vmax.f32 v6, v24  }
0x1e6: {  	v17 =	vld [tilespmem:s21+$0xFFFFFC80];
	v4 =	vmax.f32 v4, v25;
	v21 =	vmax.f32 v27, v26;
	v10 =	vmax.f32 v12, v10  }
0x1e7: {  	v19 =	vld [tilespmem:s21+$0xFFFFFD00];
	v12 =	vmax.f32 v22, v20;
	v4 =	vmax.f32 v6, v4;
	v6 =	vmax.f32 v16, v11  }
0x1e8: {  	v22 =	vld [tilespmem:s21+$0xFFFFFC00];
	v20 =	vmax.f32 v7, v8;
	v11 =	vimm.f32 $-Inf;
	v8 =	vimm.f32 $-Inf  }
0x1e9: {  	v23 =	vld [tilespmem:s21+$0xFFFFFB80];
	v7 =	vimm.s32 $0x0;
	v5 =	vmax.f32 v12, v5;
	v16 =	vmax.f32 v4, v10  }
0x1ea: {  	v24 =	vld [tilespmem:s21+$0xFFFFFB00];
	v12 =	vimm.f32 $-Inf;
	v4 =	vimm.s32 $0x0;
	v10 =	vimm.f32 $-Inf  }
0x1eb: {  	s22 =	simm.s32 $0x0;
	s23 =	simm.s32 $0x2;
	v25 =	vld [tilespmem:s21+$0xFFFFFA80];
	s21 =	sadd.s32 $0x1000, s21;
	v18 =	vmax.f32 v5, v6;
	v5 =	vimm.s32 $0x0;
	v6 =	vimm.s32 $0x0  }
.LBB2_21:
0x1ec: {  	v26 =	vld [tilespmem:s21+$0x100];
	p1 =	slt.u32 s23, $0xE;
	s24 =	smov.u32 s23;
	s23 =	sadd.s32 $0x2, s23  }
0x1ed: {  	v15 =	vmax.f32 v19, v15;
	v27 =	vld [tilespmem:s21+$0x500];
	v17 =	vmax.f32 v22, v17  }
0x1ee: {  	v22 =	vld [tilespmem:s21+$0x0];
	v15 =	vmax.f32 v17, v15  }
0x1ef: {  	v19 =	vld [tilespmem:s21+$0xFFFFF880];
	v17 =	vmax.f32 v24, v23  }
0x1f0: {  	v23 =	vld [tilespmem:s21+$0xFFFFF900];
	v13 =	vmax.f32 v13, v25  }
0x1f1: {  	v14 =	vmax.f32 v21, v14;
	v24 =	vld [tilespmem:s21+$0x780];
	v13 =	vmax.f32 v13, v17  }
0x1f2: {  	v14 =	vmax.f32 v15, v14;
	v17 =	vld [tilespmem:s21+$0x380];
	v13 =	vmax.f32 v20, v13  }
0x1f3: {  	v15 =	vld [tilespmem:s21+$0x700];
	v13 =	vmax.f32 v13, v14;
	v14 =	vmax.f32 v16, v18  }
0x1f4: {  	v16 =	vld [tilespmem:s21+$0x300];
	vm1 =	vgt.f32 v13, v9;
	v18 =	vmax.f32 v9, v13;
	v9 =	vmin.f32 v9, v13  }
0x1f5: {  	v13 =	vld [tilespmem:s21+$0x680];
	v20 =	vnsel vm1, s22, v3;
	vm5 =	vgt.f32 v14, v18;
	v21 =	vmin.f32 v18, v14  }
0x1f6: {  	vm6 =	vgt.f32 v9, v11;
	v28 =	vmax.f32 v11, v9;
	v9 =	vmin.f32 v11, v9;
	v25 =	vld [tilespmem:s21+$0xFFFFF980]  }
0x1f7: {  	vm4 =	vgt.f32 v9, v8;
	v29 =	vmax.f32 v8, v9;
	vm3 =	vgt.f32 v21, v28;
	v11 =	vld [tilespmem:s21+$0x280]  }
0x1f8: {  	v8 =	vmin.f32 v8, v9;
	v31 =	vmin.f32 v28, v21;
	v30 =	vld [tilespmem:s21+$0x200];
	v24 =	vmax.f32 v15, v24  }
0x1f9: {  	vm0 =	vgt.f32 v8, v12;
	v9 =	vld [tilespmem:s21+$0x600];
	v15 =	vmax.f32 v16, v17;
	v16 =	vmax.f32 v12, v8  }
0x1fa: {  	v32 =	vsel vm1, s22, v3;
	v3 =	vmin.f32 v12, v8;
	vm1 =	vgt.f32 v31, v29;
	v17 =	vld [tilespmem:s21+$0xFFFFFF00]  }
0x1fb: {  	s25 =	sadd.s32 $0x1, s22;
	s22 =	smov.u32 s24;
	vm2 =	vgt.f32 v3, v10;
	v33 =	vmax.f32 v10, v3;
	v8 =	vsel vm6, v20, v4;
	v12 =	vld [tilespmem:s21+$0x580]  }
0x1fc: {  	v3 =	vsel vm5, s25, v32;
	v32 =	vnsel vm5, s25, v32;
	v20 =	vsel vm6, v4, v20;
	v10 =	vld [tilespmem:s21+$0x480]  }
0x1fd: {  	v4 =	vsel vm3, v32, v8;
	v34 =	vld [tilespmem:s21+$0xFFFFFF80];
	v11 =	vmax.f32 v30, v11;
	v30 =	vsel vm4, v20, v5  }
0x1fe: {  	v20 =	vsel vm4, v5, v20;
	v35 =	vld [tilespmem:s21+$0x400];
	v36 =	vmax.f32 v9, v13;
	v37 =	vmax.f32 v11, v15  }
0x1ff: {  	v32 =	vsel vm3, v8, v32;
	v8 =	vmax.f32 v29, v31;
	v38 =	vsel vm0, v6, v20;
	v15 =	vld [tilespmem:s21+$0xFFFFFD80]  }
0x200: {  	v9 =	vmax.f32 v18, v14;
	v11 =	vmax.f32 v28, v21;
	v5 =	vsel vm1, v32, v30;
	v13 =	vld [tilespmem:s21+$0xFFFFFA00]  }
0x201: {  	v28 =	vmax.f32 v23, v25;
	v18 =	vld [tilespmem:s21+$0xFFFFF800]  }
0x202: {  	v14 =	vmax.f32 v17, v34;
	v21 =	vld [tilespmem:s21+$0x80]  }
0x203: {  	v23 =	vld [tilespmem:s21+$0x180];
	v10 =	vmax.f32 v35, v10  }
0x204: {  	v7 =	vsel vm2, v38, v7;
	v12 =	vmax.f32 v27, v12;
	v34 =	vld [tilespmem:s21+$0xFFFFFE80]  }
0x205: {  	v6 =	vsel vm0, v20, v6;
	v20 =	vmin.f32 v29, v31;
	v25 =	vsel vm1, v30, v32;
	v27 =	vld [tilespmem:s21+$0xFFFFFE00]  }
0x206: {  	vm0 =	vgt.f32 v20, v16;
	v30 =	vmin.f32 v16, v20;
	v17 =	vld [tilespmem:s21+$0xFFFFFC80];
	v29 =	vmax.f32 v18, v19  }
.Ltmp9:
0x207: {  	v19 =	vld [tilespmem:s21+$0xFFFFFD00];
	v18 =	vmax.f32 v22, v21;
	v21 =	vmax.f32 v10, v12;
	v10 =	vmax.f32 v33, v30;
	(pc) =	sbr.rel @p1 .LBB2_21-.Ltmp9, $4  }
0x208: {  	v31 =	vsel vm0, v6, v25;
	v12 =	vmax.f32 v16, v20;
	v22 =	vld [tilespmem:s21+$0xFFFFFC00];
	v26 =	vmax.f32 v26, v23  }
0x209: {  	v6 =	vsel vm0, v25, v6;
	v23 =	vld [tilespmem:s21+$0xFFFFFB80];
	v16 =	vmax.f32 v18, v26;
	v18 =	vmax.f32 v36, v24  }
0x20a: {  	vm0 =	vgt.f32 v30, v33;
	v24 =	vld [tilespmem:s21+$0xFFFFFB00];
	v16 =	vmax.f32 v16, v37;
	v18 =	vmax.f32 v21, v18  }
0x20b: {  	v7 =	vsel vm0, v31, v7;
	v20 =	vmax.f32 v29, v28;
	v21 =	vmax.f32 v27, v34;
	v25 =	vld [tilespmem:s21+$0xFFFFFA80];
	s21 =	sadd.s32 $0x1000, s21  }
0x20c: {  	_ =	sdelay $0x2  }
0x20d: {  	v15 =	vmax.f32 v19, v15  }
0x20e: {  	v17 =	vmax.f32 v22, v17;
	v62 =	vmax.f32 v24, v23;
	v13 =	vmax.f32 v13, v25  }
0x20f: {  	v14 =	vmax.f32 v21, v14;
	v15 =	vmax.f32 v17, v15;
	v13 =	vmax.f32 v13, v62  }
0x210: {  	v14 =	vmax.f32 v15, v14;
	v13 =	vmax.f32 v20, v13  }
0x211: {  	v13 =	vmax.f32 v13, v14  }
0x212: {  	v14 =	vmax.f32 v16, v18;
	vm0 =	vgt.f32 v13, v9;
	v15 =	vmax.f32 v9, v13  }
0x213: {  	v9 =	vmin.f32 v9, v13;
	v13 =	vnsel vm0, s22, v3;
	vm1 =	vgt.f32 v14, v15  }
0x214: {  	v14 =	vmin.f32 v15, v14;
	v15 =	vmin.f32 v11, v9;
	vm2 =	vgt.f32 v9, v11  }
0x215: {  	v9 =	vmax.f32 v11, v9;
	vm3 =	vgt.f32 v15, v8;
	v11 =	vmax.f32 v8, v15  }
0x216: {  	vm4 =	vgt.f32 v14, v9;
	v8 =	vmin.f32 v8, v15;
	v14 =	vmin.f32 v9, v14  }
0x217: {  	v9 =	vsel vm0, s22, v3;
	vm5 =	vgt.f32 v8, v12;
	v15 =	vmax.f32 v12, v8  }
0x218: {  	s21 =	sadd.s32 $0x1, s22;
	v3 =	vmin.f32 v12, v8;
	v8 =	vsel vm2, v13, v4;
	v4 =	vsel vm2, v4, v13  }
0x219: {  	vm6 =	vgt.f32 v3, v10;
	v10 =	vmax.f32 v10, v3;
	v3 =	vsel vm1, s21, v9  }
0x21a: {  	v9 =	vnsel vm1, s21, v9;
	v12 =	vsel vm3, v4, v5;
	v13 =	vsel vm3, v5, v4  }
0x21b: {  	v63 =	vsel vm4, v8, v9;
	v4 =	vsel vm4, v9, v8;
	v8 =	vsel vm5, v6, v13  }
0x21c: {  	v7 =	vsel vm6, v8, v7;
	v8 =	vmin.f32 v11, v14  }
0x21d: {  	vm13 =	vgt.f32 v14, v11;
	vm14 =	vgt.f32 v8, v15;
	v8 =	vmin.f32 v15, v8  }
0x21e: {  	v6 =	vsel vm5, v13, v6;
	v13 =	vsel vm13, v12, v63;
	vm15 =	vgt.f32 v8, v10;
	v10 =	vld [tilespmem:$0x10900]  }
0x21f: {  	v14 =	vsel vm14, v6, v13;
	v6 =	vsel vm14, v13, v6;
	v13 =	vld [tilespmem:$0x10980]  }
0x220: {  	v9 =	vld [tilespmem:$0x10780]  }
0x221: {  	v11 =	vld [tilespmem:$0x10800];
	v8 =	vor.u32 $0x30, v1  }
0x222: {  	s22 =	simm.s32 $0x0;
	s21 =	simm.s32 $0x0;
	v5 =	vsel vm13, v63, v12;
	v12 =	vld [tilespmem:$0x10880];
	v7 =	vsel vm15, v14, v7;
	v8 =	vor.u32 v8, v2  }
.LBB2_23:
0x223: {  	p1 =	seq.s32 s22, $0x3  }
0x224: {  	p2 =	seq.s32 s22, $0x2;
	v14 =	vpsel p1, v6, v7  }
0x225: {  	p5 =	seq.s32 s22, $0x1;
	v14 =	vpsel p2, v5, v14  }
0x226: {  	p6 =	seq.s32 s22, $0x0;
	v15 =	vmov s21;
	v14 =	vpsel p5, v4, v14  }
0x227: {  	v15 =	vshll.u32 v15, $0x7;
	v14 =	vpsel p6, v3, v14  }
0x228: {  	v15 =	vbroadcast v15, $0x0;
	v14 =	vshll.u32 v14, $0xB  }
0x229: {  	v14 =	vadd.s32 v14, v8  }
0x22a: {  	v15 =	vadd.s32 v15, v14  }
0x22b: {  	s23 =	simm.s32 $0x1  }
0x22c: {  	v16 =	vmov s23  }
0x22d: {  	v16 =	vshll.u32 v16, $0x7  }
0x22e: {  	v16 =	vbroadcast v16, $0x0  }
0x22f: {  	v17 =	vld.idx.msk [tilespmem:v15+s3+$0x0], $0xffff  }
0x230: {  	s31 =	simm.s32 $0x2;
	v15 =	vadd.s32 v16, v14  }
0x231: {  	v16 =	vmov s31  }
0x232: {  	v16 =	vshll.u32 v16, $0x7  }
0x233: {  	v20 =	vbroadcast v16, $0x0  }
0x234: {  	v19 =	vmin.f32 v9, v17  }
0x235: {  	v20 =	vadd.s32 v20, v14;
	v18 =	vld.idx.msk [tilespmem:v15+s3+$0x0], $0xffff;
	v16 =	vmin.f32 v11, v19  }
0x236: {  	s23 =	simm.s32 $0x3;
	v15 =	vmin.f32 v12, v16  }
.LBB2_24:
0x237: {  	v21 =	vmov s23;
	p1 =	sne.s32 s23, $0xF;
	s23 =	sadd.s32 $0x1, s23;
	v22 =	vmin.f32 v10, v15  }
.Ltmp10:
0x238: {  	v21 =	vshll.u32 v21, $0x7;
	v13 =	vmax.f32 v13, v22;
	(pc) =	sbr.rel @p1 .LBB2_24-.Ltmp10, $4  }
0x239: {  	v9 =	vmax.f32 v9, v17;
	v21 =	vbroadcast v21, $0x0  }
0x23a: {  	v11 =	vmax.f32 v11, v19;
	v19 =	vmin.f32 v9, v18;
	v17 =	vmov v18;
	v18 =	vld.idx.msk [tilespmem:v20+s3+$0x0], $0xffff  }
0x23b: {  	v12 =	vmax.f32 v12, v16;
	v16 =	vmin.f32 v11, v19;
	v20 =	vadd.s32 v21, v14  }
0x23c: {  	v10 =	vmax.f32 v10, v15;
	v15 =	vmin.f32 v12, v16  }
0x23d: {  	_ =	sdelay $0x3  }
0x23e: {  	v14 =	vld.idx.msk [tilespmem:v20+s3+$0x0], $0xffff;
	_ =	sdelay $0x1  }
0x23f: {  	v62 =	vmin.f32 v10, v15;
	v9 =	vmax.f32 v9, v17;
	v11 =	vmax.f32 v11, v19  }
0x240: {  	v12 =	vmax.f32 v12, v16;
	v10 =	vmax.f32 v10, v15;
	s22 =	sadd.s32 $0x1, s22;
	v17 =	vmin.f32 v9, v18  }
0x241: {  	v13 =	vmax.f32 v13, v62;
	p1 =	sne.s32 s22, $0x5;
	v9 =	vmax.f32 v9, v18;
	v19 =	vmin.f32 v11, v17  }
.Ltmp11:
0x242: {  	v11 =	vmax.f32 v11, v17;
	v16 =	vmin.f32 v12, v19;
	v18 =	vmin.f32 v9, v14;
	(pc) =	sbr.rel @p1 .LBB2_23-.Ltmp11, $4  }
0x243: {  	v12 =	vmax.f32 v12, v19;
	v63 =	vmin.f32 v10, v16;
	v15 =	vmin.f32 v11, v18  }
0x244: {  	v10 =	vmax.f32 v10, v16;
	v9 =	vmax.f32 v9, v14;
	v19 =	vmin.f32 v12, v15  }
0x245: {  	v13 =	vmax.f32 v13, v63;
	v11 =	vmax.f32 v11, v18;
	v16 =	vmin.f32 v10, v19  }
0x246: {  	v12 =	vmax.f32 v12, v15;
	v10 =	vmax.f32 v10, v19;
	v13 =	vmax.f32 v13, v16  }
0x247: {  	[tilespmem:$0x10780] =	vst v9  }
0x248: {  	[tilespmem:$0x10800] =	vst v11  }
0x249: {  	[tilespmem:$0x10880] =	vst v12  }
0x24a: {  	[tilespmem:$0x10900] =	vst v10  }
0x24b: {  	[tilespmem:$0x10980] =	vst v13  }
0x24c: {  	v4 =	vld [tilespmem:s20+$0x100]  }
0x24d: {  	v5 =	vld [tilespmem:s20+$0x500]  }
0x24e: {  	v6 =	vld [tilespmem:s20+$0x0]  }
0x24f: {  	v7 =	vld [tilespmem:s20+$0xFFFFF880]  }
0x250: {  	v8 =	vld [tilespmem:s20+$0xFFFFF900]  }
0x251: {  	v3 =	vld [tilespmem:s20+$0x780]  }
0x252: {  	v10 =	vld [tilespmem:s20+$0x380]  }
0x253: {  	v11 =	vld [tilespmem:s20+$0x700]  }
0x254: {  	v12 =	vld [tilespmem:s20+$0x300]  }
0x255: {  	v13 =	vld [tilespmem:s20+$0x680]  }
0x256: {  	v14 =	vld [tilespmem:s20+$0xFFFFF980]  }
0x257: {  	v15 =	vld [tilespmem:s20+$0x280]  }
0x258: {  	v16 =	vld [tilespmem:s20+$0x200]  }
0x259: {  	v17 =	vld [tilespmem:s20+$0x600]  }
0x25a: {  	v18 =	vld [tilespmem:s20+$0xFFFFFF00]  }
0x25b: {  	v19 =	vld [tilespmem:s20+$0x580]  }
0x25c: {  	v20 =	vld [tilespmem:s20+$0x480]  }
0x25d: {  	v21 =	vld [tilespmem:s20+$0xFFFFFF80]  }
0x25e: {  	v23 =	vld [tilespmem:s20+$0xFFFFF800]  }
0x25f: {  	v24 =	vld [tilespmem:s20+$0x80]  }
0x260: {  	v25 =	vld [tilespmem:s20+$0x180]  }
0x261: {  	v26 =	vld [tilespmem:s20+$0xFFFFFE80]  }
0x262: {  	v27 =	vld [tilespmem:s20+$0xFFFFFE00]  }
0x263: {  	v9 =	vimm.f32 $-Inf;
	v22 =	vld [tilespmem:s20+$0x400];
	v11 =	vmax.f32 v11, v3  }
0x264: {  	v10 =	vmax.f32 v12, v10;
	v3 =	vimm.s32 $0x0;
	v12 =	vmax.f32 v16, v15  }
0x265: {  	v16 =	vmax.f32 v17, v13;
	v15 =	vld [tilespmem:s20+$0xFFFFFD80];
	v8 =	vmax.f32 v8, v14;
	v14 =	vmax.f32 v18, v21  }
0x266: {  	v13 =	vld [tilespmem:s20+$0xFFFFFA00];
	v5 =	vmax.f32 v5, v19;
	v7 =	vmax.f32 v23, v7;
	v6 =	vmax.f32 v6, v24  }
0x267: {  	v17 =	vld [tilespmem:s20+$0xFFFFFC80];
	v4 =	vmax.f32 v4, v25;
	v21 =	vmax.f32 v27, v26;
	v10 =	vmax.f32 v12, v10  }
0x268: {  	v19 =	vld [tilespmem:s20+$0xFFFFFD00];
	v12 =	vmax.f32 v22, v20;
	v4 =	vmax.f32 v6, v4;
	v6 =	vmax.f32 v16, v11  }
0x269: {  	v22 =	vld [tilespmem:s20+$0xFFFFFC00];
	v20 =	vmax.f32 v7, v8;
	v11 =	vimm.f32 $-Inf;
	v8 =	vimm.f32 $-Inf  }
0x26a: {  	v23 =	vld [tilespmem:s20+$0xFFFFFB80];
	v7 =	vimm.s32 $0x0;
	v5 =	vmax.f32 v12, v5;
	v16 =	vmax.f32 v4, v10  }
0x26b: {  	v24 =	vld [tilespmem:s20+$0xFFFFFB00];
	v12 =	vimm.f32 $-Inf;
	v4 =	vimm.s32 $0x0;
	v10 =	vimm.f32 $-Inf  }
0x26c: {  	s21 =	simm.s32 $0x0;
	s22 =	simm.s32 $0x2;
	v25 =	vld [tilespmem:s20+$0xFFFFFA80];
	s20 =	sadd.s32 $0x1000, s20;
	v18 =	vmax.f32 v5, v6;
	v5 =	vimm.s32 $0x0;
	v6 =	vimm.s32 $0x0  }
.LBB2_27:
0x26d: {  	v26 =	vld [tilespmem:s20+$0x100];
	p1 =	slt.u32 s22, $0xE;
	s23 =	smov.u32 s22;
	s22 =	sadd.s32 $0x2, s22  }
0x26e: {  	v15 =	vmax.f32 v19, v15;
	v27 =	vld [tilespmem:s20+$0x500];
	v17 =	vmax.f32 v22, v17  }
0x26f: {  	v22 =	vld [tilespmem:s20+$0x0];
	v15 =	vmax.f32 v17, v15  }
0x270: {  	v19 =	vld [tilespmem:s20+$0xFFFFF880];
	v17 =	vmax.f32 v24, v23  }
0x271: {  	v23 =	vld [tilespmem:s20+$0xFFFFF900];
	v13 =	vmax.f32 v13, v25  }
0x272: {  	v14 =	vmax.f32 v21, v14;
	v24 =	vld [tilespmem:s20+$0x780];
	v13 =	vmax.f32 v13, v17  }
0x273: {  	v14 =	vmax.f32 v15, v14;
	v17 =	vld [tilespmem:s20+$0x380];
	v13 =	vmax.f32 v20, v13  }
0x274: {  	v15 =	vld [tilespmem:s20+$0x700];
	v13 =	vmax.f32 v13, v14;
	v14 =	vmax.f32 v16, v18  }
0x275: {  	v16 =	vld [tilespmem:s20+$0x300];
	vm1 =	vgt.f32 v13, v9;
	v18 =	vmax.f32 v9, v13;
	v9 =	vmin.f32 v9, v13  }
0x276: {  	v13 =	vld [tilespmem:s20+$0x680];
	v20 =	vnsel vm1, s21, v3;
	vm5 =	vgt.f32 v14, v18;
	v21 =	vmin.f32 v18, v14  }
0x277: {  	vm6 =	vgt.f32 v9, v11;
	v28 =	vmax.f32 v11, v9;
	v9 =	vmin.f32 v11, v9;
	v25 =	vld [tilespmem:s20+$0xFFFFF980]  }
0x278: {  	vm4 =	vgt.f32 v9, v8;
	v29 =	vmax.f32 v8, v9;
	vm3 =	vgt.f32 v21, v28;
	v11 =	vld [tilespmem:s20+$0x280]  }
0x279: {  	v8 =	vmin.f32 v8, v9;
	v31 =	vmin.f32 v28, v21;
	v30 =	vld [tilespmem:s20+$0x200];
	v24 =	vmax.f32 v15, v24  }
0x27a: {  	vm0 =	vgt.f32 v8, v12;
	v9 =	vld [tilespmem:s20+$0x600];
	v15 =	vmax.f32 v16, v17;
	v16 =	vmax.f32 v12, v8  }
0x27b: {  	v32 =	vsel vm1, s21, v3;
	v3 =	vmin.f32 v12, v8;
	vm1 =	vgt.f32 v31, v29;
	v17 =	vld [tilespmem:s20+$0xFFFFFF00]  }
0x27c: {  	s24 =	sadd.s32 $0x1, s21;
	s21 =	smov.u32 s23;
	vm2 =	vgt.f32 v3, v10;
	v33 =	vmax.f32 v10, v3;
	v8 =	vsel vm6, v20, v4;
	v12 =	vld [tilespmem:s20+$0x580]  }
0x27d: {  	v3 =	vsel vm5, s24, v32;
	v32 =	vnsel vm5, s24, v32;
	v20 =	vsel vm6, v4, v20;
	v10 =	vld [tilespmem:s20+$0x480]  }
0x27e: {  	v4 =	vsel vm3, v32, v8;
	v34 =	vld [tilespmem:s20+$0xFFFFFF80];
	v11 =	vmax.f32 v30, v11;
	v30 =	vsel vm4, v20, v5  }
0x27f: {  	v20 =	vsel vm4, v5, v20;
	v35 =	vld [tilespmem:s20+$0x400];
	v36 =	vmax.f32 v9, v13;
	v37 =	vmax.f32 v11, v15  }
0x280: {  	v32 =	vsel vm3, v8, v32;
	v8 =	vmax.f32 v29, v31;
	v38 =	vsel vm0, v6, v20;
	v15 =	vld [tilespmem:s20+$0xFFFFFD80]  }
0x281: {  	v9 =	vmax.f32 v18, v14;
	v11 =	vmax.f32 v28, v21;
	v5 =	vsel vm1, v32, v30;
	v13 =	vld [tilespmem:s20+$0xFFFFFA00]  }
0x282: {  	v28 =	vmax.f32 v23, v25;
	v18 =	vld [tilespmem:s20+$0xFFFFF800]  }
0x283: {  	v14 =	vmax.f32 v17, v34;
	v21 =	vld [tilespmem:s20+$0x80]  }
0x284: {  	v23 =	vld [tilespmem:s20+$0x180];
	v10 =	vmax.f32 v35, v10  }
0x285: {  	v7 =	vsel vm2, v38, v7;
	v12 =	vmax.f32 v27, v12;
	v34 =	vld [tilespmem:s20+$0xFFFFFE80]  }
0x286: {  	v6 =	vsel vm0, v20, v6;
	v20 =	vmin.f32 v29, v31;
	v25 =	vsel vm1, v30, v32;
	v27 =	vld [tilespmem:s20+$0xFFFFFE00]  }
0x287: {  	vm0 =	vgt.f32 v20, v16;
	v30 =	vmin.f32 v16, v20;
	v17 =	vld [tilespmem:s20+$0xFFFFFC80];
	v29 =	vmax.f32 v18, v19  }
.Ltmp12:
0x288: {  	v19 =	vld [tilespmem:s20+$0xFFFFFD00];
	v18 =	vmax.f32 v22, v21;
	v21 =	vmax.f32 v10, v12;
	v10 =	vmax.f32 v33, v30;
	(pc) =	sbr.rel @p1 .LBB2_27-.Ltmp12, $4  }
0x289: {  	v31 =	vsel vm0, v6, v25;
	v12 =	vmax.f32 v16, v20;
	v22 =	vld [tilespmem:s20+$0xFFFFFC00];
	v26 =	vmax.f32 v26, v23  }
0x28a: {  	v6 =	vsel vm0, v25, v6;
	v23 =	vld [tilespmem:s20+$0xFFFFFB80];
	v16 =	vmax.f32 v18, v26;
	v18 =	vmax.f32 v36, v24  }
0x28b: {  	vm0 =	vgt.f32 v30, v33;
	v24 =	vld [tilespmem:s20+$0xFFFFFB00];
	v16 =	vmax.f32 v16, v37;
	v18 =	vmax.f32 v21, v18  }
0x28c: {  	v7 =	vsel vm0, v31, v7;
	v20 =	vmax.f32 v29, v28;
	v21 =	vmax.f32 v27, v34;
	v25 =	vld [tilespmem:s20+$0xFFFFFA80];
	s20 =	sadd.s32 $0x1000, s20  }
0x28d: {  	_ =	sdelay $0x2  }
0x28e: {  	v15 =	vmax.f32 v19, v15  }
0x28f: {  	v17 =	vmax.f32 v22, v17;
	v62 =	vmax.f32 v24, v23;
	v13 =	vmax.f32 v13, v25  }
0x290: {  	v14 =	vmax.f32 v21, v14;
	v15 =	vmax.f32 v17, v15;
	v13 =	vmax.f32 v13, v62  }
0x291: {  	v14 =	vmax.f32 v15, v14;
	v13 =	vmax.f32 v20, v13  }
0x292: {  	v13 =	vmax.f32 v13, v14  }
0x293: {  	v14 =	vmax.f32 v16, v18;
	vm0 =	vgt.f32 v13, v9;
	v15 =	vmax.f32 v9, v13  }
0x294: {  	v9 =	vmin.f32 v9, v13;
	v13 =	vnsel vm0, s21, v3;
	vm1 =	vgt.f32 v14, v15  }
0x295: {  	v14 =	vmin.f32 v15, v14;
	v15 =	vmin.f32 v11, v9;
	vm2 =	vgt.f32 v9, v11  }
0x296: {  	v9 =	vmax.f32 v11, v9;
	vm3 =	vgt.f32 v15, v8;
	v11 =	vmax.f32 v8, v15  }
0x297: {  	vm4 =	vgt.f32 v14, v9;
	v8 =	vmin.f32 v8, v15;
	v14 =	vmin.f32 v9, v14  }
0x298: {  	v9 =	vsel vm0, s21, v3;
	vm5 =	vgt.f32 v8, v12;
	v15 =	vmax.f32 v12, v8  }
0x299: {  	s20 =	sadd.s32 $0x1, s21;
	v3 =	vmin.f32 v12, v8;
	v8 =	vsel vm2, v13, v4;
	v4 =	vsel vm2, v4, v13  }
0x29a: {  	vm6 =	vgt.f32 v3, v10;
	v10 =	vmax.f32 v10, v3;
	v3 =	vsel vm1, s20, v9  }
0x29b: {  	v9 =	vnsel vm1, s20, v9;
	v12 =	vsel vm3, v4, v5;
	v13 =	vsel vm3, v5, v4  }
0x29c: {  	v63 =	vsel vm4, v8, v9;
	v4 =	vsel vm4, v9, v8;
	v8 =	vsel vm5, v6, v13  }
0x29d: {  	v7 =	vsel vm6, v8, v7;
	v8 =	vmin.f32 v11, v14  }
0x29e: {  	vm13 =	vgt.f32 v14, v11;
	vm14 =	vgt.f32 v8, v15;
	v8 =	vmin.f32 v15, v8  }
0x29f: {  	v6 =	vsel vm5, v13, v6;
	v13 =	vsel vm13, v12, v63;
	vm15 =	vgt.f32 v8, v10;
	v10 =	vld [tilespmem:$0x10B80]  }
0x2a0: {  	v14 =	vsel vm14, v6, v13;
	v6 =	vsel vm14, v13, v6;
	v13 =	vld [tilespmem:$0x10C00]  }
0x2a1: {  	v9 =	vld [tilespmem:$0x10A00]  }
0x2a2: {  	v11 =	vld [tilespmem:$0x10A80];
	v8 =	vor.u32 $0x40, v1  }
0x2a3: {  	s21 =	simm.s32 $0x0;
	s20 =	simm.s32 $0x0;
	v5 =	vsel vm13, v63, v12;
	v12 =	vld [tilespmem:$0x10B00];
	v7 =	vsel vm15, v14, v7;
	v8 =	vor.u32 v8, v2  }
.LBB2_29:
0x2a4: {  	p1 =	seq.s32 s21, $0x3  }
0x2a5: {  	p2 =	seq.s32 s21, $0x2;
	v14 =	vpsel p1, v6, v7  }
0x2a6: {  	p5 =	seq.s32 s21, $0x1;
	v14 =	vpsel p2, v5, v14  }
0x2a7: {  	p6 =	seq.s32 s21, $0x0;
	v15 =	vmov s20;
	v14 =	vpsel p5, v4, v14  }
0x2a8: {  	v15 =	vshll.u32 v15, $0x7;
	v14 =	vpsel p6, v3, v14  }
0x2a9: {  	v15 =	vbroadcast v15, $0x0;
	v14 =	vshll.u32 v14, $0xB  }
0x2aa: {  	v14 =	vadd.s32 v14, v8  }
0x2ab: {  	v15 =	vadd.s32 v15, v14  }
0x2ac: {  	s22 =	simm.s32 $0x1  }
0x2ad: {  	v16 =	vmov s22  }
0x2ae: {  	v16 =	vshll.u32 v16, $0x7  }
0x2af: {  	v16 =	vbroadcast v16, $0x0  }
0x2b0: {  	v17 =	vld.idx.msk [tilespmem:v15+s3+$0x0], $0xffff  }
0x2b1: {  	s31 =	simm.s32 $0x2;
	v15 =	vadd.s32 v16, v14  }
0x2b2: {  	v16 =	vmov s31  }
0x2b3: {  	v16 =	vshll.u32 v16, $0x7  }
0x2b4: {  	v20 =	vbroadcast v16, $0x0  }
0x2b5: {  	v19 =	vmin.f32 v9, v17  }
0x2b6: {  	v20 =	vadd.s32 v20, v14;
	v18 =	vld.idx.msk [tilespmem:v15+s3+$0x0], $0xffff;
	v16 =	vmin.f32 v11, v19  }
0x2b7: {  	s22 =	simm.s32 $0x3;
	v15 =	vmin.f32 v12, v16  }
.LBB2_30:
0x2b8: {  	v21 =	vmov s22;
	p1 =	sne.s32 s22, $0xF;
	s22 =	sadd.s32 $0x1, s22;
	v22 =	vmin.f32 v10, v15  }
.Ltmp13:
0x2b9: {  	v21 =	vshll.u32 v21, $0x7;
	v13 =	vmax.f32 v13, v22;
	(pc) =	sbr.rel @p1 .LBB2_30-.Ltmp13, $4  }
0x2ba: {  	v9 =	vmax.f32 v9, v17;
	v21 =	vbroadcast v21, $0x0  }
0x2bb: {  	v11 =	vmax.f32 v11, v19;
	v19 =	vmin.f32 v9, v18;
	v17 =	vmov v18;
	v18 =	vld.idx.msk [tilespmem:v20+s3+$0x0], $0xffff  }
0x2bc: {  	v12 =	vmax.f32 v12, v16;
	v16 =	vmin.f32 v11, v19;
	v20 =	vadd.s32 v21, v14  }
0x2bd: {  	v10 =	vmax.f32 v10, v15;
	v15 =	vmin.f32 v12, v16  }
0x2be: {  	_ =	sdelay $0x3  }
0x2bf: {  	v14 =	vld.idx.msk [tilespmem:v20+s3+$0x0], $0xffff;
	_ =	sdelay $0x1  }
0x2c0: {  	v62 =	vmin.f32 v10, v15;
	v9 =	vmax.f32 v9, v17;
	v11 =	vmax.f32 v11, v19  }
0x2c1: {  	v12 =	vmax.f32 v12, v16;
	v10 =	vmax.f32 v10, v15;
	s21 =	sadd.s32 $0x1, s21;
	v17 =	vmin.f32 v9, v18  }
0x2c2: {  	v13 =	vmax.f32 v13, v62;
	p1 =	sne.s32 s21, $0x5;
	v9 =	vmax.f32 v9, v18;
	v19 =	vmin.f32 v11, v17  }
.Ltmp14:
0x2c3: {  	v11 =	vmax.f32 v11, v17;
	v16 =	vmin.f32 v12, v19;
	v18 =	vmin.f32 v9, v14;
	(pc) =	sbr.rel @p1 .LBB2_29-.Ltmp14, $4  }
0x2c4: {  	v12 =	vmax.f32 v12, v19;
	v63 =	vmin.f32 v10, v16;
	v15 =	vmin.f32 v11, v18  }
0x2c5: {  	v10 =	vmax.f32 v10, v16;
	v9 =	vmax.f32 v9, v14;
	v19 =	vmin.f32 v12, v15  }
0x2c6: {  	v13 =	vmax.f32 v13, v63;
	v11 =	vmax.f32 v11, v18;
	v16 =	vmin.f32 v10, v19  }
0x2c7: {  	v12 =	vmax.f32 v12, v15;
	v10 =	vmax.f32 v10, v19;
	v13 =	vmax.f32 v13, v16  }
0x2c8: {  	[tilespmem:$0x10A00] =	vst v9  }
0x2c9: {  	[tilespmem:$0x10A80] =	vst v11  }
0x2ca: {  	[tilespmem:$0x10B00] =	vst v12  }
0x2cb: {  	[tilespmem:$0x10B80] =	vst v10  }
0x2cc: {  	[tilespmem:$0x10C00] =	vst v13  }
0x2cd: {  	v4 =	vld [tilespmem:s19+$0x100]  }
0x2ce: {  	v5 =	vld [tilespmem:s19+$0x500]  }
0x2cf: {  	v6 =	vld [tilespmem:s19+$0x0]  }
0x2d0: {  	v7 =	vld [tilespmem:s19+$0xFFFFF880]  }
0x2d1: {  	v8 =	vld [tilespmem:s19+$0xFFFFF900]  }
0x2d2: {  	v3 =	vld [tilespmem:s19+$0x780]  }
0x2d3: {  	v10 =	vld [tilespmem:s19+$0x380]  }
0x2d4: {  	v11 =	vld [tilespmem:s19+$0x700]  }
0x2d5: {  	v12 =	vld [tilespmem:s19+$0x300]  }
0x2d6: {  	v13 =	vld [tilespmem:s19+$0x680]  }
0x2d7: {  	v14 =	vld [tilespmem:s19+$0xFFFFF980]  }
0x2d8: {  	v15 =	vld [tilespmem:s19+$0x280]  }
0x2d9: {  	v16 =	vld [tilespmem:s19+$0x200]  }
0x2da: {  	v17 =	vld [tilespmem:s19+$0x600]  }
0x2db: {  	v18 =	vld [tilespmem:s19+$0xFFFFFF00]  }
0x2dc: {  	v19 =	vld [tilespmem:s19+$0x580]  }
0x2dd: {  	v20 =	vld [tilespmem:s19+$0x480]  }
0x2de: {  	v21 =	vld [tilespmem:s19+$0xFFFFFF80]  }
0x2df: {  	v23 =	vld [tilespmem:s19+$0xFFFFF800]  }
0x2e0: {  	v24 =	vld [tilespmem:s19+$0x80]  }
0x2e1: {  	v25 =	vld [tilespmem:s19+$0x180]  }
0x2e2: {  	v26 =	vld [tilespmem:s19+$0xFFFFFE80]  }
0x2e3: {  	v27 =	vld [tilespmem:s19+$0xFFFFFE00]  }
0x2e4: {  	v9 =	vimm.f32 $-Inf;
	v22 =	vld [tilespmem:s19+$0x400];
	v11 =	vmax.f32 v11, v3  }
0x2e5: {  	v10 =	vmax.f32 v12, v10;
	v3 =	vimm.s32 $0x0;
	v12 =	vmax.f32 v16, v15  }
0x2e6: {  	v16 =	vmax.f32 v17, v13;
	v15 =	vld [tilespmem:s19+$0xFFFFFD80];
	v8 =	vmax.f32 v8, v14;
	v14 =	vmax.f32 v18, v21  }
0x2e7: {  	v13 =	vld [tilespmem:s19+$0xFFFFFA00];
	v5 =	vmax.f32 v5, v19;
	v7 =	vmax.f32 v23, v7;
	v6 =	vmax.f32 v6, v24  }
0x2e8: {  	v17 =	vld [tilespmem:s19+$0xFFFFFC80];
	v4 =	vmax.f32 v4, v25;
	v21 =	vmax.f32 v27, v26;
	v10 =	vmax.f32 v12, v10  }
0x2e9: {  	v19 =	vld [tilespmem:s19+$0xFFFFFD00];
	v12 =	vmax.f32 v22, v20;
	v4 =	vmax.f32 v6, v4;
	v6 =	vmax.f32 v16, v11  }
0x2ea: {  	v22 =	vld [tilespmem:s19+$0xFFFFFC00];
	v20 =	vmax.f32 v7, v8;
	v11 =	vimm.f32 $-Inf;
	v8 =	vimm.f32 $-Inf  }
0x2eb: {  	v23 =	vld [tilespmem:s19+$0xFFFFFB80];
	v7 =	vimm.s32 $0x0;
	v5 =	vmax.f32 v12, v5;
	v16 =	vmax.f32 v4, v10  }
0x2ec: {  	v24 =	vld [tilespmem:s19+$0xFFFFFB00];
	v12 =	vimm.f32 $-Inf;
	v4 =	vimm.s32 $0x0;
	v10 =	vimm.f32 $-Inf  }
0x2ed: {  	s20 =	simm.s32 $0x0;
	s21 =	simm.s32 $0x2;
	v25 =	vld [tilespmem:s19+$0xFFFFFA80];
	s19 =	sadd.s32 $0x1000, s19;
	v18 =	vmax.f32 v5, v6;
	v5 =	vimm.s32 $0x0;
	v6 =	vimm.s32 $0x0  }
.LBB2_33:
0x2ee: {  	v26 =	vld [tilespmem:s19+$0x100];
	p1 =	slt.u32 s21, $0xE;
	s22 =	smov.u32 s21;
	s21 =	sadd.s32 $0x2, s21  }
0x2ef: {  	v15 =	vmax.f32 v19, v15;
	v27 =	vld [tilespmem:s19+$0x500];
	v17 =	vmax.f32 v22, v17  }
0x2f0: {  	v22 =	vld [tilespmem:s19+$0x0];
	v15 =	vmax.f32 v17, v15  }
0x2f1: {  	v19 =	vld [tilespmem:s19+$0xFFFFF880];
	v17 =	vmax.f32 v24, v23  }
0x2f2: {  	v23 =	vld [tilespmem:s19+$0xFFFFF900];
	v13 =	vmax.f32 v13, v25  }
0x2f3: {  	v14 =	vmax.f32 v21, v14;
	v24 =	vld [tilespmem:s19+$0x780];
	v13 =	vmax.f32 v13, v17  }
0x2f4: {  	v14 =	vmax.f32 v15, v14;
	v17 =	vld [tilespmem:s19+$0x380];
	v13 =	vmax.f32 v20, v13  }
0x2f5: {  	v15 =	vld [tilespmem:s19+$0x700];
	v13 =	vmax.f32 v13, v14;
	v14 =	vmax.f32 v16, v18  }
0x2f6: {  	v16 =	vld [tilespmem:s19+$0x300];
	vm1 =	vgt.f32 v13, v9;
	v18 =	vmax.f32 v9, v13;
	v9 =	vmin.f32 v9, v13  }
0x2f7: {  	v13 =	vld [tilespmem:s19+$0x680];
	v20 =	vnsel vm1, s20, v3;
	vm5 =	vgt.f32 v14, v18;
	v21 =	vmin.f32 v18, v14  }
0x2f8: {  	vm6 =	vgt.f32 v9, v11;
	v28 =	vmax.f32 v11, v9;
	v9 =	vmin.f32 v11, v9;
	v25 =	vld [tilespmem:s19+$0xFFFFF980]  }
0x2f9: {  	vm4 =	vgt.f32 v9, v8;
	v29 =	vmax.f32 v8, v9;
	vm3 =	vgt.f32 v21, v28;
	v11 =	vld [tilespmem:s19+$0x280]  }
0x2fa: {  	v8 =	vmin.f32 v8, v9;
	v31 =	vmin.f32 v28, v21;
	v30 =	vld [tilespmem:s19+$0x200];
	v24 =	vmax.f32 v15, v24  }
0x2fb: {  	vm0 =	vgt.f32 v8, v12;
	v9 =	vld [tilespmem:s19+$0x600];
	v15 =	vmax.f32 v16, v17;
	v16 =	vmax.f32 v12, v8  }
0x2fc: {  	v32 =	vsel vm1, s20, v3;
	v3 =	vmin.f32 v12, v8;
	vm1 =	vgt.f32 v31, v29;
	v17 =	vld [tilespmem:s19+$0xFFFFFF00]  }
0x2fd: {  	s23 =	sadd.s32 $0x1, s20;
	s20 =	smov.u32 s22;
	vm2 =	vgt.f32 v3, v10;
	v33 =	vmax.f32 v10, v3;
	v8 =	vsel vm6, v20, v4;
	v12 =	vld [tilespmem:s19+$0x580]  }
0x2fe: {  	v3 =	vsel vm5, s23, v32;
	v32 =	vnsel vm5, s23, v32;
	v20 =	vsel vm6, v4, v20;
	v10 =	vld [tilespmem:s19+$0x480]  }
0x2ff: {  	v4 =	vsel vm3, v32, v8;
	v34 =	vld [tilespmem:s19+$0xFFFFFF80];
	v11 =	vmax.f32 v30, v11;
	v30 =	vsel vm4, v20, v5  }
0x300: {  	v20 =	vsel vm4, v5, v20;
	v35 =	vld [tilespmem:s19+$0x400];
	v36 =	vmax.f32 v9, v13;
	v37 =	vmax.f32 v11, v15  }
0x301: {  	v32 =	vsel vm3, v8, v32;
	v8 =	vmax.f32 v29, v31;
	v38 =	vsel vm0, v6, v20;
	v15 =	vld [tilespmem:s19+$0xFFFFFD80]  }
0x302: {  	v9 =	vmax.f32 v18, v14;
	v11 =	vmax.f32 v28, v21;
	v5 =	vsel vm1, v32, v30;
	v13 =	vld [tilespmem:s19+$0xFFFFFA00]  }
0x303: {  	v28 =	vmax.f32 v23, v25;
	v18 =	vld [tilespmem:s19+$0xFFFFF800]  }
0x304: {  	v14 =	vmax.f32 v17, v34;
	v21 =	vld [tilespmem:s19+$0x80]  }
0x305: {  	v23 =	vld [tilespmem:s19+$0x180];
	v10 =	vmax.f32 v35, v10  }
0x306: {  	v7 =	vsel vm2, v38, v7;
	v12 =	vmax.f32 v27, v12;
	v34 =	vld [tilespmem:s19+$0xFFFFFE80]  }
0x307: {  	v6 =	vsel vm0, v20, v6;
	v20 =	vmin.f32 v29, v31;
	v25 =	vsel vm1, v30, v32;
	v27 =	vld [tilespmem:s19+$0xFFFFFE00]  }
0x308: {  	vm0 =	vgt.f32 v20, v16;
	v30 =	vmin.f32 v16, v20;
	v17 =	vld [tilespmem:s19+$0xFFFFFC80];
	v29 =	vmax.f32 v18, v19  }
.Ltmp15:
0x309: {  	v19 =	vld [tilespmem:s19+$0xFFFFFD00];
	v18 =	vmax.f32 v22, v21;
	v21 =	vmax.f32 v10, v12;
	v10 =	vmax.f32 v33, v30;
	(pc) =	sbr.rel @p1 .LBB2_33-.Ltmp15, $4  }
0x30a: {  	v31 =	vsel vm0, v6, v25;
	v12 =	vmax.f32 v16, v20;
	v22 =	vld [tilespmem:s19+$0xFFFFFC00];
	v26 =	vmax.f32 v26, v23  }
0x30b: {  	v6 =	vsel vm0, v25, v6;
	v23 =	vld [tilespmem:s19+$0xFFFFFB80];
	v16 =	vmax.f32 v18, v26;
	v18 =	vmax.f32 v36, v24  }
0x30c: {  	vm0 =	vgt.f32 v30, v33;
	v24 =	vld [tilespmem:s19+$0xFFFFFB00];
	v16 =	vmax.f32 v16, v37;
	v18 =	vmax.f32 v21, v18  }
0x30d: {  	v7 =	vsel vm0, v31, v7;
	v20 =	vmax.f32 v29, v28;
	v21 =	vmax.f32 v27, v34;
	v25 =	vld [tilespmem:s19+$0xFFFFFA80];
	s19 =	sadd.s32 $0x1000, s19  }
0x30e: {  	_ =	sdelay $0x2  }
0x30f: {  	v15 =	vmax.f32 v19, v15  }
0x310: {  	v17 =	vmax.f32 v22, v17;
	v62 =	vmax.f32 v24, v23;
	v13 =	vmax.f32 v13, v25  }
0x311: {  	v14 =	vmax.f32 v21, v14;
	v15 =	vmax.f32 v17, v15;
	v13 =	vmax.f32 v13, v62  }
0x312: {  	v14 =	vmax.f32 v15, v14;
	v13 =	vmax.f32 v20, v13  }
0x313: {  	v13 =	vmax.f32 v13, v14  }
0x314: {  	v14 =	vmax.f32 v16, v18;
	vm0 =	vgt.f32 v13, v9;
	v15 =	vmax.f32 v9, v13  }
0x315: {  	v9 =	vmin.f32 v9, v13;
	v13 =	vnsel vm0, s20, v3;
	vm1 =	vgt.f32 v14, v15  }
0x316: {  	v14 =	vmin.f32 v15, v14;
	v15 =	vmin.f32 v11, v9;
	vm2 =	vgt.f32 v9, v11  }
0x317: {  	v9 =	vmax.f32 v11, v9;
	vm3 =	vgt.f32 v15, v8;
	v11 =	vmax.f32 v8, v15  }
0x318: {  	vm4 =	vgt.f32 v14, v9;
	v8 =	vmin.f32 v8, v15;
	v14 =	vmin.f32 v9, v14  }
0x319: {  	v9 =	vsel vm0, s20, v3;
	vm5 =	vgt.f32 v8, v12;
	v15 =	vmax.f32 v12, v8  }
0x31a: {  	s19 =	sadd.s32 $0x1, s20;
	v3 =	vmin.f32 v12, v8;
	v8 =	vsel vm2, v13, v4;
	v4 =	vsel vm2, v4, v13  }
0x31b: {  	vm6 =	vgt.f32 v3, v10;
	v10 =	vmax.f32 v10, v3;
	v3 =	vsel vm1, s19, v9  }
0x31c: {  	v9 =	vnsel vm1, s19, v9;
	v12 =	vsel vm3, v4, v5;
	v13 =	vsel vm3, v5, v4  }
0x31d: {  	v63 =	vsel vm4, v8, v9;
	v4 =	vsel vm4, v9, v8;
	v8 =	vsel vm5, v6, v13  }
0x31e: {  	v7 =	vsel vm6, v8, v7;
	v8 =	vmin.f32 v11, v14  }
0x31f: {  	vm13 =	vgt.f32 v14, v11;
	vm14 =	vgt.f32 v8, v15;
	v8 =	vmin.f32 v15, v8  }
0x320: {  	v6 =	vsel vm5, v13, v6;
	v13 =	vsel vm13, v12, v63;
	vm15 =	vgt.f32 v8, v10;
	v10 =	vld [tilespmem:$0x10E00]  }
0x321: {  	v14 =	vsel vm14, v6, v13;
	v6 =	vsel vm14, v13, v6;
	v13 =	vld [tilespmem:$0x10E80]  }
0x322: {  	v9 =	vld [tilespmem:$0x10C80]  }
0x323: {  	v11 =	vld [tilespmem:$0x10D00];
	v8 =	vor.u32 $0x50, v1  }
0x324: {  	s20 =	simm.s32 $0x0;
	s19 =	simm.s32 $0x0;
	v5 =	vsel vm13, v63, v12;
	v12 =	vld [tilespmem:$0x10D80];
	v7 =	vsel vm15, v14, v7;
	v8 =	vor.u32 v8, v2  }
.LBB2_35:
0x325: {  	p1 =	seq.s32 s20, $0x3  }
0x326: {  	p2 =	seq.s32 s20, $0x2;
	v14 =	vpsel p1, v6, v7  }
0x327: {  	p5 =	seq.s32 s20, $0x1;
	v14 =	vpsel p2, v5, v14  }
0x328: {  	p6 =	seq.s32 s20, $0x0;
	v15 =	vmov s19;
	v14 =	vpsel p5, v4, v14  }
0x329: {  	v15 =	vshll.u32 v15, $0x7;
	v14 =	vpsel p6, v3, v14  }
0x32a: {  	v15 =	vbroadcast v15, $0x0;
	v14 =	vshll.u32 v14, $0xB  }
0x32b: {  	v14 =	vadd.s32 v14, v8  }
0x32c: {  	v15 =	vadd.s32 v15, v14  }
0x32d: {  	s21 =	simm.s32 $0x1  }
0x32e: {  	v16 =	vmov s21  }
0x32f: {  	v16 =	vshll.u32 v16, $0x7  }
0x330: {  	v16 =	vbroadcast v16, $0x0  }
0x331: {  	v17 =	vld.idx.msk [tilespmem:v15+s3+$0x0], $0xffff  }
0x332: {  	s31 =	simm.s32 $0x2;
	v15 =	vadd.s32 v16, v14  }
0x333: {  	v16 =	vmov s31  }
0x334: {  	v16 =	vshll.u32 v16, $0x7  }
0x335: {  	v20 =	vbroadcast v16, $0x0  }
0x336: {  	v19 =	vmin.f32 v9, v17  }
0x337: {  	v20 =	vadd.s32 v20, v14;
	v18 =	vld.idx.msk [tilespmem:v15+s3+$0x0], $0xffff;
	v16 =	vmin.f32 v11, v19  }
0x338: {  	s21 =	simm.s32 $0x3;
	v15 =	vmin.f32 v12, v16  }
.LBB2_36:
0x339: {  	v21 =	vmov s21;
	p1 =	sne.s32 s21, $0xF;
	s21 =	sadd.s32 $0x1, s21;
	v22 =	vmin.f32 v10, v15  }
.Ltmp16:
0x33a: {  	v21 =	vshll.u32 v21, $0x7;
	v13 =	vmax.f32 v13, v22;
	(pc) =	sbr.rel @p1 .LBB2_36-.Ltmp16, $4  }
0x33b: {  	v9 =	vmax.f32 v9, v17;
	v21 =	vbroadcast v21, $0x0  }
0x33c: {  	v11 =	vmax.f32 v11, v19;
	v19 =	vmin.f32 v9, v18;
	v17 =	vmov v18;
	v18 =	vld.idx.msk [tilespmem:v20+s3+$0x0], $0xffff  }
0x33d: {  	v12 =	vmax.f32 v12, v16;
	v16 =	vmin.f32 v11, v19;
	v20 =	vadd.s32 v21, v14  }
0x33e: {  	v10 =	vmax.f32 v10, v15;
	v15 =	vmin.f32 v12, v16  }
0x33f: {  	_ =	sdelay $0x3  }
0x340: {  	v14 =	vld.idx.msk [tilespmem:v20+s3+$0x0], $0xffff;
	_ =	sdelay $0x1  }
0x341: {  	v62 =	vmin.f32 v10, v15;
	v9 =	vmax.f32 v9, v17;
	v11 =	vmax.f32 v11, v19  }
0x342: {  	v12 =	vmax.f32 v12, v16;
	v10 =	vmax.f32 v10, v15;
	s20 =	sadd.s32 $0x1, s20;
	v17 =	vmin.f32 v9, v18  }
0x343: {  	v13 =	vmax.f32 v13, v62;
	p1 =	sne.s32 s20, $0x5;
	v9 =	vmax.f32 v9, v18;
	v19 =	vmin.f32 v11, v17  }
.Ltmp17:
0x344: {  	v11 =	vmax.f32 v11, v17;
	v16 =	vmin.f32 v12, v19;
	v18 =	vmin.f32 v9, v14;
	(pc) =	sbr.rel @p1 .LBB2_35-.Ltmp17, $4  }
0x345: {  	v12 =	vmax.f32 v12, v19;
	v63 =	vmin.f32 v10, v16;
	v15 =	vmin.f32 v11, v18  }
0x346: {  	v10 =	vmax.f32 v10, v16;
	v9 =	vmax.f32 v9, v14;
	v19 =	vmin.f32 v12, v15  }
0x347: {  	v13 =	vmax.f32 v13, v63;
	v11 =	vmax.f32 v11, v18;
	v16 =	vmin.f32 v10, v19  }
0x348: {  	v12 =	vmax.f32 v12, v15;
	v10 =	vmax.f32 v10, v19;
	v13 =	vmax.f32 v13, v16  }
0x349: {  	[tilespmem:$0x10C80] =	vst v9  }
0x34a: {  	[tilespmem:$0x10D00] =	vst v11  }
0x34b: {  	[tilespmem:$0x10D80] =	vst v12  }
0x34c: {  	[tilespmem:$0x10E00] =	vst v10  }
0x34d: {  	[tilespmem:$0x10E80] =	vst v13  }
0x34e: {  	v4 =	vld [tilespmem:s18+$0x100]  }
0x34f: {  	v5 =	vld [tilespmem:s18+$0x500]  }
0x350: {  	v6 =	vld [tilespmem:s18+$0x0]  }
0x351: {  	v7 =	vld [tilespmem:s18+$0xFFFFF880]  }
0x352: {  	v8 =	vld [tilespmem:s18+$0xFFFFF900]  }
0x353: {  	v3 =	vld [tilespmem:s18+$0x780]  }
0x354: {  	v10 =	vld [tilespmem:s18+$0x380]  }
0x355: {  	v11 =	vld [tilespmem:s18+$0x700]  }
0x356: {  	v12 =	vld [tilespmem:s18+$0x300]  }
0x357: {  	v13 =	vld [tilespmem:s18+$0x680]  }
0x358: {  	v14 =	vld [tilespmem:s18+$0xFFFFF980]  }
0x359: {  	v15 =	vld [tilespmem:s18+$0x280]  }
0x35a: {  	v16 =	vld [tilespmem:s18+$0x200]  }
0x35b: {  	v17 =	vld [tilespmem:s18+$0x600]  }
0x35c: {  	v18 =	vld [tilespmem:s18+$0xFFFFFF00]  }
0x35d: {  	v19 =	vld [tilespmem:s18+$0x580]  }
0x35e: {  	v20 =	vld [tilespmem:s18+$0x480]  }
0x35f: {  	v21 =	vld [tilespmem:s18+$0xFFFFFF80]  }
0x360: {  	v23 =	vld [tilespmem:s18+$0xFFFFF800]  }
0x361: {  	v24 =	vld [tilespmem:s18+$0x80]  }
0x362: {  	v25 =	vld [tilespmem:s18+$0x180]  }
0x363: {  	v26 =	vld [tilespmem:s18+$0xFFFFFE80]  }
0x364: {  	v27 =	vld [tilespmem:s18+$0xFFFFFE00]  }
0x365: {  	v9 =	vimm.f32 $-Inf;
	v22 =	vld [tilespmem:s18+$0x400];
	v11 =	vmax.f32 v11, v3  }
0x366: {  	v10 =	vmax.f32 v12, v10;
	v3 =	vimm.s32 $0x0;
	v12 =	vmax.f32 v16, v15  }
0x367: {  	v16 =	vmax.f32 v17, v13;
	v15 =	vld [tilespmem:s18+$0xFFFFFD80];
	v8 =	vmax.f32 v8, v14;
	v14 =	vmax.f32 v18, v21  }
0x368: {  	v13 =	vld [tilespmem:s18+$0xFFFFFA00];
	v5 =	vmax.f32 v5, v19;
	v7 =	vmax.f32 v23, v7;
	v6 =	vmax.f32 v6, v24  }
0x369: {  	v17 =	vld [tilespmem:s18+$0xFFFFFC80];
	v4 =	vmax.f32 v4, v25;
	v21 =	vmax.f32 v27, v26;
	v10 =	vmax.f32 v12, v10  }
0x36a: {  	v19 =	vld [tilespmem:s18+$0xFFFFFD00];
	v12 =	vmax.f32 v22, v20;
	v4 =	vmax.f32 v6, v4;
	v6 =	vmax.f32 v16, v11  }
0x36b: {  	v22 =	vld [tilespmem:s18+$0xFFFFFC00];
	v20 =	vmax.f32 v7, v8;
	v11 =	vimm.f32 $-Inf;
	v8 =	vimm.f32 $-Inf  }
0x36c: {  	v23 =	vld [tilespmem:s18+$0xFFFFFB80];
	v7 =	vimm.s32 $0x0;
	v5 =	vmax.f32 v12, v5;
	v16 =	vmax.f32 v4, v10  }
0x36d: {  	v24 =	vld [tilespmem:s18+$0xFFFFFB00];
	v12 =	vimm.f32 $-Inf;
	v4 =	vimm.s32 $0x0;
	v10 =	vimm.f32 $-Inf  }
0x36e: {  	s19 =	simm.s32 $0x0;
	s20 =	simm.s32 $0x2;
	v25 =	vld [tilespmem:s18+$0xFFFFFA80];
	s18 =	sadd.s32 $0x1000, s18;
	v18 =	vmax.f32 v5, v6;
	v5 =	vimm.s32 $0x0;
	v6 =	vimm.s32 $0x0  }
.LBB2_39:
0x36f: {  	v26 =	vld [tilespmem:s18+$0x100];
	p1 =	slt.u32 s20, $0xE;
	s21 =	smov.u32 s20;
	s20 =	sadd.s32 $0x2, s20  }
0x370: {  	v15 =	vmax.f32 v19, v15;
	v27 =	vld [tilespmem:s18+$0x500];
	v17 =	vmax.f32 v22, v17  }
0x371: {  	v22 =	vld [tilespmem:s18+$0x0];
	v15 =	vmax.f32 v17, v15  }
0x372: {  	v19 =	vld [tilespmem:s18+$0xFFFFF880];
	v17 =	vmax.f32 v24, v23  }
0x373: {  	v23 =	vld [tilespmem:s18+$0xFFFFF900];
	v13 =	vmax.f32 v13, v25  }
0x374: {  	v14 =	vmax.f32 v21, v14;
	v24 =	vld [tilespmem:s18+$0x780];
	v13 =	vmax.f32 v13, v17  }
0x375: {  	v14 =	vmax.f32 v15, v14;
	v17 =	vld [tilespmem:s18+$0x380];
	v13 =	vmax.f32 v20, v13  }
0x376: {  	v15 =	vld [tilespmem:s18+$0x700];
	v13 =	vmax.f32 v13, v14;
	v14 =	vmax.f32 v16, v18  }
0x377: {  	v16 =	vld [tilespmem:s18+$0x300];
	vm1 =	vgt.f32 v13, v9;
	v18 =	vmax.f32 v9, v13;
	v9 =	vmin.f32 v9, v13  }
0x378: {  	v13 =	vld [tilespmem:s18+$0x680];
	v20 =	vnsel vm1, s19, v3;
	vm5 =	vgt.f32 v14, v18;
	v21 =	vmin.f32 v18, v14  }
0x379: {  	vm6 =	vgt.f32 v9, v11;
	v28 =	vmax.f32 v11, v9;
	v9 =	vmin.f32 v11, v9;
	v25 =	vld [tilespmem:s18+$0xFFFFF980]  }
0x37a: {  	vm4 =	vgt.f32 v9, v8;
	v29 =	vmax.f32 v8, v9;
	vm3 =	vgt.f32 v21, v28;
	v11 =	vld [tilespmem:s18+$0x280]  }
0x37b: {  	v8 =	vmin.f32 v8, v9;
	v31 =	vmin.f32 v28, v21;
	v30 =	vld [tilespmem:s18+$0x200];
	v24 =	vmax.f32 v15, v24  }
0x37c: {  	vm0 =	vgt.f32 v8, v12;
	v9 =	vld [tilespmem:s18+$0x600];
	v15 =	vmax.f32 v16, v17;
	v16 =	vmax.f32 v12, v8  }
0x37d: {  	v32 =	vsel vm1, s19, v3;
	v3 =	vmin.f32 v12, v8;
	vm1 =	vgt.f32 v31, v29;
	v17 =	vld [tilespmem:s18+$0xFFFFFF00]  }
0x37e: {  	s22 =	sadd.s32 $0x1, s19;
	s19 =	smov.u32 s21;
	vm2 =	vgt.f32 v3, v10;
	v33 =	vmax.f32 v10, v3;
	v8 =	vsel vm6, v20, v4;
	v12 =	vld [tilespmem:s18+$0x580]  }
0x37f: {  	v3 =	vsel vm5, s22, v32;
	v32 =	vnsel vm5, s22, v32;
	v20 =	vsel vm6, v4, v20;
	v10 =	vld [tilespmem:s18+$0x480]  }
0x380: {  	v4 =	vsel vm3, v32, v8;
	v34 =	vld [tilespmem:s18+$0xFFFFFF80];
	v11 =	vmax.f32 v30, v11;
	v30 =	vsel vm4, v20, v5  }
0x381: {  	v20 =	vsel vm4, v5, v20;
	v35 =	vld [tilespmem:s18+$0x400];
	v36 =	vmax.f32 v9, v13;
	v37 =	vmax.f32 v11, v15  }
0x382: {  	v32 =	vsel vm3, v8, v32;
	v8 =	vmax.f32 v29, v31;
	v38 =	vsel vm0, v6, v20;
	v15 =	vld [tilespmem:s18+$0xFFFFFD80]  }
0x383: {  	v9 =	vmax.f32 v18, v14;
	v11 =	vmax.f32 v28, v21;
	v5 =	vsel vm1, v32, v30;
	v13 =	vld [tilespmem:s18+$0xFFFFFA00]  }
0x384: {  	v28 =	vmax.f32 v23, v25;
	v18 =	vld [tilespmem:s18+$0xFFFFF800]  }
0x385: {  	v14 =	vmax.f32 v17, v34;
	v21 =	vld [tilespmem:s18+$0x80]  }
0x386: {  	v23 =	vld [tilespmem:s18+$0x180];
	v10 =	vmax.f32 v35, v10  }
0x387: {  	v7 =	vsel vm2, v38, v7;
	v12 =	vmax.f32 v27, v12;
	v34 =	vld [tilespmem:s18+$0xFFFFFE80]  }
0x388: {  	v6 =	vsel vm0, v20, v6;
	v20 =	vmin.f32 v29, v31;
	v25 =	vsel vm1, v30, v32;
	v27 =	vld [tilespmem:s18+$0xFFFFFE00]  }
0x389: {  	vm0 =	vgt.f32 v20, v16;
	v30 =	vmin.f32 v16, v20;
	v17 =	vld [tilespmem:s18+$0xFFFFFC80];
	v29 =	vmax.f32 v18, v19  }
.Ltmp18:
0x38a: {  	v19 =	vld [tilespmem:s18+$0xFFFFFD00];
	v18 =	vmax.f32 v22, v21;
	v21 =	vmax.f32 v10, v12;
	v10 =	vmax.f32 v33, v30;
	(pc) =	sbr.rel @p1 .LBB2_39-.Ltmp18, $4  }
0x38b: {  	v31 =	vsel vm0, v6, v25;
	v12 =	vmax.f32 v16, v20;
	v22 =	vld [tilespmem:s18+$0xFFFFFC00];
	v26 =	vmax.f32 v26, v23  }
0x38c: {  	v6 =	vsel vm0, v25, v6;
	v23 =	vld [tilespmem:s18+$0xFFFFFB80];
	v16 =	vmax.f32 v18, v26;
	v18 =	vmax.f32 v36, v24  }
0x38d: {  	vm0 =	vgt.f32 v30, v33;
	v24 =	vld [tilespmem:s18+$0xFFFFFB00];
	v16 =	vmax.f32 v16, v37;
	v18 =	vmax.f32 v21, v18  }
0x38e: {  	v7 =	vsel vm0, v31, v7;
	v20 =	vmax.f32 v29, v28;
	v21 =	vmax.f32 v27, v34;
	v25 =	vld [tilespmem:s18+$0xFFFFFA80];
	s18 =	sadd.s32 $0x1000, s18  }
0x38f: {  	_ =	sdelay $0x2  }
0x390: {  	v15 =	vmax.f32 v19, v15  }
0x391: {  	v17 =	vmax.f32 v22, v17;
	v62 =	vmax.f32 v24, v23;
	v13 =	vmax.f32 v13, v25  }
0x392: {  	v14 =	vmax.f32 v21, v14;
	v15 =	vmax.f32 v17, v15;
	v13 =	vmax.f32 v13, v62  }
0x393: {  	v14 =	vmax.f32 v15, v14;
	v13 =	vmax.f32 v20, v13  }
0x394: {  	v13 =	vmax.f32 v13, v14  }
0x395: {  	v14 =	vmax.f32 v16, v18;
	vm0 =	vgt.f32 v13, v9;
	v15 =	vmax.f32 v9, v13  }
0x396: {  	v9 =	vmin.f32 v9, v13;
	v13 =	vnsel vm0, s19, v3;
	vm1 =	vgt.f32 v14, v15  }
0x397: {  	v14 =	vmin.f32 v15, v14;
	v15 =	vmin.f32 v11, v9;
	vm2 =	vgt.f32 v9, v11  }
0x398: {  	v9 =	vmax.f32 v11, v9;
	vm3 =	vgt.f32 v15, v8;
	v11 =	vmax.f32 v8, v15  }
0x399: {  	vm4 =	vgt.f32 v14, v9;
	v8 =	vmin.f32 v8, v15;
	v14 =	vmin.f32 v9, v14  }
0x39a: {  	v9 =	vsel vm0, s19, v3;
	vm5 =	vgt.f32 v8, v12;
	v15 =	vmax.f32 v12, v8  }
0x39b: {  	s18 =	sadd.s32 $0x1, s19;
	v3 =	vmin.f32 v12, v8;
	v8 =	vsel vm2, v13, v4;
	v4 =	vsel vm2, v4, v13  }
0x39c: {  	vm6 =	vgt.f32 v3, v10;
	v10 =	vmax.f32 v10, v3;
	v3 =	vsel vm1, s18, v9  }
0x39d: {  	v9 =	vnsel vm1, s18, v9;
	v12 =	vsel vm3, v4, v5;
	v13 =	vsel vm3, v5, v4  }
0x39e: {  	v63 =	vsel vm4, v8, v9;
	v4 =	vsel vm4, v9, v8;
	v8 =	vsel vm5, v6, v13  }
0x39f: {  	v7 =	vsel vm6, v8, v7;
	v8 =	vmin.f32 v11, v14  }
0x3a0: {  	vm13 =	vgt.f32 v14, v11;
	vm14 =	vgt.f32 v8, v15;
	v8 =	vmin.f32 v15, v8  }
0x3a1: {  	v6 =	vsel vm5, v13, v6;
	v13 =	vsel vm13, v12, v63;
	vm15 =	vgt.f32 v8, v10;
	v10 =	vld [tilespmem:$0x11080]  }
0x3a2: {  	v14 =	vsel vm14, v6, v13;
	v6 =	vsel vm14, v13, v6;
	v13 =	vld [tilespmem:$0x11100]  }
0x3a3: {  	v9 =	vld [tilespmem:$0x10F00]  }
0x3a4: {  	v11 =	vld [tilespmem:$0x10F80];
	v8 =	vor.u32 $0x60, v1  }
0x3a5: {  	s19 =	simm.s32 $0x0;
	s18 =	simm.s32 $0x0;
	v5 =	vsel vm13, v63, v12;
	v12 =	vld [tilespmem:$0x11000];
	v7 =	vsel vm15, v14, v7;
	v8 =	vor.u32 v8, v2  }
.LBB2_41:
0x3a6: {  	p1 =	seq.s32 s19, $0x3  }
0x3a7: {  	p2 =	seq.s32 s19, $0x2;
	v14 =	vpsel p1, v6, v7  }
0x3a8: {  	p5 =	seq.s32 s19, $0x1;
	v14 =	vpsel p2, v5, v14  }
0x3a9: {  	p6 =	seq.s32 s19, $0x0;
	v15 =	vmov s18;
	v14 =	vpsel p5, v4, v14  }
0x3aa: {  	v15 =	vshll.u32 v15, $0x7;
	v14 =	vpsel p6, v3, v14  }
0x3ab: {  	v15 =	vbroadcast v15, $0x0;
	v14 =	vshll.u32 v14, $0xB  }
0x3ac: {  	v14 =	vadd.s32 v14, v8  }
0x3ad: {  	v15 =	vadd.s32 v15, v14  }
0x3ae: {  	s20 =	simm.s32 $0x1  }
0x3af: {  	v16 =	vmov s20  }
0x3b0: {  	v16 =	vshll.u32 v16, $0x7  }
0x3b1: {  	v16 =	vbroadcast v16, $0x0  }
0x3b2: {  	v17 =	vld.idx.msk [tilespmem:v15+s3+$0x0], $0xffff  }
0x3b3: {  	s31 =	simm.s32 $0x2;
	v15 =	vadd.s32 v16, v14  }
0x3b4: {  	v16 =	vmov s31  }
0x3b5: {  	v16 =	vshll.u32 v16, $0x7  }
0x3b6: {  	v20 =	vbroadcast v16, $0x0  }
0x3b7: {  	v19 =	vmin.f32 v9, v17  }
0x3b8: {  	v20 =	vadd.s32 v20, v14;
	v18 =	vld.idx.msk [tilespmem:v15+s3+$0x0], $0xffff;
	v16 =	vmin.f32 v11, v19  }
0x3b9: {  	s20 =	simm.s32 $0x3;
	v15 =	vmin.f32 v12, v16  }
.LBB2_42:
0x3ba: {  	v21 =	vmov s20;
	p1 =	sne.s32 s20, $0xF;
	s20 =	sadd.s32 $0x1, s20;
	v22 =	vmin.f32 v10, v15  }
.Ltmp19:
0x3bb: {  	v21 =	vshll.u32 v21, $0x7;
	v13 =	vmax.f32 v13, v22;
	(pc) =	sbr.rel @p1 .LBB2_42-.Ltmp19, $4  }
0x3bc: {  	v9 =	vmax.f32 v9, v17;
	v21 =	vbroadcast v21, $0x0  }
0x3bd: {  	v11 =	vmax.f32 v11, v19;
	v19 =	vmin.f32 v9, v18;
	v17 =	vmov v18;
	v18 =	vld.idx.msk [tilespmem:v20+s3+$0x0], $0xffff  }
0x3be: {  	v12 =	vmax.f32 v12, v16;
	v16 =	vmin.f32 v11, v19;
	v20 =	vadd.s32 v21, v14  }
0x3bf: {  	v10 =	vmax.f32 v10, v15;
	v15 =	vmin.f32 v12, v16  }
0x3c0: {  	_ =	sdelay $0x3  }
0x3c1: {  	v14 =	vld.idx.msk [tilespmem:v20+s3+$0x0], $0xffff;
	_ =	sdelay $0x1  }
0x3c2: {  	v62 =	vmin.f32 v10, v15;
	v9 =	vmax.f32 v9, v17;
	v11 =	vmax.f32 v11, v19  }
0x3c3: {  	v12 =	vmax.f32 v12, v16;
	v10 =	vmax.f32 v10, v15;
	s19 =	sadd.s32 $0x1, s19;
	v17 =	vmin.f32 v9, v18  }
0x3c4: {  	v13 =	vmax.f32 v13, v62;
	p1 =	sne.s32 s19, $0x5;
	v9 =	vmax.f32 v9, v18;
	v19 =	vmin.f32 v11, v17  }
.Ltmp20:
0x3c5: {  	v11 =	vmax.f32 v11, v17;
	v16 =	vmin.f32 v12, v19;
	v18 =	vmin.f32 v9, v14;
	(pc) =	sbr.rel @p1 .LBB2_41-.Ltmp20, $4  }
0x3c6: {  	v12 =	vmax.f32 v12, v19;
	v63 =	vmin.f32 v10, v16;
	v15 =	vmin.f32 v11, v18  }
0x3c7: {  	v10 =	vmax.f32 v10, v16;
	v9 =	vmax.f32 v9, v14;
	v19 =	vmin.f32 v12, v15  }
0x3c8: {  	v13 =	vmax.f32 v13, v63;
	v11 =	vmax.f32 v11, v18;
	v16 =	vmin.f32 v10, v19  }
0x3c9: {  	v12 =	vmax.f32 v12, v15;
	v10 =	vmax.f32 v10, v19;
	v13 =	vmax.f32 v13, v16  }
0x3ca: {  	[tilespmem:$0x10F00] =	vst v9  }
0x3cb: {  	[tilespmem:$0x10F80] =	vst v11  }
0x3cc: {  	[tilespmem:$0x11000] =	vst v12  }
0x3cd: {  	[tilespmem:$0x11080] =	vst v10  }
0x3ce: {  	[tilespmem:$0x11100] =	vst v13  }
0x3cf: {  	v4 =	vld [tilespmem:s17+$0x100]  }
0x3d0: {  	v5 =	vld [tilespmem:s17+$0x500]  }
0x3d1: {  	v6 =	vld [tilespmem:s17+$0x0]  }
0x3d2: {  	v7 =	vld [tilespmem:s17+$0xFFFFF880]  }
0x3d3: {  	v8 =	vld [tilespmem:s17+$0xFFFFF900]  }
0x3d4: {  	v3 =	vld [tilespmem:s17+$0x780]  }
0x3d5: {  	v10 =	vld [tilespmem:s17+$0x380]  }
0x3d6: {  	v11 =	vld [tilespmem:s17+$0x700]  }
0x3d7: {  	v12 =	vld [tilespmem:s17+$0x300]  }
0x3d8: {  	v13 =	vld [tilespmem:s17+$0x680]  }
0x3d9: {  	v14 =	vld [tilespmem:s17+$0xFFFFF980]  }
0x3da: {  	v15 =	vld [tilespmem:s17+$0x280]  }
0x3db: {  	v16 =	vld [tilespmem:s17+$0x200]  }
0x3dc: {  	v17 =	vld [tilespmem:s17+$0x600]  }
0x3dd: {  	v18 =	vld [tilespmem:s17+$0xFFFFFF00]  }
0x3de: {  	v19 =	vld [tilespmem:s17+$0x580]  }
0x3df: {  	v20 =	vld [tilespmem:s17+$0x480]  }
0x3e0: {  	v21 =	vld [tilespmem:s17+$0xFFFFFF80]  }
0x3e1: {  	v23 =	vld [tilespmem:s17+$0xFFFFF800]  }
0x3e2: {  	v24 =	vld [tilespmem:s17+$0x80]  }
0x3e3: {  	v25 =	vld [tilespmem:s17+$0x180]  }
0x3e4: {  	v26 =	vld [tilespmem:s17+$0xFFFFFE80]  }
0x3e5: {  	v27 =	vld [tilespmem:s17+$0xFFFFFE00]  }
0x3e6: {  	v9 =	vimm.f32 $-Inf;
	v22 =	vld [tilespmem:s17+$0x400];
	v11 =	vmax.f32 v11, v3  }
0x3e7: {  	v10 =	vmax.f32 v12, v10;
	v3 =	vimm.s32 $0x0;
	v12 =	vmax.f32 v16, v15  }
0x3e8: {  	v16 =	vmax.f32 v17, v13;
	v15 =	vld [tilespmem:s17+$0xFFFFFD80];
	v8 =	vmax.f32 v8, v14;
	v14 =	vmax.f32 v18, v21  }
0x3e9: {  	v13 =	vld [tilespmem:s17+$0xFFFFFA00];
	v5 =	vmax.f32 v5, v19;
	v7 =	vmax.f32 v23, v7;
	v6 =	vmax.f32 v6, v24  }
0x3ea: {  	v17 =	vld [tilespmem:s17+$0xFFFFFC80];
	v4 =	vmax.f32 v4, v25;
	v21 =	vmax.f32 v27, v26;
	v10 =	vmax.f32 v12, v10  }
0x3eb: {  	v19 =	vld [tilespmem:s17+$0xFFFFFD00];
	v12 =	vmax.f32 v22, v20;
	v4 =	vmax.f32 v6, v4;
	v6 =	vmax.f32 v16, v11  }
0x3ec: {  	v22 =	vld [tilespmem:s17+$0xFFFFFC00];
	v20 =	vmax.f32 v7, v8;
	v11 =	vimm.f32 $-Inf;
	v8 =	vimm.f32 $-Inf  }
0x3ed: {  	v23 =	vld [tilespmem:s17+$0xFFFFFB80];
	v7 =	vimm.s32 $0x0;
	v5 =	vmax.f32 v12, v5;
	v16 =	vmax.f32 v4, v10  }
0x3ee: {  	v24 =	vld [tilespmem:s17+$0xFFFFFB00];
	v12 =	vimm.f32 $-Inf;
	v4 =	vimm.s32 $0x0;
	v10 =	vimm.f32 $-Inf  }
0x3ef: {  	s18 =	simm.s32 $0x0;
	s19 =	simm.s32 $0x2;
	v25 =	vld [tilespmem:s17+$0xFFFFFA80];
	s17 =	sadd.s32 $0x1000, s17;
	v18 =	vmax.f32 v5, v6;
	v5 =	vimm.s32 $0x0;
	v6 =	vimm.s32 $0x0  }
.LBB2_45:
0x3f0: {  	v26 =	vld [tilespmem:s17+$0x100];
	p1 =	slt.u32 s19, $0xE;
	s20 =	smov.u32 s19;
	s19 =	sadd.s32 $0x2, s19  }
0x3f1: {  	v15 =	vmax.f32 v19, v15;
	v27 =	vld [tilespmem:s17+$0x500];
	v17 =	vmax.f32 v22, v17  }
0x3f2: {  	v22 =	vld [tilespmem:s17+$0x0];
	v15 =	vmax.f32 v17, v15  }
0x3f3: {  	v19 =	vld [tilespmem:s17+$0xFFFFF880];
	v17 =	vmax.f32 v24, v23  }
0x3f4: {  	v23 =	vld [tilespmem:s17+$0xFFFFF900];
	v13 =	vmax.f32 v13, v25  }
0x3f5: {  	v14 =	vmax.f32 v21, v14;
	v24 =	vld [tilespmem:s17+$0x780];
	v13 =	vmax.f32 v13, v17  }
0x3f6: {  	v14 =	vmax.f32 v15, v14;
	v17 =	vld [tilespmem:s17+$0x380];
	v13 =	vmax.f32 v20, v13  }
0x3f7: {  	v15 =	vld [tilespmem:s17+$0x700];
	v13 =	vmax.f32 v13, v14;
	v14 =	vmax.f32 v16, v18  }
0x3f8: {  	v16 =	vld [tilespmem:s17+$0x300];
	vm1 =	vgt.f32 v13, v9;
	v18 =	vmax.f32 v9, v13;
	v9 =	vmin.f32 v9, v13  }
0x3f9: {  	v13 =	vld [tilespmem:s17+$0x680];
	v20 =	vnsel vm1, s18, v3;
	vm5 =	vgt.f32 v14, v18;
	v21 =	vmin.f32 v18, v14  }
0x3fa: {  	vm6 =	vgt.f32 v9, v11;
	v28 =	vmax.f32 v11, v9;
	v9 =	vmin.f32 v11, v9;
	v25 =	vld [tilespmem:s17+$0xFFFFF980]  }
0x3fb: {  	vm4 =	vgt.f32 v9, v8;
	v29 =	vmax.f32 v8, v9;
	vm3 =	vgt.f32 v21, v28;
	v11 =	vld [tilespmem:s17+$0x280]  }
0x3fc: {  	v8 =	vmin.f32 v8, v9;
	v31 =	vmin.f32 v28, v21;
	v30 =	vld [tilespmem:s17+$0x200];
	v24 =	vmax.f32 v15, v24  }
0x3fd: {  	vm0 =	vgt.f32 v8, v12;
	v9 =	vld [tilespmem:s17+$0x600];
	v15 =	vmax.f32 v16, v17;
	v16 =	vmax.f32 v12, v8  }
0x3fe: {  	v32 =	vsel vm1, s18, v3;
	v3 =	vmin.f32 v12, v8;
	vm1 =	vgt.f32 v31, v29;
	v17 =	vld [tilespmem:s17+$0xFFFFFF00]  }
0x3ff: {  	s21 =	sadd.s32 $0x1, s18;
	s18 =	smov.u32 s20;
	vm2 =	vgt.f32 v3, v10;
	v33 =	vmax.f32 v10, v3;
	v8 =	vsel vm6, v20, v4;
	v12 =	vld [tilespmem:s17+$0x580]  }
0x400: {  	v3 =	vsel vm5, s21, v32;
	v32 =	vnsel vm5, s21, v32;
	v20 =	vsel vm6, v4, v20;
	v10 =	vld [tilespmem:s17+$0x480]  }
0x401: {  	v4 =	vsel vm3, v32, v8;
	v34 =	vld [tilespmem:s17+$0xFFFFFF80];
	v11 =	vmax.f32 v30, v11;
	v30 =	vsel vm4, v20, v5  }
0x402: {  	v20 =	vsel vm4, v5, v20;
	v35 =	vld [tilespmem:s17+$0x400];
	v36 =	vmax.f32 v9, v13;
	v37 =	vmax.f32 v11, v15  }
0x403: {  	v32 =	vsel vm3, v8, v32;
	v8 =	vmax.f32 v29, v31;
	v38 =	vsel vm0, v6, v20;
	v15 =	vld [tilespmem:s17+$0xFFFFFD80]  }
0x404: {  	v9 =	vmax.f32 v18, v14;
	v11 =	vmax.f32 v28, v21;
	v5 =	vsel vm1, v32, v30;
	v13 =	vld [tilespmem:s17+$0xFFFFFA00]  }
0x405: {  	v28 =	vmax.f32 v23, v25;
	v18 =	vld [tilespmem:s17+$0xFFFFF800]  }
0x406: {  	v14 =	vmax.f32 v17, v34;
	v21 =	vld [tilespmem:s17+$0x80]  }
0x407: {  	v23 =	vld [tilespmem:s17+$0x180];
	v10 =	vmax.f32 v35, v10  }
0x408: {  	v7 =	vsel vm2, v38, v7;
	v12 =	vmax.f32 v27, v12;
	v34 =	vld [tilespmem:s17+$0xFFFFFE80]  }
0x409: {  	v6 =	vsel vm0, v20, v6;
	v20 =	vmin.f32 v29, v31;
	v25 =	vsel vm1, v30, v32;
	v27 =	vld [tilespmem:s17+$0xFFFFFE00]  }
0x40a: {  	vm0 =	vgt.f32 v20, v16;
	v30 =	vmin.f32 v16, v20;
	v17 =	vld [tilespmem:s17+$0xFFFFFC80];
	v29 =	vmax.f32 v18, v19  }
.Ltmp21:
0x40b: {  	v19 =	vld [tilespmem:s17+$0xFFFFFD00];
	v18 =	vmax.f32 v22, v21;
	v21 =	vmax.f32 v10, v12;
	v10 =	vmax.f32 v33, v30;
	(pc) =	sbr.rel @p1 .LBB2_45-.Ltmp21, $4  }
0x40c: {  	v31 =	vsel vm0, v6, v25;
	v12 =	vmax.f32 v16, v20;
	v22 =	vld [tilespmem:s17+$0xFFFFFC00];
	v26 =	vmax.f32 v26, v23  }
0x40d: {  	v6 =	vsel vm0, v25, v6;
	v23 =	vld [tilespmem:s17+$0xFFFFFB80];
	v16 =	vmax.f32 v18, v26;
	v18 =	vmax.f32 v36, v24  }
0x40e: {  	vm0 =	vgt.f32 v30, v33;
	v24 =	vld [tilespmem:s17+$0xFFFFFB00];
	v16 =	vmax.f32 v16, v37;
	v18 =	vmax.f32 v21, v18  }
0x40f: {  	v7 =	vsel vm0, v31, v7;
	v20 =	vmax.f32 v29, v28;
	v21 =	vmax.f32 v27, v34;
	v25 =	vld [tilespmem:s17+$0xFFFFFA80];
	s17 =	sadd.s32 $0x1000, s17  }
0x410: {  	_ =	sdelay $0x2  }
0x411: {  	v15 =	vmax.f32 v19, v15  }
0x412: {  	v17 =	vmax.f32 v22, v17;
	v62 =	vmax.f32 v24, v23;
	v13 =	vmax.f32 v13, v25  }
0x413: {  	v14 =	vmax.f32 v21, v14;
	v15 =	vmax.f32 v17, v15;
	v13 =	vmax.f32 v13, v62  }
0x414: {  	v14 =	vmax.f32 v15, v14;
	v13 =	vmax.f32 v20, v13  }
0x415: {  	v13 =	vmax.f32 v13, v14  }
0x416: {  	v14 =	vmax.f32 v16, v18;
	vm0 =	vgt.f32 v13, v9  }
0x417: {  	v15 =	vmax.f32 v9, v13;
	v9 =	vmin.f32 v9, v13;
	v13 =	vnsel vm0, s18, v3  }
0x418: {  	vm1 =	vgt.f32 v14, v15;
	v14 =	vmin.f32 v15, v14;
	v15 =	vmin.f32 v11, v9  }
0x419: {  	vm2 =	vgt.f32 v9, v11;
	v9 =	vmax.f32 v11, v9;
	vm3 =	vgt.f32 v15, v8  }
0x41a: {  	v11 =	vmax.f32 v8, v15;
	vm4 =	vgt.f32 v14, v9;
	v8 =	vmin.f32 v8, v15  }
0x41b: {  	v9 =	vmin.f32 v9, v14;
	v15 =	vsel vm0, s18, v3;
	vm5 =	vgt.f32 v8, v12  }
0x41c: {  	v14 =	vmax.f32 v12, v8;
	v3 =	vmin.f32 v12, v8;
	vm13 =	vgt.f32 v9, v11  }
0x41d: {  	s17 =	sadd.s32 $0x1, s18;
	v8 =	vsel vm2, v13, v4;
	v4 =	vsel vm2, v4, v13;
	v9 =	vmin.f32 v11, v9  }
0x41e: {  	vm6 =	vgt.f32 v3, v10;
	v12 =	vmax.f32 v10, v3;
	v3 =	vsel vm1, s17, v15  }
0x41f: {  	v10 =	vnsel vm1, s17, v15;
	vm14 =	vgt.f32 v9, v14;
	v9 =	vmin.f32 v14, v9  }
0x420: {  	v13 =	vsel vm3, v4, v5;
	v15 =	vsel vm3, v5, v4;
	vm15 =	vgt.f32 v9, v12;
	v9 =	vld [tilespmem:$0x11300]  }
0x421: {  	v63 =	vsel vm4, v8, v10;
	v4 =	vsel vm4, v10, v8;
	v10 =	vsel vm5, v6, v15;
	v12 =	vld [tilespmem:$0x11380]  }
0x422: {  	v8 =	vld [tilespmem:$0x11180];
	v6 =	vsel vm5, v15, v6;
	v5 =	vsel vm13, v63, v13;
	v13 =	vsel vm13, v13, v63  }
0x423: {  	v15 =	vor.u32 $0x70, v1;
	v7 =	vsel vm6, v10, v7;
	v10 =	vld [tilespmem:$0x11200];
	v14 =	vsel vm14, v6, v13  }
0x424: {  	s18 =	simm.s32 $0x0;
	v11 =	vld [tilespmem:$0x11280];
	s17 =	simm.s32 $0x0;
	v2 =	vor.u32 v15, v2;
	v6 =	vsel vm14, v13, v6;
	v7 =	vsel vm15, v14, v7  }
.LBB2_47:
0x425: {  	p1 =	seq.s32 s18, $0x3  }
0x426: {  	p2 =	seq.s32 s18, $0x2;
	v13 =	vpsel p1, v6, v7  }
0x427: {  	p5 =	seq.s32 s18, $0x1;
	v13 =	vpsel p2, v5, v13  }
0x428: {  	p6 =	seq.s32 s18, $0x0;
	v14 =	vmov s17;
	v13 =	vpsel p5, v4, v13  }
0x429: {  	v14 =	vshll.u32 v14, $0x7;
	v13 =	vpsel p6, v3, v13  }
0x42a: {  	v14 =	vbroadcast v14, $0x0;
	v13 =	vshll.u32 v13, $0xB  }
0x42b: {  	v13 =	vadd.s32 v13, v2  }
0x42c: {  	v14 =	vadd.s32 v14, v13  }
0x42d: {  	s19 =	simm.s32 $0x1  }
0x42e: {  	v15 =	vmov s19  }
0x42f: {  	v15 =	vshll.u32 v15, $0x7  }
0x430: {  	v15 =	vbroadcast v15, $0x0  }
0x431: {  	v16 =	vld.idx.msk [tilespmem:v14+s3+$0x0], $0xffff  }
0x432: {  	s31 =	simm.s32 $0x2;
	v14 =	vadd.s32 v15, v13  }
0x433: {  	v15 =	vmov s31  }
0x434: {  	v15 =	vshll.u32 v15, $0x7  }
0x435: {  	v19 =	vbroadcast v15, $0x0  }
0x436: {  	v18 =	vmin.f32 v8, v16  }
0x437: {  	v19 =	vadd.s32 v19, v13;
	v17 =	vld.idx.msk [tilespmem:v14+s3+$0x0], $0xffff;
	v15 =	vmin.f32 v10, v18  }
0x438: {  	s19 =	simm.s32 $0x3;
	v14 =	vmin.f32 v11, v15  }
.LBB2_48:
0x439: {  	v20 =	vmov s19;
	p1 =	sne.s32 s19, $0xF;
	s19 =	sadd.s32 $0x1, s19;
	v21 =	vmin.f32 v9, v14  }
.Ltmp22:
0x43a: {  	v20 =	vshll.u32 v20, $0x7;
	v12 =	vmax.f32 v12, v21;
	(pc) =	sbr.rel @p1 .LBB2_48-.Ltmp22, $4  }
0x43b: {  	v8 =	vmax.f32 v8, v16;
	v20 =	vbroadcast v20, $0x0  }
0x43c: {  	v10 =	vmax.f32 v10, v18;
	v18 =	vmin.f32 v8, v17;
	v16 =	vmov v17;
	v17 =	vld.idx.msk [tilespmem:v19+s3+$0x0], $0xffff  }
0x43d: {  	v11 =	vmax.f32 v11, v15;
	v15 =	vmin.f32 v10, v18;
	v19 =	vadd.s32 v20, v13  }
0x43e: {  	v9 =	vmax.f32 v9, v14;
	v14 =	vmin.f32 v11, v15  }
0x43f: {  	_ =	sdelay $0x3  }
0x440: {  	v13 =	vld.idx.msk [tilespmem:v19+s3+$0x0], $0xffff;
	_ =	sdelay $0x1  }
0x441: {  	v62 =	vmin.f32 v9, v14;
	v8 =	vmax.f32 v8, v16;
	v10 =	vmax.f32 v10, v18  }
0x442: {  	v11 =	vmax.f32 v11, v15;
	v9 =	vmax.f32 v9, v14;
	s18 =	sadd.s32 $0x1, s18;
	v16 =	vmin.f32 v8, v17  }
0x443: {  	v12 =	vmax.f32 v12, v62;
	p1 =	sne.s32 s18, $0x5;
	v8 =	vmax.f32 v8, v17;
	v18 =	vmin.f32 v10, v16  }
.Ltmp23:
0x444: {  	v10 =	vmax.f32 v10, v16;
	v15 =	vmin.f32 v11, v18;
	v17 =	vmin.f32 v8, v13;
	(pc) =	sbr.rel @p1 .LBB2_47-.Ltmp23, $4  }
0x445: {  	v11 =	vmax.f32 v11, v18;
	v63 =	vmin.f32 v9, v15;
	v14 =	vmin.f32 v10, v17  }
0x446: {  	v9 =	vmax.f32 v9, v15;
	v8 =	vmax.f32 v8, v13;
	v18 =	vmin.f32 v11, v14  }
0x447: {  	v12 =	vmax.f32 v12, v63;
	v10 =	vmax.f32 v10, v17;
	v15 =	vmin.f32 v9, v18  }
0x448: {  	v11 =	vmax.f32 v11, v14;
	v9 =	vmax.f32 v9, v18;
	v12 =	vmax.f32 v12, v15  }
0x449: {  	p1 =	sne.s32 s16, $0x20  }
.Ltmp24:
0x44a: {  	[tilespmem:$0x11180] =	vst v8;
	(pc) =	sbr.rel @p1 .LBB2_2-.Ltmp24, $4  }
0x44b: {  	[tilespmem:$0x11200] =	vst v10  }
0x44c: {  	[tilespmem:$0x11280] =	vst v11  }
0x44d: {  	[tilespmem:$0x11300] =	vst v9  }
0x44e: {  	[tilespmem:$0x11380] =	vst v12;
	p0 =	por !p0, !p0  }
0x44f: {  	v2 =	vmul.u32 $0x5, v1  }
0x450: {  	v3 =	vld [tilespmem:$0x10000];
	_ =	sdelay $0x4  }
0x451: {  	[tilespmem:v2+s13+$0x0] =	vst.idx.msk $0xffff, v3  }
0x452: {  	v4 =	vadd.s32 $0x1, v2;
	v3 =	vld [tilespmem:$0x10080];
	_ =	sdelay $0x4  }
0x453: {  	[tilespmem:v4+s13+$0x0] =	vst.idx.msk $0xffff, v3  }
0x454: {  	v27 =	vadd.s32 $0x2, v2;
	v3 =	vld [tilespmem:$0x10100];
	_ =	sdelay $0x4  }
0x455: {  	[tilespmem:v27+s13+$0x0] =	vst.idx.msk $0xffff, v3  }
0x456: {  	v28 =	vadd.s32 $0x3, v2;
	v3 =	vld [tilespmem:$0x10180];
	_ =	sdelay $0x4  }
0x457: {  	[tilespmem:v28+s13+$0x0] =	vst.idx.msk $0xffff, v3  }
0x458: {  	v29 =	vadd.s32 $0x4, v2;
	v3 =	vld [tilespmem:$0x10200];
	_ =	sdelay $0x4  }
0x459: {  	[tilespmem:v29+s13+$0x0] =	vst.idx.msk $0xffff, v3  }
0x45a: {  	v30 =	vadd.s32 $0x50, v2;
	v3 =	vld [tilespmem:$0x10280];
	_ =	sdelay $0x4  }
0x45b: {  	[tilespmem:v30+s13+$0x0] =	vst.idx.msk $0xffff, v3  }
0x45c: {  	v31 =	vadd.s32 $0x51, v2;
	v3 =	vld [tilespmem:$0x10300];
	_ =	sdelay $0x4  }
0x45d: {  	[tilespmem:v31+s13+$0x0] =	vst.idx.msk $0xffff, v3  }
0x45e: {  	v32 =	vadd.s32 $0x52, v2;
	v3 =	vld [tilespmem:$0x10380];
	_ =	sdelay $0x4  }
0x45f: {  	[tilespmem:v32+s13+$0x0] =	vst.idx.msk $0xffff, v3  }
0x460: {  	v33 =	vadd.s32 $0x53, v2;
	v3 =	vld [tilespmem:$0x10400];
	_ =	sdelay $0x4  }
0x461: {  	[tilespmem:v33+s13+$0x0] =	vst.idx.msk $0xffff, v3  }
0x462: {  	v34 =	vadd.s32 $0x54, v2;
	v3 =	vld [tilespmem:$0x10480];
	_ =	sdelay $0x4  }
0x463: {  	[tilespmem:v34+s13+$0x0] =	vst.idx.msk $0xffff, v3  }
0x464: {  	v35 =	vadd.s32 $0xA0, v2;
	v3 =	vld [tilespmem:$0x10500];
	_ =	sdelay $0x4  }
0x465: {  	[tilespmem:v35+s13+$0x0] =	vst.idx.msk $0xffff, v3  }
0x466: {  	v36 =	vadd.s32 $0xA1, v2;
	v3 =	vld [tilespmem:$0x10580];
	_ =	sdelay $0x4  }
0x467: {  	[tilespmem:v36+s13+$0x0] =	vst.idx.msk $0xffff, v3  }
0x468: {  	v37 =	vadd.s32 $0xA2, v2;
	v3 =	vld [tilespmem:$0x10600];
	_ =	sdelay $0x4  }
0x469: {  	[tilespmem:v37+s13+$0x0] =	vst.idx.msk $0xffff, v3  }
0x46a: {  	v38 =	vadd.s32 $0xA3, v2;
	v3 =	vld [tilespmem:$0x10680];
	_ =	sdelay $0x4  }
0x46b: {  	[tilespmem:v38+s13+$0x0] =	vst.idx.msk $0xffff, v3  }
0x46c: {  	v39 =	vadd.s32 $0xA4, v2;
	v3 =	vld [tilespmem:$0x10700];
	_ =	sdelay $0x4  }
0x46d: {  	[tilespmem:v39+s13+$0x0] =	vst.idx.msk $0xffff, v3  }
0x46e: {  	v40 =	vadd.s32 $0xF0, v2;
	v3 =	vld [tilespmem:$0x10780];
	_ =	sdelay $0x4  }
0x46f: {  	[tilespmem:v40+s13+$0x0] =	vst.idx.msk $0xffff, v3  }
0x470: {  	v41 =	vadd.s32 $0xF1, v2;
	v3 =	vld [tilespmem:$0x10800];
	_ =	sdelay $0x4  }
0x471: {  	[tilespmem:v41+s13+$0x0] =	vst.idx.msk $0xffff, v3  }
0x472: {  	v42 =	vadd.s32 $0xF2, v2;
	v3 =	vld [tilespmem:$0x10880];
	_ =	sdelay $0x4  }
0x473: {  	[tilespmem:v42+s13+$0x0] =	vst.idx.msk $0xffff, v3  }
0x474: {  	v43 =	vadd.s32 $0xF3, v2;
	v3 =	vld [tilespmem:$0x10900];
	_ =	sdelay $0x4  }
0x475: {  	[tilespmem:v43+s13+$0x0] =	vst.idx.msk $0xffff, v3  }
0x476: {  	v44 =	vadd.s32 $0xF4, v2;
	v3 =	vld [tilespmem:$0x10980];
	_ =	sdelay $0x4  }
0x477: {  	[tilespmem:v44+s13+$0x0] =	vst.idx.msk $0xffff, v3  }
0x478: {  	v45 =	vadd.s32 $0x140, v2;
	v3 =	vld [tilespmem:$0x10A00];
	_ =	sdelay $0x4  }
0x479: {  	[tilespmem:v45+s13+$0x0] =	vst.idx.msk $0xffff, v3  }
0x47a: {  	v46 =	vadd.s32 $0x141, v2;
	v3 =	vld [tilespmem:$0x10A80];
	_ =	sdelay $0x4  }
0x47b: {  	[tilespmem:v46+s13+$0x0] =	vst.idx.msk $0xffff, v3  }
0x47c: {  	v47 =	vadd.s32 $0x142, v2;
	v3 =	vld [tilespmem:$0x10B00];
	_ =	sdelay $0x4  }
0x47d: {  	[tilespmem:v47+s13+$0x0] =	vst.idx.msk $0xffff, v3  }
0x47e: {  	v48 =	vadd.s32 $0x143, v2;
	v3 =	vld [tilespmem:$0x10B80];
	_ =	sdelay $0x4  }
0x47f: {  	[tilespmem:v48+s13+$0x0] =	vst.idx.msk $0xffff, v3  }
0x480: {  	v49 =	vadd.s32 $0x144, v2;
	v3 =	vld [tilespmem:$0x10C00];
	_ =	sdelay $0x4  }
0x481: {  	[tilespmem:v49+s13+$0x0] =	vst.idx.msk $0xffff, v3  }
0x482: {  	v50 =	vadd.s32 $0x190, v2;
	v3 =	vld [tilespmem:$0x10C80];
	_ =	sdelay $0x4  }
0x483: {  	[tilespmem:v50+s13+$0x0] =	vst.idx.msk $0xffff, v3  }
0x484: {  	v51 =	vadd.s32 $0x191, v2;
	v3 =	vld [tilespmem:$0x10D00];
	_ =	sdelay $0x4  }
0x485: {  	[tilespmem:v51+s13+$0x0] =	vst.idx.msk $0xffff, v3  }
0x486: {  	v52 =	vadd.s32 $0x192, v2;
	v3 =	vld [tilespmem:$0x10D80];
	_ =	sdelay $0x4  }
0x487: {  	[tilespmem:v52+s13+$0x0] =	vst.idx.msk $0xffff, v3  }
0x488: {  	v53 =	vadd.s32 $0x193, v2;
	v3 =	vld [tilespmem:$0x10E00];
	_ =	sdelay $0x4  }
0x489: {  	[tilespmem:v53+s13+$0x0] =	vst.idx.msk $0xffff, v3  }
0x48a: {  	v54 =	vadd.s32 $0x194, v2;
	v3 =	vld [tilespmem:$0x10E80];
	_ =	sdelay $0x4  }
0x48b: {  	[tilespmem:v54+s13+$0x0] =	vst.idx.msk $0xffff, v3  }
0x48c: {  	v55 =	vadd.s32 $0x1E0, v2;
	v3 =	vld [tilespmem:$0x10F00];
	_ =	sdelay $0x4  }
0x48d: {  	[tilespmem:v55+s13+$0x0] =	vst.idx.msk $0xffff, v3  }
0x48e: {  	v56 =	vadd.s32 $0x1E1, v2;
	v3 =	vld [tilespmem:$0x10F80];
	_ =	sdelay $0x4  }
0x48f: {  	[tilespmem:v56+s13+$0x0] =	vst.idx.msk $0xffff, v3  }
0x490: {  	v57 =	vadd.s32 $0x1E2, v2;
	v3 =	vld [tilespmem:$0x11000];
	_ =	sdelay $0x4  }
0x491: {  	[tilespmem:v57+s13+$0x0] =	vst.idx.msk $0xffff, v3  }
0x492: {  	v58 =	vadd.s32 $0x1E3, v2;
	v3 =	vld [tilespmem:$0x11080];
	_ =	sdelay $0x4  }
0x493: {  	[tilespmem:v58+s13+$0x0] =	vst.idx.msk $0xffff, v3  }
0x494: {  	v59 =	vadd.s32 $0x1E4, v2;
	v3 =	vld [tilespmem:$0x11100];
	_ =	sdelay $0x4  }
0x495: {  	[tilespmem:v59+s13+$0x0] =	vst.idx.msk $0xffff, v3  }
0x496: {  	v60 =	vadd.s32 $0x230, v2;
	v3 =	vld [tilespmem:$0x11180];
	_ =	sdelay $0x4  }
0x497: {  	[tilespmem:v60+s13+$0x0] =	vst.idx.msk $0xffff, v3  }
0x498: {  	v61 =	vadd.s32 $0x231, v2;
	v3 =	vld [tilespmem:$0x11200];
	_ =	sdelay $0x4  }
0x499: {  	[tilespmem:v61+s13+$0x0] =	vst.idx.msk $0xffff, v3  }
0x49a: {  	v62 =	vadd.s32 $0x232, v2;
	v3 =	vld [tilespmem:$0x11280];
	_ =	sdelay $0x4  }
0x49b: {  	[tilespmem:v62+s13+$0x0] =	vst.idx.msk $0xffff, v3  }
0x49c: {  	v63 =	vadd.s32 $0x233, v2;
	v3 =	vld [tilespmem:$0x11300];
	_ =	sdelay $0x4  }
0x49d: {  	[tilespmem:v63+s13+$0x0] =	vst.idx.msk $0xffff, v3  }
0x49e: {  	v2 =	vadd.s32 $0x234, v2;
	v3 =	vld [tilespmem:$0x11380];
	_ =	sdelay $0x2  }
0x49f: {  	s15 =	sadd.s32 $0x1, s15  }
0x4a0: {  	p0 =	sne.s32 s15, s9  }
.Ltmp25:
0x4a1: {  	[tilespmem:v2+s13+$0x0] =	vst.idx.msk $0xffff, v3;
	(pc) =	sbr.rel @p0 .LBB2_1-.Ltmp25, $4  }
0x4a2: {  	[hbm4b:s8+s3] =	stream.linear.scatter [tilespmem:s13], [sflag:$0x5], $0x280, $0x38;
	[tilespmem:$0x11680] =	vst v63  }
0x4a3: {  	_ =	swait.ge [sflag:s14], $0x280  }
0x4a4: {  	[sflag:s14] =	ssyncset.done $0x0  }
0x4a5: {  	[sflag:s14] =	ssyncadd.s32 $0xFFFFFD80  }
0x4a6: {  	_ =	sfence.sel $0x180000  }
0x4a7: {  	[bflag:$0x0] =	sbarrier.arrive $0xFFFF  }
0x4a8: {  	p0 =	sne.s32 s0, $0x0;
	_ =	strace $0x90000047  }
0x4a9: {  	s0 =	sadd.s32 @!p0 $0x100000, s1;
	[bflag:$0x2] =	sbarrier.arrive $0xFFFF  }
0x4aa: {  	[sflag:s0] =	ssyncadd.tile.s32 @!p0 $0x1;
	_ =	shalt  }
.Lfunc_end2:
_tile_overlayer_lowered:
.L_overlay_start_2:
0x4ab: {  	(tag) =	ssettag $0x2  }
0x4ac: {  	s0 =	rddreg [dreg:$0x0];
	s2 =	stileid.u32  }
0x4ad: {  	s1 =	rddreg [dreg:$0x1];
	p0 =	sne.s32 s2, $0x0  }
0x4ae: {  	s3 =	rddreg [dreg:$0x2];
	[bflag:$0x3] =	sbarrier.arrive $0xFFFF;
	s2 =	simm.s32 @!p0 $0x1C05  }
0x4af: {  	[timem:s3], [sflag:s2] =	dma.local @!p0 [hbm:s0], s1  }
0x4b0: {  	s0 =	simm.s32 @!p0 $0x5  }
0x4b1: {  	_ =	swait.ge @!p0 [sflag:s0], s1  }
0x4b2: {  	s1 =	ssub.s32 @!p0 $0x0, s1;
	[sflag:s0] =	ssyncset.done @!p0 $0x0  }
0x4b3: {  	[sflag:s0] =	ssyncadd.s32 @!p0 s1  }
0x4b4: {  	[bflag:$0x3] =	sbarrier.arrive $0xFFFF  }
0x4b5: {  	_ =	shalt  }

</sc_bundles>
